<compile_context>
chip_gen: v7x
topology: tpu7x:2x2x1
jax: 0.10.2.dev20260603
libtpu: 0.0.44.dev20260713+nightly
codegen_flags: <defaults>
</compile_context>

<pallas_src>
import functools

import jax
import jax.numpy as jnp
from jax import lax
from jax.experimental import pallas as pl
from jax.experimental.pallas import tpu as pltpu
from jax.experimental.pallas import tpu_sc as plsc

SEQ = 8192
BATCH = 4
D = 768
HALF = D // 2
MAX_BAR_POS = 96
MAX_BARS = 32
N_ROWS = SEQ * BATCH
N_TABLE = MAX_BAR_POS * MAX_BARS

NC = 2
NS = 16
NW = NC * NS
ROWS_PER_W = N_ROWS // NW
CHUNK = 64
NCHUNK = ROWS_PER_W // CHUNK


def _prep_body(pos_t_ref, num_t_ref, w_ref, b_ref, pi_ref, bi_ref,
               table_ref, idx_ref):
    wp = w_ref[:, :HALF]
    wn = w_ref[:, HALF:]
    p = lax.dot_general(pos_t_ref[:], wp, (((1,), (1,)), ((), ())),
                        preferred_element_type=jnp.float32) + b_ref[:]
    n = lax.dot_general(num_t_ref[:], wn, (((1,), (1,)), ((), ())),
                        preferred_element_type=jnp.float32)
    table_ref[:] = p[:, None, :] + n[None, :, :]
    idx_ref[:] = pi_ref[:] * MAX_BARS + bi_ref[:]


def _prep(pos_t, num_t, w, b2, pos_i, bar_i):
    return pl.pallas_call(
        _prep_body,
        out_shape=(
            jax.ShapeDtypeStruct((MAX_BAR_POS, MAX_BARS, D), jnp.float32),
            jax.ShapeDtypeStruct((N_ROWS // 128, 128), jnp.int32),
        ),
    )(pos_t, num_t, w, b2, pos_i, bar_i)


@functools.partial(
    pl.kernel,
    out_type=jax.ShapeDtypeStruct((SEQ, BATCH, D), jnp.float32),
    mesh=plsc.VectorSubcoreMesh(core_axis_name="c", subcore_axis_name="s"),
    scratch_types=[
        pltpu.VMEM((ROWS_PER_W,), jnp.int32),
        pltpu.VMEM((2, CHUNK, D), jnp.float32),
        pltpu.SemaphoreType.DMA((2,)),
        pltpu.SemaphoreType.DMA((2,)),
    ],
)
def _sc_gather(table_hbm, idx_hbm, out3_hbm, idx_v, rows_v, gsem, wsem):
    out_hbm = out3_hbm.reshape(N_ROWS, D)
    wid = lax.axis_index("s") * NC + lax.axis_index("c")
    base = wid * ROWS_PER_W
    pltpu.sync_copy(idx_hbm.at[pl.ds(base, ROWS_PER_W)], idx_v)
    g_cur = pltpu.async_copy(table_hbm.at[idx_v.at[pl.ds(0, CHUNK)]],
                             rows_v.at[0], gsem.at[0])
    writes = [None, None]
    for c in range(NCHUNK):
        buf = c % 2
        nbuf = (c + 1) % 2
        if c + 1 < NCHUNK:
            if writes[nbuf] is not None:
                writes[nbuf].wait()
            g_next = pltpu.async_copy(
                table_hbm.at[idx_v.at[pl.ds((c + 1) * CHUNK, CHUNK)]],
                rows_v.at[nbuf], gsem.at[nbuf])
        g_cur.wait()
        writes[buf] = pltpu.async_copy(
            rows_v.at[buf], out_hbm.at[pl.ds(base + c * CHUNK, CHUNK)],
            wsem.at[buf])
        if c + 1 < NCHUNK:
            g_cur = g_next
    for w in writes:
        if w is not None:
            w.wait()


def kernel(bar_positions, bar_numbers, bar_position_table, bar_number_table,
           W, b):
    pos_i = bar_positions.reshape(N_ROWS // 128, 128).astype(jnp.int32)
    bar_i = bar_numbers.reshape(N_ROWS // 128, 128).astype(jnp.int32)
    table3, idx2 = _prep(bar_position_table, bar_number_table, W,
                         b.reshape(1, D), pos_i, bar_i)
    return _sc_gather(table3.reshape(N_TABLE, D), idx2.reshape(N_ROWS))

# --- scband reference (transcript-rebuilt; emitter-appended) ---
"""Pipeline reference for scband-musical-position-encoding-77601469104316 (READ-ONLY COPY).

The authoritative reference and input builder live on the scoring server;
editing this copy changes nothing except your own understanding.
"""

import jax, jax.numpy as jnp
import numpy as np

SEQ = 8192
BATCH = 4
D_MODEL = 768
MAX_BAR_POS = 96
MAX_BARS = 32


def setup_inputs(seed: int = 0) -> dict:
    key = jax.random.key(seed)
    k1, k2, k3, k4, k5, k6 = jax.random.split(key, 6)
    bar_positions = jax.random.randint(k1, (SEQ, BATCH), 0, MAX_BAR_POS, dtype=jnp.int64 if jax.config.jax_enable_x64 else jnp.int32)
    bar_numbers = jax.random.randint(k2, (SEQ, BATCH), 0, MAX_BARS, dtype=jnp.int64 if jax.config.jax_enable_x64 else jnp.int32)
    half = D_MODEL // 2
    bar_position_table = jax.random.normal(k3, (MAX_BAR_POS, half), dtype=jnp.float32)
    bar_number_table = jax.random.normal(k4, (MAX_BARS, half), dtype=jnp.float32)
    # Linear: kaiming-like uniform init
    bound = 1.0 / np.sqrt(D_MODEL)
    W = jax.random.uniform(k5, (D_MODEL, D_MODEL), minval=-bound, maxval=bound, dtype=jnp.float32)
    b = jax.random.uniform(k6, (D_MODEL,), minval=-bound, maxval=bound, dtype=jnp.float32)
    return {
        "bar_positions": bar_positions,
        "bar_numbers": bar_numbers,
        "bar_position_table": bar_position_table,
        "bar_number_table": bar_number_table,
        "W": W,
        "b": b,
    }


def reference(bar_positions, bar_numbers, bar_position_table, bar_number_table, W, b):
    # embedding lookups (gather)
    pos_emb = jnp.take(bar_position_table, bar_positions, axis=0)  # [S, B, d/2]
    bar_emb = jnp.take(bar_number_table, bar_numbers, axis=0)      # [S, B, d/2]
    combined = jnp.concatenate([pos_emb, bar_emb], axis=-1)        # [S, B, d]
    # nn.Linear: x @ W.T + b
    out = jnp.einsum("sbd,ed->sbe", combined, W) + b
    return out

if __name__ == "__main__":
    import jax
    _d = setup_inputs()
    print(jax.jit(kernel)(*tuple(_d.values())))

</pallas_src>

<mosaic_0001>
#map = affine_map<(d0, d1) -> (0, 0)>
#map1 = affine_map<(d0, d1) -> (0)>
#map2 = affine_map<(d0, d1) -> (0, 0, 0)>
module attributes {stable_mosaic.version = 14 : i64} {
  func.func @_sc_gather(%arg0: i32, %arg1: i32, %arg2: memref<3072x768xf32, #tpu.memory_space<hbm>>, %arg3: memref<32768xi32, #tpu.memory_space<hbm>>, %arg4: memref<8192x4x768xf32, #tpu.memory_space<hbm>>, %arg5: memref<1024xi32, #tpu.memory_space<vmem>>, %arg6: memref<2x64x768xf32, #tpu.memory_space<vmem>>, %arg7: memref<2x!tpu.dma_semaphore, #tpu.memory_space<semaphore_mem>>, %arg8: memref<2x!tpu.dma_semaphore, #tpu.memory_space<semaphore_mem>>) attributes {dimension_semantics = [#tpu.dimension_semantics<core_parallel>, #tpu.dimension_semantics<subcore_parallel>], iteration_bounds = array<i64: 2, 16>, scalar_prefetch = 0 : i64, scratch_operands = 4 : i64, tpu.core_type = #tpu.core_type<sc_vector_subcore>, window_params = [{transform_indices = #map}, {transform_indices = #map1}, {transform_indices = #map2}]} {
    %mul3A = arith.constant 2 : i32
    %mul3A_0 = arith.muli %arg1, %mul3A : i32
    %add3A = arith.addi %mul3A_0, %arg0 : i32
    %mul3A_1 = arith.constant 1024 : i32
    %mul3A_2 = arith.muli %add3A, %mul3A_1 : i32
    "tpu.region"() ({
      %run_scoped3A = tpu.sem_alloc : memref<!tpu.dma_semaphore, #tpu.memory_space<semaphore_mem>>
      %dma_start3A_1025 = tpu.memref_slice %arg3[%mul3A_2] : memref<32768xi32, #tpu.memory_space<hbm>> -> memref<1024xi32, #tpu.memory_space<hbm>>
      %dma_start3A_1026 = tpu.memref_slice %arg3[%mul3A_2] : memref<32768xi32, #tpu.memory_space<hbm>> -> memref<1024xi32, #tpu.memory_space<hbm>>
      tpu.enqueue_dma source(%dma_start3A_1026 : memref<1024xi32, #tpu.memory_space<hbm>>) target(%arg5 : memref<1024xi32, #tpu.memory_space<vmem>>) target_semaphore(%run_scoped3A : memref<!tpu.dma_semaphore, #tpu.memory_space<semaphore_mem>>)
      %dma_wait3A_1027 = tpu.memref_slice %arg3[%mul3A_2] : memref<32768xi32, #tpu.memory_space<hbm>> -> memref<1024xi32, #tpu.memory_space<hbm>>
      %dma_wait3A_1028 = tpu.memref_slice %arg3[%mul3A_2] : memref<32768xi32, #tpu.memory_space<hbm>> -> memref<1024xi32, #tpu.memory_space<hbm>>
      tpu.wait_dma2 semaphore(%run_scoped3A : memref<!tpu.dma_semaphore, #tpu.memory_space<semaphore_mem>>) src(%dma_wait3A_1028 : memref<1024xi32, #tpu.memory_space<hbm>>) dst(%arg5 : memref<1024xi32, #tpu.memory_space<vmem>>)
      tpu.yield
    }) : () -> ()
    %dma_start3A = arith.constant 0 : i32
    %dma_start3A_3 = arith.constant 0 : i32
    %dma_start3A_4 = arith.constant 0 : i32
    %dma_start3A_5 = arith.constant 0 : i32
    %dma_start3A_6 = tpu.memref_slice %arg6[%dma_start3A, %dma_start3A_4, %dma_start3A_5] : memref<2x64x768xf32, #tpu.memory_space<vmem>> -> memref<1x64x768xf32, #tpu.memory_space<vmem>>
    %dma_start3A_7 = tpu.memref_squeeze %dma_start3A_6 : memref<1x64x768xf32, #tpu.memory_space<vmem>> -> memref<64x768xf32, #tpu.memory_space<vmem>>
    %dma_start3A_8 = arith.constant 0 : i32
    %dma_start3A_9 = tpu.memref_slice %arg5[%dma_start3A_8] : memref<1024xi32, #tpu.memory_space<vmem>> -> memref<64xi32, #tpu.memory_space<vmem>>
    %dma_start3A_10 = arith.constant 0 : i32
    %dma_start3A_11 = arith.constant 0 : i32
    %dma_start3A_12 = tpu.memref_slice %arg2[%dma_start3A_10, %dma_start3A_11] : memref<3072x768xf32, #tpu.memory_space<hbm>> -> memref<3072x768xf32, #tpu.memory_space<hbm>>
    %dma_start3A_13 = tpu.memref_slice %arg7[%dma_start3A_3] : memref<2x!tpu.dma_semaphore, #tpu.memory_space<semaphore_mem>> -> memref<1x!tpu.dma_semaphore, #tpu.memory_space<semaphore_mem>>
    %dma_start3A_14 = tpu.memref_squeeze %dma_start3A_13 : memref<1x!tpu.dma_semaphore, #tpu.memory_space<semaphore_mem>> -> memref<!tpu.dma_semaphore, #tpu.memory_space<semaphore_mem>>
    tpu.enqueue_indirect_dma source(%dma_start3A_12 : memref<3072x768xf32, #tpu.memory_space<hbm>>) target(%dma_start3A_7 : memref<64x768xf32, #tpu.memory_space<vmem>>) offsets(%dma_start3A_9 : memref<64xi32, #tpu.memory_space<vmem>>) semaphore(%dma_start3A_14 : memref<!tpu.dma_semaphore, #tpu.memory_space<semaphore_mem>>)
    %dma_start3A_15 = arith.constant 1 : i32
    %dma_start3A_16 = arith.constant 1 : i32
    %dma_start3A_17 = arith.constant 0 : i32
    %dma_start3A_18 = arith.constant 0 : i32
    %dma_start3A_19 = tpu.memref_slice %arg6[%dma_start3A_15, %dma_start3A_17, %dma_start3A_18] : memref<2x64x768xf32, #tpu.memory_space<vmem>> -> memref<1x64x768xf32, #tpu.memory_space<vmem>>
    %dma_start3A_20 = tpu.memref_squeeze %dma_start3A_19 : memref<1x64x768xf32, #tpu.memory_space<vmem>> -> memref<64x768xf32, #tpu.memory_space<vmem>>
    %dma_start3A_21 = arith.constant 64 : i32
    %dma_start3A_22 = tpu.memref_slice %arg5[%dma_start3A_21] : memref<1024xi32, #tpu.memory_space<vmem>> -> memref<64xi32, #tpu.memory_space<vmem>>
    %dma_start3A_23 = arith.constant 0 : i32
    %dma_start3A_24 = arith.constant 0 : i32
    %dma_start3A_25 = tpu.memref_slice %arg2[%dma_start3A_23, %dma_start3A_24] : memref<3072x768xf32, #tpu.memory_space<hbm>> -> memref<3072x768xf32, #tpu.memory_space<hbm>>
    %dma_start3A_26 = tpu.memref_slice %arg7[%dma_start3A_16] : memref<2x!tpu.dma_semaphore, #tpu.memory_space<semaphore_mem>> -> memref<1x!tpu.dma_semaphore, #tpu.memory_space<semaphore_mem>>
    %dma_start3A_27 = tpu.memref_squeeze %dma_start3A_26 : memref<1x!tpu.dma_semaphore, #tpu.memory_space<semaphore_mem>> -> memref<!tpu.dma_semaphore, #tpu.memory_space<semaphore_mem>>
    tpu.enqueue_indirect_dma source(%dma_start3A_25 : memref<3072x768xf32, #tpu.memory_space<hbm>>) target(%dma_start3A_20 : memref<64x768xf32, #tpu.memory_space<vmem>>) offsets(%dma_start3A_22 : memref<64xi32, #tpu.memory_space<vmem>>) semaphore(%dma_start3A_27 : memref<!tpu.dma_semaphore, #tpu.memory_space<semaphore_mem>>)
    %dma_wait3A = arith.constant 0 : i32
    %dma_wait3A_28 = arith.constant 0 : i32
    %dma_wait3A_29 = arith.constant 0 : i32
    %dma_wait3A_30 = arith.constant 0 : i32
    %dma_wait3A_31 = tpu.memref_slice %arg6[%dma_wait3A, %dma_wait3A_29, %dma_wait3A_30] : memref<2x64x768xf32, #tpu.memory_space<vmem>> -> memref<1x64x768xf32, #tpu.memory_space<vmem>>
    %dma_wait3A_32 = tpu.memref_squeeze %dma_wait3A_31 : memref<1x64x768xf32, #tpu.memory_space<vmem>> -> memref<64x768xf32, #tpu.memory_space<vmem>>
    %dma_wait3A_33 = arith.constant 0 : i32
    %dma_wait3A_34 = tpu.memref_slice %arg5[%dma_wait3A_33] : memref<1024xi32, #tpu.memory_space<vmem>> -> memref<64xi32, #tpu.memory_space<vmem>>
    %dma_wait3A_35 = arith.constant 0 : i32
    %dma_wait3A_36 = arith.constant 0 : i32
    %dma_wait3A_37 = tpu.memref_slice %arg2[%dma_wait3A_35, %dma_wait3A_36] : memref<3072x768xf32, #tpu.memory_space<hbm>> -> memref<3072x768xf32, #tpu.memory_space<hbm>>
    %dma_wait3A_38 = tpu.memref_slice %arg7[%dma_wait3A_28] : memref<2x!tpu.dma_semaphore, #tpu.memory_space<semaphore_mem>> -> memref<1x!tpu.dma_semaphore, #tpu.memory_space<semaphore_mem>>
    %dma_wait3A_39 = tpu.memref_squeeze %dma_wait3A_38 : memref<1x!tpu.dma_semaphore, #tpu.memory_space<semaphore_mem>> -> memref<!tpu.dma_semaphore, #tpu.memory_space<semaphore_mem>>
    tpu.wait_indirect_dma semaphore(%dma_wait3A_39 : memref<!tpu.dma_semaphore, #tpu.memory_space<semaphore_mem>>) src(%dma_wait3A_37 : memref<3072x768xf32, #tpu.memory_space<hbm>>) dst(%dma_wait3A_32 : memref<64x768xf32, #tpu.memory_space<vmem>>)
    %add3A_40 = arith.constant 0 : i32
    %add3A_41 = arith.addi %mul3A_2, %add3A_40 : i32
    %dma_start3A_42 = arith.constant 0 : i32
    %dma_start3A_43 = arith.constant 0 : i32
    %dma_start3A_44 = arith.constant 0 : i32
    %dma_start3A_45 = arith.constant 0 : i32
    %dma_start3A_46 = tpu.memref_slice %arg6[%dma_start3A_42, %dma_start3A_44, %dma_start3A_45] : memref<2x64x768xf32, #tpu.memory_space<vmem>> -> memref<1x64x768xf32, #tpu.memory_space<vmem>>
    %dma_start3A_47 = tpu.memref_squeeze %dma_start3A_46 : memref<1x64x768xf32, #tpu.memory_space<vmem>> -> memref<64x768xf32, #tpu.memory_space<vmem>>
    %dma_start3A_48 = tpu.memref_reshape %arg4 : memref<8192x4x768xf32, #tpu.memory_space<hbm>> -> memref<32768x768xf32, #tpu.memory_space<hbm>>
    %dma_start3A_49 = arith.constant 0 : i32
    %dma_start3A_50 = tpu.memref_slice %dma_start3A_48[%add3A_41, %dma_start3A_49] : memref<32768x768xf32, #tpu.memory_space<hbm>> -> memref<64x768xf32, #tpu.memory_space<hbm>>
    %dma_start3A_51 = tpu.memref_slice %arg8[%dma_start3A_43] : memref<2x!tpu.dma_semaphore, #tpu.memory_space<semaphore_mem>> -> memref<1x!tpu.dma_semaphore, #tpu.memory_space<semaphore_mem>>
    %dma_start3A_52 = tpu.memref_squeeze %dma_start3A_51 : memref<1x!tpu.dma_semaphore, #tpu.memory_space<semaphore_mem>> -> memref<!tpu.dma_semaphore, #tpu.memory_space<semaphore_mem>>
    %dma_start3A_53 = tpu.memref_reshape %arg4 : memref<8192x4x768xf32, #tpu.memory_space<hbm>> -> memref<32768x768xf32, #tpu.memory_space<hbm>>
    %dma_start3A_54 = arith.constant 0 : i32
    %dma_start3A_55 = tpu.memref_slice %dma_start3A_53[%add3A_41, %dma_start3A_54] : memref<32768x768xf32, #tpu.memory_space<hbm>> -> memref<64x768xf32, #tpu.memory_space<hbm>>
    %dma_start3A_56 = arith.constant 0 : i32
    %dma_start3A_57 = arith.constant 0 : i32
    %dma_start3A_58 = tpu.memref_slice %arg6[%dma_start3A_42, %dma_start3A_56, %dma_start3A_57] : memref<2x64x768xf32, #tpu.memory_space<vmem>> -> memref<1x64x768xf32, #tpu.memory_space<vmem>>
    %dma_start3A_59 = tpu.memref_squeeze %dma_start3A_58 : memref<1x64x768xf32, #tpu.memory_space<vmem>> -> memref<64x768xf32, #tpu.memory_space<vmem>>
    tpu.enqueue_dma source(%dma_start3A_59 : memref<64x768xf32, #tpu.memory_space<vmem>>) target(%dma_start3A_55 : memref<64x768xf32, #tpu.memory_space<hbm>>) target_semaphore(%dma_start3A_52 : memref<!tpu.dma_semaphore, #tpu.memory_space<semaphore_mem>>)
    %dma_wait3A_60 = arith.constant 0 : i32
    %dma_wait3A_61 = arith.constant 0 : i32
    %dma_wait3A_62 = arith.constant 0 : i32
    %dma_wait3A_63 = arith.constant 0 : i32
    %dma_wait3A_64 = tpu.memref_slice %arg6[%dma_wait3A_60, %dma_wait3A_62, %dma_wait3A_63] : memref<2x64x768xf32, #tpu.memory_space<vmem>> -> memref<1x64x768xf32, #tpu.memory_space<vmem>>
    %dma_wait3A_65 = tpu.memref_squeeze %dma_wait3A_64 : memref<1x64x768xf32, #tpu.memory_space<vmem>> -> memref<64x768xf32, #tpu.memory_space<vmem>>
    %dma_wait3A_66 = tpu.memref_reshape %arg4 : memref<8192x4x768xf32, #tpu.memory_space<hbm>> -> memref<32768x768xf32, #tpu.memory_space<hbm>>
    %dma_wait3A_67 = arith.constant 0 : i32
    %dma_wait3A_68 = tpu.memref_slice %dma_wait3A_66[%add3A_41, %dma_wait3A_67] : memref<32768x768xf32, #tpu.memory_space<hbm>> -> memref<64x768xf32, #tpu.memory_space<hbm>>
    %dma_wait3A_69 = tpu.memref_slice %arg8[%dma_wait3A_61] : memref<2x!tpu.dma_semaphore, #tpu.memory_space<semaphore_mem>> -> memref<1x!tpu.dma_semaphore, #tpu.memory_space<semaphore_mem>>
    %dma_wait3A_70 = tpu.memref_squeeze %dma_wait3A_69 : memref<1x!tpu.dma_semaphore, #tpu.memory_space<semaphore_mem>> -> memref<!tpu.dma_semaphore, #tpu.memory_space<semaphore_mem>>
    %dma_wait3A_71 = tpu.memref_reshape %arg4 : memref<8192x4x768xf32, #tpu.memory_space<hbm>> -> memref<32768x768xf32, #tpu.memory_space<hbm>>
    %dma_wait3A_72 = arith.constant 0 : i32
    %dma_wait3A_73 = tpu.memref_slice %dma_wait3A_71[%add3A_41, %dma_wait3A_72] : memref<32768x768xf32, #tpu.memory_space<hbm>> -> memref<64x768xf32, #tpu.memory_space<hbm>>
    %dma_wait3A_74 = arith.constant 0 : i32
    %dma_wait3A_75 = arith.constant 0 : i32
    %dma_wait3A_76 = tpu.memref_slice %arg6[%dma_wait3A_60, %dma_wait3A_74, %dma_wait3A_75] : memref<2x64x768xf32, #tpu.memory_space<vmem>> -> memref<1x64x768xf32, #tpu.memory_space<vmem>>
    %dma_wait3A_77 = tpu.memref_squeeze %dma_wait3A_76 : memref<1x64x768xf32, #tpu.memory_space<vmem>> -> memref<64x768xf32, #tpu.memory_space<vmem>>
    tpu.wait_dma2 semaphore(%dma_wait3A_70 : memref<!tpu.dma_semaphore, #tpu.memory_space<semaphore_mem>>) src(%dma_wait3A_77 : memref<64x768xf32, #tpu.memory_space<vmem>>) dst(%dma_wait3A_73 : memref<64x768xf32, #tpu.memory_space<hbm>>)
    %dma_start3A_78 = arith.constant 0 : i32
    %dma_start3A_79 = arith.constant 0 : i32
    %dma_start3A_80 = arith.constant 0 : i32
    %dma_start3A_81 = arith.constant 0 : i32
    %dma_start3A_82 = tpu.memref_slice %arg6[%dma_start3A_78, %dma_start3A_80, %dma_start3A_81] : memref<2x64x768xf32, #tpu.memory_space<vmem>> -> memref<1x64x768xf32, #tpu.memory_space<vmem>>
    %dma_start3A_83 = tpu.memref_squeeze %dma_start3A_82 : memref<1x64x768xf32, #tpu.memory_space<vmem>> -> memref<64x768xf32, #tpu.memory_space<vmem>>
    %dma_start3A_84 = arith.constant 128 : i32
    %dma_start3A_85 = tpu.memref_slice %arg5[%dma_start3A_84] : memref<1024xi32, #tpu.memory_space<vmem>> -> memref<64xi32, #tpu.memory_space<vmem>>
    %dma_start3A_86 = arith.constant 0 : i32
    %dma_start3A_87 = arith.constant 0 : i32
    %dma_start3A_88 = tpu.memref_slice %arg2[%dma_start3A_86, %dma_start3A_87] : memref<3072x768xf32, #tpu.memory_space<hbm>> -> memref<3072x768xf32, #tpu.memory_space<hbm>>
    %dma_start3A_89 = tpu.memref_slice %arg7[%dma_start3A_79] : memref<2x!tpu.dma_semaphore, #tpu.memory_space<semaphore_mem>> -> memref<1x!tpu.dma_semaphore, #tpu.memory_space<semaphore_mem>>
    %dma_start3A_90 = tpu.memref_squeeze %dma_start3A_89 : memref<1x!tpu.dma_semaphore, #tpu.memory_space<semaphore_mem>> -> memref<!tpu.dma_semaphore, #tpu.memory_space<semaphore_mem>>
    tpu.enqueue_indirect_dma source(%dma_start3A_88 : memref<3072x768xf32, #tpu.memory_space<hbm>>) target(%dma_start3A_83 : memref<64x768xf32, #tpu.memory_space<vmem>>) offsets(%dma_start3A_85 : memref<64xi32, #tpu.memory_space<vmem>>) semaphore(%dma_start3A_90 : memref<!tpu.dma_semaphore, #tpu.memory_space<semaphore_mem>>)
    %dma_wait3A_91 = arith.constant 1 : i32
    %dma_wait3A_92 = arith.constant 1 : i32
    %dma_wait3A_93 = arith.constant 0 : i32
    %dma_wait3A_94 = arith.constant 0 : i32
    %dma_wait3A_95 = tpu.memref_slice %arg6[%dma_wait3A_91, %dma_wait3A_93, %dma_wait3A_94] : memref<2x64x768xf32, #tpu.memory_space<vmem>> -> memref<1x64x768xf32, #tpu.memory_space<vmem>>
    %dma_wait3A_96 = tpu.memref_squeeze %dma_wait3A_95 : memref<1x64x768xf32, #tpu.memory_space<vmem>> -> memref<64x768xf32, #tpu.memory_space<vmem>>
    %dma_wait3A_97 = arith.constant 64 : i32
    %dma_wait3A_98 = tpu.memref_slice %arg5[%dma_wait3A_97] : memref<1024xi32, #tpu.memory_space<vmem>> -> memref<64xi32, #tpu.memory_space<vmem>>
    %dma_wait3A_99 = arith.constant 0 : i32
    %dma_wait3A_100 = arith.constant 0 : i32
    %dma_wait3A_101 = tpu.memref_slice %arg2[%dma_wait3A_99, %dma_wait3A_100] : memref<3072x768xf32, #tpu.memory_space<hbm>> -> memref<3072x768xf32, #tpu.memory_space<hbm>>
    %dma_wait3A_102 = tpu.memref_slice %arg7[%dma_wait3A_92] : memref<2x!tpu.dma_semaphore, #tpu.memory_space<semaphore_mem>> -> memref<1x!tpu.dma_semaphore, #tpu.memory_space<semaphore_mem>>
    %dma_wait3A_103 = tpu.memref_squeeze %dma_wait3A_102 : memref<1x!tpu.dma_semaphore, #tpu.memory_space<semaphore_mem>> -> memref<!tpu.dma_semaphore, #tpu.memory_space<semaphore_mem>>
    tpu.wait_indirect_dma semaphore(%dma_wait3A_103 : memref<!tpu.dma_semaphore, #tpu.memory_space<semaphore_mem>>) src(%dma_wait3A_101 : memref<3072x768xf32, #tpu.memory_space<hbm>>) dst(%dma_wait3A_96 : memref<64x768xf32, #tpu.memory_space<vmem>>)
    %add3A_104 = arith.constant 64 : i32
    %add3A_105 = arith.addi %mul3A_2, %add3A_104 : i32
    %dma_start3A_106 = arith.constant 1 : i32
    %dma_start3A_107 = arith.constant 1 : i32
    %dma_start3A_108 = arith.constant 0 : i32
    %dma_start3A_109 = arith.constant 0 : i32
    %dma_start3A_110 = tpu.memref_slice %arg6[%dma_start3A_106, %dma_start3A_108, %dma_start3A_109] : memref<2x64x768xf32, #tpu.memory_space<vmem>> -> memref<1x64x768xf32, #tpu.memory_space<vmem>>
    %dma_start3A_111 = tpu.memref_squeeze %dma_start3A_110 : memref<1x64x768xf32, #tpu.memory_space<vmem>> -> memref<64x768xf32, #tpu.memory_space<vmem>>
    %dma_start3A_112 = tpu.memref_reshape %arg4 : memref<8192x4x768xf32, #tpu.memory_space<hbm>> -> memref<32768x768xf32, #tpu.memory_space<hbm>>
    %dma_start3A_113 = arith.constant 0 : i32
    %dma_start3A_114 = tpu.memref_slice %dma_start3A_112[%add3A_105, %dma_start3A_113] : memref<32768x768xf32, #tpu.memory_space<hbm>> -> memref<64x768xf32, #tpu.memory_space<hbm>>
    %dma_start3A_115 = tpu.memref_slice %arg8[%dma_start3A_107] : memref<2x!tpu.dma_semaphore, #tpu.memory_space<semaphore_mem>> -> memref<1x!tpu.dma_semaphore, #tpu.memory_space<semaphore_mem>>
    %dma_start3A_116 = tpu.memref_squeeze %dma_start3A_115 : memref<1x!tpu.dma_semaphore, #tpu.memory_space<semaphore_mem>> -> memref<!tpu.dma_semaphore, #tpu.memory_space<semaphore_mem>>
    %dma_start3A_117 = tpu.memref_reshape %arg4 : memref<8192x4x768xf32, #tpu.memory_space<hbm>> -> memref<32768x768xf32, #tpu.memory_space<hbm>>
    %dma_start3A_118 = arith.constant 0 : i32
    %dma_start3A_119 = tpu.memref_slice %dma_start3A_117[%add3A_105, %dma_start3A_118] : memref<32768x768xf32, #tpu.memory_space<hbm>> -> memref<64x768xf32, #tpu.memory_space<hbm>>
    %dma_start3A_120 = arith.constant 0 : i32
    %dma_start3A_121 = arith.constant 0 : i32
    %dma_start3A_122 = tpu.memref_slice %arg6[%dma_start3A_106, %dma_start3A_120, %dma_start3A_121] : memref<2x64x768xf32, #tpu.memory_space<vmem>> -> memref<1x64x768xf32, #tpu.memory_space<vmem>>
    %dma_start3A_123 = tpu.memref_squeeze %dma_start3A_122 : memref<1x64x768xf32, #tpu.memory_space<vmem>> -> memref<64x768xf32, #tpu.memory_space<vmem>>
    tpu.enqueue_dma source(%dma_start3A_123 : memref<64x768xf32, #tpu.memory_space<vmem>>) target(%dma_start3A_119 : memref<64x768xf32, #tpu.memory_space<hbm>>) target_semaphore(%dma_start3A_116 : memref<!tpu.dma_semaphore, #tpu.memory_space<semaphore_mem>>)
    %dma_wait3A_124 = arith.constant 1 : i32
    %dma_wait3A_125 = arith.constant 1 : i32
    %dma_wait3A_126 = arith.constant 0 : i32
    %dma_wait3A_127 = arith.constant 0 : i32
    %dma_wait3A_128 = tpu.memref_slice %arg6[%dma_wait3A_124, %dma_wait3A_126, %dma_wait3A_127] : memref<2x64x768xf32, #tpu.memory_space<vmem>> -> memref<1x64x768xf32, #tpu.memory_space<vmem>>
    %dma_wait3A_129 = tpu.memref_squeeze %dma_wait3A_128 : memref<1x64x768xf32, #tpu.memory_space<vmem>> -> memref<64x768xf32, #tpu.memory_space<vmem>>
    %dma_wait3A_130 = tpu.memref_reshape %arg4 : memref<8192x4x768xf32, #tpu.memory_space<hbm>> -> memref<32768x768xf32, #tpu.memory_space<hbm>>
    %dma_wait3A_131 = arith.constant 0 : i32
    %dma_wait3A_132 = tpu.memref_slice %dma_wait3A_130[%add3A_105, %dma_wait3A_131] : memref<32768x768xf32, #tpu.memory_space<hbm>> -> memref<64x768xf32, #tpu.memory_space<hbm>>
    %dma_wait3A_133 = tpu.memref_slice %arg8[%dma_wait3A_125] : memref<2x!tpu.dma_semaphore, #tpu.memory_space<semaphore_mem>> -> memref<1x!tpu.dma_semaphore, #tpu.memory_space<semaphore_mem>>
    %dma_wait3A_134 = tpu.memref_squeeze %dma_wait3A_133 : memref<1x!tpu.dma_semaphore, #tpu.memory_space<semaphore_mem>> -> memref<!tpu.dma_semaphore, #tpu.memory_space<semaphore_mem>>
    %dma_wait3A_135 = tpu.memref_reshape %arg4 : memref<8192x4x768xf32, #tpu.memory_space<hbm>> -> memref<32768x768xf32, #tpu.memory_space<hbm>>
    %dma_wait3A_136 = arith.constant 0 : i32
    %dma_wait3A_137 = tpu.memref_slice %dma_wait3A_135[%add3A_105, %dma_wait3A_136] : memref<32768x768xf32, #tpu.memory_space<hbm>> -> memref<64x768xf32, #tpu.memory_space<hbm>>
    %dma_wait3A_138 = arith.constant 0 : i32
    %dma_wait3A_139 = arith.constant 0 : i32
    %dma_wait3A_140 = tpu.memref_slice %arg6[%dma_wait3A_124, %dma_wait3A_138, %dma_wait3A_139] : memref<2x64x768xf32, #tpu.memory_space<vmem>> -> memref<1x64x768xf32, #tpu.memory_space<vmem>>
    %dma_wait3A_141 = tpu.memref_squeeze %dma_wait3A_140 : memref<1x64x768xf32, #tpu.memory_space<vmem>> -> memref<64x768xf32, #tpu.memory_space<vmem>>
    tpu.wait_dma2 semaphore(%dma_wait3A_134 : memref<!tpu.dma_semaphore, #tpu.memory_space<semaphore_mem>>) src(%dma_wait3A_141 : memref<64x768xf32, #tpu.memory_space<vmem>>) dst(%dma_wait3A_137 : memref<64x768xf32, #tpu.memory_space<hbm>>)
    %dma_start3A_142 = arith.constant 1 : i32
    %dma_start3A_143 = arith.constant 1 : i32
    %dma_start3A_144 = arith.constant 0 : i32
    %dma_start3A_145 = arith.constant 0 : i32
    %dma_start3A_146 = tpu.memref_slice %arg6[%dma_start3A_142, %dma_start3A_144, %dma_start3A_145] : memref<2x64x768xf32, #tpu.memory_space<vmem>> -> memref<1x64x768xf32, #tpu.memory_space<vmem>>
    %dma_start3A_147 = tpu.memref_squeeze %dma_start3A_146 : memref<1x64x768xf32, #tpu.memory_space<vmem>> -> memref<64x768xf32, #tpu.memory_space<vmem>>
    %dma_start3A_148 = arith.constant 192 : i32
    %dma_start3A_149 = tpu.memref_slice %arg5[%dma_start3A_148] : memref<1024xi32, #tpu.memory_space<vmem>> -> memref<64xi32, #tpu.memory_space<vmem>>
    %dma_start3A_150 = arith.constant 0 : i32
    %dma_start3A_151 = arith.constant 0 : i32
    %dma_start3A_152 = tpu.memref_slice %arg2[%dma_start3A_150, %dma_start3A_151] : memref<3072x768xf32, #tpu.memory_space<hbm>> -> memref<3072x768xf32, #tpu.memory_space<hbm>>
    %dma_start3A_153 = tpu.memref_slice %arg7[%dma_start3A_143] : memref<2x!tpu.dma_semaphore, #tpu.memory_space<semaphore_mem>> -> memref<1x!tpu.dma_semaphore, #tpu.memory_space<semaphore_mem>>
    %dma_start3A_154 = tpu.memref_squeeze %dma_start3A_153 : memref<1x!tpu.dma_semaphore, #tpu.memory_space<semaphore_mem>> -> memref<!tpu.dma_semaphore, #tpu.memory_space<semaphore_mem>>
    tpu.enqueue_indirect_dma source(%dma_start3A_152 : memref<3072x768xf32, #tpu.memory_space<hbm>>) target(%dma_start3A_147 : memref<64x768xf32, #tpu.memory_space<vmem>>) offsets(%dma_start3A_149 : memref<64xi32, #tpu.memory_space<vmem>>) semaphore(%dma_start3A_154 : memref<!tpu.dma_semaphore, #tpu.memory_space<semaphore_mem>>)
    %dma_wait3A_155 = arith.constant 0 : i32
    %dma_wait3A_156 = arith.constant 0 : i32
    %dma_wait3A_157 = arith.constant 0 : i32
    %dma_wait3A_158 = arith.constant 0 : i32
    %dma_wait3A_159 = tpu.memref_slice %arg6[%dma_wait3A_155, %dma_wait3A_157, %dma_wait3A_158] : memref<2x64x768xf32, #tpu.memory_space<vmem>> -> memref<1x64x768xf32, #tpu.memory_space<vmem>>
    %dma_wait3A_160 = tpu.memref_squeeze %dma_wait3A_159 : memref<1x64x768xf32, #tpu.memory_space<vmem>> -> memref<64x768xf32, #tpu.memory_space<vmem>>
    %dma_wait3A_161 = arith.constant 128 : i32
    %dma_wait3A_162 = tpu.memref_slice %arg5[%dma_wait3A_161] : memref<1024xi32, #tpu.memory_space<vmem>> -> memref<64xi32, #tpu.memory_space<vmem>>
    %dma_wait3A_163 = arith.constant 0 : i32
    %dma_wait3A_164 = arith.constant 0 : i32
    %dma_wait3A_165 = tpu.memref_slice %arg2[%dma_wait3A_163, %dma_wait3A_164] : memref<3072x768xf32, #tpu.memory_space<hbm>> -> memref<3072x768xf32, #tpu.memory_space<hbm>>
    %dma_wait3A_166 = tpu.memref_slice %arg7[%dma_wait3A_156] : memref<2x!tpu.dma_semaphore, #tpu.memory_space<semaphore_mem>> -> memref<1x!tpu.dma_semaphore, #tpu.memory_space<semaphore_mem>>
    %dma_wait3A_167 = tpu.memref_squeeze %dma_wait3A_166 : memref<1x!tpu.dma_semaphore, #tpu.memory_space<semaphore_mem>> -> memref<!tpu.dma_semaphore, #tpu.memory_space<semaphore_mem>>
    tpu.wait_indirect_dma semaphore(%dma_wait3A_167 : memref<!tpu.dma_semaphore, #tpu.memory_space<semaphore_mem>>) src(%dma_wait3A_165 : memref<3072x768xf32, #tpu.memory_space<hbm>>) dst(%dma_wait3A_160 : memref<64x768xf32, #tpu.memory_space<vmem>>)
    %add3A_168 = arith.constant 128 : i32
    %add3A_169 = arith.addi %mul3A_2, %add3A_168 : i32
    %dma_start3A_170 = arith.constant 0 : i32
    %dma_start3A_171 = arith.constant 0 : i32
    %dma_start3A_172 = arith.constant 0 : i32
    %dma_start3A_173 = arith.constant 0 : i32
    %dma_start3A_174 = tpu.memref_slice %arg6[%dma_start3A_170, %dma_start3A_172, %dma_start3A_173] : memref<2x64x768xf32, #tpu.memory_space<vmem>> -> memref<1x64x768xf32, #tpu.memory_space<vmem>>
    %dma_start3A_175 = tpu.memref_squeeze %dma_start3A_174 : memref<1x64x768xf32, #tpu.memory_space<vmem>> -> memref<64x768xf32, #tpu.memory_space<vmem>>
    %dma_start3A_176 = tpu.memref_reshape %arg4 : memref<8192x4x768xf32, #tpu.memory_space<hbm>> -> memref<32768x768xf32, #tpu.memory_space<hbm>>
    %dma_start3A_177 = arith.constant 0 : i32
    %dma_start3A_178 = tpu.memref_slice %dma_start3A_176[%add3A_169, %dma_start3A_177] : memref<32768x768xf32, #tpu.memory_space<hbm>> -> memref<64x768xf32, #tpu.memory_space<hbm>>
    %dma_start3A_179 = tpu.memref_slice %arg8[%dma_start3A_171] : memref<2x!tpu.dma_semaphore, #tpu.memory_space<semaphore_mem>> -> memref<1x!tpu.dma_semaphore, #tpu.memory_space<semaphore_mem>>
    %dma_start3A_180 = tpu.memref_squeeze %dma_start3A_179 : memref<1x!tpu.dma_semaphore, #tpu.memory_space<semaphore_mem>> -> memref<!tpu.dma_semaphore, #tpu.memory_space<semaphore_mem>>
    %dma_start3A_181 = tpu.memref_reshape %arg4 : memref<8192x4x768xf32, #tpu.memory_space<hbm>> -> memref<32768x768xf32, #tpu.memory_space<hbm>>
    %dma_start3A_182 = arith.constant 0 : i32
    %dma_start3A_183 = tpu.memref_slice %dma_start3A_181[%add3A_169, %dma_start3A_182] : memref<32768x768xf32, #tpu.memory_space<hbm>> -> memref<64x768xf32, #tpu.memory_space<hbm>>
    %dma_start3A_184 = arith.constant 0 : i32
    %dma_start3A_185 = arith.constant 0 : i32
    %dma_start3A_186 = tpu.memref_slice %arg6[%dma_start3A_170, %dma_start3A_184, %dma_start3A_185] : memref<2x64x768xf32, #tpu.memory_space<vmem>> -> memref<1x64x768xf32, #tpu.memory_space<vmem>>
    %dma_start3A_187 = tpu.memref_squeeze %dma_start3A_186 : memref<1x64x768xf32, #tpu.memory_space<vmem>> -> memref<64x768xf32, #tpu.memory_space<vmem>>
    tpu.enqueue_dma source(%dma_start3A_187 : memref<64x768xf32, #tpu.memory_space<vmem>>) target(%dma_start3A_183 : memref<64x768xf32, #tpu.memory_space<hbm>>) target_semaphore(%dma_start3A_180 : memref<!tpu.dma_semaphore, #tpu.memory_space<semaphore_mem>>)
    %dma_wait3A_188 = arith.constant 0 : i32
    %dma_wait3A_189 = arith.constant 0 : i32
    %dma_wait3A_190 = arith.constant 0 : i32
    %dma_wait3A_191 = arith.constant 0 : i32
    %dma_wait3A_192 = tpu.memref_slice %arg6[%dma_wait3A_188, %dma_wait3A_190, %dma_wait3A_191] : memref<2x64x768xf32, #tpu.memory_space<vmem>> -> memref<1x64x768xf32, #tpu.memory_space<vmem>>
    %dma_wait3A_193 = tpu.memref_squeeze %dma_wait3A_192 : memref<1x64x768xf32, #tpu.memory_space<vmem>> -> memref<64x768xf32, #tpu.memory_space<vmem>>
    %dma_wait3A_194 = tpu.memref_reshape %arg4 : memref<8192x4x768xf32, #tpu.memory_space<hbm>> -> memref<32768x768xf32, #tpu.memory_space<hbm>>
    %dma_wait3A_195 = arith.constant 0 : i32
    %dma_wait3A_196 = tpu.memref_slice %dma_wait3A_194[%add3A_169, %dma_wait3A_195] : memref<32768x768xf32, #tpu.memory_space<hbm>> -> memref<64x768xf32, #tpu.memory_space<hbm>>
    %dma_wait3A_197 = tpu.memref_slice %arg8[%dma_wait3A_189] : memref<2x!tpu.dma_semaphore, #tpu.memory_space<semaphore_mem>> -> memref<1x!tpu.dma_semaphore, #tpu.memory_space<semaphore_mem>>
    %dma_wait3A_198 = tpu.memref_squeeze %dma_wait3A_197 : memref<1x!tpu.dma_semaphore, #tpu.memory_space<semaphore_mem>> -> memref<!tpu.dma_semaphore, #tpu.memory_space<semaphore_mem>>
    %dma_wait3A_199 = tpu.memref_reshape %arg4 : memref<8192x4x768xf32, #tpu.memory_space<hbm>> -> memref<32768x768xf32, #tpu.memory_space<hbm>>
    %dma_wait3A_200 = arith.constant 0 : i32
    %dma_wait3A_201 = tpu.memref_slice %dma_wait3A_199[%add3A_169, %dma_wait3A_200] : memref<32768x768xf32, #tpu.memory_space<hbm>> -> memref<64x768xf32, #tpu.memory_space<hbm>>
    %dma_wait3A_202 = arith.constant 0 : i32
    %dma_wait3A_203 = arith.constant 0 : i32
    %dma_wait3A_204 = tpu.memref_slice %arg6[%dma_wait3A_188, %dma_wait3A_202, %dma_wait3A_203] : memref<2x64x768xf32, #tpu.memory_space<vmem>> -> memref<1x64x768xf32, #tpu.memory_space<vmem>>
    %dma_wait3A_205 = tpu.memref_squeeze %dma_wait3A_204 : memref<1x64x768xf32, #tpu.memory_space<vmem>> -> memref<64x768xf32, #tpu.memory_space<vmem>>
    tpu.wait_dma2 semaphore(%dma_wait3A_198 : memref<!tpu.dma_semaphore, #tpu.memory_space<semaphore_mem>>) src(%dma_wait3A_205 : memref<64x768xf32, #tpu.memory_space<vmem>>) dst(%dma_wait3A_201 : memref<64x768xf32, #tpu.memory_space<hbm>>)
    %dma_start3A_206 = arith.constant 0 : i32
    %dma_start3A_207 = arith.constant 0 : i32
    %dma_start3A_208 = arith.constant 0 : i32
    %dma_start3A_209 = arith.constant 0 : i32
    %dma_start3A_210 = tpu.memref_slice %arg6[%dma_start3A_206, %dma_start3A_208, %dma_start3A_209] : memref<2x64x768xf32, #tpu.memory_space<vmem>> -> memref<1x64x768xf32, #tpu.memory_space<vmem>>
    %dma_start3A_211 = tpu.memref_squeeze %dma_start3A_210 : memref<1x64x768xf32, #tpu.memory_space<vmem>> -> memref<64x768xf32, #tpu.memory_space<vmem>>
    %dma_start3A_212 = arith.constant 256 : i32
    %dma_start3A_213 = tpu.memref_slice %arg5[%dma_start3A_212] : memref<1024xi32, #tpu.memory_space<vmem>> -> memref<64xi32, #tpu.memory_space<vmem>>
    %dma_start3A_214 = arith.constant 0 : i32
    %dma_start3A_215 = arith.constant 0 : i32
    %dma_start3A_216 = tpu.memref_slice %arg2[%dma_start3A_214, %dma_start3A_215] : memref<3072x768xf32, #tpu.memory_space<hbm>> -> memref<3072x768xf32, #tpu.memory_space<hbm>>
    %dma_start3A_217 = tpu.memref_slice %arg7[%dma_start3A_207] : memref<2x!tpu.dma_semaphore, #tpu.memory_space<semaphore_mem>> -> memref<1x!tpu.dma_semaphore, #tpu.memory_space<semaphore_mem>>
    %dma_start3A_218 = tpu.memref_squeeze %dma_start3A_217 : memref<1x!tpu.dma_semaphore, #tpu.memory_space<semaphore_mem>> -> memref<!tpu.dma_semaphore, #tpu.memory_space<semaphore_mem>>
    tpu.enqueue_indirect_dma source(%dma_start3A_216 : memref<3072x768xf32, #tpu.memory_space<hbm>>) target(%dma_start3A_211 : memref<64x768xf32, #tpu.memory_space<vmem>>) offsets(%dma_start3A_213 : memref<64xi32, #tpu.memory_space<vmem>>) semaphore(%dma_start3A_218 : memref<!tpu.dma_semaphore, #tpu.memory_space<semaphore_mem>>)
    %dma_wait3A_219 = arith.constant 1 : i32
    %dma_wait3A_220 = arith.constant 1 : i32
    %dma_wait3A_221 = arith.constant 0 : i32
    %dma_wait3A_222 = arith.constant 0 : i32
    %dma_wait3A_223 = tpu.memref_slice %arg6[%dma_wait3A_219, %dma_wait3A_221, %dma_wait3A_222] : memref<2x64x768xf32, #tpu.memory_space<vmem>> -> memref<1x64x768xf32, #tpu.memory_space<vmem>>
    %dma_wait3A_224 = tpu.memref_squeeze %dma_wait3A_223 : memref<1x64x768xf32, #tpu.memory_space<vmem>> -> memref<64x768xf32, #tpu.memory_space<vmem>>
    %dma_wait3A_225 = arith.constant 192 : i32
    %dma_wait3A_226 = tpu.memref_slice %arg5[%dma_wait3A_225] : memref<1024xi32, #tpu.memory_space<vmem>> -> memref<64xi32, #tpu.memory_space<vmem>>
    %dma_wait3A_227 = arith.constant 0 : i32
    %dma_wait3A_228 = arith.constant 0 : i32
    %dma_wait3A_229 = tpu.memref_slice %arg2[%dma_wait3A_227, %dma_wait3A_228] : memref<3072x768xf32, #tpu.memory_space<hbm>> -> memref<3072x768xf32, #tpu.memory_space<hbm>>
    %dma_wait3A_230 = tpu.memref_slice %arg7[%dma_wait3A_220] : memref<2x!tpu.dma_semaphore, #tpu.memory_space<semaphore_mem>> -> memref<1x!tpu.dma_semaphore, #tpu.memory_space<semaphore_mem>>
    %dma_wait3A_231 = tpu.memref_squeeze %dma_wait3A_230 : memref<1x!tpu.dma_semaphore, #tpu.memory_space<semaphore_mem>> -> memref<!tpu.dma_semaphore, #tpu.memory_space<semaphore_mem>>
    tpu.wait_indirect_dma semaphore(%dma_wait3A_231 : memref<!tpu.dma_semaphore, #tpu.memory_space<semaphore_mem>>) src(%dma_wait3A_229 : memref<3072x768xf32, #tpu.memory_space<hbm>>) dst(%dma_wait3A_224 : memref<64x768xf32, #tpu.memory_space<vmem>>)
    %add3A_232 = arith.constant 192 : i32
    %add3A_233 = arith.addi %mul3A_2, %add3A_232 : i32
    %dma_start3A_234 = arith.constant 1 : i32
    %dma_start3A_235 = arith.constant 1 : i32
    %dma_start3A_236 = arith.constant 0 : i32
    %dma_start3A_237 = arith.constant 0 : i32
    %dma_start3A_238 = tpu.memref_slice %arg6[%dma_start3A_234, %dma_start3A_236, %dma_start3A_237] : memref<2x64x768xf32, #tpu.memory_space<vmem>> -> memref<1x64x768xf32, #tpu.memory_space<vmem>>
    %dma_start3A_239 = tpu.memref_squeeze %dma_start3A_238 : memref<1x64x768xf32, #tpu.memory_space<vmem>> -> memref<64x768xf32, #tpu.memory_space<vmem>>
    %dma_start3A_240 = tpu.memref_reshape %arg4 : memref<8192x4x768xf32, #tpu.memory_space<hbm>> -> memref<32768x768xf32, #tpu.memory_space<hbm>>
    %dma_start3A_241 = arith.constant 0 : i32
    %dma_start3A_242 = tpu.memref_slice %dma_start3A_240[%add3A_233, %dma_start3A_241] : memref<32768x768xf32, #tpu.memory_space<hbm>> -> memref<64x768xf32, #tpu.memory_space<hbm>>
    %dma_start3A_243 = tpu.memref_slice %arg8[%dma_start3A_235] : memref<2x!tpu.dma_semaphore, #tpu.memory_space<semaphore_mem>> -> memref<1x!tpu.dma_semaphore, #tpu.memory_space<semaphore_mem>>
    %dma_start3A_244 = tpu.memref_squeeze %dma_start3A_243 : memref<1x!tpu.dma_semaphore, #tpu.memory_space<semaphore_mem>> -> memref<!tpu.dma_semaphore, #tpu.memory_space<semaphore_mem>>
    %dma_start3A_245 = tpu.memref_reshape %arg4 : memref<8192x4x768xf32, #tpu.memory_space<hbm>> -> memref<32768x768xf32, #tpu.memory_space<hbm>>
    %dma_start3A_246 = arith.constant 0 : i32
    %dma_start3A_247 = tpu.memref_slice %dma_start3A_245[%add3A_233, %dma_start3A_246] : memref<32768x768xf32, #tpu.memory_space<hbm>> -> memref<64x768xf32, #tpu.memory_space<hbm>>
    %dma_start3A_248 = arith.constant 0 : i32
    %dma_start3A_249 = arith.constant 0 : i32
    %dma_start3A_250 = tpu.memref_slice %arg6[%dma_start3A_234, %dma_start3A_248, %dma_start3A_249] : memref<2x64x768xf32, #tpu.memory_space<vmem>> -> memref<1x64x768xf32, #tpu.memory_space<vmem>>
    %dma_start3A_251 = tpu.memref_squeeze %dma_start3A_250 : memref<1x64x768xf32, #tpu.memory_space<vmem>> -> memref<64x768xf32, #tpu.memory_space<vmem>>
    tpu.enqueue_dma source(%dma_start3A_251 : memref<64x768xf32, #tpu.memory_space<vmem>>) target(%dma_start3A_247 : memref<64x768xf32, #tpu.memory_space<hbm>>) target_semaphore(%dma_start3A_244 : memref<!tpu.dma_semaphore, #tpu.memory_space<semaphore_mem>>)
    %dma_wait3A_252 = arith.constant 1 : i32
    %dma_wait3A_253 = arith.constant 1 : i32
    %dma_wait3A_254 = arith.constant 0 : i32
    %dma_wait3A_255 = arith.constant 0 : i32
    %dma_wait3A_256 = tpu.memref_slice %arg6[%dma_wait3A_252, %dma_wait3A_254, %dma_wait3A_255] : memref<2x64x768xf32, #tpu.memory_space<vmem>> -> memref<1x64x768xf32, #tpu.memory_space<vmem>>
    %dma_wait3A_257 = tpu.memref_squeeze %dma_wait3A_256 : memref<1x64x768xf32, #tpu.memory_space<vmem>> -> memref<64x768xf32, #tpu.memory_space<vmem>>
    %dma_wait3A_258 = tpu.memref_reshape %arg4 : memref<8192x4x768xf32, #tpu.memory_space<hbm>> -> memref<32768x768xf32, #tpu.memory_space<hbm>>
    %dma_wait3A_259 = arith.constant 0 : i32
    %dma_wait3A_260 = tpu.memref_slice %dma_wait3A_258[%add3A_233, %dma_wait3A_259] : memref<32768x768xf32, #tpu.memory_space<hbm>> -> memref<64x768xf32, #tpu.memory_space<hbm>>
    %dma_wait3A_261 = tpu.memref_slice %arg8[%dma_wait3A_253] : memref<2x!tpu.dma_semaphore, #tpu.memory_space<semaphore_mem>> -> memref<1x!tpu.dma_semaphore, #tpu.memory_space<semaphore_mem>>
    %dma_wait3A_262 = tpu.memref_squeeze %dma_wait3A_261 : memref<1x!tpu.dma_semaphore, #tpu.memory_space<semaphore_mem>> -> memref<!tpu.dma_semaphore, #tpu.memory_space<semaphore_mem>>
    %dma_wait3A_263 = tpu.memref_reshape %arg4 : memref<8192x4x768xf32, #tpu.memory_space<hbm>> -> memref<32768x768xf32, #tpu.memory_space<hbm>>
    %dma_wait3A_264 = arith.constant 0 : i32
    %dma_wait3A_265 = tpu.memref_slice %dma_wait3A_263[%add3A_233, %dma_wait3A_264] : memref<32768x768xf32, #tpu.memory_space<hbm>> -> memref<64x768xf32, #tpu.memory_space<hbm>>
    %dma_wait3A_266 = arith.constant 0 : i32
    %dma_wait3A_267 = arith.constant 0 : i32
    %dma_wait3A_268 = tpu.memref_slice %arg6[%dma_wait3A_252, %dma_wait3A_266, %dma_wait3A_267] : memref<2x64x768xf32, #tpu.memory_space<vmem>> -> memref<1x64x768xf32, #tpu.memory_space<vmem>>
    %dma_wait3A_269 = tpu.memref_squeeze %dma_wait3A_268 : memref<1x64x768xf32, #tpu.memory_space<vmem>> -> memref<64x768xf32, #tpu.memory_space<vmem>>
    tpu.wait_dma2 semaphore(%dma_wait3A_262 : memref<!tpu.dma_semaphore, #tpu.memory_space<semaphore_mem>>) src(%dma_wait3A_269 : memref<64x768xf32, #tpu.memory_space<vmem>>) dst(%dma_wait3A_265 : memref<64x768xf32, #tpu.memory_space<hbm>>)
    %dma_start3A_270 = arith.constant 1 : i32
    %dma_start3A_271 = arith.constant 1 : i32
    %dma_start3A_272 = arith.constant 0 : i32
    %dma_start3A_273 = arith.constant 0 : i32
    %dma_start3A_274 = tpu.memref_slice %arg6[%dma_start3A_270, %dma_start3A_272, %dma_start3A_273] : memref<2x64x768xf32, #tpu.memory_space<vmem>> -> memref<1x64x768xf32, #tpu.memory_space<vmem>>
    %dma_start3A_275 = tpu.memref_squeeze %dma_start3A_274 : memref<1x64x768xf32, #tpu.memory_space<vmem>> -> memref<64x768xf32, #tpu.memory_space<vmem>>
    %dma_start3A_276 = arith.constant 320 : i32
    %dma_start3A_277 = tpu.memref_slice %arg5[%dma_start3A_276] : memref<1024xi32, #tpu.memory_space<vmem>> -> memref<64xi32, #tpu.memory_space<vmem>>
    %dma_start3A_278 = arith.constant 0 : i32
    %dma_start3A_279 = arith.constant 0 : i32
    %dma_start3A_280 = tpu.memref_slice %arg2[%dma_start3A_278, %dma_start3A_279] : memref<3072x768xf32, #tpu.memory_space<hbm>> -> memref<3072x768xf32, #tpu.memory_space<hbm>>
    %dma_start3A_281 = tpu.memref_slice %arg7[%dma_start3A_271] : memref<2x!tpu.dma_semaphore, #tpu.memory_space<semaphore_mem>> -> memref<1x!tpu.dma_semaphore, #tpu.memory_space<semaphore_mem>>
    %dma_start3A_282 = tpu.memref_squeeze %dma_start3A_281 : memref<1x!tpu.dma_semaphore, #tpu.memory_space<semaphore_mem>> -> memref<!tpu.dma_semaphore, #tpu.memory_space<semaphore_mem>>
    tpu.enqueue_indirect_dma source(%dma_start3A_280 : memref<3072x768xf32, #tpu.memory_space<hbm>>) target(%dma_start3A_275 : memref<64x768xf32, #tpu.memory_space<vmem>>) offsets(%dma_start3A_277 : memref<64xi32, #tpu.memory_space<vmem>>) semaphore(%dma_start3A_282 : memref<!tpu.dma_semaphore, #tpu.memory_space<semaphore_mem>>)
    %dma_wait3A_283 = arith.constant 0 : i32
    %dma_wait3A_284 = arith.constant 0 : i32
    %dma_wait3A_285 = arith.constant 0 : i32
    %dma_wait3A_286 = arith.constant 0 : i32
    %dma_wait3A_287 = tpu.memref_slice %arg6[%dma_wait3A_283, %dma_wait3A_285, %dma_wait3A_286] : memref<2x64x768xf32, #tpu.memory_space<vmem>> -> memref<1x64x768xf32, #tpu.memory_space<vmem>>
    %dma_wait3A_288 = tpu.memref_squeeze %dma_wait3A_287 : memref<1x64x768xf32, #tpu.memory_space<vmem>> -> memref<64x768xf32, #tpu.memory_space<vmem>>
    %dma_wait3A_289 = arith.constant 256 : i32
    %dma_wait3A_290 = tpu.memref_slice %arg5[%dma_wait3A_289] : memref<1024xi32, #tpu.memory_space<vmem>> -> memref<64xi32, #tpu.memory_space<vmem>>
    %dma_wait3A_291 = arith.constant 0 : i32
    %dma_wait3A_292 = arith.constant 0 : i32
    %dma_wait3A_293 = tpu.memref_slice %arg2[%dma_wait3A_291, %dma_wait3A_292] : memref<3072x768xf32, #tpu.memory_space<hbm>> -> memref<3072x768xf32, #tpu.memory_space<hbm>>
    %dma_wait3A_294 = tpu.memref_slice %arg7[%dma_wait3A_284] : memref<2x!tpu.dma_semaphore, #tpu.memory_space<semaphore_mem>> -> memref<1x!tpu.dma_semaphore, #tpu.memory_space<semaphore_mem>>
    %dma_wait3A_295 = tpu.memref_squeeze %dma_wait3A_294 : memref<1x!tpu.dma_semaphore, #tpu.memory_space<semaphore_mem>> -> memref<!tpu.dma_semaphore, #tpu.memory_space<semaphore_mem>>
    tpu.wait_indirect_dma semaphore(%dma_wait3A_295 : memref<!tpu.dma_semaphore, #tpu.memory_space<semaphore_mem>>) src(%dma_wait3A_293 : memref<3072x768xf32, #tpu.memory_space<hbm>>) dst(%dma_wait3A_288 : memref<64x768xf32, #tpu.memory_space<vmem>>)
    %add3A_296 = arith.constant 256 : i32
    %add3A_297 = arith.addi %mul3A_2, %add3A_296 : i32
    %dma_start3A_298 = arith.constant 0 : i32
    %dma_start3A_299 = arith.constant 0 : i32
    %dma_start3A_300 = arith.constant 0 : i32
    %dma_start3A_301 = arith.constant 0 : i32
    %dma_start3A_302 = tpu.memref_slice %arg6[%dma_start3A_298, %dma_start3A_300, %dma_start3A_301] : memref<2x64x768xf32, #tpu.memory_space<vmem>> -> memref<1x64x768xf32, #tpu.memory_space<vmem>>
    %dma_start3A_303 = tpu.memref_squeeze %dma_start3A_302 : memref<1x64x768xf32, #tpu.memory_space<vmem>> -> memref<64x768xf32, #tpu.memory_space<vmem>>
    %dma_start3A_304 = tpu.memref_reshape %arg4 : memref<8192x4x768xf32, #tpu.memory_space<hbm>> -> memref<32768x768xf32, #tpu.memory_space<hbm>>
    %dma_start3A_305 = arith.constant 0 : i32
    %dma_start3A_306 = tpu.memref_slice %dma_start3A_304[%add3A_297, %dma_start3A_305] : memref<32768x768xf32, #tpu.memory_space<hbm>> -> memref<64x768xf32, #tpu.memory_space<hbm>>
    %dma_start3A_307 = tpu.memref_slice %arg8[%dma_start3A_299] : memref<2x!tpu.dma_semaphore, #tpu.memory_space<semaphore_mem>> -> memref<1x!tpu.dma_semaphore, #tpu.memory_space<semaphore_mem>>
    %dma_start3A_308 = tpu.memref_squeeze %dma_start3A_307 : memref<1x!tpu.dma_semaphore, #tpu.memory_space<semaphore_mem>> -> memref<!tpu.dma_semaphore, #tpu.memory_space<semaphore_mem>>
    %dma_start3A_309 = tpu.memref_reshape %arg4 : memref<8192x4x768xf32, #tpu.memory_space<hbm>> -> memref<32768x768xf32, #tpu.memory_space<hbm>>
    %dma_start3A_310 = arith.constant 0 : i32
    %dma_start3A_311 = tpu.memref_slice %dma_start3A_309[%add3A_297, %dma_start3A_310] : memref<32768x768xf32, #tpu.memory_space<hbm>> -> memref<64x768xf32, #tpu.memory_space<hbm>>
    %dma_start3A_312 = arith.constant 0 : i32
    %dma_start3A_313 = arith.constant 0 : i32
    %dma_start3A_314 = tpu.memref_slice %arg6[%dma_start3A_298, %dma_start3A_312, %dma_start3A_313] : memref<2x64x768xf32, #tpu.memory_space<vmem>> -> memref<1x64x768xf32, #tpu.memory_space<vmem>>
    %dma_start3A_315 = tpu.memref_squeeze %dma_start3A_314 : memref<1x64x768xf32, #tpu.memory_space<vmem>> -> memref<64x768xf32, #tpu.memory_space<vmem>>
    tpu.enqueue_dma source(%dma_start3A_315 : memref<64x768xf32, #tpu.memory_space<vmem>>) target(%dma_start3A_311 : memref<64x768xf32, #tpu.memory_space<hbm>>) target_semaphore(%dma_start3A_308 : memref<!tpu.dma_semaphore, #tpu.memory_space<semaphore_mem>>)
    %dma_wait3A_316 = arith.constant 0 : i32
    %dma_wait3A_317 = arith.constant 0 : i32
    %dma_wait3A_318 = arith.constant 0 : i32
    %dma_wait3A_319 = arith.constant 0 : i32
    %dma_wait3A_320 = tpu.memref_slice %arg6[%dma_wait3A_316, %dma_wait3A_318, %dma_wait3A_319] : memref<2x64x768xf32, #tpu.memory_space<vmem>> -> memref<1x64x768xf32, #tpu.memory_space<vmem>>
    %dma_wait3A_321 = tpu.memref_squeeze %dma_wait3A_320 : memref<1x64x768xf32, #tpu.memory_space<vmem>> -> memref<64x768xf32, #tpu.memory_space<vmem>>
    %dma_wait3A_322 = tpu.memref_reshape %arg4 : memref<8192x4x768xf32, #tpu.memory_space<hbm>> -> memref<32768x768xf32, #tpu.memory_space<hbm>>
    %dma_wait3A_323 = arith.constant 0 : i32
    %dma_wait3A_324 = tpu.memref_slice %dma_wait3A_322[%add3A_297, %dma_wait3A_323] : memref<32768x768xf32, #tpu.memory_space<hbm>> -> memref<64x768xf32, #tpu.memory_space<hbm>>
    %dma_wait3A_325 = tpu.memref_slice %arg8[%dma_wait3A_317] : memref<2x!tpu.dma_semaphore, #tpu.memory_space<semaphore_mem>> -> memref<1x!tpu.dma_semaphore, #tpu.memory_space<semaphore_mem>>
    %dma_wait3A_326 = tpu.memref_squeeze %dma_wait3A_325 : memref<1x!tpu.dma_semaphore, #tpu.memory_space<semaphore_mem>> -> memref<!tpu.dma_semaphore, #tpu.memory_space<semaphore_mem>>
    %dma_wait3A_327 = tpu.memref_reshape %arg4 : memref<8192x4x768xf32, #tpu.memory_space<hbm>> -> memref<32768x768xf32, #tpu.memory_space<hbm>>
    %dma_wait3A_328 = arith.constant 0 : i32
    %dma_wait3A_329 = tpu.memref_slice %dma_wait3A_327[%add3A_297, %dma_wait3A_328] : memref<32768x768xf32, #tpu.memory_space<hbm>> -> memref<64x768xf32, #tpu.memory_space<hbm>>
    %dma_wait3A_330 = arith.constant 0 : i32
    %dma_wait3A_331 = arith.constant 0 : i32
    %dma_wait3A_332 = tpu.memref_slice %arg6[%dma_wait3A_316, %dma_wait3A_330, %dma_wait3A_331] : memref<2x64x768xf32, #tpu.memory_space<vmem>> -> memref<1x64x768xf32, #tpu.memory_space<vmem>>
    %dma_wait3A_333 = tpu.memref_squeeze %dma_wait3A_332 : memref<1x64x768xf32, #tpu.memory_space<vmem>> -> memref<64x768xf32, #tpu.memory_space<vmem>>
    tpu.wait_dma2 semaphore(%dma_wait3A_326 : memref<!tpu.dma_semaphore, #tpu.memory_space<semaphore_mem>>) src(%dma_wait3A_333 : memref<64x768xf32, #tpu.memory_space<vmem>>) dst(%dma_wait3A_329 : memref<64x768xf32, #tpu.memory_space<hbm>>)
    %dma_start3A_334 = arith.constant 0 : i32
    %dma_start3A_335 = arith.constant 0 : i32
    %dma_start3A_336 = arith.constant 0 : i32
    %dma_start3A_337 = arith.constant 0 : i32
    %dma_start3A_338 = tpu.memref_slice %arg6[%dma_start3A_334, %dma_start3A_336, %dma_start3A_337] : memref<2x64x768xf32, #tpu.memory_space<vmem>> -> memref<1x64x768xf32, #tpu.memory_space<vmem>>
    %dma_start3A_339 = tpu.memref_squeeze %dma_start3A_338 : memref<1x64x768xf32, #tpu.memory_space<vmem>> -> memref<64x768xf32, #tpu.memory_space<vmem>>
    %dma_start3A_340 = arith.constant 384 : i32
    %dma_start3A_341 = tpu.memref_slice %arg5[%dma_start3A_340] : memref<1024xi32, #tpu.memory_space<vmem>> -> memref<64xi32, #tpu.memory_space<vmem>>
    %dma_start3A_342 = arith.constant 0 : i32
    %dma_start3A_343 = arith.constant 0 : i32
    %dma_start3A_344 = tpu.memref_slice %arg2[%dma_start3A_342, %dma_start3A_343] : memref<3072x768xf32, #tpu.memory_space<hbm>> -> memref<3072x768xf32, #tpu.memory_space<hbm>>
    %dma_start3A_345 = tpu.memref_slice %arg7[%dma_start3A_335] : memref<2x!tpu.dma_semaphore, #tpu.memory_space<semaphore_mem>> -> memref<1x!tpu.dma_semaphore, #tpu.memory_space<semaphore_mem>>
    %dma_start3A_346 = tpu.memref_squeeze %dma_start3A_345 : memref<1x!tpu.dma_semaphore, #tpu.memory_space<semaphore_mem>> -> memref<!tpu.dma_semaphore, #tpu.memory_space<semaphore_mem>>
    tpu.enqueue_indirect_dma source(%dma_start3A_344 : memref<3072x768xf32, #tpu.memory_space<hbm>>) target(%dma_start3A_339 : memref<64x768xf32, #tpu.memory_space<vmem>>) offsets(%dma_start3A_341 : memref<64xi32, #tpu.memory_space<vmem>>) semaphore(%dma_start3A_346 : memref<!tpu.dma_semaphore, #tpu.memory_space<semaphore_mem>>)
    %dma_wait3A_347 = arith.constant 1 : i32
    %dma_wait3A_348 = arith.constant 1 : i32
    %dma_wait3A_349 = arith.constant 0 : i32
    %dma_wait3A_350 = arith.constant 0 : i32
    %dma_wait3A_351 = tpu.memref_slice %arg6[%dma_wait3A_347, %dma_wait3A_349, %dma_wait3A_350] : memref<2x64x768xf32, #tpu.memory_space<vmem>> -> memref<1x64x768xf32, #tpu.memory_space<vmem>>
    %dma_wait3A_352 = tpu.memref_squeeze %dma_wait3A_351 : memref<1x64x768xf32, #tpu.memory_space<vmem>> -> memref<64x768xf32, #tpu.memory_space<vmem>>
    %dma_wait3A_353 = arith.constant 320 : i32
    %dma_wait3A_354 = tpu.memref_slice %arg5[%dma_wait3A_353] : memref<1024xi32, #tpu.memory_space<vmem>> -> memref<64xi32, #tpu.memory_space<vmem>>
    %dma_wait3A_355 = arith.constant 0 : i32
    %dma_wait3A_356 = arith.constant 0 : i32
    %dma_wait3A_357 = tpu.memref_slice %arg2[%dma_wait3A_355, %dma_wait3A_356] : memref<3072x768xf32, #tpu.memory_space<hbm>> -> memref<3072x768xf32, #tpu.memory_space<hbm>>
    %dma_wait3A_358 = tpu.memref_slice %arg7[%dma_wait3A_348] : memref<2x!tpu.dma_semaphore, #tpu.memory_space<semaphore_mem>> -> memref<1x!tpu.dma_semaphore, #tpu.memory_space<semaphore_mem>>
    %dma_wait3A_359 = tpu.memref_squeeze %dma_wait3A_358 : memref<1x!tpu.dma_semaphore, #tpu.memory_space<semaphore_mem>> -> memref<!tpu.dma_semaphore, #tpu.memory_space<semaphore_mem>>
    tpu.wait_indirect_dma semaphore(%dma_wait3A_359 : memref<!tpu.dma_semaphore, #tpu.memory_space<semaphore_mem>>) src(%dma_wait3A_357 : memref<3072x768xf32, #tpu.memory_space<hbm>>) dst(%dma_wait3A_352 : memref<64x768xf32, #tpu.memory_space<vmem>>)
    %add3A_360 = arith.constant 320 : i32
    %add3A_361 = arith.addi %mul3A_2, %add3A_360 : i32
    %dma_start3A_362 = arith.constant 1 : i32
    %dma_start3A_363 = arith.constant 1 : i32
    %dma_start3A_364 = arith.constant 0 : i32
    %dma_start3A_365 = arith.constant 0 : i32
    %dma_start3A_366 = tpu.memref_slice %arg6[%dma_start3A_362, %dma_start3A_364, %dma_start3A_365] : memref<2x64x768xf32, #tpu.memory_space<vmem>> -> memref<1x64x768xf32, #tpu.memory_space<vmem>>
    %dma_start3A_367 = tpu.memref_squeeze %dma_start3A_366 : memref<1x64x768xf32, #tpu.memory_space<vmem>> -> memref<64x768xf32, #tpu.memory_space<vmem>>
    %dma_start3A_368 = tpu.memref_reshape %arg4 : memref<8192x4x768xf32, #tpu.memory_space<hbm>> -> memref<32768x768xf32, #tpu.memory_space<hbm>>
    %dma_start3A_369 = arith.constant 0 : i32
    %dma_start3A_370 = tpu.memref_slice %dma_start3A_368[%add3A_361, %dma_start3A_369] : memref<32768x768xf32, #tpu.memory_space<hbm>> -> memref<64x768xf32, #tpu.memory_space<hbm>>
    %dma_start3A_371 = tpu.memref_slice %arg8[%dma_start3A_363] : memref<2x!tpu.dma_semaphore, #tpu.memory_space<semaphore_mem>> -> memref<1x!tpu.dma_semaphore, #tpu.memory_space<semaphore_mem>>
    %dma_start3A_372 = tpu.memref_squeeze %dma_start3A_371 : memref<1x!tpu.dma_semaphore, #tpu.memory_space<semaphore_mem>> -> memref<!tpu.dma_semaphore, #tpu.memory_space<semaphore_mem>>
    %dma_start3A_373 = tpu.memref_reshape %arg4 : memref<8192x4x768xf32, #tpu.memory_space<hbm>> -> memref<32768x768xf32, #tpu.memory_space<hbm>>
    %dma_start3A_374 = arith.constant 0 : i32
    %dma_start3A_375 = tpu.memref_slice %dma_start3A_373[%add3A_361, %dma_start3A_374] : memref<32768x768xf32, #tpu.memory_space<hbm>> -> memref<64x768xf32, #tpu.memory_space<hbm>>
    %dma_start3A_376 = arith.constant 0 : i32
    %dma_start3A_377 = arith.constant 0 : i32
    %dma_start3A_378 = tpu.memref_slice %arg6[%dma_start3A_362, %dma_start3A_376, %dma_start3A_377] : memref<2x64x768xf32, #tpu.memory_space<vmem>> -> memref<1x64x768xf32, #tpu.memory_space<vmem>>
    %dma_start3A_379 = tpu.memref_squeeze %dma_start3A_378 : memref<1x64x768xf32, #tpu.memory_space<vmem>> -> memref<64x768xf32, #tpu.memory_space<vmem>>
    tpu.enqueue_dma source(%dma_start3A_379 : memref<64x768xf32, #tpu.memory_space<vmem>>) target(%dma_start3A_375 : memref<64x768xf32, #tpu.memory_space<hbm>>) target_semaphore(%dma_start3A_372 : memref<!tpu.dma_semaphore, #tpu.memory_space<semaphore_mem>>)
    %dma_wait3A_380 = arith.constant 1 : i32
    %dma_wait3A_381 = arith.constant 1 : i32
    %dma_wait3A_382 = arith.constant 0 : i32
    %dma_wait3A_383 = arith.constant 0 : i32
    %dma_wait3A_384 = tpu.memref_slice %arg6[%dma_wait3A_380, %dma_wait3A_382, %dma_wait3A_383] : memref<2x64x768xf32, #tpu.memory_space<vmem>> -> memref<1x64x768xf32, #tpu.memory_space<vmem>>
    %dma_wait3A_385 = tpu.memref_squeeze %dma_wait3A_384 : memref<1x64x768xf32, #tpu.memory_space<vmem>> -> memref<64x768xf32, #tpu.memory_space<vmem>>
    %dma_wait3A_386 = tpu.memref_reshape %arg4 : memref<8192x4x768xf32, #tpu.memory_space<hbm>> -> memref<32768x768xf32, #tpu.memory_space<hbm>>
    %dma_wait3A_387 = arith.constant 0 : i32
    %dma_wait3A_388 = tpu.memref_slice %dma_wait3A_386[%add3A_361, %dma_wait3A_387] : memref<32768x768xf32, #tpu.memory_space<hbm>> -> memref<64x768xf32, #tpu.memory_space<hbm>>
    %dma_wait3A_389 = tpu.memref_slice %arg8[%dma_wait3A_381] : memref<2x!tpu.dma_semaphore, #tpu.memory_space<semaphore_mem>> -> memref<1x!tpu.dma_semaphore, #tpu.memory_space<semaphore_mem>>
    %dma_wait3A_390 = tpu.memref_squeeze %dma_wait3A_389 : memref<1x!tpu.dma_semaphore, #tpu.memory_space<semaphore_mem>> -> memref<!tpu.dma_semaphore, #tpu.memory_space<semaphore_mem>>
    %dma_wait3A_391 = tpu.memref_reshape %arg4 : memref<8192x4x768xf32, #tpu.memory_space<hbm>> -> memref<32768x768xf32, #tpu.memory_space<hbm>>
    %dma_wait3A_392 = arith.constant 0 : i32
    %dma_wait3A_393 = tpu.memref_slice %dma_wait3A_391[%add3A_361, %dma_wait3A_392] : memref<32768x768xf32, #tpu.memory_space<hbm>> -> memref<64x768xf32, #tpu.memory_space<hbm>>
    %dma_wait3A_394 = arith.constant 0 : i32
    %dma_wait3A_395 = arith.constant 0 : i32
    %dma_wait3A_396 = tpu.memref_slice %arg6[%dma_wait3A_380, %dma_wait3A_394, %dma_wait3A_395] : memref<2x64x768xf32, #tpu.memory_space<vmem>> -> memref<1x64x768xf32, #tpu.memory_space<vmem>>
    %dma_wait3A_397 = tpu.memref_squeeze %dma_wait3A_396 : memref<1x64x768xf32, #tpu.memory_space<vmem>> -> memref<64x768xf32, #tpu.memory_space<vmem>>
    tpu.wait_dma2 semaphore(%dma_wait3A_390 : memref<!tpu.dma_semaphore, #tpu.memory_space<semaphore_mem>>) src(%dma_wait3A_397 : memref<64x768xf32, #tpu.memory_space<vmem>>) dst(%dma_wait3A_393 : memref<64x768xf32, #tpu.memory_space<hbm>>)
    %dma_start3A_398 = arith.constant 1 : i32
    %dma_start3A_399 = arith.constant 1 : i32
    %dma_start3A_400 = arith.constant 0 : i32
    %dma_start3A_401 = arith.constant 0 : i32
    %dma_start3A_402 = tpu.memref_slice %arg6[%dma_start3A_398, %dma_start3A_400, %dma_start3A_401] : memref<2x64x768xf32, #tpu.memory_space<vmem>> -> memref<1x64x768xf32, #tpu.memory_space<vmem>>
    %dma_start3A_403 = tpu.memref_squeeze %dma_start3A_402 : memref<1x64x768xf32, #tpu.memory_space<vmem>> -> memref<64x768xf32, #tpu.memory_space<vmem>>
    %dma_start3A_404 = arith.constant 448 : i32
    %dma_start3A_405 = tpu.memref_slice %arg5[%dma_start3A_404] : memref<1024xi32, #tpu.memory_space<vmem>> -> memref<64xi32, #tpu.memory_space<vmem>>
    %dma_start3A_406 = arith.constant 0 : i32
    %dma_start3A_407 = arith.constant 0 : i32
    %dma_start3A_408 = tpu.memref_slice %arg2[%dma_start3A_406, %dma_start3A_407] : memref<3072x768xf32, #tpu.memory_space<hbm>> -> memref<3072x768xf32, #tpu.memory_space<hbm>>
    %dma_start3A_409 = tpu.memref_slice %arg7[%dma_start3A_399] : memref<2x!tpu.dma_semaphore, #tpu.memory_space<semaphore_mem>> -> memref<1x!tpu.dma_semaphore, #tpu.memory_space<semaphore_mem>>
    %dma_start3A_410 = tpu.memref_squeeze %dma_start3A_409 : memref<1x!tpu.dma_semaphore, #tpu.memory_space<semaphore_mem>> -> memref<!tpu.dma_semaphore, #tpu.memory_space<semaphore_mem>>
    tpu.enqueue_indirect_dma source(%dma_start3A_408 : memref<3072x768xf32, #tpu.memory_space<hbm>>) target(%dma_start3A_403 : memref<64x768xf32, #tpu.memory_space<vmem>>) offsets(%dma_start3A_405 : memref<64xi32, #tpu.memory_space<vmem>>) semaphore(%dma_start3A_410 : memref<!tpu.dma_semaphore, #tpu.memory_space<semaphore_mem>>)
    %dma_wait3A_411 = arith.constant 0 : i32
    %dma_wait3A_412 = arith.constant 0 : i32
    %dma_wait3A_413 = arith.constant 0 : i32
    %dma_wait3A_414 = arith.constant 0 : i32
    %dma_wait3A_415 = tpu.memref_slice %arg6[%dma_wait3A_411, %dma_wait3A_413, %dma_wait3A_414] : memref<2x64x768xf32, #tpu.memory_space<vmem>> -> memref<1x64x768xf32, #tpu.memory_space<vmem>>
    %dma_wait3A_416 = tpu.memref_squeeze %dma_wait3A_415 : memref<1x64x768xf32, #tpu.memory_space<vmem>> -> memref<64x768xf32, #tpu.memory_space<vmem>>
    %dma_wait3A_417 = arith.constant 384 : i32
    %dma_wait3A_418 = tpu.memref_slice %arg5[%dma_wait3A_417] : memref<1024xi32, #tpu.memory_space<vmem>> -> memref<64xi32, #tpu.memory_space<vmem>>
    %dma_wait3A_419 = arith.constant 0 : i32
    %dma_wait3A_420 = arith.constant 0 : i32
    %dma_wait3A_421 = tpu.memref_slice %arg2[%dma_wait3A_419, %dma_wait3A_420] : memref<3072x768xf32, #tpu.memory_space<hbm>> -> memref<3072x768xf32, #tpu.memory_space<hbm>>
    %dma_wait3A_422 = tpu.memref_slice %arg7[%dma_wait3A_412] : memref<2x!tpu.dma_semaphore, #tpu.memory_space<semaphore_mem>> -> memref<1x!tpu.dma_semaphore, #tpu.memory_space<semaphore_mem>>
    %dma_wait3A_423 = tpu.memref_squeeze %dma_wait3A_422 : memref<1x!tpu.dma_semaphore, #tpu.memory_space<semaphore_mem>> -> memref<!tpu.dma_semaphore, #tpu.memory_space<semaphore_mem>>
    tpu.wait_indirect_dma semaphore(%dma_wait3A_423 : memref<!tpu.dma_semaphore, #tpu.memory_space<semaphore_mem>>) src(%dma_wait3A_421 : memref<3072x768xf32, #tpu.memory_space<hbm>>) dst(%dma_wait3A_416 : memref<64x768xf32, #tpu.memory_space<vmem>>)
    %add3A_424 = arith.constant 384 : i32
    %add3A_425 = arith.addi %mul3A_2, %add3A_424 : i32
    %dma_start3A_426 = arith.constant 0 : i32
    %dma_start3A_427 = arith.constant 0 : i32
    %dma_start3A_428 = arith.constant 0 : i32
    %dma_start3A_429 = arith.constant 0 : i32
    %dma_start3A_430 = tpu.memref_slice %arg6[%dma_start3A_426, %dma_start3A_428, %dma_start3A_429] : memref<2x64x768xf32, #tpu.memory_space<vmem>> -> memref<1x64x768xf32, #tpu.memory_space<vmem>>
    %dma_start3A_431 = tpu.memref_squeeze %dma_start3A_430 : memref<1x64x768xf32, #tpu.memory_space<vmem>> -> memref<64x768xf32, #tpu.memory_space<vmem>>
    %dma_start3A_432 = tpu.memref_reshape %arg4 : memref<8192x4x768xf32, #tpu.memory_space<hbm>> -> memref<32768x768xf32, #tpu.memory_space<hbm>>
    %dma_start3A_433 = arith.constant 0 : i32
    %dma_start3A_434 = tpu.memref_slice %dma_start3A_432[%add3A_425, %dma_start3A_433] : memref<32768x768xf32, #tpu.memory_space<hbm>> -> memref<64x768xf32, #tpu.memory_space<hbm>>
    %dma_start3A_435 = tpu.memref_slice %arg8[%dma_start3A_427] : memref<2x!tpu.dma_semaphore, #tpu.memory_space<semaphore_mem>> -> memref<1x!tpu.dma_semaphore, #tpu.memory_space<semaphore_mem>>
    %dma_start3A_436 = tpu.memref_squeeze %dma_start3A_435 : memref<1x!tpu.dma_semaphore, #tpu.memory_space<semaphore_mem>> -> memref<!tpu.dma_semaphore, #tpu.memory_space<semaphore_mem>>
    %dma_start3A_437 = tpu.memref_reshape %arg4 : memref<8192x4x768xf32, #tpu.memory_space<hbm>> -> memref<32768x768xf32, #tpu.memory_space<hbm>>
    %dma_start3A_438 = arith.constant 0 : i32
    %dma_start3A_439 = tpu.memref_slice %dma_start3A_437[%add3A_425, %dma_start3A_438] : memref<32768x768xf32, #tpu.memory_space<hbm>> -> memref<64x768xf32, #tpu.memory_space<hbm>>
    %dma_start3A_440 = arith.constant 0 : i32
    %dma_start3A_441 = arith.constant 0 : i32
    %dma_start3A_442 = tpu.memref_slice %arg6[%dma_start3A_426, %dma_start3A_440, %dma_start3A_441] : memref<2x64x768xf32, #tpu.memory_space<vmem>> -> memref<1x64x768xf32, #tpu.memory_space<vmem>>
    %dma_start3A_443 = tpu.memref_squeeze %dma_start3A_442 : memref<1x64x768xf32, #tpu.memory_space<vmem>> -> memref<64x768xf32, #tpu.memory_space<vmem>>
    tpu.enqueue_dma source(%dma_start3A_443 : memref<64x768xf32, #tpu.memory_space<vmem>>) target(%dma_start3A_439 : memref<64x768xf32, #tpu.memory_space<hbm>>) target_semaphore(%dma_start3A_436 : memref<!tpu.dma_semaphore, #tpu.memory_space<semaphore_mem>>)
    %dma_wait3A_444 = arith.constant 0 : i32
    %dma_wait3A_445 = arith.constant 0 : i32
    %dma_wait3A_446 = arith.constant 0 : i32
    %dma_wait3A_447 = arith.constant 0 : i32
    %dma_wait3A_448 = tpu.memref_slice %arg6[%dma_wait3A_444, %dma_wait3A_446, %dma_wait3A_447] : memref<2x64x768xf32, #tpu.memory_space<vmem>> -> memref<1x64x768xf32, #tpu.memory_space<vmem>>
    %dma_wait3A_449 = tpu.memref_squeeze %dma_wait3A_448 : memref<1x64x768xf32, #tpu.memory_space<vmem>> -> memref<64x768xf32, #tpu.memory_space<vmem>>
    %dma_wait3A_450 = tpu.memref_reshape %arg4 : memref<8192x4x768xf32, #tpu.memory_space<hbm>> -> memref<32768x768xf32, #tpu.memory_space<hbm>>
    %dma_wait3A_451 = arith.constant 0 : i32
    %dma_wait3A_452 = tpu.memref_slice %dma_wait3A_450[%add3A_425, %dma_wait3A_451] : memref<32768x768xf32, #tpu.memory_space<hbm>> -> memref<64x768xf32, #tpu.memory_space<hbm>>
    %dma_wait3A_453 = tpu.memref_slice %arg8[%dma_wait3A_445] : memref<2x!tpu.dma_semaphore, #tpu.memory_space<semaphore_mem>> -> memref<1x!tpu.dma_semaphore, #tpu.memory_space<semaphore_mem>>
    %dma_wait3A_454 = tpu.memref_squeeze %dma_wait3A_453 : memref<1x!tpu.dma_semaphore, #tpu.memory_space<semaphore_mem>> -> memref<!tpu.dma_semaphore, #tpu.memory_space<semaphore_mem>>
    %dma_wait3A_455 = tpu.memref_reshape %arg4 : memref<8192x4x768xf32, #tpu.memory_space<hbm>> -> memref<32768x768xf32, #tpu.memory_space<hbm>>
    %dma_wait3A_456 = arith.constant 0 : i32
    %dma_wait3A_457 = tpu.memref_slice %dma_wait3A_455[%add3A_425, %dma_wait3A_456] : memref<32768x768xf32, #tpu.memory_space<hbm>> -> memref<64x768xf32, #tpu.memory_space<hbm>>
    %dma_wait3A_458 = arith.constant 0 : i32
    %dma_wait3A_459 = arith.constant 0 : i32
    %dma_wait3A_460 = tpu.memref_slice %arg6[%dma_wait3A_444, %dma_wait3A_458, %dma_wait3A_459] : memref<2x64x768xf32, #tpu.memory_space<vmem>> -> memref<1x64x768xf32, #tpu.memory_space<vmem>>
    %dma_wait3A_461 = tpu.memref_squeeze %dma_wait3A_460 : memref<1x64x768xf32, #tpu.memory_space<vmem>> -> memref<64x768xf32, #tpu.memory_space<vmem>>
    tpu.wait_dma2 semaphore(%dma_wait3A_454 : memref<!tpu.dma_semaphore, #tpu.memory_space<semaphore_mem>>) src(%dma_wait3A_461 : memref<64x768xf32, #tpu.memory_space<vmem>>) dst(%dma_wait3A_457 : memref<64x768xf32, #tpu.memory_space<hbm>>)
    %dma_start3A_462 = arith.constant 0 : i32
    %dma_start3A_463 = arith.constant 0 : i32
    %dma_start3A_464 = arith.constant 0 : i32
    %dma_start3A_465 = arith.constant 0 : i32
    %dma_start3A_466 = tpu.memref_slice %arg6[%dma_start3A_462, %dma_start3A_464, %dma_start3A_465] : memref<2x64x768xf32, #tpu.memory_space<vmem>> -> memref<1x64x768xf32, #tpu.memory_space<vmem>>
    %dma_start3A_467 = tpu.memref_squeeze %dma_start3A_466 : memref<1x64x768xf32, #tpu.memory_space<vmem>> -> memref<64x768xf32, #tpu.memory_space<vmem>>
    %dma_start3A_468 = arith.constant 512 : i32
    %dma_start3A_469 = tpu.memref_slice %arg5[%dma_start3A_468] : memref<1024xi32, #tpu.memory_space<vmem>> -> memref<64xi32, #tpu.memory_space<vmem>>
    %dma_start3A_470 = arith.constant 0 : i32
    %dma_start3A_471 = arith.constant 0 : i32
    %dma_start3A_472 = tpu.memref_slice %arg2[%dma_start3A_470, %dma_start3A_471] : memref<3072x768xf32, #tpu.memory_space<hbm>> -> memref<3072x768xf32, #tpu.memory_space<hbm>>
    %dma_start3A_473 = tpu.memref_slice %arg7[%dma_start3A_463] : memref<2x!tpu.dma_semaphore, #tpu.memory_space<semaphore_mem>> -> memref<1x!tpu.dma_semaphore, #tpu.memory_space<semaphore_mem>>
    %dma_start3A_474 = tpu.memref_squeeze %dma_start3A_473 : memref<1x!tpu.dma_semaphore, #tpu.memory_space<semaphore_mem>> -> memref<!tpu.dma_semaphore, #tpu.memory_space<semaphore_mem>>
    tpu.enqueue_indirect_dma source(%dma_start3A_472 : memref<3072x768xf32, #tpu.memory_space<hbm>>) target(%dma_start3A_467 : memref<64x768xf32, #tpu.memory_space<vmem>>) offsets(%dma_start3A_469 : memref<64xi32, #tpu.memory_space<vmem>>) semaphore(%dma_start3A_474 : memref<!tpu.dma_semaphore, #tpu.memory_space<semaphore_mem>>)
    %dma_wait3A_475 = arith.constant 1 : i32
    %dma_wait3A_476 = arith.constant 1 : i32
    %dma_wait3A_477 = arith.constant 0 : i32
    %dma_wait3A_478 = arith.constant 0 : i32
    %dma_wait3A_479 = tpu.memref_slice %arg6[%dma_wait3A_475, %dma_wait3A_477, %dma_wait3A_478] : memref<2x64x768xf32, #tpu.memory_space<vmem>> -> memref<1x64x768xf32, #tpu.memory_space<vmem>>
    %dma_wait3A_480 = tpu.memref_squeeze %dma_wait3A_479 : memref<1x64x768xf32, #tpu.memory_space<vmem>> -> memref<64x768xf32, #tpu.memory_space<vmem>>
    %dma_wait3A_481 = arith.constant 448 : i32
    %dma_wait3A_482 = tpu.memref_slice %arg5[%dma_wait3A_481] : memref<1024xi32, #tpu.memory_space<vmem>> -> memref<64xi32, #tpu.memory_space<vmem>>
    %dma_wait3A_483 = arith.constant 0 : i32
    %dma_wait3A_484 = arith.constant 0 : i32
    %dma_wait3A_485 = tpu.memref_slice %arg2[%dma_wait3A_483, %dma_wait3A_484] : memref<3072x768xf32, #tpu.memory_space<hbm>> -> memref<3072x768xf32, #tpu.memory_space<hbm>>
    %dma_wait3A_486 = tpu.memref_slice %arg7[%dma_wait3A_476] : memref<2x!tpu.dma_semaphore, #tpu.memory_space<semaphore_mem>> -> memref<1x!tpu.dma_semaphore, #tpu.memory_space<semaphore_mem>>
    %dma_wait3A_487 = tpu.memref_squeeze %dma_wait3A_486 : memref<1x!tpu.dma_semaphore, #tpu.memory_space<semaphore_mem>> -> memref<!tpu.dma_semaphore, #tpu.memory_space<semaphore_mem>>
    tpu.wait_indirect_dma semaphore(%dma_wait3A_487 : memref<!tpu.dma_semaphore, #tpu.memory_space<semaphore_mem>>) src(%dma_wait3A_485 : memref<3072x768xf32, #tpu.memory_space<hbm>>) dst(%dma_wait3A_480 : memref<64x768xf32, #tpu.memory_space<vmem>>)
    %add3A_488 = arith.constant 448 : i32
    %add3A_489 = arith.addi %mul3A_2, %add3A_488 : i32
    %dma_start3A_490 = arith.constant 1 : i32
    %dma_start3A_491 = arith.constant 1 : i32
    %dma_start3A_492 = arith.constant 0 : i32
    %dma_start3A_493 = arith.constant 0 : i32
    %dma_start3A_494 = tpu.memref_slice %arg6[%dma_start3A_490, %dma_start3A_492, %dma_start3A_493] : memref<2x64x768xf32, #tpu.memory_space<vmem>> -> memref<1x64x768xf32, #tpu.memory_space<vmem>>
    %dma_start3A_495 = tpu.memref_squeeze %dma_start3A_494 : memref<1x64x768xf32, #tpu.memory_space<vmem>> -> memref<64x768xf32, #tpu.memory_space<vmem>>
    %dma_start3A_496 = tpu.memref_reshape %arg4 : memref<8192x4x768xf32, #tpu.memory_space<hbm>> -> memref<32768x768xf32, #tpu.memory_space<hbm>>
    %dma_start3A_497 = arith.constant 0 : i32
    %dma_start3A_498 = tpu.memref_slice %dma_start3A_496[%add3A_489, %dma_start3A_497] : memref<32768x768xf32, #tpu.memory_space<hbm>> -> memref<64x768xf32, #tpu.memory_space<hbm>>
    %dma_start3A_499 = tpu.memref_slice %arg8[%dma_start3A_491] : memref<2x!tpu.dma_semaphore, #tpu.memory_space<semaphore_mem>> -> memref<1x!tpu.dma_semaphore, #tpu.memory_space<semaphore_mem>>
    %dma_start3A_500 = tpu.memref_squeeze %dma_start3A_499 : memref<1x!tpu.dma_semaphore, #tpu.memory_space<semaphore_mem>> -> memref<!tpu.dma_semaphore, #tpu.memory_space<semaphore_mem>>
    %dma_start3A_501 = tpu.memref_reshape %arg4 : memref<8192x4x768xf32, #tpu.memory_space<hbm>> -> memref<32768x768xf32, #tpu.memory_space<hbm>>
    %dma_start3A_502 = arith.constant 0 : i32
    %dma_start3A_503 = tpu.memref_slice %dma_start3A_501[%add3A_489, %dma_start3A_502] : memref<32768x768xf32, #tpu.memory_space<hbm>> -> memref<64x768xf32, #tpu.memory_space<hbm>>
    %dma_start3A_504 = arith.constant 0 : i32
    %dma_start3A_505 = arith.constant 0 : i32
    %dma_start3A_506 = tpu.memref_slice %arg6[%dma_start3A_490, %dma_start3A_504, %dma_start3A_505] : memref<2x64x768xf32, #tpu.memory_space<vmem>> -> memref<1x64x768xf32, #tpu.memory_space<vmem>>
    %dma_start3A_507 = tpu.memref_squeeze %dma_start3A_506 : memref<1x64x768xf32, #tpu.memory_space<vmem>> -> memref<64x768xf32, #tpu.memory_space<vmem>>
    tpu.enqueue_dma source(%dma_start3A_507 : memref<64x768xf32, #tpu.memory_space<vmem>>) target(%dma_start3A_503 : memref<64x768xf32, #tpu.memory_space<hbm>>) target_semaphore(%dma_start3A_500 : memref<!tpu.dma_semaphore, #tpu.memory_space<semaphore_mem>>)
    %dma_wait3A_508 = arith.constant 1 : i32
    %dma_wait3A_509 = arith.constant 1 : i32
    %dma_wait3A_510 = arith.constant 0 : i32
    %dma_wait3A_511 = arith.constant 0 : i32
    %dma_wait3A_512 = tpu.memref_slice %arg6[%dma_wait3A_508, %dma_wait3A_510, %dma_wait3A_511] : memref<2x64x768xf32, #tpu.memory_space<vmem>> -> memref<1x64x768xf32, #tpu.memory_space<vmem>>
    %dma_wait3A_513 = tpu.memref_squeeze %dma_wait3A_512 : memref<1x64x768xf32, #tpu.memory_space<vmem>> -> memref<64x768xf32, #tpu.memory_space<vmem>>
    %dma_wait3A_514 = tpu.memref_reshape %arg4 : memref<8192x4x768xf32, #tpu.memory_space<hbm>> -> memref<32768x768xf32, #tpu.memory_space<hbm>>
    %dma_wait3A_515 = arith.constant 0 : i32
    %dma_wait3A_516 = tpu.memref_slice %dma_wait3A_514[%add3A_489, %dma_wait3A_515] : memref<32768x768xf32, #tpu.memory_space<hbm>> -> memref<64x768xf32, #tpu.memory_space<hbm>>
    %dma_wait3A_517 = tpu.memref_slice %arg8[%dma_wait3A_509] : memref<2x!tpu.dma_semaphore, #tpu.memory_space<semaphore_mem>> -> memref<1x!tpu.dma_semaphore, #tpu.memory_space<semaphore_mem>>
    %dma_wait3A_518 = tpu.memref_squeeze %dma_wait3A_517 : memref<1x!tpu.dma_semaphore, #tpu.memory_space<semaphore_mem>> -> memref<!tpu.dma_semaphore, #tpu.memory_space<semaphore_mem>>
    %dma_wait3A_519 = tpu.memref_reshape %arg4 : memref<8192x4x768xf32, #tpu.memory_space<hbm>> -> memref<32768x768xf32, #tpu.memory_space<hbm>>
    %dma_wait3A_520 = arith.constant 0 : i32
    %dma_wait3A_521 = tpu.memref_slice %dma_wait3A_519[%add3A_489, %dma_wait3A_520] : memref<32768x768xf32, #tpu.memory_space<hbm>> -> memref<64x768xf32, #tpu.memory_space<hbm>>
    %dma_wait3A_522 = arith.constant 0 : i32
    %dma_wait3A_523 = arith.constant 0 : i32
    %dma_wait3A_524 = tpu.memref_slice %arg6[%dma_wait3A_508, %dma_wait3A_522, %dma_wait3A_523] : memref<2x64x768xf32, #tpu.memory_space<vmem>> -> memref<1x64x768xf32, #tpu.memory_space<vmem>>
    %dma_wait3A_525 = tpu.memref_squeeze %dma_wait3A_524 : memref<1x64x768xf32, #tpu.memory_space<vmem>> -> memref<64x768xf32, #tpu.memory_space<vmem>>
    tpu.wait_dma2 semaphore(%dma_wait3A_518 : memref<!tpu.dma_semaphore, #tpu.memory_space<semaphore_mem>>) src(%dma_wait3A_525 : memref<64x768xf32, #tpu.memory_space<vmem>>) dst(%dma_wait3A_521 : memref<64x768xf32, #tpu.memory_space<hbm>>)
    %dma_start3A_526 = arith.constant 1 : i32
    %dma_start3A_527 = arith.constant 1 : i32
    %dma_start3A_528 = arith.constant 0 : i32
    %dma_start3A_529 = arith.constant 0 : i32
    %dma_start3A_530 = tpu.memref_slice %arg6[%dma_start3A_526, %dma_start3A_528, %dma_start3A_529] : memref<2x64x768xf32, #tpu.memory_space<vmem>> -> memref<1x64x768xf32, #tpu.memory_space<vmem>>
    %dma_start3A_531 = tpu.memref_squeeze %dma_start3A_530 : memref<1x64x768xf32, #tpu.memory_space<vmem>> -> memref<64x768xf32, #tpu.memory_space<vmem>>
    %dma_start3A_532 = arith.constant 576 : i32
    %dma_start3A_533 = tpu.memref_slice %arg5[%dma_start3A_532] : memref<1024xi32, #tpu.memory_space<vmem>> -> memref<64xi32, #tpu.memory_space<vmem>>
    %dma_start3A_534 = arith.constant 0 : i32
    %dma_start3A_535 = arith.constant 0 : i32
    %dma_start3A_536 = tpu.memref_slice %arg2[%dma_start3A_534, %dma_start3A_535] : memref<3072x768xf32, #tpu.memory_space<hbm>> -> memref<3072x768xf32, #tpu.memory_space<hbm>>
    %dma_start3A_537 = tpu.memref_slice %arg7[%dma_start3A_527] : memref<2x!tpu.dma_semaphore, #tpu.memory_space<semaphore_mem>> -> memref<1x!tpu.dma_semaphore, #tpu.memory_space<semaphore_mem>>
    %dma_start3A_538 = tpu.memref_squeeze %dma_start3A_537 : memref<1x!tpu.dma_semaphore, #tpu.memory_space<semaphore_mem>> -> memref<!tpu.dma_semaphore, #tpu.memory_space<semaphore_mem>>
    tpu.enqueue_indirect_dma source(%dma_start3A_536 : memref<3072x768xf32, #tpu.memory_space<hbm>>) target(%dma_start3A_531 : memref<64x768xf32, #tpu.memory_space<vmem>>) offsets(%dma_start3A_533 : memref<64xi32, #tpu.memory_space<vmem>>) semaphore(%dma_start3A_538 : memref<!tpu.dma_semaphore, #tpu.memory_space<semaphore_mem>>)
    %dma_wait3A_539 = arith.constant 0 : i32
    %dma_wait3A_540 = arith.constant 0 : i32
    %dma_wait3A_541 = arith.constant 0 : i32
    %dma_wait3A_542 = arith.constant 0 : i32
    %dma_wait3A_543 = tpu.memref_slice %arg6[%dma_wait3A_539, %dma_wait3A_541, %dma_wait3A_542] : memref<2x64x768xf32, #tpu.memory_space<vmem>> -> memref<1x64x768xf32, #tpu.memory_space<vmem>>
    %dma_wait3A_544 = tpu.memref_squeeze %dma_wait3A_543 : memref<1x64x768xf32, #tpu.memory_space<vmem>> -> memref<64x768xf32, #tpu.memory_space<vmem>>
    %dma_wait3A_545 = arith.constant 512 : i32
    %dma_wait3A_546 = tpu.memref_slice %arg5[%dma_wait3A_545] : memref<1024xi32, #tpu.memory_space<vmem>> -> memref<64xi32, #tpu.memory_space<vmem>>
    %dma_wait3A_547 = arith.constant 0 : i32
    %dma_wait3A_548 = arith.constant 0 : i32
    %dma_wait3A_549 = tpu.memref_slice %arg2[%dma_wait3A_547, %dma_wait3A_548] : memref<3072x768xf32, #tpu.memory_space<hbm>> -> memref<3072x768xf32, #tpu.memory_space<hbm>>
    %dma_wait3A_550 = tpu.memref_slice %arg7[%dma_wait3A_540] : memref<2x!tpu.dma_semaphore, #tpu.memory_space<semaphore_mem>> -> memref<1x!tpu.dma_semaphore, #tpu.memory_space<semaphore_mem>>
    %dma_wait3A_551 = tpu.memref_squeeze %dma_wait3A_550 : memref<1x!tpu.dma_semaphore, #tpu.memory_space<semaphore_mem>> -> memref<!tpu.dma_semaphore, #tpu.memory_space<semaphore_mem>>
    tpu.wait_indirect_dma semaphore(%dma_wait3A_551 : memref<!tpu.dma_semaphore, #tpu.memory_space<semaphore_mem>>) src(%dma_wait3A_549 : memref<3072x768xf32, #tpu.memory_space<hbm>>) dst(%dma_wait3A_544 : memref<64x768xf32, #tpu.memory_space<vmem>>)
    %add3A_552 = arith.constant 512 : i32
    %add3A_553 = arith.addi %mul3A_2, %add3A_552 : i32
    %dma_start3A_554 = arith.constant 0 : i32
    %dma_start3A_555 = arith.constant 0 : i32
    %dma_start3A_556 = arith.constant 0 : i32
    %dma_start3A_557 = arith.constant 0 : i32
    %dma_start3A_558 = tpu.memref_slice %arg6[%dma_start3A_554, %dma_start3A_556, %dma_start3A_557] : memref<2x64x768xf32, #tpu.memory_space<vmem>> -> memref<1x64x768xf32, #tpu.memory_space<vmem>>
    %dma_start3A_559 = tpu.memref_squeeze %dma_start3A_558 : memref<1x64x768xf32, #tpu.memory_space<vmem>> -> memref<64x768xf32, #tpu.memory_space<vmem>>
    %dma_start3A_560 = tpu.memref_reshape %arg4 : memref<8192x4x768xf32, #tpu.memory_space<hbm>> -> memref<32768x768xf32, #tpu.memory_space<hbm>>
    %dma_start3A_561 = arith.constant 0 : i32
    %dma_start3A_562 = tpu.memref_slice %dma_start3A_560[%add3A_553, %dma_start3A_561] : memref<32768x768xf32, #tpu.memory_space<hbm>> -> memref<64x768xf32, #tpu.memory_space<hbm>>
    %dma_start3A_563 = tpu.memref_slice %arg8[%dma_start3A_555] : memref<2x!tpu.dma_semaphore, #tpu.memory_space<semaphore_mem>> -> memref<1x!tpu.dma_semaphore, #tpu.memory_space<semaphore_mem>>
    %dma_start3A_564 = tpu.memref_squeeze %dma_start3A_563 : memref<1x!tpu.dma_semaphore, #tpu.memory_space<semaphore_mem>> -> memref<!tpu.dma_semaphore, #tpu.memory_space<semaphore_mem>>
    %dma_start3A_565 = tpu.memref_reshape %arg4 : memref<8192x4x768xf32, #tpu.memory_space<hbm>> -> memref<32768x768xf32, #tpu.memory_space<hbm>>
    %dma_start3A_566 = arith.constant 0 : i32
    %dma_start3A_567 = tpu.memref_slice %dma_start3A_565[%add3A_553, %dma_start3A_566] : memref<32768x768xf32, #tpu.memory_space<hbm>> -> memref<64x768xf32, #tpu.memory_space<hbm>>
    %dma_start3A_568 = arith.constant 0 : i32
    %dma_start3A_569 = arith.constant 0 : i32
    %dma_start3A_570 = tpu.memref_slice %arg6[%dma_start3A_554, %dma_start3A_568, %dma_start3A_569] : memref<2x64x768xf32, #tpu.memory_space<vmem>> -> memref<1x64x768xf32, #tpu.memory_space<vmem>>
    %dma_start3A_571 = tpu.memref_squeeze %dma_start3A_570 : memref<1x64x768xf32, #tpu.memory_space<vmem>> -> memref<64x768xf32, #tpu.memory_space<vmem>>
    tpu.enqueue_dma source(%dma_start3A_571 : memref<64x768xf32, #tpu.memory_space<vmem>>) target(%dma_start3A_567 : memref<64x768xf32, #tpu.memory_space<hbm>>) target_semaphore(%dma_start3A_564 : memref<!tpu.dma_semaphore, #tpu.memory_space<semaphore_mem>>)
    %dma_wait3A_572 = arith.constant 0 : i32
    %dma_wait3A_573 = arith.constant 0 : i32
    %dma_wait3A_574 = arith.constant 0 : i32
    %dma_wait3A_575 = arith.constant 0 : i32
    %dma_wait3A_576 = tpu.memref_slice %arg6[%dma_wait3A_572, %dma_wait3A_574, %dma_wait3A_575] : memref<2x64x768xf32, #tpu.memory_space<vmem>> -> memref<1x64x768xf32, #tpu.memory_space<vmem>>
    %dma_wait3A_577 = tpu.memref_squeeze %dma_wait3A_576 : memref<1x64x768xf32, #tpu.memory_space<vmem>> -> memref<64x768xf32, #tpu.memory_space<vmem>>
    %dma_wait3A_578 = tpu.memref_reshape %arg4 : memref<8192x4x768xf32, #tpu.memory_space<hbm>> -> memref<32768x768xf32, #tpu.memory_space<hbm>>
    %dma_wait3A_579 = arith.constant 0 : i32
    %dma_wait3A_580 = tpu.memref_slice %dma_wait3A_578[%add3A_553, %dma_wait3A_579] : memref<32768x768xf32, #tpu.memory_space<hbm>> -> memref<64x768xf32, #tpu.memory_space<hbm>>
    %dma_wait3A_581 = tpu.memref_slice %arg8[%dma_wait3A_573] : memref<2x!tpu.dma_semaphore, #tpu.memory_space<semaphore_mem>> -> memref<1x!tpu.dma_semaphore, #tpu.memory_space<semaphore_mem>>
    %dma_wait3A_582 = tpu.memref_squeeze %dma_wait3A_581 : memref<1x!tpu.dma_semaphore, #tpu.memory_space<semaphore_mem>> -> memref<!tpu.dma_semaphore, #tpu.memory_space<semaphore_mem>>
    %dma_wait3A_583 = tpu.memref_reshape %arg4 : memref<8192x4x768xf32, #tpu.memory_space<hbm>> -> memref<32768x768xf32, #tpu.memory_space<hbm>>
    %dma_wait3A_584 = arith.constant 0 : i32
    %dma_wait3A_585 = tpu.memref_slice %dma_wait3A_583[%add3A_553, %dma_wait3A_584] : memref<32768x768xf32, #tpu.memory_space<hbm>> -> memref<64x768xf32, #tpu.memory_space<hbm>>
    %dma_wait3A_586 = arith.constant 0 : i32
    %dma_wait3A_587 = arith.constant 0 : i32
    %dma_wait3A_588 = tpu.memref_slice %arg6[%dma_wait3A_572, %dma_wait3A_586, %dma_wait3A_587] : memref<2x64x768xf32, #tpu.memory_space<vmem>> -> memref<1x64x768xf32, #tpu.memory_space<vmem>>
    %dma_wait3A_589 = tpu.memref_squeeze %dma_wait3A_588 : memref<1x64x768xf32, #tpu.memory_space<vmem>> -> memref<64x768xf32, #tpu.memory_space<vmem>>
    tpu.wait_dma2 semaphore(%dma_wait3A_582 : memref<!tpu.dma_semaphore, #tpu.memory_space<semaphore_mem>>) src(%dma_wait3A_589 : memref<64x768xf32, #tpu.memory_space<vmem>>) dst(%dma_wait3A_585 : memref<64x768xf32, #tpu.memory_space<hbm>>)
    %dma_start3A_590 = arith.constant 0 : i32
    %dma_start3A_591 = arith.constant 0 : i32
    %dma_start3A_592 = arith.constant 0 : i32
    %dma_start3A_593 = arith.constant 0 : i32
    %dma_start3A_594 = tpu.memref_slice %arg6[%dma_start3A_590, %dma_start3A_592, %dma_start3A_593] : memref<2x64x768xf32, #tpu.memory_space<vmem>> -> memref<1x64x768xf32, #tpu.memory_space<vmem>>
    %dma_start3A_595 = tpu.memref_squeeze %dma_start3A_594 : memref<1x64x768xf32, #tpu.memory_space<vmem>> -> memref<64x768xf32, #tpu.memory_space<vmem>>
    %dma_start3A_596 = arith.constant 640 : i32
    %dma_start3A_597 = tpu.memref_slice %arg5[%dma_start3A_596] : memref<1024xi32, #tpu.memory_space<vmem>> -> memref<64xi32, #tpu.memory_space<vmem>>
    %dma_start3A_598 = arith.constant 0 : i32
    %dma_start3A_599 = arith.constant 0 : i32
    %dma_start3A_600 = tpu.memref_slice %arg2[%dma_start3A_598, %dma_start3A_599] : memref<3072x768xf32, #tpu.memory_space<hbm>> -> memref<3072x768xf32, #tpu.memory_space<hbm>>
    %dma_start3A_601 = tpu.memref_slice %arg7[%dma_start3A_591] : memref<2x!tpu.dma_semaphore, #tpu.memory_space<semaphore_mem>> -> memref<1x!tpu.dma_semaphore, #tpu.memory_space<semaphore_mem>>
    %dma_start3A_602 = tpu.memref_squeeze %dma_start3A_601 : memref<1x!tpu.dma_semaphore, #tpu.memory_space<semaphore_mem>> -> memref<!tpu.dma_semaphore, #tpu.memory_space<semaphore_mem>>
    tpu.enqueue_indirect_dma source(%dma_start3A_600 : memref<3072x768xf32, #tpu.memory_space<hbm>>) target(%dma_start3A_595 : memref<64x768xf32, #tpu.memory_space<vmem>>) offsets(%dma_start3A_597 : memref<64xi32, #tpu.memory_space<vmem>>) semaphore(%dma_start3A_602 : memref<!tpu.dma_semaphore, #tpu.memory_space<semaphore_mem>>)
    %dma_wait3A_603 = arith.constant 1 : i32
    %dma_wait3A_604 = arith.constant 1 : i32
    %dma_wait3A_605 = arith.constant 0 : i32
    %dma_wait3A_606 = arith.constant 0 : i32
    %dma_wait3A_607 = tpu.memref_slice %arg6[%dma_wait3A_603, %dma_wait3A_605, %dma_wait3A_606] : memref<2x64x768xf32, #tpu.memory_space<vmem>> -> memref<1x64x768xf32, #tpu.memory_space<vmem>>
    %dma_wait3A_608 = tpu.memref_squeeze %dma_wait3A_607 : memref<1x64x768xf32, #tpu.memory_space<vmem>> -> memref<64x768xf32, #tpu.memory_space<vmem>>
    %dma_wait3A_609 = arith.constant 576 : i32
    %dma_wait3A_610 = tpu.memref_slice %arg5[%dma_wait3A_609] : memref<1024xi32, #tpu.memory_space<vmem>> -> memref<64xi32, #tpu.memory_space<vmem>>
    %dma_wait3A_611 = arith.constant 0 : i32
    %dma_wait3A_612 = arith.constant 0 : i32
    %dma_wait3A_613 = tpu.memref_slice %arg2[%dma_wait3A_611, %dma_wait3A_612] : memref<3072x768xf32, #tpu.memory_space<hbm>> -> memref<3072x768xf32, #tpu.memory_space<hbm>>
    %dma_wait3A_614 = tpu.memref_slice %arg7[%dma_wait3A_604] : memref<2x!tpu.dma_semaphore, #tpu.memory_space<semaphore_mem>> -> memref<1x!tpu.dma_semaphore, #tpu.memory_space<semaphore_mem>>
    %dma_wait3A_615 = tpu.memref_squeeze %dma_wait3A_614 : memref<1x!tpu.dma_semaphore, #tpu.memory_space<semaphore_mem>> -> memref<!tpu.dma_semaphore, #tpu.memory_space<semaphore_mem>>
    tpu.wait_indirect_dma semaphore(%dma_wait3A_615 : memref<!tpu.dma_semaphore, #tpu.memory_space<semaphore_mem>>) src(%dma_wait3A_613 : memref<3072x768xf32, #tpu.memory_space<hbm>>) dst(%dma_wait3A_608 : memref<64x768xf32, #tpu.memory_space<vmem>>)
    %add3A_616 = arith.constant 576 : i32
    %add3A_617 = arith.addi %mul3A_2, %add3A_616 : i32
    %dma_start3A_618 = arith.constant 1 : i32
    %dma_start3A_619 = arith.constant 1 : i32
    %dma_start3A_620 = arith.constant 0 : i32
    %dma_start3A_621 = arith.constant 0 : i32
    %dma_start3A_622 = tpu.memref_slice %arg6[%dma_start3A_618, %dma_start3A_620, %dma_start3A_621] : memref<2x64x768xf32, #tpu.memory_space<vmem>> -> memref<1x64x768xf32, #tpu.memory_space<vmem>>
    %dma_start3A_623 = tpu.memref_squeeze %dma_start3A_622 : memref<1x64x768xf32, #tpu.memory_space<vmem>> -> memref<64x768xf32, #tpu.memory_space<vmem>>
    %dma_start3A_624 = tpu.memref_reshape %arg4 : memref<8192x4x768xf32, #tpu.memory_space<hbm>> -> memref<32768x768xf32, #tpu.memory_space<hbm>>
    %dma_start3A_625 = arith.constant 0 : i32
    %dma_start3A_626 = tpu.memref_slice %dma_start3A_624[%add3A_617, %dma_start3A_625] : memref<32768x768xf32, #tpu.memory_space<hbm>> -> memref<64x768xf32, #tpu.memory_space<hbm>>
    %dma_start3A_627 = tpu.memref_slice %arg8[%dma_start3A_619] : memref<2x!tpu.dma_semaphore, #tpu.memory_space<semaphore_mem>> -> memref<1x!tpu.dma_semaphore, #tpu.memory_space<semaphore_mem>>
    %dma_start3A_628 = tpu.memref_squeeze %dma_start3A_627 : memref<1x!tpu.dma_semaphore, #tpu.memory_space<semaphore_mem>> -> memref<!tpu.dma_semaphore, #tpu.memory_space<semaphore_mem>>
    %dma_start3A_629 = tpu.memref_reshape %arg4 : memref<8192x4x768xf32, #tpu.memory_space<hbm>> -> memref<32768x768xf32, #tpu.memory_space<hbm>>
    %dma_start3A_630 = arith.constant 0 : i32
    %dma_start3A_631 = tpu.memref_slice %dma_start3A_629[%add3A_617, %dma_start3A_630] : memref<32768x768xf32, #tpu.memory_space<hbm>> -> memref<64x768xf32, #tpu.memory_space<hbm>>
    %dma_start3A_632 = arith.constant 0 : i32
    %dma_start3A_633 = arith.constant 0 : i32
    %dma_start3A_634 = tpu.memref_slice %arg6[%dma_start3A_618, %dma_start3A_632, %dma_start3A_633] : memref<2x64x768xf32, #tpu.memory_space<vmem>> -> memref<1x64x768xf32, #tpu.memory_space<vmem>>
    %dma_start3A_635 = tpu.memref_squeeze %dma_start3A_634 : memref<1x64x768xf32, #tpu.memory_space<vmem>> -> memref<64x768xf32, #tpu.memory_space<vmem>>
    tpu.enqueue_dma source(%dma_start3A_635 : memref<64x768xf32, #tpu.memory_space<vmem>>) target(%dma_start3A_631 : memref<64x768xf32, #tpu.memory_space<hbm>>) target_semaphore(%dma_start3A_628 : memref<!tpu.dma_semaphore, #tpu.memory_space<semaphore_mem>>)
    %dma_wait3A_636 = arith.constant 1 : i32
    %dma_wait3A_637 = arith.constant 1 : i32
    %dma_wait3A_638 = arith.constant 0 : i32
    %dma_wait3A_639 = arith.constant 0 : i32
    %dma_wait3A_640 = tpu.memref_slice %arg6[%dma_wait3A_636, %dma_wait3A_638, %dma_wait3A_639] : memref<2x64x768xf32, #tpu.memory_space<vmem>> -> memref<1x64x768xf32, #tpu.memory_space<vmem>>
    %dma_wait3A_641 = tpu.memref_squeeze %dma_wait3A_640 : memref<1x64x768xf32, #tpu.memory_space<vmem>> -> memref<64x768xf32, #tpu.memory_space<vmem>>
    %dma_wait3A_642 = tpu.memref_reshape %arg4 : memref<8192x4x768xf32, #tpu.memory_space<hbm>> -> memref<32768x768xf32, #tpu.memory_space<hbm>>
    %dma_wait3A_643 = arith.constant 0 : i32
    %dma_wait3A_644 = tpu.memref_slice %dma_wait3A_642[%add3A_617, %dma_wait3A_643] : memref<32768x768xf32, #tpu.memory_space<hbm>> -> memref<64x768xf32, #tpu.memory_space<hbm>>
    %dma_wait3A_645 = tpu.memref_slice %arg8[%dma_wait3A_637] : memref<2x!tpu.dma_semaphore, #tpu.memory_space<semaphore_mem>> -> memref<1x!tpu.dma_semaphore, #tpu.memory_space<semaphore_mem>>
    %dma_wait3A_646 = tpu.memref_squeeze %dma_wait3A_645 : memref<1x!tpu.dma_semaphore, #tpu.memory_space<semaphore_mem>> -> memref<!tpu.dma_semaphore, #tpu.memory_space<semaphore_mem>>
    %dma_wait3A_647 = tpu.memref_reshape %arg4 : memref<8192x4x768xf32, #tpu.memory_space<hbm>> -> memref<32768x768xf32, #tpu.memory_space<hbm>>
    %dma_wait3A_648 = arith.constant 0 : i32
    %dma_wait3A_649 = tpu.memref_slice %dma_wait3A_647[%add3A_617, %dma_wait3A_648] : memref<32768x768xf32, #tpu.memory_space<hbm>> -> memref<64x768xf32, #tpu.memory_space<hbm>>
    %dma_wait3A_650 = arith.constant 0 : i32
    %dma_wait3A_651 = arith.constant 0 : i32
    %dma_wait3A_652 = tpu.memref_slice %arg6[%dma_wait3A_636, %dma_wait3A_650, %dma_wait3A_651] : memref<2x64x768xf32, #tpu.memory_space<vmem>> -> memref<1x64x768xf32, #tpu.memory_space<vmem>>
    %dma_wait3A_653 = tpu.memref_squeeze %dma_wait3A_652 : memref<1x64x768xf32, #tpu.memory_space<vmem>> -> memref<64x768xf32, #tpu.memory_space<vmem>>
    tpu.wait_dma2 semaphore(%dma_wait3A_646 : memref<!tpu.dma_semaphore, #tpu.memory_space<semaphore_mem>>) src(%dma_wait3A_653 : memref<64x768xf32, #tpu.memory_space<vmem>>) dst(%dma_wait3A_649 : memref<64x768xf32, #tpu.memory_space<hbm>>)
    %dma_start3A_654 = arith.constant 1 : i32
    %dma_start3A_655 = arith.constant 1 : i32
    %dma_start3A_656 = arith.constant 0 : i32
    %dma_start3A_657 = arith.constant 0 : i32
    %dma_start3A_658 = tpu.memref_slice %arg6[%dma_start3A_654, %dma_start3A_656, %dma_start3A_657] : memref<2x64x768xf32, #tpu.memory_space<vmem>> -> memref<1x64x768xf32, #tpu.memory_space<vmem>>
    %dma_start3A_659 = tpu.memref_squeeze %dma_start3A_658 : memref<1x64x768xf32, #tpu.memory_space<vmem>> -> memref<64x768xf32, #tpu.memory_space<vmem>>
    %dma_start3A_660 = arith.constant 704 : i32
    %dma_start3A_661 = tpu.memref_slice %arg5[%dma_start3A_660] : memref<1024xi32, #tpu.memory_space<vmem>> -> memref<64xi32, #tpu.memory_space<vmem>>
    %dma_start3A_662 = arith.constant 0 : i32
    %dma_start3A_663 = arith.constant 0 : i32
    %dma_start3A_664 = tpu.memref_slice %arg2[%dma_start3A_662, %dma_start3A_663] : memref<3072x768xf32, #tpu.memory_space<hbm>> -> memref<3072x768xf32, #tpu.memory_space<hbm>>
    %dma_start3A_665 = tpu.memref_slice %arg7[%dma_start3A_655] : memref<2x!tpu.dma_semaphore, #tpu.memory_space<semaphore_mem>> -> memref<1x!tpu.dma_semaphore, #tpu.memory_space<semaphore_mem>>
    %dma_start3A_666 = tpu.memref_squeeze %dma_start3A_665 : memref<1x!tpu.dma_semaphore, #tpu.memory_space<semaphore_mem>> -> memref<!tpu.dma_semaphore, #tpu.memory_space<semaphore_mem>>
    tpu.enqueue_indirect_dma source(%dma_start3A_664 : memref<3072x768xf32, #tpu.memory_space<hbm>>) target(%dma_start3A_659 : memref<64x768xf32, #tpu.memory_space<vmem>>) offsets(%dma_start3A_661 : memref<64xi32, #tpu.memory_space<vmem>>) semaphore(%dma_start3A_666 : memref<!tpu.dma_semaphore, #tpu.memory_space<semaphore_mem>>)
    %dma_wait3A_667 = arith.constant 0 : i32
    %dma_wait3A_668 = arith.constant 0 : i32
    %dma_wait3A_669 = arith.constant 0 : i32
    %dma_wait3A_670 = arith.constant 0 : i32
    %dma_wait3A_671 = tpu.memref_slice %arg6[%dma_wait3A_667, %dma_wait3A_669, %dma_wait3A_670] : memref<2x64x768xf32, #tpu.memory_space<vmem>> -> memref<1x64x768xf32, #tpu.memory_space<vmem>>
    %dma_wait3A_672 = tpu.memref_squeeze %dma_wait3A_671 : memref<1x64x768xf32, #tpu.memory_space<vmem>> -> memref<64x768xf32, #tpu.memory_space<vmem>>
    %dma_wait3A_673 = arith.constant 640 : i32
    %dma_wait3A_674 = tpu.memref_slice %arg5[%dma_wait3A_673] : memref<1024xi32, #tpu.memory_space<vmem>> -> memref<64xi32, #tpu.memory_space<vmem>>
    %dma_wait3A_675 = arith.constant 0 : i32
    %dma_wait3A_676 = arith.constant 0 : i32
    %dma_wait3A_677 = tpu.memref_slice %arg2[%dma_wait3A_675, %dma_wait3A_676] : memref<3072x768xf32, #tpu.memory_space<hbm>> -> memref<3072x768xf32, #tpu.memory_space<hbm>>
    %dma_wait3A_678 = tpu.memref_slice %arg7[%dma_wait3A_668] : memref<2x!tpu.dma_semaphore, #tpu.memory_space<semaphore_mem>> -> memref<1x!tpu.dma_semaphore, #tpu.memory_space<semaphore_mem>>
    %dma_wait3A_679 = tpu.memref_squeeze %dma_wait3A_678 : memref<1x!tpu.dma_semaphore, #tpu.memory_space<semaphore_mem>> -> memref<!tpu.dma_semaphore, #tpu.memory_space<semaphore_mem>>
    tpu.wait_indirect_dma semaphore(%dma_wait3A_679 : memref<!tpu.dma_semaphore, #tpu.memory_space<semaphore_mem>>) src(%dma_wait3A_677 : memref<3072x768xf32, #tpu.memory_space<hbm>>) dst(%dma_wait3A_672 : memref<64x768xf32, #tpu.memory_space<vmem>>)
    %add3A_680 = arith.constant 640 : i32
    %add3A_681 = arith.addi %mul3A_2, %add3A_680 : i32
    %dma_start3A_682 = arith.constant 0 : i32
    %dma_start3A_683 = arith.constant 0 : i32
    %dma_start3A_684 = arith.constant 0 : i32
    %dma_start3A_685 = arith.constant 0 : i32
    %dma_start3A_686 = tpu.memref_slice %arg6[%dma_start3A_682, %dma_start3A_684, %dma_start3A_685] : memref<2x64x768xf32, #tpu.memory_space<vmem>> -> memref<1x64x768xf32, #tpu.memory_space<vmem>>
    %dma_start3A_687 = tpu.memref_squeeze %dma_start3A_686 : memref<1x64x768xf32, #tpu.memory_space<vmem>> -> memref<64x768xf32, #tpu.memory_space<vmem>>
    %dma_start3A_688 = tpu.memref_reshape %arg4 : memref<8192x4x768xf32, #tpu.memory_space<hbm>> -> memref<32768x768xf32, #tpu.memory_space<hbm>>
    %dma_start3A_689 = arith.constant 0 : i32
    %dma_start3A_690 = tpu.memref_slice %dma_start3A_688[%add3A_681, %dma_start3A_689] : memref<32768x768xf32, #tpu.memory_space<hbm>> -> memref<64x768xf32, #tpu.memory_space<hbm>>
    %dma_start3A_691 = tpu.memref_slice %arg8[%dma_start3A_683] : memref<2x!tpu.dma_semaphore, #tpu.memory_space<semaphore_mem>> -> memref<1x!tpu.dma_semaphore, #tpu.memory_space<semaphore_mem>>
    %dma_start3A_692 = tpu.memref_squeeze %dma_start3A_691 : memref<1x!tpu.dma_semaphore, #tpu.memory_space<semaphore_mem>> -> memref<!tpu.dma_semaphore, #tpu.memory_space<semaphore_mem>>
    %dma_start3A_693 = tpu.memref_reshape %arg4 : memref<8192x4x768xf32, #tpu.memory_space<hbm>> -> memref<32768x768xf32, #tpu.memory_space<hbm>>
    %dma_start3A_694 = arith.constant 0 : i32
    %dma_start3A_695 = tpu.memref_slice %dma_start3A_693[%add3A_681, %dma_start3A_694] : memref<32768x768xf32, #tpu.memory_space<hbm>> -> memref<64x768xf32, #tpu.memory_space<hbm>>
    %dma_start3A_696 = arith.constant 0 : i32
    %dma_start3A_697 = arith.constant 0 : i32
    %dma_start3A_698 = tpu.memref_slice %arg6[%dma_start3A_682, %dma_start3A_696, %dma_start3A_697] : memref<2x64x768xf32, #tpu.memory_space<vmem>> -> memref<1x64x768xf32, #tpu.memory_space<vmem>>
    %dma_start3A_699 = tpu.memref_squeeze %dma_start3A_698 : memref<1x64x768xf32, #tpu.memory_space<vmem>> -> memref<64x768xf32, #tpu.memory_space<vmem>>
    tpu.enqueue_dma source(%dma_start3A_699 : memref<64x768xf32, #tpu.memory_space<vmem>>) target(%dma_start3A_695 : memref<64x768xf32, #tpu.memory_space<hbm>>) target_semaphore(%dma_start3A_692 : memref<!tpu.dma_semaphore, #tpu.memory_space<semaphore_mem>>)
    %dma_wait3A_700 = arith.constant 0 : i32
    %dma_wait3A_701 = arith.constant 0 : i32
    %dma_wait3A_702 = arith.constant 0 : i32
    %dma_wait3A_703 = arith.constant 0 : i32
    %dma_wait3A_704 = tpu.memref_slice %arg6[%dma_wait3A_700, %dma_wait3A_702, %dma_wait3A_703] : memref<2x64x768xf32, #tpu.memory_space<vmem>> -> memref<1x64x768xf32, #tpu.memory_space<vmem>>
    %dma_wait3A_705 = tpu.memref_squeeze %dma_wait3A_704 : memref<1x64x768xf32, #tpu.memory_space<vmem>> -> memref<64x768xf32, #tpu.memory_space<vmem>>
    %dma_wait3A_706 = tpu.memref_reshape %arg4 : memref<8192x4x768xf32, #tpu.memory_space<hbm>> -> memref<32768x768xf32, #tpu.memory_space<hbm>>
    %dma_wait3A_707 = arith.constant 0 : i32
    %dma_wait3A_708 = tpu.memref_slice %dma_wait3A_706[%add3A_681, %dma_wait3A_707] : memref<32768x768xf32, #tpu.memory_space<hbm>> -> memref<64x768xf32, #tpu.memory_space<hbm>>
    %dma_wait3A_709 = tpu.memref_slice %arg8[%dma_wait3A_701] : memref<2x!tpu.dma_semaphore, #tpu.memory_space<semaphore_mem>> -> memref<1x!tpu.dma_semaphore, #tpu.memory_space<semaphore_mem>>
    %dma_wait3A_710 = tpu.memref_squeeze %dma_wait3A_709 : memref<1x!tpu.dma_semaphore, #tpu.memory_space<semaphore_mem>> -> memref<!tpu.dma_semaphore, #tpu.memory_space<semaphore_mem>>
    %dma_wait3A_711 = tpu.memref_reshape %arg4 : memref<8192x4x768xf32, #tpu.memory_space<hbm>> -> memref<32768x768xf32, #tpu.memory_space<hbm>>
    %dma_wait3A_712 = arith.constant 0 : i32
    %dma_wait3A_713 = tpu.memref_slice %dma_wait3A_711[%add3A_681, %dma_wait3A_712] : memref<32768x768xf32, #tpu.memory_space<hbm>> -> memref<64x768xf32, #tpu.memory_space<hbm>>
    %dma_wait3A_714 = arith.constant 0 : i32
    %dma_wait3A_715 = arith.constant 0 : i32
    %dma_wait3A_716 = tpu.memref_slice %arg6[%dma_wait3A_700, %dma_wait3A_714, %dma_wait3A_715] : memref<2x64x768xf32, #tpu.memory_space<vmem>> -> memref<1x64x768xf32, #tpu.memory_space<vmem>>
    %dma_wait3A_717 = tpu.memref_squeeze %dma_wait3A_716 : memref<1x64x768xf32, #tpu.memory_space<vmem>> -> memref<64x768xf32, #tpu.memory_space<vmem>>
    tpu.wait_dma2 semaphore(%dma_wait3A_710 : memref<!tpu.dma_semaphore, #tpu.memory_space<semaphore_mem>>) src(%dma_wait3A_717 : memref<64x768xf32, #tpu.memory_space<vmem>>) dst(%dma_wait3A_713 : memref<64x768xf32, #tpu.memory_space<hbm>>)
    %dma_start3A_718 = arith.constant 0 : i32
    %dma_start3A_719 = arith.constant 0 : i32
    %dma_start3A_720 = arith.constant 0 : i32
    %dma_start3A_721 = arith.constant 0 : i32
    %dma_start3A_722 = tpu.memref_slice %arg6[%dma_start3A_718, %dma_start3A_720, %dma_start3A_721] : memref<2x64x768xf32, #tpu.memory_space<vmem>> -> memref<1x64x768xf32, #tpu.memory_space<vmem>>
    %dma_start3A_723 = tpu.memref_squeeze %dma_start3A_722 : memref<1x64x768xf32, #tpu.memory_space<vmem>> -> memref<64x768xf32, #tpu.memory_space<vmem>>
    %dma_start3A_724 = arith.constant 768 : i32
    %dma_start3A_725 = tpu.memref_slice %arg5[%dma_start3A_724] : memref<1024xi32, #tpu.memory_space<vmem>> -> memref<64xi32, #tpu.memory_space<vmem>>
    %dma_start3A_726 = arith.constant 0 : i32
    %dma_start3A_727 = arith.constant 0 : i32
    %dma_start3A_728 = tpu.memref_slice %arg2[%dma_start3A_726, %dma_start3A_727] : memref<3072x768xf32, #tpu.memory_space<hbm>> -> memref<3072x768xf32, #tpu.memory_space<hbm>>
    %dma_start3A_729 = tpu.memref_slice %arg7[%dma_start3A_719] : memref<2x!tpu.dma_semaphore, #tpu.memory_space<semaphore_mem>> -> memref<1x!tpu.dma_semaphore, #tpu.memory_space<semaphore_mem>>
    %dma_start3A_730 = tpu.memref_squeeze %dma_start3A_729 : memref<1x!tpu.dma_semaphore, #tpu.memory_space<semaphore_mem>> -> memref<!tpu.dma_semaphore, #tpu.memory_space<semaphore_mem>>
    tpu.enqueue_indirect_dma source(%dma_start3A_728 : memref<3072x768xf32, #tpu.memory_space<hbm>>) target(%dma_start3A_723 : memref<64x768xf32, #tpu.memory_space<vmem>>) offsets(%dma_start3A_725 : memref<64xi32, #tpu.memory_space<vmem>>) semaphore(%dma_start3A_730 : memref<!tpu.dma_semaphore, #tpu.memory_space<semaphore_mem>>)
    %dma_wait3A_731 = arith.constant 1 : i32
    %dma_wait3A_732 = arith.constant 1 : i32
    %dma_wait3A_733 = arith.constant 0 : i32
    %dma_wait3A_734 = arith.constant 0 : i32
    %dma_wait3A_735 = tpu.memref_slice %arg6[%dma_wait3A_731, %dma_wait3A_733, %dma_wait3A_734] : memref<2x64x768xf32, #tpu.memory_space<vmem>> -> memref<1x64x768xf32, #tpu.memory_space<vmem>>
    %dma_wait3A_736 = tpu.memref_squeeze %dma_wait3A_735 : memref<1x64x768xf32, #tpu.memory_space<vmem>> -> memref<64x768xf32, #tpu.memory_space<vmem>>
    %dma_wait3A_737 = arith.constant 704 : i32
    %dma_wait3A_738 = tpu.memref_slice %arg5[%dma_wait3A_737] : memref<1024xi32, #tpu.memory_space<vmem>> -> memref<64xi32, #tpu.memory_space<vmem>>
    %dma_wait3A_739 = arith.constant 0 : i32
    %dma_wait3A_740 = arith.constant 0 : i32
    %dma_wait3A_741 = tpu.memref_slice %arg2[%dma_wait3A_739, %dma_wait3A_740] : memref<3072x768xf32, #tpu.memory_space<hbm>> -> memref<3072x768xf32, #tpu.memory_space<hbm>>
    %dma_wait3A_742 = tpu.memref_slice %arg7[%dma_wait3A_732] : memref<2x!tpu.dma_semaphore, #tpu.memory_space<semaphore_mem>> -> memref<1x!tpu.dma_semaphore, #tpu.memory_space<semaphore_mem>>
    %dma_wait3A_743 = tpu.memref_squeeze %dma_wait3A_742 : memref<1x!tpu.dma_semaphore, #tpu.memory_space<semaphore_mem>> -> memref<!tpu.dma_semaphore, #tpu.memory_space<semaphore_mem>>
    tpu.wait_indirect_dma semaphore(%dma_wait3A_743 : memref<!tpu.dma_semaphore, #tpu.memory_space<semaphore_mem>>) src(%dma_wait3A_741 : memref<3072x768xf32, #tpu.memory_space<hbm>>) dst(%dma_wait3A_736 : memref<64x768xf32, #tpu.memory_space<vmem>>)
    %add3A_744 = arith.constant 704 : i32
    %add3A_745 = arith.addi %mul3A_2, %add3A_744 : i32
    %dma_start3A_746 = arith.constant 1 : i32
    %dma_start3A_747 = arith.constant 1 : i32
    %dma_start3A_748 = arith.constant 0 : i32
    %dma_start3A_749 = arith.constant 0 : i32
    %dma_start3A_750 = tpu.memref_slice %arg6[%dma_start3A_746, %dma_start3A_748, %dma_start3A_749] : memref<2x64x768xf32, #tpu.memory_space<vmem>> -> memref<1x64x768xf32, #tpu.memory_space<vmem>>
    %dma_start3A_751 = tpu.memref_squeeze %dma_start3A_750 : memref<1x64x768xf32, #tpu.memory_space<vmem>> -> memref<64x768xf32, #tpu.memory_space<vmem>>
    %dma_start3A_752 = tpu.memref_reshape %arg4 : memref<8192x4x768xf32, #tpu.memory_space<hbm>> -> memref<32768x768xf32, #tpu.memory_space<hbm>>
    %dma_start3A_753 = arith.constant 0 : i32
    %dma_start3A_754 = tpu.memref_slice %dma_start3A_752[%add3A_745, %dma_start3A_753] : memref<32768x768xf32, #tpu.memory_space<hbm>> -> memref<64x768xf32, #tpu.memory_space<hbm>>
    %dma_start3A_755 = tpu.memref_slice %arg8[%dma_start3A_747] : memref<2x!tpu.dma_semaphore, #tpu.memory_space<semaphore_mem>> -> memref<1x!tpu.dma_semaphore, #tpu.memory_space<semaphore_mem>>
    %dma_start3A_756 = tpu.memref_squeeze %dma_start3A_755 : memref<1x!tpu.dma_semaphore, #tpu.memory_space<semaphore_mem>> -> memref<!tpu.dma_semaphore, #tpu.memory_space<semaphore_mem>>
    %dma_start3A_757 = tpu.memref_reshape %arg4 : memref<8192x4x768xf32, #tpu.memory_space<hbm>> -> memref<32768x768xf32, #tpu.memory_space<hbm>>
    %dma_start3A_758 = arith.constant 0 : i32
    %dma_start3A_759 = tpu.memref_slice %dma_start3A_757[%add3A_745, %dma_start3A_758] : memref<32768x768xf32, #tpu.memory_space<hbm>> -> memref<64x768xf32, #tpu.memory_space<hbm>>
    %dma_start3A_760 = arith.constant 0 : i32
    %dma_start3A_761 = arith.constant 0 : i32
    %dma_start3A_762 = tpu.memref_slice %arg6[%dma_start3A_746, %dma_start3A_760, %dma_start3A_761] : memref<2x64x768xf32, #tpu.memory_space<vmem>> -> memref<1x64x768xf32, #tpu.memory_space<vmem>>
    %dma_start3A_763 = tpu.memref_squeeze %dma_start3A_762 : memref<1x64x768xf32, #tpu.memory_space<vmem>> -> memref<64x768xf32, #tpu.memory_space<vmem>>
    tpu.enqueue_dma source(%dma_start3A_763 : memref<64x768xf32, #tpu.memory_space<vmem>>) target(%dma_start3A_759 : memref<64x768xf32, #tpu.memory_space<hbm>>) target_semaphore(%dma_start3A_756 : memref<!tpu.dma_semaphore, #tpu.memory_space<semaphore_mem>>)
    %dma_wait3A_764 = arith.constant 1 : i32
    %dma_wait3A_765 = arith.constant 1 : i32
    %dma_wait3A_766 = arith.constant 0 : i32
    %dma_wait3A_767 = arith.constant 0 : i32
    %dma_wait3A_768 = tpu.memref_slice %arg6[%dma_wait3A_764, %dma_wait3A_766, %dma_wait3A_767] : memref<2x64x768xf32, #tpu.memory_space<vmem>> -> memref<1x64x768xf32, #tpu.memory_space<vmem>>
    %dma_wait3A_769 = tpu.memref_squeeze %dma_wait3A_768 : memref<1x64x768xf32, #tpu.memory_space<vmem>> -> memref<64x768xf32, #tpu.memory_space<vmem>>
    %dma_wait3A_770 = tpu.memref_reshape %arg4 : memref<8192x4x768xf32, #tpu.memory_space<hbm>> -> memref<32768x768xf32, #tpu.memory_space<hbm>>
    %dma_wait3A_771 = arith.constant 0 : i32
    %dma_wait3A_772 = tpu.memref_slice %dma_wait3A_770[%add3A_745, %dma_wait3A_771] : memref<32768x768xf32, #tpu.memory_space<hbm>> -> memref<64x768xf32, #tpu.memory_space<hbm>>
    %dma_wait3A_773 = tpu.memref_slice %arg8[%dma_wait3A_765] : memref<2x!tpu.dma_semaphore, #tpu.memory_space<semaphore_mem>> -> memref<1x!tpu.dma_semaphore, #tpu.memory_space<semaphore_mem>>
    %dma_wait3A_774 = tpu.memref_squeeze %dma_wait3A_773 : memref<1x!tpu.dma_semaphore, #tpu.memory_space<semaphore_mem>> -> memref<!tpu.dma_semaphore, #tpu.memory_space<semaphore_mem>>
    %dma_wait3A_775 = tpu.memref_reshape %arg4 : memref<8192x4x768xf32, #tpu.memory_space<hbm>> -> memref<32768x768xf32, #tpu.memory_space<hbm>>
    %dma_wait3A_776 = arith.constant 0 : i32
    %dma_wait3A_777 = tpu.memref_slice %dma_wait3A_775[%add3A_745, %dma_wait3A_776] : memref<32768x768xf32, #tpu.memory_space<hbm>> -> memref<64x768xf32, #tpu.memory_space<hbm>>
    %dma_wait3A_778 = arith.constant 0 : i32
    %dma_wait3A_779 = arith.constant 0 : i32
    %dma_wait3A_780 = tpu.memref_slice %arg6[%dma_wait3A_764, %dma_wait3A_778, %dma_wait3A_779] : memref<2x64x768xf32, #tpu.memory_space<vmem>> -> memref<1x64x768xf32, #tpu.memory_space<vmem>>
    %dma_wait3A_781 = tpu.memref_squeeze %dma_wait3A_780 : memref<1x64x768xf32, #tpu.memory_space<vmem>> -> memref<64x768xf32, #tpu.memory_space<vmem>>
    tpu.wait_dma2 semaphore(%dma_wait3A_774 : memref<!tpu.dma_semaphore, #tpu.memory_space<semaphore_mem>>) src(%dma_wait3A_781 : memref<64x768xf32, #tpu.memory_space<vmem>>) dst(%dma_wait3A_777 : memref<64x768xf32, #tpu.memory_space<hbm>>)
    %dma_start3A_782 = arith.constant 1 : i32
    %dma_start3A_783 = arith.constant 1 : i32
    %dma_start3A_784 = arith.constant 0 : i32
    %dma_start3A_785 = arith.constant 0 : i32
    %dma_start3A_786 = tpu.memref_slice %arg6[%dma_start3A_782, %dma_start3A_784, %dma_start3A_785] : memref<2x64x768xf32, #tpu.memory_space<vmem>> -> memref<1x64x768xf32, #tpu.memory_space<vmem>>
    %dma_start3A_787 = tpu.memref_squeeze %dma_start3A_786 : memref<1x64x768xf32, #tpu.memory_space<vmem>> -> memref<64x768xf32, #tpu.memory_space<vmem>>
    %dma_start3A_788 = arith.constant 832 : i32
    %dma_start3A_789 = tpu.memref_slice %arg5[%dma_start3A_788] : memref<1024xi32, #tpu.memory_space<vmem>> -> memref<64xi32, #tpu.memory_space<vmem>>
    %dma_start3A_790 = arith.constant 0 : i32
    %dma_start3A_791 = arith.constant 0 : i32
    %dma_start3A_792 = tpu.memref_slice %arg2[%dma_start3A_790, %dma_start3A_791] : memref<3072x768xf32, #tpu.memory_space<hbm>> -> memref<3072x768xf32, #tpu.memory_space<hbm>>
    %dma_start3A_793 = tpu.memref_slice %arg7[%dma_start3A_783] : memref<2x!tpu.dma_semaphore, #tpu.memory_space<semaphore_mem>> -> memref<1x!tpu.dma_semaphore, #tpu.memory_space<semaphore_mem>>
    %dma_start3A_794 = tpu.memref_squeeze %dma_start3A_793 : memref<1x!tpu.dma_semaphore, #tpu.memory_space<semaphore_mem>> -> memref<!tpu.dma_semaphore, #tpu.memory_space<semaphore_mem>>
    tpu.enqueue_indirect_dma source(%dma_start3A_792 : memref<3072x768xf32, #tpu.memory_space<hbm>>) target(%dma_start3A_787 : memref<64x768xf32, #tpu.memory_space<vmem>>) offsets(%dma_start3A_789 : memref<64xi32, #tpu.memory_space<vmem>>) semaphore(%dma_start3A_794 : memref<!tpu.dma_semaphore, #tpu.memory_space<semaphore_mem>>)
    %dma_wait3A_795 = arith.constant 0 : i32
    %dma_wait3A_796 = arith.constant 0 : i32
    %dma_wait3A_797 = arith.constant 0 : i32
    %dma_wait3A_798 = arith.constant 0 : i32
    %dma_wait3A_799 = tpu.memref_slice %arg6[%dma_wait3A_795, %dma_wait3A_797, %dma_wait3A_798] : memref<2x64x768xf32, #tpu.memory_space<vmem>> -> memref<1x64x768xf32, #tpu.memory_space<vmem>>
    %dma_wait3A_800 = tpu.memref_squeeze %dma_wait3A_799 : memref<1x64x768xf32, #tpu.memory_space<vmem>> -> memref<64x768xf32, #tpu.memory_space<vmem>>
    %dma_wait3A_801 = arith.constant 768 : i32
    %dma_wait3A_802 = tpu.memref_slice %arg5[%dma_wait3A_801] : memref<1024xi32, #tpu.memory_space<vmem>> -> memref<64xi32, #tpu.memory_space<vmem>>
    %dma_wait3A_803 = arith.constant 0 : i32
    %dma_wait3A_804 = arith.constant 0 : i32
    %dma_wait3A_805 = tpu.memref_slice %arg2[%dma_wait3A_803, %dma_wait3A_804] : memref<3072x768xf32, #tpu.memory_space<hbm>> -> memref<3072x768xf32, #tpu.memory_space<hbm>>
    %dma_wait3A_806 = tpu.memref_slice %arg7[%dma_wait3A_796] : memref<2x!tpu.dma_semaphore, #tpu.memory_space<semaphore_mem>> -> memref<1x!tpu.dma_semaphore, #tpu.memory_space<semaphore_mem>>
    %dma_wait3A_807 = tpu.memref_squeeze %dma_wait3A_806 : memref<1x!tpu.dma_semaphore, #tpu.memory_space<semaphore_mem>> -> memref<!tpu.dma_semaphore, #tpu.memory_space<semaphore_mem>>
    tpu.wait_indirect_dma semaphore(%dma_wait3A_807 : memref<!tpu.dma_semaphore, #tpu.memory_space<semaphore_mem>>) src(%dma_wait3A_805 : memref<3072x768xf32, #tpu.memory_space<hbm>>) dst(%dma_wait3A_800 : memref<64x768xf32, #tpu.memory_space<vmem>>)
    %add3A_808 = arith.constant 768 : i32
    %add3A_809 = arith.addi %mul3A_2, %add3A_808 : i32
    %dma_start3A_810 = arith.constant 0 : i32
    %dma_start3A_811 = arith.constant 0 : i32
    %dma_start3A_812 = arith.constant 0 : i32
    %dma_start3A_813 = arith.constant 0 : i32
    %dma_start3A_814 = tpu.memref_slice %arg6[%dma_start3A_810, %dma_start3A_812, %dma_start3A_813] : memref<2x64x768xf32, #tpu.memory_space<vmem>> -> memref<1x64x768xf32, #tpu.memory_space<vmem>>
    %dma_start3A_815 = tpu.memref_squeeze %dma_start3A_814 : memref<1x64x768xf32, #tpu.memory_space<vmem>> -> memref<64x768xf32, #tpu.memory_space<vmem>>
    %dma_start3A_816 = tpu.memref_reshape %arg4 : memref<8192x4x768xf32, #tpu.memory_space<hbm>> -> memref<32768x768xf32, #tpu.memory_space<hbm>>
    %dma_start3A_817 = arith.constant 0 : i32
    %dma_start3A_818 = tpu.memref_slice %dma_start3A_816[%add3A_809, %dma_start3A_817] : memref<32768x768xf32, #tpu.memory_space<hbm>> -> memref<64x768xf32, #tpu.memory_space<hbm>>
    %dma_start3A_819 = tpu.memref_slice %arg8[%dma_start3A_811] : memref<2x!tpu.dma_semaphore, #tpu.memory_space<semaphore_mem>> -> memref<1x!tpu.dma_semaphore, #tpu.memory_space<semaphore_mem>>
    %dma_start3A_820 = tpu.memref_squeeze %dma_start3A_819 : memref<1x!tpu.dma_semaphore, #tpu.memory_space<semaphore_mem>> -> memref<!tpu.dma_semaphore, #tpu.memory_space<semaphore_mem>>
    %dma_start3A_821 = tpu.memref_reshape %arg4 : memref<8192x4x768xf32, #tpu.memory_space<hbm>> -> memref<32768x768xf32, #tpu.memory_space<hbm>>
    %dma_start3A_822 = arith.constant 0 : i32
    %dma_start3A_823 = tpu.memref_slice %dma_start3A_821[%add3A_809, %dma_start3A_822] : memref<32768x768xf32, #tpu.memory_space<hbm>> -> memref<64x768xf32, #tpu.memory_space<hbm>>
    %dma_start3A_824 = arith.constant 0 : i32
    %dma_start3A_825 = arith.constant 0 : i32
    %dma_start3A_826 = tpu.memref_slice %arg6[%dma_start3A_810, %dma_start3A_824, %dma_start3A_825] : memref<2x64x768xf32, #tpu.memory_space<vmem>> -> memref<1x64x768xf32, #tpu.memory_space<vmem>>
    %dma_start3A_827 = tpu.memref_squeeze %dma_start3A_826 : memref<1x64x768xf32, #tpu.memory_space<vmem>> -> memref<64x768xf32, #tpu.memory_space<vmem>>
    tpu.enqueue_dma source(%dma_start3A_827 : memref<64x768xf32, #tpu.memory_space<vmem>>) target(%dma_start3A_823 : memref<64x768xf32, #tpu.memory_space<hbm>>) target_semaphore(%dma_start3A_820 : memref<!tpu.dma_semaphore, #tpu.memory_space<semaphore_mem>>)
    %dma_wait3A_828 = arith.constant 0 : i32
    %dma_wait3A_829 = arith.constant 0 : i32
    %dma_wait3A_830 = arith.constant 0 : i32
    %dma_wait3A_831 = arith.constant 0 : i32
    %dma_wait3A_832 = tpu.memref_slice %arg6[%dma_wait3A_828, %dma_wait3A_830, %dma_wait3A_831] : memref<2x64x768xf32, #tpu.memory_space<vmem>> -> memref<1x64x768xf32, #tpu.memory_space<vmem>>
    %dma_wait3A_833 = tpu.memref_squeeze %dma_wait3A_832 : memref<1x64x768xf32, #tpu.memory_space<vmem>> -> memref<64x768xf32, #tpu.memory_space<vmem>>
    %dma_wait3A_834 = tpu.memref_reshape %arg4 : memref<8192x4x768xf32, #tpu.memory_space<hbm>> -> memref<32768x768xf32, #tpu.memory_space<hbm>>
    %dma_wait3A_835 = arith.constant 0 : i32
    %dma_wait3A_836 = tpu.memref_slice %dma_wait3A_834[%add3A_809, %dma_wait3A_835] : memref<32768x768xf32, #tpu.memory_space<hbm>> -> memref<64x768xf32, #tpu.memory_space<hbm>>
    %dma_wait3A_837 = tpu.memref_slice %arg8[%dma_wait3A_829] : memref<2x!tpu.dma_semaphore, #tpu.memory_space<semaphore_mem>> -> memref<1x!tpu.dma_semaphore, #tpu.memory_space<semaphore_mem>>
    %dma_wait3A_838 = tpu.memref_squeeze %dma_wait3A_837 : memref<1x!tpu.dma_semaphore, #tpu.memory_space<semaphore_mem>> -> memref<!tpu.dma_semaphore, #tpu.memory_space<semaphore_mem>>
    %dma_wait3A_839 = tpu.memref_reshape %arg4 : memref<8192x4x768xf32, #tpu.memory_space<hbm>> -> memref<32768x768xf32, #tpu.memory_space<hbm>>
    %dma_wait3A_840 = arith.constant 0 : i32
    %dma_wait3A_841 = tpu.memref_slice %dma_wait3A_839[%add3A_809, %dma_wait3A_840] : memref<32768x768xf32, #tpu.memory_space<hbm>> -> memref<64x768xf32, #tpu.memory_space<hbm>>
    %dma_wait3A_842 = arith.constant 0 : i32
    %dma_wait3A_843 = arith.constant 0 : i32
    %dma_wait3A_844 = tpu.memref_slice %arg6[%dma_wait3A_828, %dma_wait3A_842, %dma_wait3A_843] : memref<2x64x768xf32, #tpu.memory_space<vmem>> -> memref<1x64x768xf32, #tpu.memory_space<vmem>>
    %dma_wait3A_845 = tpu.memref_squeeze %dma_wait3A_844 : memref<1x64x768xf32, #tpu.memory_space<vmem>> -> memref<64x768xf32, #tpu.memory_space<vmem>>
    tpu.wait_dma2 semaphore(%dma_wait3A_838 : memref<!tpu.dma_semaphore, #tpu.memory_space<semaphore_mem>>) src(%dma_wait3A_845 : memref<64x768xf32, #tpu.memory_space<vmem>>) dst(%dma_wait3A_841 : memref<64x768xf32, #tpu.memory_space<hbm>>)
    %dma_start3A_846 = arith.constant 0 : i32
    %dma_start3A_847 = arith.constant 0 : i32
    %dma_start3A_848 = arith.constant 0 : i32
    %dma_start3A_849 = arith.constant 0 : i32
    %dma_start3A_850 = tpu.memref_slice %arg6[%dma_start3A_846, %dma_start3A_848, %dma_start3A_849] : memref<2x64x768xf32, #tpu.memory_space<vmem>> -> memref<1x64x768xf32, #tpu.memory_space<vmem>>
    %dma_start3A_851 = tpu.memref_squeeze %dma_start3A_850 : memref<1x64x768xf32, #tpu.memory_space<vmem>> -> memref<64x768xf32, #tpu.memory_space<vmem>>
    %dma_start3A_852 = arith.constant 896 : i32
    %dma_start3A_853 = tpu.memref_slice %arg5[%dma_start3A_852] : memref<1024xi32, #tpu.memory_space<vmem>> -> memref<64xi32, #tpu.memory_space<vmem>>
    %dma_start3A_854 = arith.constant 0 : i32
    %dma_start3A_855 = arith.constant 0 : i32
    %dma_start3A_856 = tpu.memref_slice %arg2[%dma_start3A_854, %dma_start3A_855] : memref<3072x768xf32, #tpu.memory_space<hbm>> -> memref<3072x768xf32, #tpu.memory_space<hbm>>
    %dma_start3A_857 = tpu.memref_slice %arg7[%dma_start3A_847] : memref<2x!tpu.dma_semaphore, #tpu.memory_space<semaphore_mem>> -> memref<1x!tpu.dma_semaphore, #tpu.memory_space<semaphore_mem>>
    %dma_start3A_858 = tpu.memref_squeeze %dma_start3A_857 : memref<1x!tpu.dma_semaphore, #tpu.memory_space<semaphore_mem>> -> memref<!tpu.dma_semaphore, #tpu.memory_space<semaphore_mem>>
    tpu.enqueue_indirect_dma source(%dma_start3A_856 : memref<3072x768xf32, #tpu.memory_space<hbm>>) target(%dma_start3A_851 : memref<64x768xf32, #tpu.memory_space<vmem>>) offsets(%dma_start3A_853 : memref<64xi32, #tpu.memory_space<vmem>>) semaphore(%dma_start3A_858 : memref<!tpu.dma_semaphore, #tpu.memory_space<semaphore_mem>>)
    %dma_wait3A_859 = arith.constant 1 : i32
    %dma_wait3A_860 = arith.constant 1 : i32
    %dma_wait3A_861 = arith.constant 0 : i32
    %dma_wait3A_862 = arith.constant 0 : i32
    %dma_wait3A_863 = tpu.memref_slice %arg6[%dma_wait3A_859, %dma_wait3A_861, %dma_wait3A_862] : memref<2x64x768xf32, #tpu.memory_space<vmem>> -> memref<1x64x768xf32, #tpu.memory_space<vmem>>
    %dma_wait3A_864 = tpu.memref_squeeze %dma_wait3A_863 : memref<1x64x768xf32, #tpu.memory_space<vmem>> -> memref<64x768xf32, #tpu.memory_space<vmem>>
    %dma_wait3A_865 = arith.constant 832 : i32
    %dma_wait3A_866 = tpu.memref_slice %arg5[%dma_wait3A_865] : memref<1024xi32, #tpu.memory_space<vmem>> -> memref<64xi32, #tpu.memory_space<vmem>>
    %dma_wait3A_867 = arith.constant 0 : i32
    %dma_wait3A_868 = arith.constant 0 : i32
    %dma_wait3A_869 = tpu.memref_slice %arg2[%dma_wait3A_867, %dma_wait3A_868] : memref<3072x768xf32, #tpu.memory_space<hbm>> -> memref<3072x768xf32, #tpu.memory_space<hbm>>
    %dma_wait3A_870 = tpu.memref_slice %arg7[%dma_wait3A_860] : memref<2x!tpu.dma_semaphore, #tpu.memory_space<semaphore_mem>> -> memref<1x!tpu.dma_semaphore, #tpu.memory_space<semaphore_mem>>
    %dma_wait3A_871 = tpu.memref_squeeze %dma_wait3A_870 : memref<1x!tpu.dma_semaphore, #tpu.memory_space<semaphore_mem>> -> memref<!tpu.dma_semaphore, #tpu.memory_space<semaphore_mem>>
    tpu.wait_indirect_dma semaphore(%dma_wait3A_871 : memref<!tpu.dma_semaphore, #tpu.memory_space<semaphore_mem>>) src(%dma_wait3A_869 : memref<3072x768xf32, #tpu.memory_space<hbm>>) dst(%dma_wait3A_864 : memref<64x768xf32, #tpu.memory_space<vmem>>)
    %add3A_872 = arith.constant 832 : i32
    %add3A_873 = arith.addi %mul3A_2, %add3A_872 : i32
    %dma_start3A_874 = arith.constant 1 : i32
    %dma_start3A_875 = arith.constant 1 : i32
    %dma_start3A_876 = arith.constant 0 : i32
    %dma_start3A_877 = arith.constant 0 : i32
    %dma_start3A_878 = tpu.memref_slice %arg6[%dma_start3A_874, %dma_start3A_876, %dma_start3A_877] : memref<2x64x768xf32, #tpu.memory_space<vmem>> -> memref<1x64x768xf32, #tpu.memory_space<vmem>>
    %dma_start3A_879 = tpu.memref_squeeze %dma_start3A_878 : memref<1x64x768xf32, #tpu.memory_space<vmem>> -> memref<64x768xf32, #tpu.memory_space<vmem>>
    %dma_start3A_880 = tpu.memref_reshape %arg4 : memref<8192x4x768xf32, #tpu.memory_space<hbm>> -> memref<32768x768xf32, #tpu.memory_space<hbm>>
    %dma_start3A_881 = arith.constant 0 : i32
    %dma_start3A_882 = tpu.memref_slice %dma_start3A_880[%add3A_873, %dma_start3A_881] : memref<32768x768xf32, #tpu.memory_space<hbm>> -> memref<64x768xf32, #tpu.memory_space<hbm>>
    %dma_start3A_883 = tpu.memref_slice %arg8[%dma_start3A_875] : memref<2x!tpu.dma_semaphore, #tpu.memory_space<semaphore_mem>> -> memref<1x!tpu.dma_semaphore, #tpu.memory_space<semaphore_mem>>
    %dma_start3A_884 = tpu.memref_squeeze %dma_start3A_883 : memref<1x!tpu.dma_semaphore, #tpu.memory_space<semaphore_mem>> -> memref<!tpu.dma_semaphore, #tpu.memory_space<semaphore_mem>>
    %dma_start3A_885 = tpu.memref_reshape %arg4 : memref<8192x4x768xf32, #tpu.memory_space<hbm>> -> memref<32768x768xf32, #tpu.memory_space<hbm>>
    %dma_start3A_886 = arith.constant 0 : i32
    %dma_start3A_887 = tpu.memref_slice %dma_start3A_885[%add3A_873, %dma_start3A_886] : memref<32768x768xf32, #tpu.memory_space<hbm>> -> memref<64x768xf32, #tpu.memory_space<hbm>>
    %dma_start3A_888 = arith.constant 0 : i32
    %dma_start3A_889 = arith.constant 0 : i32
    %dma_start3A_890 = tpu.memref_slice %arg6[%dma_start3A_874, %dma_start3A_888, %dma_start3A_889] : memref<2x64x768xf32, #tpu.memory_space<vmem>> -> memref<1x64x768xf32, #tpu.memory_space<vmem>>
    %dma_start3A_891 = tpu.memref_squeeze %dma_start3A_890 : memref<1x64x768xf32, #tpu.memory_space<vmem>> -> memref<64x768xf32, #tpu.memory_space<vmem>>
    tpu.enqueue_dma source(%dma_start3A_891 : memref<64x768xf32, #tpu.memory_space<vmem>>) target(%dma_start3A_887 : memref<64x768xf32, #tpu.memory_space<hbm>>) target_semaphore(%dma_start3A_884 : memref<!tpu.dma_semaphore, #tpu.memory_space<semaphore_mem>>)
    %dma_wait3A_892 = arith.constant 1 : i32
    %dma_wait3A_893 = arith.constant 1 : i32
    %dma_wait3A_894 = arith.constant 0 : i32
    %dma_wait3A_895 = arith.constant 0 : i32
    %dma_wait3A_896 = tpu.memref_slice %arg6[%dma_wait3A_892, %dma_wait3A_894, %dma_wait3A_895] : memref<2x64x768xf32, #tpu.memory_space<vmem>> -> memref<1x64x768xf32, #tpu.memory_space<vmem>>
    %dma_wait3A_897 = tpu.memref_squeeze %dma_wait3A_896 : memref<1x64x768xf32, #tpu.memory_space<vmem>> -> memref<64x768xf32, #tpu.memory_space<vmem>>
    %dma_wait3A_898 = tpu.memref_reshape %arg4 : memref<8192x4x768xf32, #tpu.memory_space<hbm>> -> memref<32768x768xf32, #tpu.memory_space<hbm>>
    %dma_wait3A_899 = arith.constant 0 : i32
    %dma_wait3A_900 = tpu.memref_slice %dma_wait3A_898[%add3A_873, %dma_wait3A_899] : memref<32768x768xf32, #tpu.memory_space<hbm>> -> memref<64x768xf32, #tpu.memory_space<hbm>>
    %dma_wait3A_901 = tpu.memref_slice %arg8[%dma_wait3A_893] : memref<2x!tpu.dma_semaphore, #tpu.memory_space<semaphore_mem>> -> memref<1x!tpu.dma_semaphore, #tpu.memory_space<semaphore_mem>>
    %dma_wait3A_902 = tpu.memref_squeeze %dma_wait3A_901 : memref<1x!tpu.dma_semaphore, #tpu.memory_space<semaphore_mem>> -> memref<!tpu.dma_semaphore, #tpu.memory_space<semaphore_mem>>
    %dma_wait3A_903 = tpu.memref_reshape %arg4 : memref<8192x4x768xf32, #tpu.memory_space<hbm>> -> memref<32768x768xf32, #tpu.memory_space<hbm>>
    %dma_wait3A_904 = arith.constant 0 : i32
    %dma_wait3A_905 = tpu.memref_slice %dma_wait3A_903[%add3A_873, %dma_wait3A_904] : memref<32768x768xf32, #tpu.memory_space<hbm>> -> memref<64x768xf32, #tpu.memory_space<hbm>>
    %dma_wait3A_906 = arith.constant 0 : i32
    %dma_wait3A_907 = arith.constant 0 : i32
    %dma_wait3A_908 = tpu.memref_slice %arg6[%dma_wait3A_892, %dma_wait3A_906, %dma_wait3A_907] : memref<2x64x768xf32, #tpu.memory_space<vmem>> -> memref<1x64x768xf32, #tpu.memory_space<vmem>>
    %dma_wait3A_909 = tpu.memref_squeeze %dma_wait3A_908 : memref<1x64x768xf32, #tpu.memory_space<vmem>> -> memref<64x768xf32, #tpu.memory_space<vmem>>
    tpu.wait_dma2 semaphore(%dma_wait3A_902 : memref<!tpu.dma_semaphore, #tpu.memory_space<semaphore_mem>>) src(%dma_wait3A_909 : memref<64x768xf32, #tpu.memory_space<vmem>>) dst(%dma_wait3A_905 : memref<64x768xf32, #tpu.memory_space<hbm>>)
    %dma_start3A_910 = arith.constant 1 : i32
    %dma_start3A_911 = arith.constant 1 : i32
    %dma_start3A_912 = arith.constant 0 : i32
    %dma_start3A_913 = arith.constant 0 : i32
    %dma_start3A_914 = tpu.memref_slice %arg6[%dma_start3A_910, %dma_start3A_912, %dma_start3A_913] : memref<2x64x768xf32, #tpu.memory_space<vmem>> -> memref<1x64x768xf32, #tpu.memory_space<vmem>>
    %dma_start3A_915 = tpu.memref_squeeze %dma_start3A_914 : memref<1x64x768xf32, #tpu.memory_space<vmem>> -> memref<64x768xf32, #tpu.memory_space<vmem>>
    %dma_start3A_916 = arith.constant 960 : i32
    %dma_start3A_917 = tpu.memref_slice %arg5[%dma_start3A_916] : memref<1024xi32, #tpu.memory_space<vmem>> -> memref<64xi32, #tpu.memory_space<vmem>>
    %dma_start3A_918 = arith.constant 0 : i32
    %dma_start3A_919 = arith.constant 0 : i32
    %dma_start3A_920 = tpu.memref_slice %arg2[%dma_start3A_918, %dma_start3A_919] : memref<3072x768xf32, #tpu.memory_space<hbm>> -> memref<3072x768xf32, #tpu.memory_space<hbm>>
    %dma_start3A_921 = tpu.memref_slice %arg7[%dma_start3A_911] : memref<2x!tpu.dma_semaphore, #tpu.memory_space<semaphore_mem>> -> memref<1x!tpu.dma_semaphore, #tpu.memory_space<semaphore_mem>>
    %dma_start3A_922 = tpu.memref_squeeze %dma_start3A_921 : memref<1x!tpu.dma_semaphore, #tpu.memory_space<semaphore_mem>> -> memref<!tpu.dma_semaphore, #tpu.memory_space<semaphore_mem>>
    tpu.enqueue_indirect_dma source(%dma_start3A_920 : memref<3072x768xf32, #tpu.memory_space<hbm>>) target(%dma_start3A_915 : memref<64x768xf32, #tpu.memory_space<vmem>>) offsets(%dma_start3A_917 : memref<64xi32, #tpu.memory_space<vmem>>) semaphore(%dma_start3A_922 : memref<!tpu.dma_semaphore, #tpu.memory_space<semaphore_mem>>)
    %dma_wait3A_923 = arith.constant 0 : i32
    %dma_wait3A_924 = arith.constant 0 : i32
    %dma_wait3A_925 = arith.constant 0 : i32
    %dma_wait3A_926 = arith.constant 0 : i32
    %dma_wait3A_927 = tpu.memref_slice %arg6[%dma_wait3A_923, %dma_wait3A_925, %dma_wait3A_926] : memref<2x64x768xf32, #tpu.memory_space<vmem>> -> memref<1x64x768xf32, #tpu.memory_space<vmem>>
    %dma_wait3A_928 = tpu.memref_squeeze %dma_wait3A_927 : memref<1x64x768xf32, #tpu.memory_space<vmem>> -> memref<64x768xf32, #tpu.memory_space<vmem>>
    %dma_wait3A_929 = arith.constant 896 : i32
    %dma_wait3A_930 = tpu.memref_slice %arg5[%dma_wait3A_929] : memref<1024xi32, #tpu.memory_space<vmem>> -> memref<64xi32, #tpu.memory_space<vmem>>
    %dma_wait3A_931 = arith.constant 0 : i32
    %dma_wait3A_932 = arith.constant 0 : i32
    %dma_wait3A_933 = tpu.memref_slice %arg2[%dma_wait3A_931, %dma_wait3A_932] : memref<3072x768xf32, #tpu.memory_space<hbm>> -> memref<3072x768xf32, #tpu.memory_space<hbm>>
    %dma_wait3A_934 = tpu.memref_slice %arg7[%dma_wait3A_924] : memref<2x!tpu.dma_semaphore, #tpu.memory_space<semaphore_mem>> -> memref<1x!tpu.dma_semaphore, #tpu.memory_space<semaphore_mem>>
    %dma_wait3A_935 = tpu.memref_squeeze %dma_wait3A_934 : memref<1x!tpu.dma_semaphore, #tpu.memory_space<semaphore_mem>> -> memref<!tpu.dma_semaphore, #tpu.memory_space<semaphore_mem>>
    tpu.wait_indirect_dma semaphore(%dma_wait3A_935 : memref<!tpu.dma_semaphore, #tpu.memory_space<semaphore_mem>>) src(%dma_wait3A_933 : memref<3072x768xf32, #tpu.memory_space<hbm>>) dst(%dma_wait3A_928 : memref<64x768xf32, #tpu.memory_space<vmem>>)
    %add3A_936 = arith.constant 896 : i32
    %add3A_937 = arith.addi %mul3A_2, %add3A_936 : i32
    %dma_start3A_938 = arith.constant 0 : i32
    %dma_start3A_939 = arith.constant 0 : i32
    %dma_start3A_940 = arith.constant 0 : i32
    %dma_start3A_941 = arith.constant 0 : i32
    %dma_start3A_942 = tpu.memref_slice %arg6[%dma_start3A_938, %dma_start3A_940, %dma_start3A_941] : memref<2x64x768xf32, #tpu.memory_space<vmem>> -> memref<1x64x768xf32, #tpu.memory_space<vmem>>
    %dma_start3A_943 = tpu.memref_squeeze %dma_start3A_942 : memref<1x64x768xf32, #tpu.memory_space<vmem>> -> memref<64x768xf32, #tpu.memory_space<vmem>>
    %dma_start3A_944 = tpu.memref_reshape %arg4 : memref<8192x4x768xf32, #tpu.memory_space<hbm>> -> memref<32768x768xf32, #tpu.memory_space<hbm>>
    %dma_start3A_945 = arith.constant 0 : i32
    %dma_start3A_946 = tpu.memref_slice %dma_start3A_944[%add3A_937, %dma_start3A_945] : memref<32768x768xf32, #tpu.memory_space<hbm>> -> memref<64x768xf32, #tpu.memory_space<hbm>>
    %dma_start3A_947 = tpu.memref_slice %arg8[%dma_start3A_939] : memref<2x!tpu.dma_semaphore, #tpu.memory_space<semaphore_mem>> -> memref<1x!tpu.dma_semaphore, #tpu.memory_space<semaphore_mem>>
    %dma_start3A_948 = tpu.memref_squeeze %dma_start3A_947 : memref<1x!tpu.dma_semaphore, #tpu.memory_space<semaphore_mem>> -> memref<!tpu.dma_semaphore, #tpu.memory_space<semaphore_mem>>
    %dma_start3A_949 = tpu.memref_reshape %arg4 : memref<8192x4x768xf32, #tpu.memory_space<hbm>> -> memref<32768x768xf32, #tpu.memory_space<hbm>>
    %dma_start3A_950 = arith.constant 0 : i32
    %dma_start3A_951 = tpu.memref_slice %dma_start3A_949[%add3A_937, %dma_start3A_950] : memref<32768x768xf32, #tpu.memory_space<hbm>> -> memref<64x768xf32, #tpu.memory_space<hbm>>
    %dma_start3A_952 = arith.constant 0 : i32
    %dma_start3A_953 = arith.constant 0 : i32
    %dma_start3A_954 = tpu.memref_slice %arg6[%dma_start3A_938, %dma_start3A_952, %dma_start3A_953] : memref<2x64x768xf32, #tpu.memory_space<vmem>> -> memref<1x64x768xf32, #tpu.memory_space<vmem>>
    %dma_start3A_955 = tpu.memref_squeeze %dma_start3A_954 : memref<1x64x768xf32, #tpu.memory_space<vmem>> -> memref<64x768xf32, #tpu.memory_space<vmem>>
    tpu.enqueue_dma source(%dma_start3A_955 : memref<64x768xf32, #tpu.memory_space<vmem>>) target(%dma_start3A_951 : memref<64x768xf32, #tpu.memory_space<hbm>>) target_semaphore(%dma_start3A_948 : memref<!tpu.dma_semaphore, #tpu.memory_space<semaphore_mem>>)
    %dma_wait3A_956 = arith.constant 1 : i32
    %dma_wait3A_957 = arith.constant 1 : i32
    %dma_wait3A_958 = arith.constant 0 : i32
    %dma_wait3A_959 = arith.constant 0 : i32
    %dma_wait3A_960 = tpu.memref_slice %arg6[%dma_wait3A_956, %dma_wait3A_958, %dma_wait3A_959] : memref<2x64x768xf32, #tpu.memory_space<vmem>> -> memref<1x64x768xf32, #tpu.memory_space<vmem>>
    %dma_wait3A_961 = tpu.memref_squeeze %dma_wait3A_960 : memref<1x64x768xf32, #tpu.memory_space<vmem>> -> memref<64x768xf32, #tpu.memory_space<vmem>>
    %dma_wait3A_962 = arith.constant 960 : i32
    %dma_wait3A_963 = tpu.memref_slice %arg5[%dma_wait3A_962] : memref<1024xi32, #tpu.memory_space<vmem>> -> memref<64xi32, #tpu.memory_space<vmem>>
    %dma_wait3A_964 = arith.constant 0 : i32
    %dma_wait3A_965 = arith.constant 0 : i32
    %dma_wait3A_966 = tpu.memref_slice %arg2[%dma_wait3A_964, %dma_wait3A_965] : memref<3072x768xf32, #tpu.memory_space<hbm>> -> memref<3072x768xf32, #tpu.memory_space<hbm>>
    %dma_wait3A_967 = tpu.memref_slice %arg7[%dma_wait3A_957] : memref<2x!tpu.dma_semaphore, #tpu.memory_space<semaphore_mem>> -> memref<1x!tpu.dma_semaphore, #tpu.memory_space<semaphore_mem>>
    %dma_wait3A_968 = tpu.memref_squeeze %dma_wait3A_967 : memref<1x!tpu.dma_semaphore, #tpu.memory_space<semaphore_mem>> -> memref<!tpu.dma_semaphore, #tpu.memory_space<semaphore_mem>>
    tpu.wait_indirect_dma semaphore(%dma_wait3A_968 : memref<!tpu.dma_semaphore, #tpu.memory_space<semaphore_mem>>) src(%dma_wait3A_966 : memref<3072x768xf32, #tpu.memory_space<hbm>>) dst(%dma_wait3A_961 : memref<64x768xf32, #tpu.memory_space<vmem>>)
    %add3A_969 = arith.constant 960 : i32
    %add3A_970 = arith.addi %mul3A_2, %add3A_969 : i32
    %dma_start3A_971 = arith.constant 1 : i32
    %dma_start3A_972 = arith.constant 1 : i32
    %dma_start3A_973 = arith.constant 0 : i32
    %dma_start3A_974 = arith.constant 0 : i32
    %dma_start3A_975 = tpu.memref_slice %arg6[%dma_start3A_971, %dma_start3A_973, %dma_start3A_974] : memref<2x64x768xf32, #tpu.memory_space<vmem>> -> memref<1x64x768xf32, #tpu.memory_space<vmem>>
    %dma_start3A_976 = tpu.memref_squeeze %dma_start3A_975 : memref<1x64x768xf32, #tpu.memory_space<vmem>> -> memref<64x768xf32, #tpu.memory_space<vmem>>
    %dma_start3A_977 = tpu.memref_reshape %arg4 : memref<8192x4x768xf32, #tpu.memory_space<hbm>> -> memref<32768x768xf32, #tpu.memory_space<hbm>>
    %dma_start3A_978 = arith.constant 0 : i32
    %dma_start3A_979 = tpu.memref_slice %dma_start3A_977[%add3A_970, %dma_start3A_978] : memref<32768x768xf32, #tpu.memory_space<hbm>> -> memref<64x768xf32, #tpu.memory_space<hbm>>
    %dma_start3A_980 = tpu.memref_slice %arg8[%dma_start3A_972] : memref<2x!tpu.dma_semaphore, #tpu.memory_space<semaphore_mem>> -> memref<1x!tpu.dma_semaphore, #tpu.memory_space<semaphore_mem>>
    %dma_start3A_981 = tpu.memref_squeeze %dma_start3A_980 : memref<1x!tpu.dma_semaphore, #tpu.memory_space<semaphore_mem>> -> memref<!tpu.dma_semaphore, #tpu.memory_space<semaphore_mem>>
    %dma_start3A_982 = tpu.memref_reshape %arg4 : memref<8192x4x768xf32, #tpu.memory_space<hbm>> -> memref<32768x768xf32, #tpu.memory_space<hbm>>
    %dma_start3A_983 = arith.constant 0 : i32
    %dma_start3A_984 = tpu.memref_slice %dma_start3A_982[%add3A_970, %dma_start3A_983] : memref<32768x768xf32, #tpu.memory_space<hbm>> -> memref<64x768xf32, #tpu.memory_space<hbm>>
    %dma_start3A_985 = arith.constant 0 : i32
    %dma_start3A_986 = arith.constant 0 : i32
    %dma_start3A_987 = tpu.memref_slice %arg6[%dma_start3A_971, %dma_start3A_985, %dma_start3A_986] : memref<2x64x768xf32, #tpu.memory_space<vmem>> -> memref<1x64x768xf32, #tpu.memory_space<vmem>>
    %dma_start3A_988 = tpu.memref_squeeze %dma_start3A_987 : memref<1x64x768xf32, #tpu.memory_space<vmem>> -> memref<64x768xf32, #tpu.memory_space<vmem>>
    tpu.enqueue_dma source(%dma_start3A_988 : memref<64x768xf32, #tpu.memory_space<vmem>>) target(%dma_start3A_984 : memref<64x768xf32, #tpu.memory_space<hbm>>) target_semaphore(%dma_start3A_981 : memref<!tpu.dma_semaphore, #tpu.memory_space<semaphore_mem>>)
    %dma_wait3A_989 = arith.constant 0 : i32
    %dma_wait3A_990 = arith.constant 0 : i32
    %dma_wait3A_991 = arith.constant 0 : i32
    %dma_wait3A_992 = arith.constant 0 : i32
    %dma_wait3A_993 = tpu.memref_slice %arg6[%dma_wait3A_989, %dma_wait3A_991, %dma_wait3A_992] : memref<2x64x768xf32, #tpu.memory_space<vmem>> -> memref<1x64x768xf32, #tpu.memory_space<vmem>>
    %dma_wait3A_994 = tpu.memref_squeeze %dma_wait3A_993 : memref<1x64x768xf32, #tpu.memory_space<vmem>> -> memref<64x768xf32, #tpu.memory_space<vmem>>
    %dma_wait3A_995 = tpu.memref_reshape %arg4 : memref<8192x4x768xf32, #tpu.memory_space<hbm>> -> memref<32768x768xf32, #tpu.memory_space<hbm>>
    %dma_wait3A_996 = arith.constant 0 : i32
    %dma_wait3A_997 = tpu.memref_slice %dma_wait3A_995[%add3A_937, %dma_wait3A_996] : memref<32768x768xf32, #tpu.memory_space<hbm>> -> memref<64x768xf32, #tpu.memory_space<hbm>>
    %dma_wait3A_998 = tpu.memref_slice %arg8[%dma_wait3A_990] : memref<2x!tpu.dma_semaphore, #tpu.memory_space<semaphore_mem>> -> memref<1x!tpu.dma_semaphore, #tpu.memory_space<semaphore_mem>>
    %dma_wait3A_999 = tpu.memref_squeeze %dma_wait3A_998 : memref<1x!tpu.dma_semaphore, #tpu.memory_space<semaphore_mem>> -> memref<!tpu.dma_semaphore, #tpu.memory_space<semaphore_mem>>
    %dma_wait3A_1000 = tpu.memref_reshape %arg4 : memref<8192x4x768xf32, #tpu.memory_space<hbm>> -> memref<32768x768xf32, #tpu.memory_space<hbm>>
    %dma_wait3A_1001 = arith.constant 0 : i32
    %dma_wait3A_1002 = tpu.memref_slice %dma_wait3A_1000[%add3A_937, %dma_wait3A_1001] : memref<32768x768xf32, #tpu.memory_space<hbm>> -> memref<64x768xf32, #tpu.memory_space<hbm>>
    %dma_wait3A_1003 = arith.constant 0 : i32
    %dma_wait3A_1004 = arith.constant 0 : i32
    %dma_wait3A_1005 = tpu.memref_slice %arg6[%dma_wait3A_989, %dma_wait3A_1003, %dma_wait3A_1004] : memref<2x64x768xf32, #tpu.memory_space<vmem>> -> memref<1x64x768xf32, #tpu.memory_space<vmem>>
    %dma_wait3A_1006 = tpu.memref_squeeze %dma_wait3A_1005 : memref<1x64x768xf32, #tpu.memory_space<vmem>> -> memref<64x768xf32, #tpu.memory_space<vmem>>
    tpu.wait_dma2 semaphore(%dma_wait3A_999 : memref<!tpu.dma_semaphore, #tpu.memory_space<semaphore_mem>>) src(%dma_wait3A_1006 : memref<64x768xf32, #tpu.memory_space<vmem>>) dst(%dma_wait3A_1002 : memref<64x768xf32, #tpu.memory_space<hbm>>)
    %dma_wait3A_1007 = arith.constant 1 : i32
    %dma_wait3A_1008 = arith.constant 1 : i32
    %dma_wait3A_1009 = arith.constant 0 : i32
    %dma_wait3A_1010 = arith.constant 0 : i32
    %dma_wait3A_1011 = tpu.memref_slice %arg6[%dma_wait3A_1007, %dma_wait3A_1009, %dma_wait3A_1010] : memref<2x64x768xf32, #tpu.memory_space<vmem>> -> memref<1x64x768xf32, #tpu.memory_space<vmem>>
    %dma_wait3A_1012 = tpu.memref_squeeze %dma_wait3A_1011 : memref<1x64x768xf32, #tpu.memory_space<vmem>> -> memref<64x768xf32, #tpu.memory_space<vmem>>
    %dma_wait3A_1013 = tpu.memref_reshape %arg4 : memref<8192x4x768xf32, #tpu.memory_space<hbm>> -> memref<32768x768xf32, #tpu.memory_space<hbm>>
    %dma_wait3A_1014 = arith.constant 0 : i32
    %dma_wait3A_1015 = tpu.memref_slice %dma_wait3A_1013[%add3A_970, %dma_wait3A_1014] : memref<32768x768xf32, #tpu.memory_space<hbm>> -> memref<64x768xf32, #tpu.memory_space<hbm>>
    %dma_wait3A_1016 = tpu.memref_slice %arg8[%dma_wait3A_1008] : memref<2x!tpu.dma_semaphore, #tpu.memory_space<semaphore_mem>> -> memref<1x!tpu.dma_semaphore, #tpu.memory_space<semaphore_mem>>
    %dma_wait3A_1017 = tpu.memref_squeeze %dma_wait3A_1016 : memref<1x!tpu.dma_semaphore, #tpu.memory_space<semaphore_mem>> -> memref<!tpu.dma_semaphore, #tpu.memory_space<semaphore_mem>>
    %dma_wait3A_1018 = tpu.memref_reshape %arg4 : memref<8192x4x768xf32, #tpu.memory_space<hbm>> -> memref<32768x768xf32, #tpu.memory_space<hbm>>
    %dma_wait3A_1019 = arith.constant 0 : i32
    %dma_wait3A_1020 = tpu.memref_slice %dma_wait3A_1018[%add3A_970, %dma_wait3A_1019] : memref<32768x768xf32, #tpu.memory_space<hbm>> -> memref<64x768xf32, #tpu.memory_space<hbm>>
    %dma_wait3A_1021 = arith.constant 0 : i32
    %dma_wait3A_1022 = arith.constant 0 : i32
    %dma_wait3A_1023 = tpu.memref_slice %arg6[%dma_wait3A_1007, %dma_wait3A_1021, %dma_wait3A_1022] : memref<2x64x768xf32, #tpu.memory_space<vmem>> -> memref<1x64x768xf32, #tpu.memory_space<vmem>>
    %dma_wait3A_1024 = tpu.memref_squeeze %dma_wait3A_1023 : memref<1x64x768xf32, #tpu.memory_space<vmem>> -> memref<64x768xf32, #tpu.memory_space<vmem>>
    tpu.wait_dma2 semaphore(%dma_wait3A_1017 : memref<!tpu.dma_semaphore, #tpu.memory_space<semaphore_mem>>) src(%dma_wait3A_1024 : memref<64x768xf32, #tpu.memory_space<vmem>>) dst(%dma_wait3A_1020 : memref<64x768xf32, #tpu.memory_space<hbm>>)
    return
  }
}

module attributes {stable_mosaic.version = 14 : i64} {
  func.func @_prep_body(%arg0: memref<96x384xf32, #tpu.memory_space<vmem>>, %arg1: memref<32x384xf32, #tpu.memory_space<vmem>>, %arg2: memref<768x768xf32, #tpu.memory_space<vmem>>, %arg3: memref<1x768xf32, #tpu.memory_space<vmem>>, %arg4: memref<256x128xi32, #tpu.memory_space<vmem>>, %arg5: memref<256x128xi32, #tpu.memory_space<vmem>>, %arg6: memref<96x32x768xf32, #tpu.memory_space<vmem>>, %arg7: memref<256x128xi32, #tpu.memory_space<vmem>>) attributes {dimension_semantics = [], scalar_prefetch = 0 : i64, scratch_operands = 0 : i64, tpu.core_type = #tpu.core_type<tc>} {
    %get3A = arith.constant 0 : index
    %get3A_0 = arith.constant 0 : index
    %get3A_1 = vector.load %arg2[%get3A, %get3A_0] : memref<768x768xf32, #tpu.memory_space<vmem>>, vector<768x384xf32>
    %get3A_2 = arith.constant 0 : index
    %get3A_3 = arith.constant 384 : index
    %get3A_4 = vector.load %arg2[%get3A_2, %get3A_3] : memref<768x768xf32, #tpu.memory_space<vmem>>, vector<768x384xf32>
    %get3A_5 = arith.constant 0 : index
    %get3A_6 = arith.constant 0 : index
    %get3A_7 = vector.load %arg0[%get3A_5, %get3A_6] : memref<96x384xf32, #tpu.memory_space<vmem>>, vector<96x384xf32>
    %dot_general3A = arith.constant dense<0.000000e+00> : vector<96x768xf32>
    %dot_general3A_8 = tpu.matmul %get3A_7, %get3A_1, %dot_general3A {dimension_numbers = #tpu.dot_dimension_numbers<[1], [1], [0], [0], [0, 0, 1, 0], [], []>, transpose_lhs_hint = false} : vector<96x384xf32>, vector<768x384xf32>, vector<96x768xf32> -> vector<96x768xf32>
    %get3A_9 = arith.constant 0 : index
    %get3A_10 = arith.constant 0 : index
    %get3A_11 = vector.load %arg3[%get3A_9, %get3A_10] : memref<1x768xf32, #tpu.memory_space<vmem>>, vector<1x768xf32>
    %add3A = vector.broadcast %get3A_11 : vector<1x768xf32> to vector<96x768xf32>
    %add3A_12 = arith.addf %dot_general3A_8, %add3A : vector<96x768xf32>
    %get3A_13 = arith.constant 0 : index
    %get3A_14 = arith.constant 0 : index
    %get3A_15 = vector.load %arg1[%get3A_13, %get3A_14] : memref<32x384xf32, #tpu.memory_space<vmem>>, vector<32x384xf32>
    %dot_general3A_16 = arith.constant dense<0.000000e+00> : vector<32x768xf32>
    %dot_general3A_17 = tpu.matmul %get3A_15, %get3A_4, %dot_general3A_16 {dimension_numbers = #tpu.dot_dimension_numbers<[1], [1], [0], [0], [0, 0, 1, 0], [], []>, transpose_lhs_hint = false} : vector<32x384xf32>, vector<768x384xf32>, vector<32x768xf32> -> vector<32x768xf32>
    %broadcast_in_dim3A = vector.shape_cast %add3A_12 : vector<96x768xf32> to vector<96x1x768xf32>
    %broadcast_in_dim3A_18 = vector.shape_cast %dot_general3A_17 : vector<32x768xf32> to vector<1x32x768xf32>
    %add3A_19 = vector.broadcast %broadcast_in_dim3A : vector<96x1x768xf32> to vector<96x32x768xf32>
    %add3A_20 = vector.broadcast %broadcast_in_dim3A_18 : vector<1x32x768xf32> to vector<96x32x768xf32>
    %add3A_21 = arith.addf %add3A_19, %add3A_20 : vector<96x32x768xf32>
    %swap3A = arith.constant 0 : index
    %swap3A_22 = arith.constant 0 : index
    %swap3A_23 = arith.constant 0 : index
    %swap3A_24 = vector.load %arg6[%swap3A, %swap3A_22, %swap3A_23] : memref<96x32x768xf32, #tpu.memory_space<vmem>>, vector<96x32x768xf32>
    tpu.vector_store %arg6[%swap3A, %swap3A_22, %swap3A_23], %add3A_21 {strides = array<i32>} : memref<96x32x768xf32, #tpu.memory_space<vmem>>, vector<96x32x768xf32>,
    %get3A_25 = arith.constant 0 : index
    %get3A_26 = arith.constant 0 : index
    %get3A_27 = vector.load %arg4[%get3A_25, %get3A_26] : memref<256x128xi32, #tpu.memory_space<vmem>>, vector<256x128xi32>
    %mul3A = arith.constant 32 : i32
    %mul3A_28 = vector.broadcast %mul3A : i32 to vector<256x128xi32>
    %mul3A_29 = arith.muli %get3A_27, %mul3A_28 : vector<256x128xi32>
    %get3A_30 = arith.constant 0 : index
    %get3A_31 = arith.constant 0 : index
    %get3A_32 = vector.load %arg5[%get3A_30, %get3A_31] : memref<256x128xi32, #tpu.memory_space<vmem>>, vector<256x128xi32>
    %add3A_33 = arith.addi %mul3A_29, %get3A_32 : vector<256x128xi32>
    %swap3A_34 = arith.constant 0 : index
    %swap3A_35 = arith.constant 0 : index
    %swap3A_36 = vector.load %arg7[%swap3A_34, %swap3A_35] : memref<256x128xi32, #tpu.memory_space<vmem>>, vector<256x128xi32>
    tpu.vector_store %arg7[%swap3A_34, %swap3A_35], %add3A_33 {strides = array<i32>} : memref<256x128xi32, #tpu.memory_space<vmem>>, vector<256x128xi32>,
    return
  }
}

</mosaic_0001>

<sc_bundles>
// kernel: kernel.4.cloned.1.call-start
scs
__scs_entry_jumppad:
0x0: {  	(pc) =	sbr.rel $0x88, $3  }
0x1: {  	(tag) =	ssettag $0x0;
	lr =	simm.s32 $0x1  }
0x2: {  	[smem:$0x3F9B] =	sst lr;
	_ =	strace $0xD0000000  }
0x3: {  	_ = 	snop  }
0x4: {  	_ = 	snop  }
0x5: {  	_ = 	snop  }
0x6: {  	_ = 	snop  }
0x7: {  	_ = 	snop  }
__scs_overlays_trampoline_lowered:
0x8: {  	[smem:$0x3FAA] =	sst s0  }
0x9: {  	[smem:$0x3FAB] =	sst s1  }
0xa: {  	[smem:$0x3FAC] =	sst s2  }
0xb: {  	[smem:$0x3FAD] =	sst s3  }
0xc: {  	[smem:$0x3FAE] =	sst s4  }
0xd: {  	[smem:$0x3FAF] =	sst s5  }
0xe: {  	[smem:$0x3FB0] =	sst s6  }
0xf: {  	[smem:$0x3FB1] =	sst s7  }
0x10: {  	[smem:$0x3FB2] =	sst s8  }
0x11: {  	[smem:$0x3FB3] =	sst s9;
	s0 =	simm.s32 @!p0 $0x0  }
0x12: {  	s1 =	sld [smem:$0x3F99];
	s0 =	simm.s32 @p0 $0x1  }
0x13: {  	[smem:$0x3FB4] =	sst s0;
	s0 =	simm.s32 @!p1 $0x0  }
0x14: {  	s2 =	sld [smem:$0x3F98];
	s0 =	simm.s32 @p1 $0x1  }
0x15: {  	[smem:$0x3FB5] =	sst s0;
	s0 =	simm.s32 @!p2 $0x0  }
0x16: {  	s3 =	sld [smem:$0x3FDB];
	s0 =	simm.s32 @p2 $0x1  }
0x17: {  	s4 =	simm.s32 $0x1BF5;
	[smem:$0x3FB7] =	sst s0  }
0x18: {  	s0 =	sld [smem:$0x3F9A];
	_ =	swait.ge [sflag:s4], $0x0  }
0x19: {  	s7 =	sld [smem:$0x3F9B]  }
0x1a: {  	s8 =	sadd.s32 $0xFFFFE003, lr  }
0x1b: {  	s9 =	sadd.s32 $0xFFFFFEF7, lr;
	s5 =	simm.s32 $0xFFFFFFFF;
	p2 =	slt.u32 s8, $0xFFFFF086  }
0x1c: {  	p1 =	slt.u32 s9, $0xF7A;
	s5 =	simm.s32 @!p2 $0x0  }
0x1d: {  	s5 =	simm.s32 @p1 $0x1;
	p0 =	seq.s32 s7, s2  }
0x1e: {  	s7 =	smul.u32 @!p0 $0xF7A, s2;
	p2 =	seq.s32 @!p0 s5, $0x0  }
0x1f: {  	s9 =	smul.u32 $0xF7A, s1;
	s8 =	simm.s32 @!p0 $0x1BF5;
	p2 =	por !p2, p0  }
0x20: {  	[sflag:s8] =	ssyncset.s32 @!p0 $0xFFFFF086;
	s6 =	sadd.s32 @!p0 s3, s7;
	s7 =	simm.s32 @!p0 $0x108  }
0x21: {  	s3 =	sadd.s32 s3, s9;
	s6 =	sadd.s32 @!p0 $0x88, s6;
	s7 =	simm.s32 @p2 $0x1082  }
0x22: {  	[simem:s7], [sflag:s8] =	dma.local @!p0 [hbm:s6], $0xF7A  }
0x23: {  	s9 =	sor.u32 $0xD0000000, s2;
	s6 =	simm.s32 $0x108;
	_ =	swait.ge @!p0 [sflag:s8], $0x0  }
0x24: {  	s3 =	sadd.s32 $0x88, s3;
	s6 =	simm.s32 @!p1 $0x1082;
	[sflag:s4] =	ssyncset.s32 $0xFFFFF086  }
0x25: {  	[simem:s6], [sflag:s4] =	dma.local [hbm:s3], $0xF7A  }
0x26: {  	[smem:$0x3F9B] =	sst s1;
	(tag) =	ssettag s2;
	_ =	strace s9  }
0x27: {  	s1 =	sld [smem:$0x3FAB]  }
0x28: {  	s2 =	sld [smem:$0x3FAC]  }
0x29: {  	s4 =	sld [smem:$0x3FAE]  }
0x2a: {  	p0 =	seq.s32 s5, $0x0;
	s5 =	sld [smem:$0x3FAF]  }
0x2b: {  	s6 =	sld [smem:$0x3FB0]  }
0x2c: {  	s7 =	sld [smem:$0x3FB1]  }
0x2d: {  	s3 =	simm.s32 $0x108;
	s8 =	sld [smem:$0x3FB2]  }
0x2e: {  	s3 =	simm.s32 @!p0 $0x1082;
	s9 =	sld [smem:$0x3FB3]  }
0x2f: {  	lr =	sadd.s32 s0, s3;
	s0 =	sld [smem:$0x3FAA]  }
0x30: {  	s3 =	sld [smem:$0x3FAD]  }
0x31: {  	[smem:$0x3FB6] =	sst s10  }
0x32: {  	s10 =	sld [smem:$0x3FB4];
	_ =	sdelay $0x3  }
0x33: {  	p0 =	seq.s32 s10, $0x1;
	s10 =	sld [smem:$0x3FB6];
	_ =	sdelay $0x3  }
0x34: {  	[smem:$0x3FB6] =	sst s10  }
0x35: {  	s10 =	sld [smem:$0x3FB5];
	_ =	sdelay $0x3  }
0x36: {  	p1 =	seq.s32 s10, $0x1;
	s10 =	sld [smem:$0x3FB6];
	_ =	sdelay $0x3  }
0x37: {  	[smem:$0x3FB6] =	sst s10  }
0x38: {  	s10 =	sld [smem:$0x3FB7]  }
0x39: {  	_ = 	snop;
	(pc) =	sbr.ind lr, $3  }
0x3a: {  	_ = 	snop  }
0x3b: {  	_ = 	snop  }
0x3c: {  	p2 =	seq.s32 s10, $0x1;
	s10 =	sld [smem:$0x3FB6]  }
0x3d: {  	_ =	shalt  }
0x3e: {  	_ =	shalt  }
0x3f: {  	_ =	shalt  }
0x40: {  	_ =	shalt  }
0x41: {  	_ =	shalt  }
0x42: {  	_ =	shalt  }
0x43: {  	_ =	shalt  }
0x44: {  	_ =	shalt  }
0x45: {  	_ =	shalt  }
0x46: {  	_ =	shalt  }
0x47: {  	_ =	shalt  }
0x48: {  	_ =	shalt  }
0x49: {  	_ =	shalt  }
0x4a: {  	_ =	shalt  }
0x4b: {  	_ =	shalt  }
0x4c: {  	_ =	shalt  }
0x4d: {  	_ =	shalt  }
0x4e: {  	_ =	shalt  }
0x4f: {  	_ =	shalt  }
0x50: {  	_ =	shalt  }
0x51: {  	_ =	shalt  }
0x52: {  	_ =	shalt  }
0x53: {  	_ =	shalt  }
0x54: {  	_ =	shalt  }
0x55: {  	_ =	shalt  }
0x56: {  	_ =	shalt  }
0x57: {  	_ =	shalt  }
0x58: {  	_ =	shalt  }
0x59: {  	_ =	shalt  }
0x5a: {  	_ =	shalt  }
0x5b: {  	_ =	shalt  }
0x5c: {  	_ =	shalt  }
0x5d: {  	_ =	shalt  }
0x5e: {  	_ =	shalt  }
0x5f: {  	_ =	shalt  }
0x60: {  	_ =	shalt  }
0x61: {  	_ =	shalt  }
0x62: {  	_ =	shalt  }
0x63: {  	_ =	shalt  }
0x64: {  	_ =	shalt  }
0x65: {  	_ =	shalt  }
0x66: {  	_ =	shalt  }
0x67: {  	_ =	shalt  }
0x68: {  	_ =	shalt  }
0x69: {  	_ =	shalt  }
0x6a: {  	_ =	shalt  }
0x6b: {  	_ =	shalt  }
0x6c: {  	_ =	shalt  }
0x6d: {  	_ =	shalt  }
0x6e: {  	_ =	shalt  }
0x6f: {  	_ =	shalt  }
0x70: {  	_ =	shalt  }
0x71: {  	_ =	shalt  }
0x72: {  	_ =	shalt  }
0x73: {  	_ =	shalt  }
0x74: {  	_ =	shalt  }
0x75: {  	_ =	shalt  }
0x76: {  	_ =	shalt  }
0x77: {  	_ =	shalt  }
0x78: {  	_ =	shalt  }
0x79: {  	_ =	shalt  }
0x7a: {  	_ =	shalt  }
0x7b: {  	_ =	shalt  }
0x7c: {  	_ =	shalt  }
0x7d: {  	_ =	shalt  }
0x7e: {  	_ =	shalt  }
0x7f: {  	_ =	shalt  }
0x80: {  	_ =	shalt  }
0x81: {  	_ =	shalt  }
0x82: {  	_ =	shalt  }
0x83: {  	_ =	shalt  }
0x84: {  	_ =	shalt  }
0x85: {  	_ =	shalt  }
0x86: {  	_ =	shalt  }
0x87: {  	_ =	shalt  }
.Lfunc_end0:
.L_simem_size_0:
called_computation_lowered:
.L_overlay_start_0:
0x88: {  	s2 =	sld [smem:$0x3FD9]  }
0x89: {  	s3 =	sld [smem:$0x3FFE];
	_ =	sdelay $0x1  }
0x8a: {  	s1 =	srdreg.scid  }
0x8b: {  	s0 =	sand.u32 $0x1, s1  }
0x8c: {  	s17 =	sshll.u32 s0, $0xA;
	s2 =	sadd.s32 s3, s2  }
0x8d: {  	s2 =	sadd.s32 s2, s17  }
0x8e: {  	[smem:$0x3FC2] =	sst s2  }
0x8f: {  	_ = 	snop  }
0x90: {  	s2 =	sld [smem:$0x3FD0];
	(tm) =	ssettm $0x1  }
0x91: {  	s18 =	sld [smem:$0x3FFB];
	_ =	sdelay $0x3  }
0x92: {  	_ =	strace s18  }
0x93: {  	s3 =	sld [smem:$0x3FFC];
	_ =	sdelay $0x3  }
0x94: {  	_ =	strace s3  }
0x95: {  	s3 =	sld [smem:$0x3FFD];
	_ =	sdelay $0x3  }
0x96: {  	_ =	strace s3  }
0x97: {  	_ =	strace $0x8FFFFFFF  }
0x98: {  	s19 =	sld [smem:$0x3FDB];
	_ =	sdelay $0x1  }
0x99: {  	s4 =	simm.s32 $_scs_section_size  }
0x9a: {  	s5 =	simm.s32 $_size__tile_overlayer_lowered;
	s6 =	simm.s32 $_tile_overlayer_lowered  }
0x9b: {  	s22 =	simm.s32 $0x1BFF;
	s21 =	sshll.u32 s6, $0x1;
	s3 =	sadd.s32 s4, s19  }
0x9c: {  	s7 =	simm.s32 $0x0;
	s20 =	sshll.u32 s5, $0x1;
	s5 =	sadd.s32 s21, s3  }
0x9d: {  	[timem:s7], [sflag:s22] =	dma.local [hbm:s5], s20  }
0x9e: {  	_ =	swait.ge [sflag:s22], s20  }
0x9f: {  	s4 =	ssub.s32 $0x0, s20;
	[sflag:s22] =	ssyncset.done $0x0  }
0xa0: {  	[sflag:s22] =	ssyncadd.s32 s4;
	_ =	sdelay $0x1  }
0xa1: {  	s23 =	simm.s32 $0x1B8B  }
0xa2: {  	_ =	swait.ge [sflag:s23], $0x1  }
0xa3: {  	[sflag:s23] =	ssyncset.done $0x0  }
0xa4: {  	s25 =	simm.s32 $0x1B8E;
	s24 =	sld [smem:$0x3FFE];
	[sflag:s23] =	ssyncadd.s32 $0xFFFFFFFF  }
0xa5: {  	s26 =	simm.s32 $execute0_lowered;
	[smem:$0x3FD2] =	sst s25  }
0xa6: {  	s5 =	sshll.u32 s26, $0x1;
	_ =	strace $0x80000046;
	[dreg:$0x1] =	wrdreg $0xFFFFFFFF  }
0xa7: {  	s28 =	simm.s32 $_size_execute0_lowered;
	s3 =	sadd.s32 s3, s5;
	[dreg:$0x0] =	wrdreg $0x0  }
0xa8: {  	s5 =	sshll.u32 s28, $0x1;
	[dreg:$0x2] =	wrdreg s3  }
0xa9: {  	[dreg:$0x3] =	wrdreg s5  }
0xaa: {  	[dreg:$0x4] =	wrdreg $0xC0  }
0xab: {  	_ =	task [dreg:s7], $0x5FFFF  }
0xac: {  	[dreg:$0x1] =	wrdreg $0xFFFFFFFF  }
0xad: {  	[dreg:$0x0] =	wrdreg $0x60  }
0xae: {  	[dreg:$0x2] =	wrdreg s24  }
0xaf: {  	[dreg:$0x3] =	wrdreg s2  }
0xb0: {  	[dreg:$0x4] =	wrdreg $0x9  }
0xb1: {  	_ =	task.clear_ibuf [dreg:s7], $0x5FFFF;
	_ =	strace $0x90000046  }
0xb2: {  	s29 =	simm.s32 $0x9;
	_ =	strace $0x80000048  }
0xb3: {  	_ =	swait.ge [sflag:s29], $0x1  }
0xb4: {  	[sflag:s29] =	ssyncadd.s32 $0xFFFFFFFF  }
0xb5: {  	_ =	strace $0x90000048  }
0xb6: {  	_ =	sfence  }
0xb7: {  	s30 =	sld [smem:$0x0];
	_ =	sdelay $0x2  }
0xb8: {  	s31 =	sshll.u32 s1, $0xD;
	s1 =	sshrl.u32 s1, $0x2  }
0xb9: {  	s3 =	sand.u32 $0x4000, s31;
	s1 =	sadd.s32 s1, s30  }
0xba: {  	s0 =	sor.u32 s3, s0;
	s1 =	sshll.u32 s1, $0x11  }
0xbb: {  	s0 =	sor.u32 s1, s0  }
0xbc: {  	s0 =	sadd.s32 $0x8F2B, s0  }
0xbd: {  	[sflag:s0] =	ssyncadd.remote.s32 $0x1  }
0xbe: {  	_ =	sfence.sel $0xFFFF  }
0xbf: {  	[dreg:$0x0] =	wrdreg $0xFFFFFFFF;
	(pc) =	sbr.abs _section_cstart, $3  }
0xc0: {  	[dreg:$0x1] =	wrdreg $0xFFFFFFFF  }
0xc1: {  	_ =	task.clear_ibuf [dreg:s7], $0x2FFFF;
	_ =	strace $0x9FFFFFFF  }
0xc2: {  	(tm) =	ssettm $0x7FFFFFFF  }
0xc3: {  	_ =	shalt  }
tec
execute0_lowered:
.L_overlay_start_1:
0x0: {  	(tag) =	ssettag $0x1  }
0x1: {  	s0 =	rddreg [dreg:$0x0]  }
0x2: {  	s1 =	rddreg [dreg:$0x1]  }
0x3: {  	s2 =	srdreg.scid;
	s4 =	stileid.u32;
	s28 =	simm.s32 $0x4  }
0x4: {  	s29 =	simm.s32 $0x0;
	s3 =	sand.u32 $0x1, s2;
	s2 =	simm.s32 $0x0  }
0x5: {  	s4 =	sshll.u32 s4, $0xB;
	s5 =	sshll.u32 s3, $0xA;
	[smem:$0x7FF] =	sst s2  }
0x6: {  	s23 =	ssub.s32 $0x2, s3;
	s3 =	sadd.s32 $0x1200, s0;
	s4 =	sor.u32 s5, s4  }
0x7: {  	_ =	strace $0x80000047;
	s7 =	sshrl.u32 s23, $0x1;
	s6 =	sshrl.u32 s4, $0x2  }
0x8: {  	s4 =	sshrl.u32 s4, $0x3;
	s23 =	ssub.s32 s23, s7;
	s7 =	sadd.s32 $0x1400, s0  }
0x9: {  	s8 =	smul.u32 $0x180, s6;
	s4 =	sadd.s32 s4, s0;
	s31 =	smax.u32 s23, $0x1  }
0xa: {  	s24 =	smul.u32 $0xC00, s6;
	s4 =	sadd.s32 $0x49200, s4;
	[dreg:$0x6] =	wrdreg s31  }
0xb: {  	s6 =	sadd.s32 $0x1300, s0;
	s23 =	simm.s32 $0x200;
	[dreg:$0x3] =	wrdreg s4  }
0xc: {  	s5 =	sadd.s32 s1, s8;
	s30 =	sshrl.u32 s24, $0x3;
	s4 =	simm.s32 $0x1  }
0xd: {  	s24 =	simm.s32 $0x3;
	s25 =	sadd.s32 $0x1800, s5;
	s26 =	sadd.s32 $0x3000, s5  }
0xe: {  	s10 =	sadd.s32 $0x4800, s5;
	s11 =	sadd.s32 $0x6000, s5;
	[dreg:$0x4] =	wrdreg s25  }
0xf: {  	s12 =	sadd.s32 $0x7800, s5;
	s0 =	sadd.s32 s1, s30;
	[dreg:$0x5] =	wrdreg s26  }
0x10: {  	s13 =	sadd.s32 $0x9000, s0;
	s14 =	sadd.s32 $0xA800, s0;
	s15 =	sadd.s32 $0xC000, s0  }
0x11: {  	v2 =	vlaneseq.u32;
	s16 =	sadd.s32 $0xD800, s0;
	s17 =	sadd.s32 $0xF000, s0;
	s18 =	sadd.s32 $0x10800, s0  }
0x12: {  	vm0 =	vmmov $0xffff;
	v1 =	vshrl.u32 v2, $0x3;
	s19 =	sadd.s32 $0x12000, s0;
	s20 =	sadd.s32 $0x13800, s0;
	s21 =	sadd.s32 $0x15000, s0  }
0x13: {  	v0 =	vand.u32 $0x7, v2;
	v2 =	vor.u32 $0x8, v2;
	v1 =	vmul.u32 $0x8, v1;
	s22 =	sadd.s32 $0x16800, s0;
	s26 =	simm.s32 $0xC00;
	s25 =	simm.s32 $0x2  }
.LBB2_1:
0x14: {  	s0 =	rddreg [dreg:$0x3];
	s8 =	simm.s32 $0x5  }
0x15: {  	[tilespmem:s2], [sflag:$0x5] =	stream.linear.gather [hbm4b:s0+s2], $0x400, $0x38;
	[tilespmem:$0x18400] =	vst v63  }
0x16: {  	_ =	swait.ge [sflag:s8], $0x400  }
0x17: {  	[sflag:s8] =	ssyncset.done $0x0  }
0x18: {  	[sflag:s8] =	ssyncadd.s32 $0xFFFFFC00  }
0x19: {  	v3 =	vld [tilespmem:$0x0];
	_ =	sdelay $0x4  }
0x1a: {  	v4 =	vshrl.u32 v3, $0x3  }
0x1b: {  	v4 =	vmul.u32 $0x30, v4  }
0x1c: {  	v3 =	vand.u32 $0x7, v3  }
0x1d: {  	v3 =	vor.u32 v3, v4  }
0x1e: {  	v4 =	vperm.xlane v3, v0;
	_ =	sdelay $0x1  }
0x1f: {  	v4 =	vadd.s32 v1, v4;
	_ =	sdelay $0x3  }
0x20: {  	s9 =	simm.s32 $0x400;
	v3 =	vperm.xlane v3, v2  }
0x21: {  	[tilespmem:s9], [sflag:$0x1] =	stream.indirect_vreg.gather [hbm4b:s3+s2], $0x80, v4, vm0, $0xb8;
	[tilespmem:$0x18400] =	vst v63  }
0x22: {  	v3 =	vadd.s32 v1, v3  }
0x23: {  	[tilespmem:s26], [sflag:$0x1] =	stream.indirect_vreg.gather [hbm4b:s6+s2], $0x80, v4, vm0, $0xb8;
	[tilespmem:$0x18400] =	vst v63  }
0x24: {  	s1 =	simm.s32 $0x1400  }
0x25: {  	[tilespmem:s1], [sflag:$0x1] =	stream.indirect_vreg.gather [hbm4b:s7+s2], $0x80, v4, vm0, $0xb8;
	[tilespmem:$0x18400] =	vst v63  }
0x26: {  	s8 =	simm.s32 $0x1C00  }
0x27: {  	[tilespmem:s8], [sflag:$0x1] =	stream.indirect_vreg.gather [hbm4b:s3+s2], $0x80, v3, vm0, $0xb8;
	[tilespmem:$0x18400] =	vst v63  }
0x28: {  	s9 =	simm.s32 $0x2400  }
0x29: {  	[tilespmem:s9], [sflag:$0x1] =	stream.indirect_vreg.gather [hbm4b:s6+s2], $0x80, v3, vm0, $0xb8;
	[tilespmem:$0x18400] =	vst v63  }
0x2a: {  	s1 =	simm.s32 $0x2C00  }
0x2b: {  	[tilespmem:s1], [sflag:$0x1] =	stream.indirect_vreg.gather [hbm4b:s7+s2], $0x80, v3, vm0, $0xb8;
	[tilespmem:$0x18400] =	vst v63  }
0x2c: {  	v3 =	vld [tilespmem:$0x10];
	_ =	sdelay $0x4  }
0x2d: {  	v57 =	vshrl.u32 v3, $0x3  }
0x2e: {  	v4 =	vmul.u32 $0x30, v57  }
0x2f: {  	v3 =	vand.u32 $0x7, v3  }
0x30: {  	v3 =	vor.u32 v3, v4  }
0x31: {  	v4 =	vperm.xlane v3, v0;
	_ =	sdelay $0x1  }
0x32: {  	v4 =	vadd.s32 v1, v4;
	_ =	sdelay $0x3  }
0x33: {  	s8 =	simm.s32 $0x3400;
	v3 =	vperm.xlane v3, v2  }
0x34: {  	[tilespmem:s8], [sflag:$0x1] =	stream.indirect_vreg.gather [hbm4b:s3+s2], $0x80, v4, vm0, $0xb8;
	[tilespmem:$0x18400] =	vst v63  }
0x35: {  	s9 =	simm.s32 $0x3C00;
	v3 =	vadd.s32 v1, v3  }
0x36: {  	[tilespmem:s9], [sflag:$0x1] =	stream.indirect_vreg.gather [hbm4b:s6+s2], $0x80, v4, vm0, $0xb8;
	[tilespmem:$0x18400] =	vst v63  }
0x37: {  	s1 =	simm.s32 $0x4400  }
0x38: {  	[tilespmem:s1], [sflag:$0x1] =	stream.indirect_vreg.gather [hbm4b:s7+s2], $0x80, v4, vm0, $0xb8;
	[tilespmem:$0x18400] =	vst v63  }
0x39: {  	s8 =	simm.s32 $0x4C00  }
0x3a: {  	[tilespmem:s8], [sflag:$0x1] =	stream.indirect_vreg.gather [hbm4b:s3+s2], $0x80, v3, vm0, $0xb8;
	[tilespmem:$0x18400] =	vst v63  }
0x3b: {  	s9 =	simm.s32 $0x5400  }
0x3c: {  	[tilespmem:s9], [sflag:$0x1] =	stream.indirect_vreg.gather [hbm4b:s6+s2], $0x80, v3, vm0, $0xb8;
	[tilespmem:$0x18400] =	vst v63  }
0x3d: {  	s1 =	simm.s32 $0x5C00  }
0x3e: {  	[tilespmem:s1], [sflag:$0x1] =	stream.indirect_vreg.gather [hbm4b:s7+s2], $0x80, v3, vm0, $0xb8;
	[tilespmem:$0x18400] =	vst v63  }
0x3f: {  	v3 =	vld [tilespmem:$0x20];
	_ =	sdelay $0x4  }
0x40: {  	v58 =	vshrl.u32 v3, $0x3  }
0x41: {  	v4 =	vmul.u32 $0x30, v58  }
0x42: {  	v3 =	vand.u32 $0x7, v3  }
0x43: {  	v3 =	vor.u32 v3, v4  }
0x44: {  	v4 =	vperm.xlane v3, v0;
	_ =	sdelay $0x1  }
0x45: {  	v4 =	vadd.s32 v1, v4;
	_ =	sdelay $0x3  }
0x46: {  	s8 =	simm.s32 $0x6400;
	v3 =	vperm.xlane v3, v2  }
0x47: {  	[tilespmem:s8], [sflag:$0x1] =	stream.indirect_vreg.gather [hbm4b:s3+s2], $0x80, v4, vm0, $0xb8;
	[tilespmem:$0x18400] =	vst v63  }
0x48: {  	s9 =	simm.s32 $0x6C00;
	v3 =	vadd.s32 v1, v3  }
0x49: {  	[tilespmem:s9], [sflag:$0x1] =	stream.indirect_vreg.gather [hbm4b:s6+s2], $0x80, v4, vm0, $0xb8;
	[tilespmem:$0x18400] =	vst v63  }
0x4a: {  	s1 =	simm.s32 $0x7400  }
0x4b: {  	[tilespmem:s1], [sflag:$0x1] =	stream.indirect_vreg.gather [hbm4b:s7+s2], $0x80, v4, vm0, $0xb8;
	[tilespmem:$0x18400] =	vst v63  }
0x4c: {  	s8 =	simm.s32 $0x7C00  }
0x4d: {  	[tilespmem:s8], [sflag:$0x1] =	stream.indirect_vreg.gather [hbm4b:s3+s2], $0x80, v3, vm0, $0xb8;
	[tilespmem:$0x18400] =	vst v63  }
0x4e: {  	s9 =	simm.s32 $0x8400  }
0x4f: {  	[tilespmem:s9], [sflag:$0x1] =	stream.indirect_vreg.gather [hbm4b:s6+s2], $0x80, v3, vm0, $0xb8;
	[tilespmem:$0x18400] =	vst v63  }
0x50: {  	s1 =	simm.s32 $0x8C00  }
0x51: {  	[tilespmem:s1], [sflag:$0x1] =	stream.indirect_vreg.gather [hbm4b:s7+s2], $0x80, v3, vm0, $0xb8;
	[tilespmem:$0x18400] =	vst v63  }
0x52: {  	v3 =	vld [tilespmem:$0x30];
	_ =	sdelay $0x4  }
0x53: {  	v59 =	vshrl.u32 v3, $0x3  }
0x54: {  	v4 =	vmul.u32 $0x30, v59  }
0x55: {  	v3 =	vand.u32 $0x7, v3  }
0x56: {  	v3 =	vor.u32 v3, v4  }
0x57: {  	v4 =	vperm.xlane v3, v0;
	_ =	sdelay $0x1  }
0x58: {  	v4 =	vadd.s32 v1, v4;
	_ =	sdelay $0x3  }
0x59: {  	s8 =	simm.s32 $0x9400;
	v3 =	vperm.xlane v3, v2  }
0x5a: {  	[tilespmem:s8], [sflag:$0x1] =	stream.indirect_vreg.gather [hbm4b:s3+s2], $0x80, v4, vm0, $0xb8;
	[tilespmem:$0x18400] =	vst v63  }
0x5b: {  	s9 =	simm.s32 $0x9C00;
	v3 =	vadd.s32 v1, v3  }
0x5c: {  	[tilespmem:s9], [sflag:$0x1] =	stream.indirect_vreg.gather [hbm4b:s6+s2], $0x80, v4, vm0, $0xb8;
	[tilespmem:$0x18400] =	vst v63  }
0x5d: {  	s1 =	simm.s32 $0xA400  }
0x5e: {  	[tilespmem:s1], [sflag:$0x1] =	stream.indirect_vreg.gather [hbm4b:s7+s2], $0x80, v4, vm0, $0xb8;
	[tilespmem:$0x18400] =	vst v63  }
0x5f: {  	s8 =	simm.s32 $0xAC00  }
0x60: {  	[tilespmem:s8], [sflag:$0x1] =	stream.indirect_vreg.gather [hbm4b:s3+s2], $0x80, v3, vm0, $0xb8;
	[tilespmem:$0x18400] =	vst v63  }
0x61: {  	s9 =	simm.s32 $0xB400  }
0x62: {  	[tilespmem:s9], [sflag:$0x1] =	stream.indirect_vreg.gather [hbm4b:s6+s2], $0x80, v3, vm0, $0xb8;
	[tilespmem:$0x18400] =	vst v63  }
0x63: {  	s1 =	simm.s32 $0xBC00  }
0x64: {  	[tilespmem:s1], [sflag:$0x1] =	stream.indirect_vreg.gather [hbm4b:s7+s2], $0x80, v3, vm0, $0xb8;
	[tilespmem:$0x18400] =	vst v63  }
0x65: {  	v3 =	vld [tilespmem:$0x40];
	_ =	sdelay $0x4  }
0x66: {  	v60 =	vshrl.u32 v3, $0x3  }
0x67: {  	v4 =	vmul.u32 $0x30, v60  }
0x68: {  	v3 =	vand.u32 $0x7, v3  }
0x69: {  	v3 =	vor.u32 v3, v4  }
0x6a: {  	v4 =	vperm.xlane v3, v0;
	_ =	sdelay $0x1  }
0x6b: {  	v4 =	vadd.s32 v1, v4;
	_ =	sdelay $0x3  }
0x6c: {  	s8 =	simm.s32 $0xC400;
	v3 =	vperm.xlane v3, v2  }
0x6d: {  	[tilespmem:s8], [sflag:$0x2] =	stream.indirect_vreg.gather [hbm4b:s3+s2], $0x80, v4, vm0, $0xb8;
	[tilespmem:$0x18400] =	vst v63  }
0x6e: {  	s9 =	simm.s32 $0xCC00;
	v3 =	vadd.s32 v1, v3  }
0x6f: {  	[tilespmem:s9], [sflag:$0x2] =	stream.indirect_vreg.gather [hbm4b:s6+s2], $0x80, v4, vm0, $0xb8;
	[tilespmem:$0x18400] =	vst v63  }
0x70: {  	s1 =	simm.s32 $0xD400  }
0x71: {  	[tilespmem:s1], [sflag:$0x2] =	stream.indirect_vreg.gather [hbm4b:s7+s2], $0x80, v4, vm0, $0xb8;
	[tilespmem:$0x18400] =	vst v63  }
0x72: {  	s8 =	simm.s32 $0xDC00  }
0x73: {  	[tilespmem:s8], [sflag:$0x2] =	stream.indirect_vreg.gather [hbm4b:s3+s2], $0x80, v3, vm0, $0xb8;
	[tilespmem:$0x18400] =	vst v63  }
0x74: {  	s9 =	simm.s32 $0xE400  }
0x75: {  	[tilespmem:s9], [sflag:$0x2] =	stream.indirect_vreg.gather [hbm4b:s6+s2], $0x80, v3, vm0, $0xb8;
	[tilespmem:$0x18400] =	vst v63  }
0x76: {  	s1 =	simm.s32 $0xEC00  }
0x77: {  	[tilespmem:s1], [sflag:$0x2] =	stream.indirect_vreg.gather [hbm4b:s7+s2], $0x80, v3, vm0, $0xb8;
	[tilespmem:$0x18400] =	vst v63  }
0x78: {  	v3 =	vld [tilespmem:$0x50];
	_ =	sdelay $0x4  }
0x79: {  	v61 =	vshrl.u32 v3, $0x3  }
0x7a: {  	v4 =	vmul.u32 $0x30, v61  }
0x7b: {  	v3 =	vand.u32 $0x7, v3  }
0x7c: {  	v3 =	vor.u32 v3, v4  }
0x7d: {  	v4 =	vperm.xlane v3, v0;
	_ =	sdelay $0x1  }
0x7e: {  	v4 =	vadd.s32 v1, v4;
	_ =	sdelay $0x3  }
0x7f: {  	s8 =	simm.s32 $0xF400;
	v3 =	vperm.xlane v3, v2  }
0x80: {  	[tilespmem:s8], [sflag:$0x2] =	stream.indirect_vreg.gather [hbm4b:s3+s2], $0x80, v4, vm0, $0xb8;
	[tilespmem:$0x18400] =	vst v63  }
0x81: {  	s9 =	simm.s32 $0xFC00;
	v3 =	vadd.s32 v1, v3  }
0x82: {  	[tilespmem:s9], [sflag:$0x2] =	stream.indirect_vreg.gather [hbm4b:s6+s2], $0x80, v4, vm0, $0xb8;
	[tilespmem:$0x18400] =	vst v63  }
0x83: {  	s1 =	simm.s32 $0x10400  }
0x84: {  	[tilespmem:s1], [sflag:$0x2] =	stream.indirect_vreg.gather [hbm4b:s7+s2], $0x80, v4, vm0, $0xb8;
	[tilespmem:$0x18400] =	vst v63  }
0x85: {  	s8 =	simm.s32 $0x10C00  }
0x86: {  	[tilespmem:s8], [sflag:$0x2] =	stream.indirect_vreg.gather [hbm4b:s3+s2], $0x80, v3, vm0, $0xb8;
	[tilespmem:$0x18400] =	vst v63  }
0x87: {  	s9 =	simm.s32 $0x11400  }
0x88: {  	[tilespmem:s9], [sflag:$0x2] =	stream.indirect_vreg.gather [hbm4b:s6+s2], $0x80, v3, vm0, $0xb8;
	[tilespmem:$0x18400] =	vst v63  }
0x89: {  	s1 =	simm.s32 $0x11C00  }
0x8a: {  	[tilespmem:s1], [sflag:$0x2] =	stream.indirect_vreg.gather [hbm4b:s7+s2], $0x80, v3, vm0, $0xb8;
	[tilespmem:$0x18400] =	vst v63  }
0x8b: {  	v3 =	vld [tilespmem:$0x60];
	_ =	sdelay $0x4  }
0x8c: {  	v62 =	vshrl.u32 v3, $0x3  }
0x8d: {  	v4 =	vmul.u32 $0x30, v62  }
0x8e: {  	v3 =	vand.u32 $0x7, v3  }
0x8f: {  	v3 =	vor.u32 v3, v4  }
0x90: {  	v4 =	vperm.xlane v3, v0;
	_ =	sdelay $0x1  }
0x91: {  	v4 =	vadd.s32 v1, v4;
	_ =	sdelay $0x3  }
0x92: {  	s8 =	simm.s32 $0x12400;
	v3 =	vperm.xlane v3, v2  }
0x93: {  	[tilespmem:s8], [sflag:$0x2] =	stream.indirect_vreg.gather [hbm4b:s3+s2], $0x80, v4, vm0, $0xb8;
	[tilespmem:$0x18400] =	vst v63  }
0x94: {  	s9 =	simm.s32 $0x12C00;
	v3 =	vadd.s32 v1, v3  }
0x95: {  	[tilespmem:s9], [sflag:$0x2] =	stream.indirect_vreg.gather [hbm4b:s6+s2], $0x80, v4, vm0, $0xb8;
	[tilespmem:$0x18400] =	vst v63  }
0x96: {  	s1 =	simm.s32 $0x13400  }
0x97: {  	[tilespmem:s1], [sflag:$0x2] =	stream.indirect_vreg.gather [hbm4b:s7+s2], $0x80, v4, vm0, $0xb8;
	[tilespmem:$0x18400] =	vst v63  }
0x98: {  	s8 =	simm.s32 $0x13C00  }
0x99: {  	[tilespmem:s8], [sflag:$0x2] =	stream.indirect_vreg.gather [hbm4b:s3+s2], $0x80, v3, vm0, $0xb8;
	[tilespmem:$0x18400] =	vst v63  }
0x9a: {  	s9 =	simm.s32 $0x14400  }
0x9b: {  	[tilespmem:s9], [sflag:$0x2] =	stream.indirect_vreg.gather [hbm4b:s6+s2], $0x80, v3, vm0, $0xb8;
	[tilespmem:$0x18400] =	vst v63  }
0x9c: {  	s1 =	simm.s32 $0x14C00  }
0x9d: {  	[tilespmem:s1], [sflag:$0x2] =	stream.indirect_vreg.gather [hbm4b:s7+s2], $0x80, v3, vm0, $0xb8;
	[tilespmem:$0x18400] =	vst v63  }
0x9e: {  	v3 =	vld [tilespmem:$0x70];
	_ =	sdelay $0x4  }
0x9f: {  	v63 =	vshrl.u32 v3, $0x3  }
0xa0: {  	v4 =	vmul.u32 $0x30, v63  }
0xa1: {  	v3 =	vand.u32 $0x7, v3  }
0xa2: {  	v3 =	vor.u32 v3, v4  }
0xa3: {  	v4 =	vperm.xlane v3, v0;
	_ =	sdelay $0x1  }
0xa4: {  	v4 =	vadd.s32 v1, v4;
	_ =	sdelay $0x3  }
0xa5: {  	s8 =	simm.s32 $0x15400;
	v3 =	vperm.xlane v3, v2  }
0xa6: {  	[tilespmem:s8], [sflag:$0x2] =	stream.indirect_vreg.gather [hbm4b:s3+s2], $0x80, v4, vm0, $0xb8;
	[tilespmem:$0x18400] =	vst v63  }
0xa7: {  	s9 =	simm.s32 $0x15C00;
	v3 =	vadd.s32 v1, v3  }
0xa8: {  	[tilespmem:s9], [sflag:$0x2] =	stream.indirect_vreg.gather [hbm4b:s6+s2], $0x80, v4, vm0, $0xb8;
	[tilespmem:$0x18400] =	vst v63  }
0xa9: {  	s1 =	simm.s32 $0x16400  }
0xaa: {  	[tilespmem:s1], [sflag:$0x2] =	stream.indirect_vreg.gather [hbm4b:s7+s2], $0x80, v4, vm0, $0xb8;
	[tilespmem:$0x18400] =	vst v63  }
0xab: {  	s8 =	simm.s32 $0x16C00  }
0xac: {  	[tilespmem:s8], [sflag:$0x2] =	stream.indirect_vreg.gather [hbm4b:s3+s2], $0x80, v3, vm0, $0xb8;
	[tilespmem:$0x18400] =	vst v63  }
0xad: {  	s9 =	simm.s32 $0x17400  }
0xae: {  	[tilespmem:s9], [sflag:$0x2] =	stream.indirect_vreg.gather [hbm4b:s6+s2], $0x80, v3, vm0, $0xb8;
	[tilespmem:$0x18400] =	vst v63  }
0xaf: {  	s1 =	simm.s32 $0x17C00  }
0xb0: {  	[tilespmem:s1], [sflag:$0x2] =	stream.indirect_vreg.gather [hbm4b:s7+s2], $0x80, v3, vm0, $0xb8;
	[tilespmem:$0x18400] =	vst v63  }
0xb1: {  	_ =	swait.ge [sflag:s4], $0xC000  }
0xb2: {  	[sflag:s4] =	ssyncset.done $0x0  }
0xb3: {  	s8 =	simm.s32 $0x400;
	[sflag:s4] =	ssyncadd.s32 $0xFFFF4000  }
0xb4: {  	[hbm4b:s5+s23] =	stream.strided.scatter [tilespmem:s8], [sflag:$0x3], $0x400, s26, s23, $0x38;
	[tilespmem:$0x18400] =	vst v63  }
0xb5: {  	s9 =	simm.s32 $0x800;
	s1 =	sadd.s32 $0x40, s5  }
0xb6: {  	[hbm4b:s1+s23] =	stream.strided.scatter [tilespmem:s9], [sflag:$0x3], $0x400, s26, s23, $0x38;
	[tilespmem:$0x18400] =	vst v63  }
0xb7: {  	s8 =	simm.s32 $0xC00;
	s9 =	sadd.s32 $0x80, s5  }
0xb8: {  	[hbm4b:s9+s23] =	stream.strided.scatter [tilespmem:s8], [sflag:$0x3], $0x400, s26, s23, $0x38;
	[tilespmem:$0x18400] =	vst v63  }
0xb9: {  	s30 =	simm.s32 $0x1800;
	s8 =	simm.s32 $0x1000;
	s9 =	sadd.s32 $0xC0, s5  }
0xba: {  	[hbm4b:s9+s23] =	stream.strided.scatter [tilespmem:s8], [sflag:$0x3], $0x400, s26, s23, $0x38;
	[tilespmem:$0x18400] =	vst v63  }
0xbb: {  	s31 =	sadd.s32 $0x300, s5;
	s8 =	simm.s32 $0x1400;
	s9 =	sadd.s32 $0x100, s5  }
0xbc: {  	[hbm4b:s9+s23] =	stream.strided.scatter [tilespmem:s8], [sflag:$0x3], $0x400, s26, s23, $0x38;
	[tilespmem:$0x18400] =	vst v63  }
0xbd: {  	s0 =	simm.s32 $0xC000;
	s1 =	simm.s32 $0x1800;
	s8 =	sadd.s32 $0x140, s5  }
.LBB2_2:
0xbe: {  	[hbm4b:s8+s23] =	stream.strided.scatter [tilespmem:s1], [sflag:$0x3], $0x400, s26, s23, $0x38;
	[tilespmem:$0x18400] =	vst v63  }
0xbf: {  	s1 =	smov.u32 s30;
	s8 =	smov.u32 s0  }
0xc0: {  	s9 =	sadd.s32 $0x6000, s0;
	s30 =	sshra.s32 s8, $0x2;
	s8 =	sadd.s32 $0x400, s1  }
0xc1: {  	[hbm4b:s31+s23] =	stream.strided.scatter [tilespmem:s8], [sflag:$0x3], $0x400, s26, s23, $0x38;
	[tilespmem:$0x18400] =	vst v63  }
0xc2: {  	p0 =	sne.s32 s0, $0x2A000;
	s0 =	sadd.s32 $0x800, s1;
	s8 =	sadd.s32 $0x40, s31  }
0xc3: {  	[hbm4b:s8+s23] =	stream.strided.scatter [tilespmem:s0], [sflag:$0x3], $0x400, s26, s23, $0x38;
	[tilespmem:$0x18400] =	vst v63  }
0xc4: {  	s0 =	sadd.s32 $0xC00, s1;
	s8 =	sadd.s32 $0x80, s31  }
0xc5: {  	[hbm4b:s8+s23] =	stream.strided.scatter [tilespmem:s0], [sflag:$0x3], $0x400, s26, s23, $0x38;
	[tilespmem:$0x18400] =	vst v63  }
.Ltmp0:
0xc6: {  	s0 =	sadd.s32 $0x1000, s1;
	s8 =	sadd.s32 $0xC0, s31;
	(pc) =	sbr.rel @p0 .LBB2_2-.Ltmp0, $4  }
0xc7: {  	[hbm4b:s8+s23] =	stream.strided.scatter [tilespmem:s0], [sflag:$0x3], $0x400, s26, s23, $0x38;
	[tilespmem:$0x18400] =	vst v63  }
0xc8: {  	s0 =	sadd.s32 $0x1400, s1;
	s8 =	sadd.s32 $0x100, s31;
	s1 =	sadd.s32 $0x1800, s1  }
0xc9: {  	[hbm4b:s8+s23] =	stream.strided.scatter [tilespmem:s0], [sflag:$0x3], $0x400, s26, s23, $0x38;
	[tilespmem:$0x18400] =	vst v63  }
0xca: {  	s8 =	sadd.s32 $0x140, s31;
	s31 =	sadd.s32 $0x300, s31;
	s0 =	smov.u32 s9  }
0xcb: {  	[hbm4b:s8+s23] =	stream.strided.scatter [tilespmem:s1], [sflag:$0x3], $0x400, s26, s23, $0x38;
	[tilespmem:$0x18400] =	vst v63  }
0xcc: {  	s0 =	sadd.s32 $0x400, s30  }
0xcd: {  	[hbm4b:s31+s23] =	stream.strided.scatter [tilespmem:s0], [sflag:$0x3], $0x400, s26, s23, $0x38;
	[tilespmem:$0x18400] =	vst v63  }
0xce: {  	s8 =	sadd.s32 $0x800, s30;
	s9 =	sadd.s32 $0x40, s31  }
0xcf: {  	[hbm4b:s9+s23] =	stream.strided.scatter [tilespmem:s8], [sflag:$0x3], $0x400, s26, s23, $0x38;
	[tilespmem:$0x18400] =	vst v63  }
0xd0: {  	s8 =	sadd.s32 $0xC00, s30;
	s9 =	sadd.s32 $0x80, s31  }
0xd1: {  	[hbm4b:s9+s23] =	stream.strided.scatter [tilespmem:s8], [sflag:$0x3], $0x400, s26, s23, $0x38;
	[tilespmem:$0x18400] =	vst v63  }
0xd2: {  	s8 =	sadd.s32 $0x1000, s30;
	s9 =	sadd.s32 $0xC0, s31  }
0xd3: {  	[hbm4b:s9+s23] =	stream.strided.scatter [tilespmem:s8], [sflag:$0x3], $0x400, s26, s23, $0x38;
	[tilespmem:$0x18400] =	vst v63  }
0xd4: {  	s8 =	sadd.s32 $0x1400, s30;
	s9 =	sadd.s32 $0x100, s31  }
0xd5: {  	[hbm4b:s9+s23] =	stream.strided.scatter [tilespmem:s8], [sflag:$0x3], $0x400, s26, s23, $0x38;
	[tilespmem:$0x18400] =	vst v63  }
0xd6: {  	s1 =	sadd.s32 $0x1800, s30;
	s8 =	sadd.s32 $0x140, s31  }
0xd7: {  	[hbm4b:s8+s23] =	stream.strided.scatter [tilespmem:s1], [sflag:$0x3], $0x400, s26, s23, $0x38;
	[tilespmem:$0x18400] =	vst v63  }
0xd8: {  	_ =	swait.ge [sflag:s24], $0xC000  }
0xd9: {  	[sflag:s24] =	ssyncset.done $0x0  }
0xda: {  	[sflag:s24] =	ssyncadd.s32 $0xFFFF4000  }
0xdb: {  	v3 =	vld [tilespmem:$0x80];
	_ =	sdelay $0x4  }
0xdc: {  	v4 =	vshrl.u32 v3, $0x3  }
0xdd: {  	v4 =	vmul.u32 $0x30, v4  }
0xde: {  	v3 =	vand.u32 $0x7, v3  }
0xdf: {  	v3 =	vor.u32 v3, v4  }
0xe0: {  	v4 =	vperm.xlane v3, v0;
	_ =	sdelay $0x1  }
0xe1: {  	v4 =	vadd.s32 v1, v4;
	_ =	sdelay $0x3  }
0xe2: {  	s0 =	simm.s32 $0x0;
	s9 =	simm.s32 $0x400;
	v3 =	vperm.xlane v3, v2  }
0xe3: {  	[tilespmem:s9], [sflag:$0x1] =	stream.indirect_vreg.gather [hbm4b:s3+s0], $0x80, v4, vm0, $0xb8;
	[tilespmem:$0x18400] =	vst v63  }
0xe4: {  	v3 =	vadd.s32 v1, v3  }
0xe5: {  	[tilespmem:s26], [sflag:$0x1] =	stream.indirect_vreg.gather [hbm4b:s6+s0], $0x80, v4, vm0, $0xb8;
	[tilespmem:$0x18400] =	vst v63  }
0xe6: {  	s8 =	simm.s32 $0x1400  }
0xe7: {  	[tilespmem:s8], [sflag:$0x1] =	stream.indirect_vreg.gather [hbm4b:s7+s0], $0x80, v4, vm0, $0xb8;
	[tilespmem:$0x18400] =	vst v63  }
0xe8: {  	s9 =	simm.s32 $0x1C00  }
0xe9: {  	[tilespmem:s9], [sflag:$0x1] =	stream.indirect_vreg.gather [hbm4b:s3+s0], $0x80, v3, vm0, $0xb8;
	[tilespmem:$0x18400] =	vst v63  }
0xea: {  	s8 =	simm.s32 $0x2400  }
0xeb: {  	[tilespmem:s8], [sflag:$0x1] =	stream.indirect_vreg.gather [hbm4b:s6+s0], $0x80, v3, vm0, $0xb8;
	[tilespmem:$0x18400] =	vst v63  }
0xec: {  	s9 =	simm.s32 $0x2C00  }
0xed: {  	[tilespmem:s9], [sflag:$0x1] =	stream.indirect_vreg.gather [hbm4b:s7+s0], $0x80, v3, vm0, $0xb8;
	[tilespmem:$0x18400] =	vst v63  }
0xee: {  	v3 =	vld [tilespmem:$0x90];
	_ =	sdelay $0x4  }
0xef: {  	v61 =	vshrl.u32 v3, $0x3  }
0xf0: {  	v4 =	vmul.u32 $0x30, v61  }
0xf1: {  	v3 =	vand.u32 $0x7, v3  }
0xf2: {  	v3 =	vor.u32 v3, v4  }
0xf3: {  	v4 =	vperm.xlane v3, v0;
	_ =	sdelay $0x1  }
0xf4: {  	v4 =	vadd.s32 v1, v4;
	_ =	sdelay $0x3  }
0xf5: {  	s8 =	simm.s32 $0x3400;
	v3 =	vperm.xlane v3, v2  }
0xf6: {  	[tilespmem:s8], [sflag:$0x1] =	stream.indirect_vreg.gather [hbm4b:s3+s0], $0x80, v4, vm0, $0xb8;
	[tilespmem:$0x18400] =	vst v63  }
0xf7: {  	s9 =	simm.s32 $0x3C00;
	v3 =	vadd.s32 v1, v3  }
0xf8: {  	[tilespmem:s9], [sflag:$0x1] =	stream.indirect_vreg.gather [hbm4b:s6+s0], $0x80, v4, vm0, $0xb8;
	[tilespmem:$0x18400] =	vst v63  }
0xf9: {  	s8 =	simm.s32 $0x4400  }
0xfa: {  	[tilespmem:s8], [sflag:$0x1] =	stream.indirect_vreg.gather [hbm4b:s7+s0], $0x80, v4, vm0, $0xb8;
	[tilespmem:$0x18400] =	vst v63  }
0xfb: {  	s9 =	simm.s32 $0x4C00  }
0xfc: {  	[tilespmem:s9], [sflag:$0x1] =	stream.indirect_vreg.gather [hbm4b:s3+s0], $0x80, v3, vm0, $0xb8;
	[tilespmem:$0x18400] =	vst v63  }
0xfd: {  	s8 =	simm.s32 $0x5400  }
0xfe: {  	[tilespmem:s8], [sflag:$0x1] =	stream.indirect_vreg.gather [hbm4b:s6+s0], $0x80, v3, vm0, $0xb8;
	[tilespmem:$0x18400] =	vst v63  }
0xff: {  	s9 =	simm.s32 $0x5C00  }
0x100: {  	[tilespmem:s9], [sflag:$0x1] =	stream.indirect_vreg.gather [hbm4b:s7+s0], $0x80, v3, vm0, $0xb8;
	[tilespmem:$0x18400] =	vst v63  }
0x101: {  	v3 =	vld [tilespmem:$0xA0];
	_ =	sdelay $0x4  }
0x102: {  	v62 =	vshrl.u32 v3, $0x3  }
0x103: {  	v4 =	vmul.u32 $0x30, v62  }
0x104: {  	v3 =	vand.u32 $0x7, v3  }
0x105: {  	v3 =	vor.u32 v3, v4  }
0x106: {  	v4 =	vperm.xlane v3, v0;
	_ =	sdelay $0x1  }
0x107: {  	v4 =	vadd.s32 v1, v4;
	_ =	sdelay $0x3  }
0x108: {  	s8 =	simm.s32 $0x6400;
	v3 =	vperm.xlane v3, v2  }
0x109: {  	[tilespmem:s8], [sflag:$0x1] =	stream.indirect_vreg.gather [hbm4b:s3+s0], $0x80, v4, vm0, $0xb8;
	[tilespmem:$0x18400] =	vst v63  }
0x10a: {  	s9 =	simm.s32 $0x6C00;
	v3 =	vadd.s32 v1, v3  }
0x10b: {  	[tilespmem:s9], [sflag:$0x1] =	stream.indirect_vreg.gather [hbm4b:s6+s0], $0x80, v4, vm0, $0xb8;
	[tilespmem:$0x18400] =	vst v63  }
0x10c: {  	s8 =	simm.s32 $0x7400  }
0x10d: {  	[tilespmem:s8], [sflag:$0x1] =	stream.indirect_vreg.gather [hbm4b:s7+s0], $0x80, v4, vm0, $0xb8;
	[tilespmem:$0x18400] =	vst v63  }
0x10e: {  	s9 =	simm.s32 $0x7C00  }
0x10f: {  	[tilespmem:s9], [sflag:$0x1] =	stream.indirect_vreg.gather [hbm4b:s3+s0], $0x80, v3, vm0, $0xb8;
	[tilespmem:$0x18400] =	vst v63  }
0x110: {  	s8 =	simm.s32 $0x8400  }
0x111: {  	[tilespmem:s8], [sflag:$0x1] =	stream.indirect_vreg.gather [hbm4b:s6+s0], $0x80, v3, vm0, $0xb8;
	[tilespmem:$0x18400] =	vst v63  }
0x112: {  	s9 =	simm.s32 $0x8C00  }
0x113: {  	[tilespmem:s9], [sflag:$0x1] =	stream.indirect_vreg.gather [hbm4b:s7+s0], $0x80, v3, vm0, $0xb8;
	[tilespmem:$0x18400] =	vst v63  }
0x114: {  	v3 =	vld [tilespmem:$0xB0];
	_ =	sdelay $0x4  }
0x115: {  	v63 =	vshrl.u32 v3, $0x3  }
0x116: {  	v4 =	vmul.u32 $0x30, v63  }
0x117: {  	v3 =	vand.u32 $0x7, v3  }
0x118: {  	v3 =	vor.u32 v3, v4  }
0x119: {  	v4 =	vperm.xlane v3, v0;
	_ =	sdelay $0x1  }
0x11a: {  	v4 =	vadd.s32 v1, v4;
	_ =	sdelay $0x3  }
0x11b: {  	s8 =	simm.s32 $0x9400;
	v3 =	vperm.xlane v3, v2  }
0x11c: {  	[tilespmem:s8], [sflag:$0x1] =	stream.indirect_vreg.gather [hbm4b:s3+s0], $0x80, v4, vm0, $0xb8;
	[tilespmem:$0x18400] =	vst v63  }
0x11d: {  	s9 =	simm.s32 $0x9C00;
	v3 =	vadd.s32 v1, v3  }
0x11e: {  	[tilespmem:s9], [sflag:$0x1] =	stream.indirect_vreg.gather [hbm4b:s6+s0], $0x80, v4, vm0, $0xb8;
	[tilespmem:$0x18400] =	vst v63  }
0x11f: {  	s8 =	simm.s32 $0xA400  }
0x120: {  	[tilespmem:s8], [sflag:$0x1] =	stream.indirect_vreg.gather [hbm4b:s7+s0], $0x80, v4, vm0, $0xb8;
	[tilespmem:$0x18400] =	vst v63  }
0x121: {  	s9 =	simm.s32 $0xAC00  }
0x122: {  	[tilespmem:s9], [sflag:$0x1] =	stream.indirect_vreg.gather [hbm4b:s3+s0], $0x80, v3, vm0, $0xb8;
	[tilespmem:$0x18400] =	vst v63  }
0x123: {  	s8 =	simm.s32 $0xB400  }
0x124: {  	[tilespmem:s8], [sflag:$0x1] =	stream.indirect_vreg.gather [hbm4b:s6+s0], $0x80, v3, vm0, $0xb8;
	[tilespmem:$0x18400] =	vst v63  }
0x125: {  	s9 =	simm.s32 $0xBC00  }
0x126: {  	[tilespmem:s9], [sflag:$0x1] =	stream.indirect_vreg.gather [hbm4b:s7+s0], $0x80, v3, vm0, $0xb8;
	[tilespmem:$0x18400] =	vst v63  }
0x127: {  	_ =	swait.ge [sflag:s25], $0xC000  }
0x128: {  	[sflag:s25] =	ssyncset.done $0x0  }
0x129: {  	s8 =	simm.s32 $0xC400;
	s9 =	rddreg [dreg:$0x4];
	[sflag:s25] =	ssyncadd.s32 $0xFFFF4000  }
0x12a: {  	[hbm4b:s9+s23] =	stream.strided.scatter [tilespmem:s8], [sflag:$0x4], $0x400, s26, s23, $0x38;
	[tilespmem:$0x18400] =	vst v63  }
0x12b: {  	s1 =	simm.s32 $0xC800;
	s8 =	sadd.s32 $0x40, s9  }
0x12c: {  	[hbm4b:s8+s23] =	stream.strided.scatter [tilespmem:s1], [sflag:$0x4], $0x400, s26, s23, $0x38;
	[tilespmem:$0x18400] =	vst v63  }
0x12d: {  	s1 =	simm.s32 $0xCC00;
	s8 =	sadd.s32 $0x80, s9  }
0x12e: {  	[hbm4b:s8+s23] =	stream.strided.scatter [tilespmem:s1], [sflag:$0x4], $0x400, s26, s23, $0x38;
	[tilespmem:$0x18400] =	vst v63  }
0x12f: {  	s30 =	simm.s32 $0x1800;
	s1 =	simm.s32 $0xD000;
	s8 =	sadd.s32 $0xC0, s9  }
0x130: {  	[hbm4b:s8+s23] =	stream.strided.scatter [tilespmem:s1], [sflag:$0x4], $0x400, s26, s23, $0x38;
	[tilespmem:$0x18400] =	vst v63  }
0x131: {  	s0 =	simm.s32 $0xC000;
	s1 =	simm.s32 $0xD400;
	s8 =	sadd.s32 $0x100, s9  }
0x132: {  	[hbm4b:s8+s23] =	stream.strided.scatter [tilespmem:s1], [sflag:$0x4], $0x400, s26, s23, $0x38;
	[tilespmem:$0x18400] =	vst v63  }
0x133: {  	s31 =	sadd.s32 $0x300, s9;
	s1 =	simm.s32 $0xD800;
	s8 =	sadd.s32 $0x140, s9  }
.LBB2_4:
0x134: {  	[hbm4b:s8+s23] =	stream.strided.scatter [tilespmem:s1], [sflag:$0x4], $0x400, s26, s23, $0x38;
	[tilespmem:$0x18400] =	vst v63  }
0x135: {  	s1 =	smov.u32 s30;
	s8 =	smov.u32 s0  }
0x136: {  	s9 =	sadd.s32 $0x6000, s0;
	s30 =	sshra.s32 s8, $0x2;
	s8 =	sadd.s32 $0xC400, s1  }
0x137: {  	[hbm4b:s31+s23] =	stream.strided.scatter [tilespmem:s8], [sflag:$0x4], $0x400, s26, s23, $0x38;
	[tilespmem:$0x18400] =	vst v63  }
0x138: {  	p0 =	sne.s32 s0, $0x2A000;
	s0 =	sadd.s32 $0xC800, s1;
	s8 =	sadd.s32 $0x40, s31  }
0x139: {  	[hbm4b:s8+s23] =	stream.strided.scatter [tilespmem:s0], [sflag:$0x4], $0x400, s26, s23, $0x38;
	[tilespmem:$0x18400] =	vst v63  }
0x13a: {  	s0 =	sadd.s32 $0xCC00, s1;
	s8 =	sadd.s32 $0x80, s31  }
0x13b: {  	[hbm4b:s8+s23] =	stream.strided.scatter [tilespmem:s0], [sflag:$0x4], $0x400, s26, s23, $0x38;
	[tilespmem:$0x18400] =	vst v63  }
.Ltmp1:
0x13c: {  	s0 =	sadd.s32 $0xD000, s1;
	s8 =	sadd.s32 $0xC0, s31;
	(pc) =	sbr.rel @p0 .LBB2_4-.Ltmp1, $4  }
0x13d: {  	[hbm4b:s8+s23] =	stream.strided.scatter [tilespmem:s0], [sflag:$0x4], $0x400, s26, s23, $0x38;
	[tilespmem:$0x18400] =	vst v63  }
0x13e: {  	s0 =	sadd.s32 $0xD400, s1;
	s8 =	sadd.s32 $0x100, s31;
	s1 =	sadd.s32 $0xD800, s1  }
0x13f: {  	[hbm4b:s8+s23] =	stream.strided.scatter [tilespmem:s0], [sflag:$0x4], $0x400, s26, s23, $0x38;
	[tilespmem:$0x18400] =	vst v63  }
0x140: {  	s8 =	sadd.s32 $0x140, s31;
	s31 =	sadd.s32 $0x300, s31;
	s0 =	smov.u32 s9  }
0x141: {  	[hbm4b:s8+s23] =	stream.strided.scatter [tilespmem:s1], [sflag:$0x4], $0x400, s26, s23, $0x38;
	[tilespmem:$0x18400] =	vst v63  }
0x142: {  	s0 =	sadd.s32 $0xC400, s30  }
0x143: {  	[hbm4b:s31+s23] =	stream.strided.scatter [tilespmem:s0], [sflag:$0x4], $0x400, s26, s23, $0x38;
	[tilespmem:$0x18400] =	vst v63  }
0x144: {  	s8 =	sadd.s32 $0xC800, s30;
	s9 =	sadd.s32 $0x40, s31  }
0x145: {  	[hbm4b:s9+s23] =	stream.strided.scatter [tilespmem:s8], [sflag:$0x4], $0x400, s26, s23, $0x38;
	[tilespmem:$0x18400] =	vst v63  }
0x146: {  	s8 =	sadd.s32 $0xCC00, s30;
	s9 =	sadd.s32 $0x80, s31  }
0x147: {  	[hbm4b:s9+s23] =	stream.strided.scatter [tilespmem:s8], [sflag:$0x4], $0x400, s26, s23, $0x38;
	[tilespmem:$0x18400] =	vst v63  }
0x148: {  	s8 =	sadd.s32 $0xD000, s30;
	s9 =	sadd.s32 $0xC0, s31  }
0x149: {  	[hbm4b:s9+s23] =	stream.strided.scatter [tilespmem:s8], [sflag:$0x4], $0x400, s26, s23, $0x38;
	[tilespmem:$0x18400] =	vst v63  }
0x14a: {  	s8 =	sadd.s32 $0xD400, s30;
	s9 =	sadd.s32 $0x100, s31  }
0x14b: {  	[hbm4b:s9+s23] =	stream.strided.scatter [tilespmem:s8], [sflag:$0x4], $0x400, s26, s23, $0x38;
	[tilespmem:$0x18400] =	vst v63  }
0x14c: {  	s8 =	sadd.s32 $0xD800, s30;
	s9 =	sadd.s32 $0x140, s31  }
0x14d: {  	[hbm4b:s9+s23] =	stream.strided.scatter [tilespmem:s8], [sflag:$0x4], $0x400, s26, s23, $0x38;
	[tilespmem:$0x18400] =	vst v63  }
0x14e: {  	_ =	swait.ge [sflag:s28], $0xC000  }
0x14f: {  	[sflag:s28] =	ssyncset.done $0x0  }
0x150: {  	[sflag:s28] =	ssyncadd.s32 $0xFFFF4000  }
0x151: {  	v3 =	vld [tilespmem:$0xC0];
	_ =	sdelay $0x4  }
0x152: {  	v4 =	vshrl.u32 v3, $0x3  }
0x153: {  	v4 =	vmul.u32 $0x30, v4  }
0x154: {  	v3 =	vand.u32 $0x7, v3  }
0x155: {  	v3 =	vor.u32 v3, v4  }
0x156: {  	v4 =	vperm.xlane v3, v0;
	_ =	sdelay $0x1  }
0x157: {  	v4 =	vadd.s32 v1, v4;
	_ =	sdelay $0x3  }
0x158: {  	s0 =	simm.s32 $0x0;
	s8 =	simm.s32 $0xC400;
	v3 =	vperm.xlane v3, v2  }
0x159: {  	[tilespmem:s8], [sflag:$0x2] =	stream.indirect_vreg.gather [hbm4b:s3+s0], $0x80, v4, vm0, $0xb8;
	[tilespmem:$0x18400] =	vst v63  }
0x15a: {  	s9 =	simm.s32 $0xCC00;
	v3 =	vadd.s32 v1, v3  }
0x15b: {  	[tilespmem:s9], [sflag:$0x2] =	stream.indirect_vreg.gather [hbm4b:s6+s0], $0x80, v4, vm0, $0xb8;
	[tilespmem:$0x18400] =	vst v63  }
0x15c: {  	s8 =	simm.s32 $0xD400  }
0x15d: {  	[tilespmem:s8], [sflag:$0x2] =	stream.indirect_vreg.gather [hbm4b:s7+s0], $0x80, v4, vm0, $0xb8;
	[tilespmem:$0x18400] =	vst v63  }
0x15e: {  	s9 =	simm.s32 $0xDC00  }
0x15f: {  	[tilespmem:s9], [sflag:$0x2] =	stream.indirect_vreg.gather [hbm4b:s3+s0], $0x80, v3, vm0, $0xb8;
	[tilespmem:$0x18400] =	vst v63  }
0x160: {  	s8 =	simm.s32 $0xE400  }
0x161: {  	[tilespmem:s8], [sflag:$0x2] =	stream.indirect_vreg.gather [hbm4b:s6+s0], $0x80, v3, vm0, $0xb8;
	[tilespmem:$0x18400] =	vst v63  }
0x162: {  	s9 =	simm.s32 $0xEC00  }
0x163: {  	[tilespmem:s9], [sflag:$0x2] =	stream.indirect_vreg.gather [hbm4b:s7+s0], $0x80, v3, vm0, $0xb8;
	[tilespmem:$0x18400] =	vst v63  }
0x164: {  	v3 =	vld [tilespmem:$0xD0];
	_ =	sdelay $0x4  }
0x165: {  	v61 =	vshrl.u32 v3, $0x3  }
0x166: {  	v4 =	vmul.u32 $0x30, v61  }
0x167: {  	v3 =	vand.u32 $0x7, v3  }
0x168: {  	v3 =	vor.u32 v3, v4  }
0x169: {  	v4 =	vperm.xlane v3, v0;
	_ =	sdelay $0x1  }
0x16a: {  	v4 =	vadd.s32 v1, v4;
	_ =	sdelay $0x3  }
0x16b: {  	s8 =	simm.s32 $0xF400;
	v3 =	vperm.xlane v3, v2  }
0x16c: {  	[tilespmem:s8], [sflag:$0x2] =	stream.indirect_vreg.gather [hbm4b:s3+s0], $0x80, v4, vm0, $0xb8;
	[tilespmem:$0x18400] =	vst v63  }
0x16d: {  	s9 =	simm.s32 $0xFC00;
	v3 =	vadd.s32 v1, v3  }
0x16e: {  	[tilespmem:s9], [sflag:$0x2] =	stream.indirect_vreg.gather [hbm4b:s6+s0], $0x80, v4, vm0, $0xb8;
	[tilespmem:$0x18400] =	vst v63  }
0x16f: {  	s8 =	simm.s32 $0x10400  }
0x170: {  	[tilespmem:s8], [sflag:$0x2] =	stream.indirect_vreg.gather [hbm4b:s7+s0], $0x80, v4, vm0, $0xb8;
	[tilespmem:$0x18400] =	vst v63  }
0x171: {  	s9 =	simm.s32 $0x10C00  }
0x172: {  	[tilespmem:s9], [sflag:$0x2] =	stream.indirect_vreg.gather [hbm4b:s3+s0], $0x80, v3, vm0, $0xb8;
	[tilespmem:$0x18400] =	vst v63  }
0x173: {  	s8 =	simm.s32 $0x11400  }
0x174: {  	[tilespmem:s8], [sflag:$0x2] =	stream.indirect_vreg.gather [hbm4b:s6+s0], $0x80, v3, vm0, $0xb8;
	[tilespmem:$0x18400] =	vst v63  }
0x175: {  	s9 =	simm.s32 $0x11C00  }
0x176: {  	[tilespmem:s9], [sflag:$0x2] =	stream.indirect_vreg.gather [hbm4b:s7+s0], $0x80, v3, vm0, $0xb8;
	[tilespmem:$0x18400] =	vst v63  }
0x177: {  	v3 =	vld [tilespmem:$0xE0];
	_ =	sdelay $0x4  }
0x178: {  	v62 =	vshrl.u32 v3, $0x3  }
0x179: {  	v4 =	vmul.u32 $0x30, v62  }
0x17a: {  	v3 =	vand.u32 $0x7, v3  }
0x17b: {  	v3 =	vor.u32 v3, v4  }
0x17c: {  	v4 =	vperm.xlane v3, v0;
	_ =	sdelay $0x1  }
0x17d: {  	v4 =	vadd.s32 v1, v4;
	_ =	sdelay $0x3  }
0x17e: {  	s8 =	simm.s32 $0x12400;
	v3 =	vperm.xlane v3, v2  }
0x17f: {  	[tilespmem:s8], [sflag:$0x2] =	stream.indirect_vreg.gather [hbm4b:s3+s0], $0x80, v4, vm0, $0xb8;
	[tilespmem:$0x18400] =	vst v63  }
0x180: {  	s9 =	simm.s32 $0x12C00;
	v3 =	vadd.s32 v1, v3  }
0x181: {  	[tilespmem:s9], [sflag:$0x2] =	stream.indirect_vreg.gather [hbm4b:s6+s0], $0x80, v4, vm0, $0xb8;
	[tilespmem:$0x18400] =	vst v63  }
0x182: {  	s8 =	simm.s32 $0x13400  }
0x183: {  	[tilespmem:s8], [sflag:$0x2] =	stream.indirect_vreg.gather [hbm4b:s7+s0], $0x80, v4, vm0, $0xb8;
	[tilespmem:$0x18400] =	vst v63  }
0x184: {  	s9 =	simm.s32 $0x13C00  }
0x185: {  	[tilespmem:s9], [sflag:$0x2] =	stream.indirect_vreg.gather [hbm4b:s3+s0], $0x80, v3, vm0, $0xb8;
	[tilespmem:$0x18400] =	vst v63  }
0x186: {  	s8 =	simm.s32 $0x14400  }
0x187: {  	[tilespmem:s8], [sflag:$0x2] =	stream.indirect_vreg.gather [hbm4b:s6+s0], $0x80, v3, vm0, $0xb8;
	[tilespmem:$0x18400] =	vst v63  }
0x188: {  	s9 =	simm.s32 $0x14C00  }
0x189: {  	[tilespmem:s9], [sflag:$0x2] =	stream.indirect_vreg.gather [hbm4b:s7+s0], $0x80, v3, vm0, $0xb8;
	[tilespmem:$0x18400] =	vst v63  }
0x18a: {  	v3 =	vld [tilespmem:$0xF0];
	_ =	sdelay $0x4  }
0x18b: {  	v63 =	vshrl.u32 v3, $0x3  }
0x18c: {  	v4 =	vmul.u32 $0x30, v63  }
0x18d: {  	v3 =	vand.u32 $0x7, v3  }
0x18e: {  	v3 =	vor.u32 v3, v4  }
0x18f: {  	v4 =	vperm.xlane v3, v0;
	_ =	sdelay $0x1  }
0x190: {  	v4 =	vadd.s32 v1, v4;
	_ =	sdelay $0x3  }
0x191: {  	s8 =	simm.s32 $0x15400;
	v3 =	vperm.xlane v3, v2  }
0x192: {  	[tilespmem:s8], [sflag:$0x2] =	stream.indirect_vreg.gather [hbm4b:s3+s0], $0x80, v4, vm0, $0xb8;
	[tilespmem:$0x18400] =	vst v63  }
0x193: {  	s9 =	simm.s32 $0x15C00;
	v3 =	vadd.s32 v1, v3  }
0x194: {  	[tilespmem:s9], [sflag:$0x2] =	stream.indirect_vreg.gather [hbm4b:s6+s0], $0x80, v4, vm0, $0xb8;
	[tilespmem:$0x18400] =	vst v63  }
0x195: {  	s8 =	simm.s32 $0x16400  }
0x196: {  	[tilespmem:s8], [sflag:$0x2] =	stream.indirect_vreg.gather [hbm4b:s7+s0], $0x80, v4, vm0, $0xb8;
	[tilespmem:$0x18400] =	vst v63  }
0x197: {  	s9 =	simm.s32 $0x16C00  }
0x198: {  	[tilespmem:s9], [sflag:$0x2] =	stream.indirect_vreg.gather [hbm4b:s3+s0], $0x80, v3, vm0, $0xb8;
	[tilespmem:$0x18400] =	vst v63  }
0x199: {  	s8 =	simm.s32 $0x17400  }
0x19a: {  	[tilespmem:s8], [sflag:$0x2] =	stream.indirect_vreg.gather [hbm4b:s6+s0], $0x80, v3, vm0, $0xb8;
	[tilespmem:$0x18400] =	vst v63  }
0x19b: {  	s9 =	simm.s32 $0x17C00  }
0x19c: {  	[tilespmem:s9], [sflag:$0x2] =	stream.indirect_vreg.gather [hbm4b:s7+s0], $0x80, v3, vm0, $0xb8;
	[tilespmem:$0x18400] =	vst v63  }
0x19d: {  	_ =	swait.ge [sflag:s4], $0xC000  }
0x19e: {  	[sflag:s4] =	ssyncset.done $0x0  }
0x19f: {  	s8 =	simm.s32 $0x400;
	s9 =	rddreg [dreg:$0x5];
	[sflag:s4] =	ssyncadd.s32 $0xFFFF4000  }
0x1a0: {  	[hbm4b:s9+s23] =	stream.strided.scatter [tilespmem:s8], [sflag:$0x3], $0x400, s26, s23, $0x38;
	[tilespmem:$0x18400] =	vst v63  }
0x1a1: {  	s1 =	simm.s32 $0x800;
	s8 =	sadd.s32 $0x40, s9  }
0x1a2: {  	[hbm4b:s8+s23] =	stream.strided.scatter [tilespmem:s1], [sflag:$0x3], $0x400, s26, s23, $0x38;
	[tilespmem:$0x18400] =	vst v63  }
0x1a3: {  	s1 =	simm.s32 $0xC00;
	s8 =	sadd.s32 $0x80, s9  }
0x1a4: {  	[hbm4b:s8+s23] =	stream.strided.scatter [tilespmem:s1], [sflag:$0x3], $0x400, s26, s23, $0x38;
	[tilespmem:$0x18400] =	vst v63  }
0x1a5: {  	s30 =	simm.s32 $0x1800;
	s1 =	simm.s32 $0x1000;
	s8 =	sadd.s32 $0xC0, s9  }
0x1a6: {  	[hbm4b:s8+s23] =	stream.strided.scatter [tilespmem:s1], [sflag:$0x3], $0x400, s26, s23, $0x38;
	[tilespmem:$0x18400] =	vst v63  }
0x1a7: {  	s0 =	simm.s32 $0xC000;
	s1 =	simm.s32 $0x1400;
	s8 =	sadd.s32 $0x100, s9  }
0x1a8: {  	[hbm4b:s8+s23] =	stream.strided.scatter [tilespmem:s1], [sflag:$0x3], $0x400, s26, s23, $0x38;
	[tilespmem:$0x18400] =	vst v63  }
0x1a9: {  	s31 =	sadd.s32 $0x300, s9;
	s1 =	simm.s32 $0x1800;
	s8 =	sadd.s32 $0x140, s9  }
.LBB2_6:
0x1aa: {  	[hbm4b:s8+s23] =	stream.strided.scatter [tilespmem:s1], [sflag:$0x3], $0x400, s26, s23, $0x38;
	[tilespmem:$0x18400] =	vst v63  }
0x1ab: {  	s1 =	smov.u32 s30;
	s8 =	smov.u32 s0  }
0x1ac: {  	s9 =	sadd.s32 $0x6000, s0;
	s30 =	sshra.s32 s8, $0x2;
	s8 =	sadd.s32 $0x400, s1  }
0x1ad: {  	[hbm4b:s31+s23] =	stream.strided.scatter [tilespmem:s8], [sflag:$0x3], $0x400, s26, s23, $0x38;
	[tilespmem:$0x18400] =	vst v63  }
0x1ae: {  	p0 =	sne.s32 s0, $0x2A000;
	s0 =	sadd.s32 $0x800, s1;
	s8 =	sadd.s32 $0x40, s31  }
0x1af: {  	[hbm4b:s8+s23] =	stream.strided.scatter [tilespmem:s0], [sflag:$0x3], $0x400, s26, s23, $0x38;
	[tilespmem:$0x18400] =	vst v63  }
0x1b0: {  	s0 =	sadd.s32 $0xC00, s1;
	s8 =	sadd.s32 $0x80, s31  }
0x1b1: {  	[hbm4b:s8+s23] =	stream.strided.scatter [tilespmem:s0], [sflag:$0x3], $0x400, s26, s23, $0x38;
	[tilespmem:$0x18400] =	vst v63  }
.Ltmp2:
0x1b2: {  	s0 =	sadd.s32 $0x1000, s1;
	s8 =	sadd.s32 $0xC0, s31;
	(pc) =	sbr.rel @p0 .LBB2_6-.Ltmp2, $4  }
0x1b3: {  	[hbm4b:s8+s23] =	stream.strided.scatter [tilespmem:s0], [sflag:$0x3], $0x400, s26, s23, $0x38;
	[tilespmem:$0x18400] =	vst v63  }
0x1b4: {  	s0 =	sadd.s32 $0x1400, s1;
	s8 =	sadd.s32 $0x100, s31;
	s1 =	sadd.s32 $0x1800, s1  }
0x1b5: {  	[hbm4b:s8+s23] =	stream.strided.scatter [tilespmem:s0], [sflag:$0x3], $0x400, s26, s23, $0x38;
	[tilespmem:$0x18400] =	vst v63  }
0x1b6: {  	s8 =	sadd.s32 $0x140, s31;
	s31 =	sadd.s32 $0x300, s31;
	s0 =	smov.u32 s9  }
0x1b7: {  	[hbm4b:s8+s23] =	stream.strided.scatter [tilespmem:s1], [sflag:$0x3], $0x400, s26, s23, $0x38;
	[tilespmem:$0x18400] =	vst v63  }
0x1b8: {  	s0 =	sadd.s32 $0x400, s30  }
0x1b9: {  	[hbm4b:s31+s23] =	stream.strided.scatter [tilespmem:s0], [sflag:$0x3], $0x400, s26, s23, $0x38;
	[tilespmem:$0x18400] =	vst v63  }
0x1ba: {  	s8 =	sadd.s32 $0x800, s30;
	s9 =	sadd.s32 $0x40, s31  }
0x1bb: {  	[hbm4b:s9+s23] =	stream.strided.scatter [tilespmem:s8], [sflag:$0x3], $0x400, s26, s23, $0x38;
	[tilespmem:$0x18400] =	vst v63  }
0x1bc: {  	s8 =	sadd.s32 $0xC00, s30;
	s9 =	sadd.s32 $0x80, s31  }
0x1bd: {  	[hbm4b:s9+s23] =	stream.strided.scatter [tilespmem:s8], [sflag:$0x3], $0x400, s26, s23, $0x38;
	[tilespmem:$0x18400] =	vst v63  }
0x1be: {  	s8 =	sadd.s32 $0x1000, s30;
	s9 =	sadd.s32 $0xC0, s31  }
0x1bf: {  	[hbm4b:s9+s23] =	stream.strided.scatter [tilespmem:s8], [sflag:$0x3], $0x400, s26, s23, $0x38;
	[tilespmem:$0x18400] =	vst v63  }
0x1c0: {  	s8 =	sadd.s32 $0x1400, s30;
	s9 =	sadd.s32 $0x100, s31  }
0x1c1: {  	[hbm4b:s9+s23] =	stream.strided.scatter [tilespmem:s8], [sflag:$0x3], $0x400, s26, s23, $0x38;
	[tilespmem:$0x18400] =	vst v63  }
0x1c2: {  	s1 =	sadd.s32 $0x1800, s30;
	s8 =	sadd.s32 $0x140, s31  }
0x1c3: {  	[hbm4b:s8+s23] =	stream.strided.scatter [tilespmem:s1], [sflag:$0x3], $0x400, s26, s23, $0x38;
	[tilespmem:$0x18400] =	vst v63  }
0x1c4: {  	_ =	swait.ge [sflag:s24], $0xC000  }
0x1c5: {  	[sflag:s24] =	ssyncset.done $0x0  }
0x1c6: {  	[sflag:s24] =	ssyncadd.s32 $0xFFFF4000  }
0x1c7: {  	v3 =	vld [tilespmem:$0x100];
	_ =	sdelay $0x4  }
0x1c8: {  	v4 =	vshrl.u32 v3, $0x3  }
0x1c9: {  	v4 =	vmul.u32 $0x30, v4  }
0x1ca: {  	v3 =	vand.u32 $0x7, v3  }
0x1cb: {  	v3 =	vor.u32 v3, v4  }
0x1cc: {  	v4 =	vperm.xlane v3, v0;
	_ =	sdelay $0x1  }
0x1cd: {  	v4 =	vadd.s32 v1, v4;
	_ =	sdelay $0x3  }
0x1ce: {  	s0 =	simm.s32 $0x0;
	s9 =	simm.s32 $0x400;
	v3 =	vperm.xlane v3, v2  }
0x1cf: {  	[tilespmem:s9], [sflag:$0x1] =	stream.indirect_vreg.gather [hbm4b:s3+s0], $0x80, v4, vm0, $0xb8;
	[tilespmem:$0x18400] =	vst v63  }
0x1d0: {  	v3 =	vadd.s32 v1, v3  }
0x1d1: {  	[tilespmem:s26], [sflag:$0x1] =	stream.indirect_vreg.gather [hbm4b:s6+s0], $0x80, v4, vm0, $0xb8;
	[tilespmem:$0x18400] =	vst v63  }
0x1d2: {  	s8 =	simm.s32 $0x1400  }
0x1d3: {  	[tilespmem:s8], [sflag:$0x1] =	stream.indirect_vreg.gather [hbm4b:s7+s0], $0x80, v4, vm0, $0xb8;
	[tilespmem:$0x18400] =	vst v63  }
0x1d4: {  	s9 =	simm.s32 $0x1C00  }
0x1d5: {  	[tilespmem:s9], [sflag:$0x1] =	stream.indirect_vreg.gather [hbm4b:s3+s0], $0x80, v3, vm0, $0xb8;
	[tilespmem:$0x18400] =	vst v63  }
0x1d6: {  	s8 =	simm.s32 $0x2400  }
0x1d7: {  	[tilespmem:s8], [sflag:$0x1] =	stream.indirect_vreg.gather [hbm4b:s6+s0], $0x80, v3, vm0, $0xb8;
	[tilespmem:$0x18400] =	vst v63  }
0x1d8: {  	s9 =	simm.s32 $0x2C00  }
0x1d9: {  	[tilespmem:s9], [sflag:$0x1] =	stream.indirect_vreg.gather [hbm4b:s7+s0], $0x80, v3, vm0, $0xb8;
	[tilespmem:$0x18400] =	vst v63  }
0x1da: {  	v3 =	vld [tilespmem:$0x110];
	_ =	sdelay $0x4  }
0x1db: {  	v61 =	vshrl.u32 v3, $0x3  }
0x1dc: {  	v4 =	vmul.u32 $0x30, v61  }
0x1dd: {  	v3 =	vand.u32 $0x7, v3  }
0x1de: {  	v3 =	vor.u32 v3, v4  }
0x1df: {  	v4 =	vperm.xlane v3, v0;
	_ =	sdelay $0x1  }
0x1e0: {  	v4 =	vadd.s32 v1, v4;
	_ =	sdelay $0x3  }
0x1e1: {  	s8 =	simm.s32 $0x3400;
	v3 =	vperm.xlane v3, v2  }
0x1e2: {  	[tilespmem:s8], [sflag:$0x1] =	stream.indirect_vreg.gather [hbm4b:s3+s0], $0x80, v4, vm0, $0xb8;
	[tilespmem:$0x18400] =	vst v63  }
0x1e3: {  	s9 =	simm.s32 $0x3C00;
	v3 =	vadd.s32 v1, v3  }
0x1e4: {  	[tilespmem:s9], [sflag:$0x1] =	stream.indirect_vreg.gather [hbm4b:s6+s0], $0x80, v4, vm0, $0xb8;
	[tilespmem:$0x18400] =	vst v63  }
0x1e5: {  	s8 =	simm.s32 $0x4400  }
0x1e6: {  	[tilespmem:s8], [sflag:$0x1] =	stream.indirect_vreg.gather [hbm4b:s7+s0], $0x80, v4, vm0, $0xb8;
	[tilespmem:$0x18400] =	vst v63  }
0x1e7: {  	s9 =	simm.s32 $0x4C00  }
0x1e8: {  	[tilespmem:s9], [sflag:$0x1] =	stream.indirect_vreg.gather [hbm4b:s3+s0], $0x80, v3, vm0, $0xb8;
	[tilespmem:$0x18400] =	vst v63  }
0x1e9: {  	s8 =	simm.s32 $0x5400  }
0x1ea: {  	[tilespmem:s8], [sflag:$0x1] =	stream.indirect_vreg.gather [hbm4b:s6+s0], $0x80, v3, vm0, $0xb8;
	[tilespmem:$0x18400] =	vst v63  }
0x1eb: {  	s9 =	simm.s32 $0x5C00  }
0x1ec: {  	[tilespmem:s9], [sflag:$0x1] =	stream.indirect_vreg.gather [hbm4b:s7+s0], $0x80, v3, vm0, $0xb8;
	[tilespmem:$0x18400] =	vst v63  }
0x1ed: {  	v3 =	vld [tilespmem:$0x120];
	_ =	sdelay $0x4  }
0x1ee: {  	v62 =	vshrl.u32 v3, $0x3  }
0x1ef: {  	v4 =	vmul.u32 $0x30, v62  }
0x1f0: {  	v3 =	vand.u32 $0x7, v3  }
0x1f1: {  	v3 =	vor.u32 v3, v4  }
0x1f2: {  	v4 =	vperm.xlane v3, v0;
	_ =	sdelay $0x1  }
0x1f3: {  	v4 =	vadd.s32 v1, v4;
	_ =	sdelay $0x3  }
0x1f4: {  	s8 =	simm.s32 $0x6400;
	v3 =	vperm.xlane v3, v2  }
0x1f5: {  	[tilespmem:s8], [sflag:$0x1] =	stream.indirect_vreg.gather [hbm4b:s3+s0], $0x80, v4, vm0, $0xb8;
	[tilespmem:$0x18400] =	vst v63  }
0x1f6: {  	s9 =	simm.s32 $0x6C00;
	v3 =	vadd.s32 v1, v3  }
0x1f7: {  	[tilespmem:s9], [sflag:$0x1] =	stream.indirect_vreg.gather [hbm4b:s6+s0], $0x80, v4, vm0, $0xb8;
	[tilespmem:$0x18400] =	vst v63  }
0x1f8: {  	s8 =	simm.s32 $0x7400  }
0x1f9: {  	[tilespmem:s8], [sflag:$0x1] =	stream.indirect_vreg.gather [hbm4b:s7+s0], $0x80, v4, vm0, $0xb8;
	[tilespmem:$0x18400] =	vst v63  }
0x1fa: {  	s9 =	simm.s32 $0x7C00  }
0x1fb: {  	[tilespmem:s9], [sflag:$0x1] =	stream.indirect_vreg.gather [hbm4b:s3+s0], $0x80, v3, vm0, $0xb8;
	[tilespmem:$0x18400] =	vst v63  }
0x1fc: {  	s8 =	simm.s32 $0x8400  }
0x1fd: {  	[tilespmem:s8], [sflag:$0x1] =	stream.indirect_vreg.gather [hbm4b:s6+s0], $0x80, v3, vm0, $0xb8;
	[tilespmem:$0x18400] =	vst v63  }
0x1fe: {  	s9 =	simm.s32 $0x8C00  }
0x1ff: {  	[tilespmem:s9], [sflag:$0x1] =	stream.indirect_vreg.gather [hbm4b:s7+s0], $0x80, v3, vm0, $0xb8;
	[tilespmem:$0x18400] =	vst v63  }
0x200: {  	v3 =	vld [tilespmem:$0x130];
	_ =	sdelay $0x4  }
0x201: {  	v63 =	vshrl.u32 v3, $0x3  }
0x202: {  	v4 =	vmul.u32 $0x30, v63  }
0x203: {  	v3 =	vand.u32 $0x7, v3  }
0x204: {  	v3 =	vor.u32 v3, v4  }
0x205: {  	v4 =	vperm.xlane v3, v0;
	_ =	sdelay $0x1  }
0x206: {  	v4 =	vadd.s32 v1, v4;
	_ =	sdelay $0x3  }
0x207: {  	s8 =	simm.s32 $0x9400;
	v3 =	vperm.xlane v3, v2  }
0x208: {  	[tilespmem:s8], [sflag:$0x1] =	stream.indirect_vreg.gather [hbm4b:s3+s0], $0x80, v4, vm0, $0xb8;
	[tilespmem:$0x18400] =	vst v63  }
0x209: {  	s9 =	simm.s32 $0x9C00;
	v3 =	vadd.s32 v1, v3  }
0x20a: {  	[tilespmem:s9], [sflag:$0x1] =	stream.indirect_vreg.gather [hbm4b:s6+s0], $0x80, v4, vm0, $0xb8;
	[tilespmem:$0x18400] =	vst v63  }
0x20b: {  	s8 =	simm.s32 $0xA400  }
0x20c: {  	[tilespmem:s8], [sflag:$0x1] =	stream.indirect_vreg.gather [hbm4b:s7+s0], $0x80, v4, vm0, $0xb8;
	[tilespmem:$0x18400] =	vst v63  }
0x20d: {  	s9 =	simm.s32 $0xAC00  }
0x20e: {  	[tilespmem:s9], [sflag:$0x1] =	stream.indirect_vreg.gather [hbm4b:s3+s0], $0x80, v3, vm0, $0xb8;
	[tilespmem:$0x18400] =	vst v63  }
0x20f: {  	s8 =	simm.s32 $0xB400  }
0x210: {  	[tilespmem:s8], [sflag:$0x1] =	stream.indirect_vreg.gather [hbm4b:s6+s0], $0x80, v3, vm0, $0xb8;
	[tilespmem:$0x18400] =	vst v63  }
0x211: {  	s9 =	simm.s32 $0xBC00  }
0x212: {  	[tilespmem:s9], [sflag:$0x1] =	stream.indirect_vreg.gather [hbm4b:s7+s0], $0x80, v3, vm0, $0xb8;
	[tilespmem:$0x18400] =	vst v63  }
0x213: {  	_ =	swait.ge [sflag:s25], $0xC000  }
0x214: {  	[sflag:s25] =	ssyncset.done $0x0  }
0x215: {  	s1 =	simm.s32 $0xC400;
	[sflag:s25] =	ssyncadd.s32 $0xFFFF4000  }
0x216: {  	[hbm4b:s10+s23] =	stream.strided.scatter [tilespmem:s1], [sflag:$0x4], $0x400, s26, s23, $0x38;
	[tilespmem:$0x18400] =	vst v63  }
0x217: {  	s8 =	simm.s32 $0xC800;
	s9 =	sadd.s32 $0x40, s10  }
0x218: {  	[hbm4b:s9+s23] =	stream.strided.scatter [tilespmem:s8], [sflag:$0x4], $0x400, s26, s23, $0x38;
	[tilespmem:$0x18400] =	vst v63  }
0x219: {  	s8 =	simm.s32 $0xCC00;
	s9 =	sadd.s32 $0x80, s10  }
0x21a: {  	[hbm4b:s9+s23] =	stream.strided.scatter [tilespmem:s8], [sflag:$0x4], $0x400, s26, s23, $0x38;
	[tilespmem:$0x18400] =	vst v63  }
0x21b: {  	s30 =	simm.s32 $0x1800;
	s8 =	simm.s32 $0xD000;
	s9 =	sadd.s32 $0xC0, s10  }
0x21c: {  	[hbm4b:s9+s23] =	stream.strided.scatter [tilespmem:s8], [sflag:$0x4], $0x400, s26, s23, $0x38;
	[tilespmem:$0x18400] =	vst v63  }
0x21d: {  	s31 =	sadd.s32 $0x300, s10;
	s8 =	simm.s32 $0xD400;
	s9 =	sadd.s32 $0x100, s10  }
0x21e: {  	[hbm4b:s9+s23] =	stream.strided.scatter [tilespmem:s8], [sflag:$0x4], $0x400, s26, s23, $0x38;
	[tilespmem:$0x18400] =	vst v63  }
0x21f: {  	s0 =	simm.s32 $0xC000;
	s1 =	simm.s32 $0xD800;
	s8 =	sadd.s32 $0x140, s10  }
.LBB2_8:
0x220: {  	[hbm4b:s8+s23] =	stream.strided.scatter [tilespmem:s1], [sflag:$0x4], $0x400, s26, s23, $0x38;
	[tilespmem:$0x18400] =	vst v63  }
0x221: {  	s1 =	smov.u32 s30;
	s8 =	smov.u32 s0  }
0x222: {  	s9 =	sadd.s32 $0x6000, s0;
	s30 =	sshra.s32 s8, $0x2;
	s8 =	sadd.s32 $0xC400, s1  }
0x223: {  	[hbm4b:s31+s23] =	stream.strided.scatter [tilespmem:s8], [sflag:$0x4], $0x400, s26, s23, $0x38;
	[tilespmem:$0x18400] =	vst v63  }
0x224: {  	p0 =	sne.s32 s0, $0x2A000;
	s0 =	sadd.s32 $0xC800, s1;
	s8 =	sadd.s32 $0x40, s31  }
0x225: {  	[hbm4b:s8+s23] =	stream.strided.scatter [tilespmem:s0], [sflag:$0x4], $0x400, s26, s23, $0x38;
	[tilespmem:$0x18400] =	vst v63  }
0x226: {  	s0 =	sadd.s32 $0xCC00, s1;
	s8 =	sadd.s32 $0x80, s31  }
0x227: {  	[hbm4b:s8+s23] =	stream.strided.scatter [tilespmem:s0], [sflag:$0x4], $0x400, s26, s23, $0x38;
	[tilespmem:$0x18400] =	vst v63  }
.Ltmp3:
0x228: {  	s0 =	sadd.s32 $0xD000, s1;
	s8 =	sadd.s32 $0xC0, s31;
	(pc) =	sbr.rel @p0 .LBB2_8-.Ltmp3, $4  }
0x229: {  	[hbm4b:s8+s23] =	stream.strided.scatter [tilespmem:s0], [sflag:$0x4], $0x400, s26, s23, $0x38;
	[tilespmem:$0x18400] =	vst v63  }
0x22a: {  	s0 =	sadd.s32 $0xD400, s1;
	s8 =	sadd.s32 $0x100, s31;
	s1 =	sadd.s32 $0xD800, s1  }
0x22b: {  	[hbm4b:s8+s23] =	stream.strided.scatter [tilespmem:s0], [sflag:$0x4], $0x400, s26, s23, $0x38;
	[tilespmem:$0x18400] =	vst v63  }
0x22c: {  	s8 =	sadd.s32 $0x140, s31;
	s31 =	sadd.s32 $0x300, s31;
	s0 =	smov.u32 s9  }
0x22d: {  	[hbm4b:s8+s23] =	stream.strided.scatter [tilespmem:s1], [sflag:$0x4], $0x400, s26, s23, $0x38;
	[tilespmem:$0x18400] =	vst v63  }
0x22e: {  	s0 =	sadd.s32 $0xC400, s30  }
0x22f: {  	[hbm4b:s31+s23] =	stream.strided.scatter [tilespmem:s0], [sflag:$0x4], $0x400, s26, s23, $0x38;
	[tilespmem:$0x18400] =	vst v63  }
0x230: {  	s8 =	sadd.s32 $0xC800, s30;
	s9 =	sadd.s32 $0x40, s31  }
0x231: {  	[hbm4b:s9+s23] =	stream.strided.scatter [tilespmem:s8], [sflag:$0x4], $0x400, s26, s23, $0x38;
	[tilespmem:$0x18400] =	vst v63  }
0x232: {  	s8 =	sadd.s32 $0xCC00, s30;
	s9 =	sadd.s32 $0x80, s31  }
0x233: {  	[hbm4b:s9+s23] =	stream.strided.scatter [tilespmem:s8], [sflag:$0x4], $0x400, s26, s23, $0x38;
	[tilespmem:$0x18400] =	vst v63  }
0x234: {  	s8 =	sadd.s32 $0xD000, s30;
	s9 =	sadd.s32 $0xC0, s31  }
0x235: {  	[hbm4b:s9+s23] =	stream.strided.scatter [tilespmem:s8], [sflag:$0x4], $0x400, s26, s23, $0x38;
	[tilespmem:$0x18400] =	vst v63  }
0x236: {  	s8 =	sadd.s32 $0xD400, s30;
	s9 =	sadd.s32 $0x100, s31  }
0x237: {  	[hbm4b:s9+s23] =	stream.strided.scatter [tilespmem:s8], [sflag:$0x4], $0x400, s26, s23, $0x38;
	[tilespmem:$0x18400] =	vst v63  }
0x238: {  	s8 =	sadd.s32 $0xD800, s30;
	s9 =	sadd.s32 $0x140, s31  }
0x239: {  	[hbm4b:s9+s23] =	stream.strided.scatter [tilespmem:s8], [sflag:$0x4], $0x400, s26, s23, $0x38;
	[tilespmem:$0x18400] =	vst v63  }
0x23a: {  	_ =	swait.ge [sflag:s28], $0xC000  }
0x23b: {  	[sflag:s28] =	ssyncset.done $0x0  }
0x23c: {  	[sflag:s28] =	ssyncadd.s32 $0xFFFF4000  }
0x23d: {  	v3 =	vld [tilespmem:$0x140];
	_ =	sdelay $0x4  }
0x23e: {  	v4 =	vshrl.u32 v3, $0x3  }
0x23f: {  	v4 =	vmul.u32 $0x30, v4  }
0x240: {  	v3 =	vand.u32 $0x7, v3  }
0x241: {  	v3 =	vor.u32 v3, v4  }
0x242: {  	v4 =	vperm.xlane v3, v0;
	_ =	sdelay $0x1  }
0x243: {  	v4 =	vadd.s32 v1, v4;
	_ =	sdelay $0x3  }
0x244: {  	s0 =	simm.s32 $0x0;
	s8 =	simm.s32 $0xC400;
	v3 =	vperm.xlane v3, v2  }
0x245: {  	[tilespmem:s8], [sflag:$0x2] =	stream.indirect_vreg.gather [hbm4b:s3+s0], $0x80, v4, vm0, $0xb8;
	[tilespmem:$0x18400] =	vst v63  }
0x246: {  	s9 =	simm.s32 $0xCC00;
	v3 =	vadd.s32 v1, v3  }
0x247: {  	[tilespmem:s9], [sflag:$0x2] =	stream.indirect_vreg.gather [hbm4b:s6+s0], $0x80, v4, vm0, $0xb8;
	[tilespmem:$0x18400] =	vst v63  }
0x248: {  	s8 =	simm.s32 $0xD400  }
0x249: {  	[tilespmem:s8], [sflag:$0x2] =	stream.indirect_vreg.gather [hbm4b:s7+s0], $0x80, v4, vm0, $0xb8;
	[tilespmem:$0x18400] =	vst v63  }
0x24a: {  	s9 =	simm.s32 $0xDC00  }
0x24b: {  	[tilespmem:s9], [sflag:$0x2] =	stream.indirect_vreg.gather [hbm4b:s3+s0], $0x80, v3, vm0, $0xb8;
	[tilespmem:$0x18400] =	vst v63  }
0x24c: {  	s8 =	simm.s32 $0xE400  }
0x24d: {  	[tilespmem:s8], [sflag:$0x2] =	stream.indirect_vreg.gather [hbm4b:s6+s0], $0x80, v3, vm0, $0xb8;
	[tilespmem:$0x18400] =	vst v63  }
0x24e: {  	s9 =	simm.s32 $0xEC00  }
0x24f: {  	[tilespmem:s9], [sflag:$0x2] =	stream.indirect_vreg.gather [hbm4b:s7+s0], $0x80, v3, vm0, $0xb8;
	[tilespmem:$0x18400] =	vst v63  }
0x250: {  	v3 =	vld [tilespmem:$0x150];
	_ =	sdelay $0x4  }
0x251: {  	v61 =	vshrl.u32 v3, $0x3  }
0x252: {  	v4 =	vmul.u32 $0x30, v61  }
0x253: {  	v3 =	vand.u32 $0x7, v3  }
0x254: {  	v3 =	vor.u32 v3, v4  }
0x255: {  	v4 =	vperm.xlane v3, v0;
	_ =	sdelay $0x1  }
0x256: {  	v4 =	vadd.s32 v1, v4;
	_ =	sdelay $0x3  }
0x257: {  	s8 =	simm.s32 $0xF400;
	v3 =	vperm.xlane v3, v2  }
0x258: {  	[tilespmem:s8], [sflag:$0x2] =	stream.indirect_vreg.gather [hbm4b:s3+s0], $0x80, v4, vm0, $0xb8;
	[tilespmem:$0x18400] =	vst v63  }
0x259: {  	s9 =	simm.s32 $0xFC00;
	v3 =	vadd.s32 v1, v3  }
0x25a: {  	[tilespmem:s9], [sflag:$0x2] =	stream.indirect_vreg.gather [hbm4b:s6+s0], $0x80, v4, vm0, $0xb8;
	[tilespmem:$0x18400] =	vst v63  }
0x25b: {  	s8 =	simm.s32 $0x10400  }
0x25c: {  	[tilespmem:s8], [sflag:$0x2] =	stream.indirect_vreg.gather [hbm4b:s7+s0], $0x80, v4, vm0, $0xb8;
	[tilespmem:$0x18400] =	vst v63  }
0x25d: {  	s9 =	simm.s32 $0x10C00  }
0x25e: {  	[tilespmem:s9], [sflag:$0x2] =	stream.indirect_vreg.gather [hbm4b:s3+s0], $0x80, v3, vm0, $0xb8;
	[tilespmem:$0x18400] =	vst v63  }
0x25f: {  	s8 =	simm.s32 $0x11400  }
0x260: {  	[tilespmem:s8], [sflag:$0x2] =	stream.indirect_vreg.gather [hbm4b:s6+s0], $0x80, v3, vm0, $0xb8;
	[tilespmem:$0x18400] =	vst v63  }
0x261: {  	s9 =	simm.s32 $0x11C00  }
0x262: {  	[tilespmem:s9], [sflag:$0x2] =	stream.indirect_vreg.gather [hbm4b:s7+s0], $0x80, v3, vm0, $0xb8;
	[tilespmem:$0x18400] =	vst v63  }
0x263: {  	v3 =	vld [tilespmem:$0x160];
	_ =	sdelay $0x4  }
0x264: {  	v62 =	vshrl.u32 v3, $0x3  }
0x265: {  	v4 =	vmul.u32 $0x30, v62  }
0x266: {  	v3 =	vand.u32 $0x7, v3  }
0x267: {  	v3 =	vor.u32 v3, v4  }
0x268: {  	v4 =	vperm.xlane v3, v0;
	_ =	sdelay $0x1  }
0x269: {  	v4 =	vadd.s32 v1, v4;
	_ =	sdelay $0x3  }
0x26a: {  	s8 =	simm.s32 $0x12400;
	v3 =	vperm.xlane v3, v2  }
0x26b: {  	[tilespmem:s8], [sflag:$0x2] =	stream.indirect_vreg.gather [hbm4b:s3+s0], $0x80, v4, vm0, $0xb8;
	[tilespmem:$0x18400] =	vst v63  }
0x26c: {  	s9 =	simm.s32 $0x12C00;
	v3 =	vadd.s32 v1, v3  }
0x26d: {  	[tilespmem:s9], [sflag:$0x2] =	stream.indirect_vreg.gather [hbm4b:s6+s0], $0x80, v4, vm0, $0xb8;
	[tilespmem:$0x18400] =	vst v63  }
0x26e: {  	s8 =	simm.s32 $0x13400  }
0x26f: {  	[tilespmem:s8], [sflag:$0x2] =	stream.indirect_vreg.gather [hbm4b:s7+s0], $0x80, v4, vm0, $0xb8;
	[tilespmem:$0x18400] =	vst v63  }
0x270: {  	s9 =	simm.s32 $0x13C00  }
0x271: {  	[tilespmem:s9], [sflag:$0x2] =	stream.indirect_vreg.gather [hbm4b:s3+s0], $0x80, v3, vm0, $0xb8;
	[tilespmem:$0x18400] =	vst v63  }
0x272: {  	s8 =	simm.s32 $0x14400  }
0x273: {  	[tilespmem:s8], [sflag:$0x2] =	stream.indirect_vreg.gather [hbm4b:s6+s0], $0x80, v3, vm0, $0xb8;
	[tilespmem:$0x18400] =	vst v63  }
0x274: {  	s9 =	simm.s32 $0x14C00  }
0x275: {  	[tilespmem:s9], [sflag:$0x2] =	stream.indirect_vreg.gather [hbm4b:s7+s0], $0x80, v3, vm0, $0xb8;
	[tilespmem:$0x18400] =	vst v63  }
0x276: {  	v3 =	vld [tilespmem:$0x170];
	_ =	sdelay $0x4  }
0x277: {  	v63 =	vshrl.u32 v3, $0x3  }
0x278: {  	v4 =	vmul.u32 $0x30, v63  }
0x279: {  	v3 =	vand.u32 $0x7, v3  }
0x27a: {  	v3 =	vor.u32 v3, v4  }
0x27b: {  	v4 =	vperm.xlane v3, v0;
	_ =	sdelay $0x1  }
0x27c: {  	v4 =	vadd.s32 v1, v4;
	_ =	sdelay $0x3  }
0x27d: {  	s8 =	simm.s32 $0x15400;
	v3 =	vperm.xlane v3, v2  }
0x27e: {  	[tilespmem:s8], [sflag:$0x2] =	stream.indirect_vreg.gather [hbm4b:s3+s0], $0x80, v4, vm0, $0xb8;
	[tilespmem:$0x18400] =	vst v63  }
0x27f: {  	s9 =	simm.s32 $0x15C00;
	v3 =	vadd.s32 v1, v3  }
0x280: {  	[tilespmem:s9], [sflag:$0x2] =	stream.indirect_vreg.gather [hbm4b:s6+s0], $0x80, v4, vm0, $0xb8;
	[tilespmem:$0x18400] =	vst v63  }
0x281: {  	s8 =	simm.s32 $0x16400  }
0x282: {  	[tilespmem:s8], [sflag:$0x2] =	stream.indirect_vreg.gather [hbm4b:s7+s0], $0x80, v4, vm0, $0xb8;
	[tilespmem:$0x18400] =	vst v63  }
0x283: {  	s9 =	simm.s32 $0x16C00  }
0x284: {  	[tilespmem:s9], [sflag:$0x2] =	stream.indirect_vreg.gather [hbm4b:s3+s0], $0x80, v3, vm0, $0xb8;
	[tilespmem:$0x18400] =	vst v63  }
0x285: {  	s8 =	simm.s32 $0x17400  }
0x286: {  	[tilespmem:s8], [sflag:$0x2] =	stream.indirect_vreg.gather [hbm4b:s6+s0], $0x80, v3, vm0, $0xb8;
	[tilespmem:$0x18400] =	vst v63  }
0x287: {  	s9 =	simm.s32 $0x17C00  }
0x288: {  	[tilespmem:s9], [sflag:$0x2] =	stream.indirect_vreg.gather [hbm4b:s7+s0], $0x80, v3, vm0, $0xb8;
	[tilespmem:$0x18400] =	vst v63  }
0x289: {  	_ =	swait.ge [sflag:s4], $0xC000  }
0x28a: {  	[sflag:s4] =	ssyncset.done $0x0  }
0x28b: {  	s1 =	simm.s32 $0x400;
	[sflag:s4] =	ssyncadd.s32 $0xFFFF4000  }
0x28c: {  	[hbm4b:s11+s23] =	stream.strided.scatter [tilespmem:s1], [sflag:$0x3], $0x400, s26, s23, $0x38;
	[tilespmem:$0x18400] =	vst v63  }
0x28d: {  	s8 =	simm.s32 $0x800;
	s9 =	sadd.s32 $0x40, s11  }
0x28e: {  	[hbm4b:s9+s23] =	stream.strided.scatter [tilespmem:s8], [sflag:$0x3], $0x400, s26, s23, $0x38;
	[tilespmem:$0x18400] =	vst v63  }
0x28f: {  	s8 =	simm.s32 $0xC00;
	s9 =	sadd.s32 $0x80, s11  }
0x290: {  	[hbm4b:s9+s23] =	stream.strided.scatter [tilespmem:s8], [sflag:$0x3], $0x400, s26, s23, $0x38;
	[tilespmem:$0x18400] =	vst v63  }
0x291: {  	s30 =	simm.s32 $0x1800;
	s8 =	simm.s32 $0x1000;
	s9 =	sadd.s32 $0xC0, s11  }
0x292: {  	[hbm4b:s9+s23] =	stream.strided.scatter [tilespmem:s8], [sflag:$0x3], $0x400, s26, s23, $0x38;
	[tilespmem:$0x18400] =	vst v63  }
0x293: {  	s31 =	sadd.s32 $0x300, s11;
	s8 =	simm.s32 $0x1400;
	s9 =	sadd.s32 $0x100, s11  }
0x294: {  	[hbm4b:s9+s23] =	stream.strided.scatter [tilespmem:s8], [sflag:$0x3], $0x400, s26, s23, $0x38;
	[tilespmem:$0x18400] =	vst v63  }
0x295: {  	s0 =	simm.s32 $0xC000;
	s1 =	simm.s32 $0x1800;
	s8 =	sadd.s32 $0x140, s11  }
.LBB2_10:
0x296: {  	[hbm4b:s8+s23] =	stream.strided.scatter [tilespmem:s1], [sflag:$0x3], $0x400, s26, s23, $0x38;
	[tilespmem:$0x18400] =	vst v63  }
0x297: {  	s1 =	smov.u32 s30;
	s8 =	smov.u32 s0  }
0x298: {  	s9 =	sadd.s32 $0x6000, s0;
	s30 =	sshra.s32 s8, $0x2;
	s8 =	sadd.s32 $0x400, s1  }
0x299: {  	[hbm4b:s31+s23] =	stream.strided.scatter [tilespmem:s8], [sflag:$0x3], $0x400, s26, s23, $0x38;
	[tilespmem:$0x18400] =	vst v63  }
0x29a: {  	p0 =	sne.s32 s0, $0x2A000;
	s0 =	sadd.s32 $0x800, s1;
	s8 =	sadd.s32 $0x40, s31  }
0x29b: {  	[hbm4b:s8+s23] =	stream.strided.scatter [tilespmem:s0], [sflag:$0x3], $0x400, s26, s23, $0x38;
	[tilespmem:$0x18400] =	vst v63  }
0x29c: {  	s0 =	sadd.s32 $0xC00, s1;
	s8 =	sadd.s32 $0x80, s31  }
0x29d: {  	[hbm4b:s8+s23] =	stream.strided.scatter [tilespmem:s0], [sflag:$0x3], $0x400, s26, s23, $0x38;
	[tilespmem:$0x18400] =	vst v63  }
.Ltmp4:
0x29e: {  	s0 =	sadd.s32 $0x1000, s1;
	s8 =	sadd.s32 $0xC0, s31;
	(pc) =	sbr.rel @p0 .LBB2_10-.Ltmp4, $4  }
0x29f: {  	[hbm4b:s8+s23] =	stream.strided.scatter [tilespmem:s0], [sflag:$0x3], $0x400, s26, s23, $0x38;
	[tilespmem:$0x18400] =	vst v63  }
0x2a0: {  	s0 =	sadd.s32 $0x1400, s1;
	s8 =	sadd.s32 $0x100, s31;
	s1 =	sadd.s32 $0x1800, s1  }
0x2a1: {  	[hbm4b:s8+s23] =	stream.strided.scatter [tilespmem:s0], [sflag:$0x3], $0x400, s26, s23, $0x38;
	[tilespmem:$0x18400] =	vst v63  }
0x2a2: {  	s8 =	sadd.s32 $0x140, s31;
	s31 =	sadd.s32 $0x300, s31;
	s0 =	smov.u32 s9  }
0x2a3: {  	[hbm4b:s8+s23] =	stream.strided.scatter [tilespmem:s1], [sflag:$0x3], $0x400, s26, s23, $0x38;
	[tilespmem:$0x18400] =	vst v63  }
0x2a4: {  	s0 =	sadd.s32 $0x400, s30  }
0x2a5: {  	[hbm4b:s31+s23] =	stream.strided.scatter [tilespmem:s0], [sflag:$0x3], $0x400, s26, s23, $0x38;
	[tilespmem:$0x18400] =	vst v63  }
0x2a6: {  	s8 =	sadd.s32 $0x800, s30;
	s9 =	sadd.s32 $0x40, s31  }
0x2a7: {  	[hbm4b:s9+s23] =	stream.strided.scatter [tilespmem:s8], [sflag:$0x3], $0x400, s26, s23, $0x38;
	[tilespmem:$0x18400] =	vst v63  }
0x2a8: {  	s8 =	sadd.s32 $0xC00, s30;
	s9 =	sadd.s32 $0x80, s31  }
0x2a9: {  	[hbm4b:s9+s23] =	stream.strided.scatter [tilespmem:s8], [sflag:$0x3], $0x400, s26, s23, $0x38;
	[tilespmem:$0x18400] =	vst v63  }
0x2aa: {  	s8 =	sadd.s32 $0x1000, s30;
	s9 =	sadd.s32 $0xC0, s31  }
0x2ab: {  	[hbm4b:s9+s23] =	stream.strided.scatter [tilespmem:s8], [sflag:$0x3], $0x400, s26, s23, $0x38;
	[tilespmem:$0x18400] =	vst v63  }
0x2ac: {  	s8 =	sadd.s32 $0x1400, s30;
	s9 =	sadd.s32 $0x100, s31  }
0x2ad: {  	[hbm4b:s9+s23] =	stream.strided.scatter [tilespmem:s8], [sflag:$0x3], $0x400, s26, s23, $0x38;
	[tilespmem:$0x18400] =	vst v63  }
0x2ae: {  	s1 =	sadd.s32 $0x1800, s30;
	s8 =	sadd.s32 $0x140, s31  }
0x2af: {  	[hbm4b:s8+s23] =	stream.strided.scatter [tilespmem:s1], [sflag:$0x3], $0x400, s26, s23, $0x38;
	[tilespmem:$0x18400] =	vst v63  }
0x2b0: {  	_ =	swait.ge [sflag:s24], $0xC000  }
0x2b1: {  	[sflag:s24] =	ssyncset.done $0x0  }
0x2b2: {  	[sflag:s24] =	ssyncadd.s32 $0xFFFF4000  }
0x2b3: {  	v3 =	vld [tilespmem:$0x180];
	_ =	sdelay $0x4  }
0x2b4: {  	v4 =	vshrl.u32 v3, $0x3  }
0x2b5: {  	v4 =	vmul.u32 $0x30, v4  }
0x2b6: {  	v3 =	vand.u32 $0x7, v3  }
0x2b7: {  	v3 =	vor.u32 v3, v4  }
0x2b8: {  	v4 =	vperm.xlane v3, v0;
	_ =	sdelay $0x1  }
0x2b9: {  	v4 =	vadd.s32 v1, v4;
	_ =	sdelay $0x3  }
0x2ba: {  	s0 =	simm.s32 $0x0;
	s9 =	simm.s32 $0x400;
	v3 =	vperm.xlane v3, v2  }
0x2bb: {  	[tilespmem:s9], [sflag:$0x1] =	stream.indirect_vreg.gather [hbm4b:s3+s0], $0x80, v4, vm0, $0xb8;
	[tilespmem:$0x18400] =	vst v63  }
0x2bc: {  	v3 =	vadd.s32 v1, v3  }
0x2bd: {  	[tilespmem:s26], [sflag:$0x1] =	stream.indirect_vreg.gather [hbm4b:s6+s0], $0x80, v4, vm0, $0xb8;
	[tilespmem:$0x18400] =	vst v63  }
0x2be: {  	s8 =	simm.s32 $0x1400  }
0x2bf: {  	[tilespmem:s8], [sflag:$0x1] =	stream.indirect_vreg.gather [hbm4b:s7+s0], $0x80, v4, vm0, $0xb8;
	[tilespmem:$0x18400] =	vst v63  }
0x2c0: {  	s9 =	simm.s32 $0x1C00  }
0x2c1: {  	[tilespmem:s9], [sflag:$0x1] =	stream.indirect_vreg.gather [hbm4b:s3+s0], $0x80, v3, vm0, $0xb8;
	[tilespmem:$0x18400] =	vst v63  }
0x2c2: {  	s8 =	simm.s32 $0x2400  }
0x2c3: {  	[tilespmem:s8], [sflag:$0x1] =	stream.indirect_vreg.gather [hbm4b:s6+s0], $0x80, v3, vm0, $0xb8;
	[tilespmem:$0x18400] =	vst v63  }
0x2c4: {  	s9 =	simm.s32 $0x2C00  }
0x2c5: {  	[tilespmem:s9], [sflag:$0x1] =	stream.indirect_vreg.gather [hbm4b:s7+s0], $0x80, v3, vm0, $0xb8;
	[tilespmem:$0x18400] =	vst v63  }
0x2c6: {  	v3 =	vld [tilespmem:$0x190];
	_ =	sdelay $0x4  }
0x2c7: {  	v61 =	vshrl.u32 v3, $0x3  }
0x2c8: {  	v4 =	vmul.u32 $0x30, v61  }
0x2c9: {  	v3 =	vand.u32 $0x7, v3  }
0x2ca: {  	v3 =	vor.u32 v3, v4  }
0x2cb: {  	v4 =	vperm.xlane v3, v0;
	_ =	sdelay $0x1  }
0x2cc: {  	v4 =	vadd.s32 v1, v4;
	_ =	sdelay $0x3  }
0x2cd: {  	s8 =	simm.s32 $0x3400;
	v3 =	vperm.xlane v3, v2  }
0x2ce: {  	[tilespmem:s8], [sflag:$0x1] =	stream.indirect_vreg.gather [hbm4b:s3+s0], $0x80, v4, vm0, $0xb8;
	[tilespmem:$0x18400] =	vst v63  }
0x2cf: {  	s9 =	simm.s32 $0x3C00;
	v3 =	vadd.s32 v1, v3  }
0x2d0: {  	[tilespmem:s9], [sflag:$0x1] =	stream.indirect_vreg.gather [hbm4b:s6+s0], $0x80, v4, vm0, $0xb8;
	[tilespmem:$0x18400] =	vst v63  }
0x2d1: {  	s8 =	simm.s32 $0x4400  }
0x2d2: {  	[tilespmem:s8], [sflag:$0x1] =	stream.indirect_vreg.gather [hbm4b:s7+s0], $0x80, v4, vm0, $0xb8;
	[tilespmem:$0x18400] =	vst v63  }
0x2d3: {  	s9 =	simm.s32 $0x4C00  }
0x2d4: {  	[tilespmem:s9], [sflag:$0x1] =	stream.indirect_vreg.gather [hbm4b:s3+s0], $0x80, v3, vm0, $0xb8;
	[tilespmem:$0x18400] =	vst v63  }
0x2d5: {  	s8 =	simm.s32 $0x5400  }
0x2d6: {  	[tilespmem:s8], [sflag:$0x1] =	stream.indirect_vreg.gather [hbm4b:s6+s0], $0x80, v3, vm0, $0xb8;
	[tilespmem:$0x18400] =	vst v63  }
0x2d7: {  	s9 =	simm.s32 $0x5C00  }
0x2d8: {  	[tilespmem:s9], [sflag:$0x1] =	stream.indirect_vreg.gather [hbm4b:s7+s0], $0x80, v3, vm0, $0xb8;
	[tilespmem:$0x18400] =	vst v63  }
0x2d9: {  	v3 =	vld [tilespmem:$0x1A0];
	_ =	sdelay $0x4  }
0x2da: {  	v62 =	vshrl.u32 v3, $0x3  }
0x2db: {  	v4 =	vmul.u32 $0x30, v62  }
0x2dc: {  	v3 =	vand.u32 $0x7, v3  }
0x2dd: {  	v3 =	vor.u32 v3, v4  }
0x2de: {  	v4 =	vperm.xlane v3, v0;
	_ =	sdelay $0x1  }
0x2df: {  	v4 =	vadd.s32 v1, v4;
	_ =	sdelay $0x3  }
0x2e0: {  	s8 =	simm.s32 $0x6400;
	v3 =	vperm.xlane v3, v2  }
0x2e1: {  	[tilespmem:s8], [sflag:$0x1] =	stream.indirect_vreg.gather [hbm4b:s3+s0], $0x80, v4, vm0, $0xb8;
	[tilespmem:$0x18400] =	vst v63  }
0x2e2: {  	s9 =	simm.s32 $0x6C00;
	v3 =	vadd.s32 v1, v3  }
0x2e3: {  	[tilespmem:s9], [sflag:$0x1] =	stream.indirect_vreg.gather [hbm4b:s6+s0], $0x80, v4, vm0, $0xb8;
	[tilespmem:$0x18400] =	vst v63  }
0x2e4: {  	s8 =	simm.s32 $0x7400  }
0x2e5: {  	[tilespmem:s8], [sflag:$0x1] =	stream.indirect_vreg.gather [hbm4b:s7+s0], $0x80, v4, vm0, $0xb8;
	[tilespmem:$0x18400] =	vst v63  }
0x2e6: {  	s9 =	simm.s32 $0x7C00  }
0x2e7: {  	[tilespmem:s9], [sflag:$0x1] =	stream.indirect_vreg.gather [hbm4b:s3+s0], $0x80, v3, vm0, $0xb8;
	[tilespmem:$0x18400] =	vst v63  }
0x2e8: {  	s8 =	simm.s32 $0x8400  }
0x2e9: {  	[tilespmem:s8], [sflag:$0x1] =	stream.indirect_vreg.gather [hbm4b:s6+s0], $0x80, v3, vm0, $0xb8;
	[tilespmem:$0x18400] =	vst v63  }
0x2ea: {  	s9 =	simm.s32 $0x8C00  }
0x2eb: {  	[tilespmem:s9], [sflag:$0x1] =	stream.indirect_vreg.gather [hbm4b:s7+s0], $0x80, v3, vm0, $0xb8;
	[tilespmem:$0x18400] =	vst v63  }
0x2ec: {  	v3 =	vld [tilespmem:$0x1B0];
	_ =	sdelay $0x4  }
0x2ed: {  	v63 =	vshrl.u32 v3, $0x3  }
0x2ee: {  	v4 =	vmul.u32 $0x30, v63  }
0x2ef: {  	v3 =	vand.u32 $0x7, v3  }
0x2f0: {  	v3 =	vor.u32 v3, v4  }
0x2f1: {  	v4 =	vperm.xlane v3, v0;
	_ =	sdelay $0x1  }
0x2f2: {  	v4 =	vadd.s32 v1, v4;
	_ =	sdelay $0x3  }
0x2f3: {  	s8 =	simm.s32 $0x9400;
	v3 =	vperm.xlane v3, v2  }
0x2f4: {  	[tilespmem:s8], [sflag:$0x1] =	stream.indirect_vreg.gather [hbm4b:s3+s0], $0x80, v4, vm0, $0xb8;
	[tilespmem:$0x18400] =	vst v63  }
0x2f5: {  	s9 =	simm.s32 $0x9C00;
	v3 =	vadd.s32 v1, v3  }
0x2f6: {  	[tilespmem:s9], [sflag:$0x1] =	stream.indirect_vreg.gather [hbm4b:s6+s0], $0x80, v4, vm0, $0xb8;
	[tilespmem:$0x18400] =	vst v63  }
0x2f7: {  	s8 =	simm.s32 $0xA400  }
0x2f8: {  	[tilespmem:s8], [sflag:$0x1] =	stream.indirect_vreg.gather [hbm4b:s7+s0], $0x80, v4, vm0, $0xb8;
	[tilespmem:$0x18400] =	vst v63  }
0x2f9: {  	s9 =	simm.s32 $0xAC00  }
0x2fa: {  	[tilespmem:s9], [sflag:$0x1] =	stream.indirect_vreg.gather [hbm4b:s3+s0], $0x80, v3, vm0, $0xb8;
	[tilespmem:$0x18400] =	vst v63  }
0x2fb: {  	s8 =	simm.s32 $0xB400  }
0x2fc: {  	[tilespmem:s8], [sflag:$0x1] =	stream.indirect_vreg.gather [hbm4b:s6+s0], $0x80, v3, vm0, $0xb8;
	[tilespmem:$0x18400] =	vst v63  }
0x2fd: {  	s9 =	simm.s32 $0xBC00  }
0x2fe: {  	[tilespmem:s9], [sflag:$0x1] =	stream.indirect_vreg.gather [hbm4b:s7+s0], $0x80, v3, vm0, $0xb8;
	[tilespmem:$0x18400] =	vst v63  }
0x2ff: {  	_ =	swait.ge [sflag:s25], $0xC000  }
0x300: {  	[sflag:s25] =	ssyncset.done $0x0  }
0x301: {  	s1 =	simm.s32 $0xC400;
	[sflag:s25] =	ssyncadd.s32 $0xFFFF4000  }
0x302: {  	[hbm4b:s12+s23] =	stream.strided.scatter [tilespmem:s1], [sflag:$0x4], $0x400, s26, s23, $0x38;
	[tilespmem:$0x18400] =	vst v63  }
0x303: {  	s8 =	simm.s32 $0xC800;
	s9 =	sadd.s32 $0x40, s12  }
0x304: {  	[hbm4b:s9+s23] =	stream.strided.scatter [tilespmem:s8], [sflag:$0x4], $0x400, s26, s23, $0x38;
	[tilespmem:$0x18400] =	vst v63  }
0x305: {  	s8 =	simm.s32 $0xCC00;
	s9 =	sadd.s32 $0x80, s12  }
0x306: {  	[hbm4b:s9+s23] =	stream.strided.scatter [tilespmem:s8], [sflag:$0x4], $0x400, s26, s23, $0x38;
	[tilespmem:$0x18400] =	vst v63  }
0x307: {  	s30 =	simm.s32 $0x1800;
	s8 =	simm.s32 $0xD000;
	s9 =	sadd.s32 $0xC0, s12  }
0x308: {  	[hbm4b:s9+s23] =	stream.strided.scatter [tilespmem:s8], [sflag:$0x4], $0x400, s26, s23, $0x38;
	[tilespmem:$0x18400] =	vst v63  }
0x309: {  	s31 =	sadd.s32 $0x300, s12;
	s8 =	simm.s32 $0xD400;
	s9 =	sadd.s32 $0x100, s12  }
0x30a: {  	[hbm4b:s9+s23] =	stream.strided.scatter [tilespmem:s8], [sflag:$0x4], $0x400, s26, s23, $0x38;
	[tilespmem:$0x18400] =	vst v63  }
0x30b: {  	s0 =	simm.s32 $0xC000;
	s1 =	simm.s32 $0xD800;
	s8 =	sadd.s32 $0x140, s12  }
.LBB2_12:
0x30c: {  	[hbm4b:s8+s23] =	stream.strided.scatter [tilespmem:s1], [sflag:$0x4], $0x400, s26, s23, $0x38;
	[tilespmem:$0x18400] =	vst v63  }
0x30d: {  	s1 =	smov.u32 s30;
	s8 =	smov.u32 s0  }
0x30e: {  	s9 =	sadd.s32 $0x6000, s0;
	s30 =	sshra.s32 s8, $0x2;
	s8 =	sadd.s32 $0xC400, s1  }
0x30f: {  	[hbm4b:s31+s23] =	stream.strided.scatter [tilespmem:s8], [sflag:$0x4], $0x400, s26, s23, $0x38;
	[tilespmem:$0x18400] =	vst v63  }
0x310: {  	p0 =	sne.s32 s0, $0x2A000;
	s0 =	sadd.s32 $0xC800, s1;
	s8 =	sadd.s32 $0x40, s31  }
0x311: {  	[hbm4b:s8+s23] =	stream.strided.scatter [tilespmem:s0], [sflag:$0x4], $0x400, s26, s23, $0x38;
	[tilespmem:$0x18400] =	vst v63  }
0x312: {  	s0 =	sadd.s32 $0xCC00, s1;
	s8 =	sadd.s32 $0x80, s31  }
0x313: {  	[hbm4b:s8+s23] =	stream.strided.scatter [tilespmem:s0], [sflag:$0x4], $0x400, s26, s23, $0x38;
	[tilespmem:$0x18400] =	vst v63  }
.Ltmp5:
0x314: {  	s0 =	sadd.s32 $0xD000, s1;
	s8 =	sadd.s32 $0xC0, s31;
	(pc) =	sbr.rel @p0 .LBB2_12-.Ltmp5, $4  }
0x315: {  	[hbm4b:s8+s23] =	stream.strided.scatter [tilespmem:s0], [sflag:$0x4], $0x400, s26, s23, $0x38;
	[tilespmem:$0x18400] =	vst v63  }
0x316: {  	s0 =	sadd.s32 $0xD400, s1;
	s8 =	sadd.s32 $0x100, s31;
	s1 =	sadd.s32 $0xD800, s1  }
0x317: {  	[hbm4b:s8+s23] =	stream.strided.scatter [tilespmem:s0], [sflag:$0x4], $0x400, s26, s23, $0x38;
	[tilespmem:$0x18400] =	vst v63  }
0x318: {  	s8 =	sadd.s32 $0x140, s31;
	s31 =	sadd.s32 $0x300, s31;
	s0 =	smov.u32 s9  }
0x319: {  	[hbm4b:s8+s23] =	stream.strided.scatter [tilespmem:s1], [sflag:$0x4], $0x400, s26, s23, $0x38;
	[tilespmem:$0x18400] =	vst v63  }
0x31a: {  	s0 =	sadd.s32 $0xC400, s30  }
0x31b: {  	[hbm4b:s31+s23] =	stream.strided.scatter [tilespmem:s0], [sflag:$0x4], $0x400, s26, s23, $0x38;
	[tilespmem:$0x18400] =	vst v63  }
0x31c: {  	s8 =	sadd.s32 $0xC800, s30;
	s9 =	sadd.s32 $0x40, s31  }
0x31d: {  	[hbm4b:s9+s23] =	stream.strided.scatter [tilespmem:s8], [sflag:$0x4], $0x400, s26, s23, $0x38;
	[tilespmem:$0x18400] =	vst v63  }
0x31e: {  	s8 =	sadd.s32 $0xCC00, s30;
	s9 =	sadd.s32 $0x80, s31  }
0x31f: {  	[hbm4b:s9+s23] =	stream.strided.scatter [tilespmem:s8], [sflag:$0x4], $0x400, s26, s23, $0x38;
	[tilespmem:$0x18400] =	vst v63  }
0x320: {  	s8 =	sadd.s32 $0xD000, s30;
	s9 =	sadd.s32 $0xC0, s31  }
0x321: {  	[hbm4b:s9+s23] =	stream.strided.scatter [tilespmem:s8], [sflag:$0x4], $0x400, s26, s23, $0x38;
	[tilespmem:$0x18400] =	vst v63  }
0x322: {  	s8 =	sadd.s32 $0xD400, s30;
	s9 =	sadd.s32 $0x100, s31  }
0x323: {  	[hbm4b:s9+s23] =	stream.strided.scatter [tilespmem:s8], [sflag:$0x4], $0x400, s26, s23, $0x38;
	[tilespmem:$0x18400] =	vst v63  }
0x324: {  	s8 =	sadd.s32 $0xD800, s30;
	s9 =	sadd.s32 $0x140, s31  }
0x325: {  	[hbm4b:s9+s23] =	stream.strided.scatter [tilespmem:s8], [sflag:$0x4], $0x400, s26, s23, $0x38;
	[tilespmem:$0x18400] =	vst v63  }
0x326: {  	_ =	swait.ge [sflag:s28], $0xC000  }
0x327: {  	[sflag:s28] =	ssyncset.done $0x0  }
0x328: {  	[sflag:s28] =	ssyncadd.s32 $0xFFFF4000  }
0x329: {  	v3 =	vld [tilespmem:$0x1C0];
	_ =	sdelay $0x4  }
0x32a: {  	v4 =	vshrl.u32 v3, $0x3  }
0x32b: {  	v4 =	vmul.u32 $0x30, v4  }
0x32c: {  	v3 =	vand.u32 $0x7, v3  }
0x32d: {  	v3 =	vor.u32 v3, v4  }
0x32e: {  	v4 =	vperm.xlane v3, v0;
	_ =	sdelay $0x1  }
0x32f: {  	v4 =	vadd.s32 v1, v4;
	_ =	sdelay $0x3  }
0x330: {  	s0 =	simm.s32 $0x0;
	s8 =	simm.s32 $0xC400;
	v3 =	vperm.xlane v3, v2  }
0x331: {  	[tilespmem:s8], [sflag:$0x2] =	stream.indirect_vreg.gather [hbm4b:s3+s0], $0x80, v4, vm0, $0xb8;
	[tilespmem:$0x18400] =	vst v63  }
0x332: {  	s9 =	simm.s32 $0xCC00;
	v3 =	vadd.s32 v1, v3  }
0x333: {  	[tilespmem:s9], [sflag:$0x2] =	stream.indirect_vreg.gather [hbm4b:s6+s0], $0x80, v4, vm0, $0xb8;
	[tilespmem:$0x18400] =	vst v63  }
0x334: {  	s8 =	simm.s32 $0xD400  }
0x335: {  	[tilespmem:s8], [sflag:$0x2] =	stream.indirect_vreg.gather [hbm4b:s7+s0], $0x80, v4, vm0, $0xb8;
	[tilespmem:$0x18400] =	vst v63  }
0x336: {  	s9 =	simm.s32 $0xDC00  }
0x337: {  	[tilespmem:s9], [sflag:$0x2] =	stream.indirect_vreg.gather [hbm4b:s3+s0], $0x80, v3, vm0, $0xb8;
	[tilespmem:$0x18400] =	vst v63  }
0x338: {  	s8 =	simm.s32 $0xE400  }
0x339: {  	[tilespmem:s8], [sflag:$0x2] =	stream.indirect_vreg.gather [hbm4b:s6+s0], $0x80, v3, vm0, $0xb8;
	[tilespmem:$0x18400] =	vst v63  }
0x33a: {  	s9 =	simm.s32 $0xEC00  }
0x33b: {  	[tilespmem:s9], [sflag:$0x2] =	stream.indirect_vreg.gather [hbm4b:s7+s0], $0x80, v3, vm0, $0xb8;
	[tilespmem:$0x18400] =	vst v63  }
0x33c: {  	v3 =	vld [tilespmem:$0x1D0];
	_ =	sdelay $0x4  }
0x33d: {  	v61 =	vshrl.u32 v3, $0x3  }
0x33e: {  	v4 =	vmul.u32 $0x30, v61  }
0x33f: {  	v3 =	vand.u32 $0x7, v3  }
0x340: {  	v3 =	vor.u32 v3, v4  }
0x341: {  	v4 =	vperm.xlane v3, v0;
	_ =	sdelay $0x1  }
0x342: {  	v4 =	vadd.s32 v1, v4;
	_ =	sdelay $0x3  }
0x343: {  	s8 =	simm.s32 $0xF400;
	v3 =	vperm.xlane v3, v2  }
0x344: {  	[tilespmem:s8], [sflag:$0x2] =	stream.indirect_vreg.gather [hbm4b:s3+s0], $0x80, v4, vm0, $0xb8;
	[tilespmem:$0x18400] =	vst v63  }
0x345: {  	s9 =	simm.s32 $0xFC00;
	v3 =	vadd.s32 v1, v3  }
0x346: {  	[tilespmem:s9], [sflag:$0x2] =	stream.indirect_vreg.gather [hbm4b:s6+s0], $0x80, v4, vm0, $0xb8;
	[tilespmem:$0x18400] =	vst v63  }
0x347: {  	s8 =	simm.s32 $0x10400  }
0x348: {  	[tilespmem:s8], [sflag:$0x2] =	stream.indirect_vreg.gather [hbm4b:s7+s0], $0x80, v4, vm0, $0xb8;
	[tilespmem:$0x18400] =	vst v63  }
0x349: {  	s9 =	simm.s32 $0x10C00  }
0x34a: {  	[tilespmem:s9], [sflag:$0x2] =	stream.indirect_vreg.gather [hbm4b:s3+s0], $0x80, v3, vm0, $0xb8;
	[tilespmem:$0x18400] =	vst v63  }
0x34b: {  	s8 =	simm.s32 $0x11400  }
0x34c: {  	[tilespmem:s8], [sflag:$0x2] =	stream.indirect_vreg.gather [hbm4b:s6+s0], $0x80, v3, vm0, $0xb8;
	[tilespmem:$0x18400] =	vst v63  }
0x34d: {  	s9 =	simm.s32 $0x11C00  }
0x34e: {  	[tilespmem:s9], [sflag:$0x2] =	stream.indirect_vreg.gather [hbm4b:s7+s0], $0x80, v3, vm0, $0xb8;
	[tilespmem:$0x18400] =	vst v63  }
0x34f: {  	v3 =	vld [tilespmem:$0x1E0];
	_ =	sdelay $0x4  }
0x350: {  	v62 =	vshrl.u32 v3, $0x3  }
0x351: {  	v4 =	vmul.u32 $0x30, v62  }
0x352: {  	v3 =	vand.u32 $0x7, v3  }
0x353: {  	v3 =	vor.u32 v3, v4  }
0x354: {  	v4 =	vperm.xlane v3, v0;
	_ =	sdelay $0x1  }
0x355: {  	v4 =	vadd.s32 v1, v4;
	_ =	sdelay $0x3  }
0x356: {  	s8 =	simm.s32 $0x12400;
	v3 =	vperm.xlane v3, v2  }
0x357: {  	[tilespmem:s8], [sflag:$0x2] =	stream.indirect_vreg.gather [hbm4b:s3+s0], $0x80, v4, vm0, $0xb8;
	[tilespmem:$0x18400] =	vst v63  }
0x358: {  	s9 =	simm.s32 $0x12C00;
	v3 =	vadd.s32 v1, v3  }
0x359: {  	[tilespmem:s9], [sflag:$0x2] =	stream.indirect_vreg.gather [hbm4b:s6+s0], $0x80, v4, vm0, $0xb8;
	[tilespmem:$0x18400] =	vst v63  }
0x35a: {  	s8 =	simm.s32 $0x13400  }
0x35b: {  	[tilespmem:s8], [sflag:$0x2] =	stream.indirect_vreg.gather [hbm4b:s7+s0], $0x80, v4, vm0, $0xb8;
	[tilespmem:$0x18400] =	vst v63  }
0x35c: {  	s9 =	simm.s32 $0x13C00  }
0x35d: {  	[tilespmem:s9], [sflag:$0x2] =	stream.indirect_vreg.gather [hbm4b:s3+s0], $0x80, v3, vm0, $0xb8;
	[tilespmem:$0x18400] =	vst v63  }
0x35e: {  	s8 =	simm.s32 $0x14400  }
0x35f: {  	[tilespmem:s8], [sflag:$0x2] =	stream.indirect_vreg.gather [hbm4b:s6+s0], $0x80, v3, vm0, $0xb8;
	[tilespmem:$0x18400] =	vst v63  }
0x360: {  	s9 =	simm.s32 $0x14C00  }
0x361: {  	[tilespmem:s9], [sflag:$0x2] =	stream.indirect_vreg.gather [hbm4b:s7+s0], $0x80, v3, vm0, $0xb8;
	[tilespmem:$0x18400] =	vst v63  }
0x362: {  	v3 =	vld [tilespmem:$0x1F0];
	_ =	sdelay $0x4  }
0x363: {  	v63 =	vshrl.u32 v3, $0x3  }
0x364: {  	v4 =	vmul.u32 $0x30, v63  }
0x365: {  	v3 =	vand.u32 $0x7, v3  }
0x366: {  	v3 =	vor.u32 v3, v4  }
0x367: {  	v4 =	vperm.xlane v3, v0;
	_ =	sdelay $0x1  }
0x368: {  	v4 =	vadd.s32 v1, v4;
	_ =	sdelay $0x3  }
0x369: {  	s8 =	simm.s32 $0x15400;
	v3 =	vperm.xlane v3, v2  }
0x36a: {  	[tilespmem:s8], [sflag:$0x2] =	stream.indirect_vreg.gather [hbm4b:s3+s0], $0x80, v4, vm0, $0xb8;
	[tilespmem:$0x18400] =	vst v63  }
0x36b: {  	s9 =	simm.s32 $0x15C00;
	v3 =	vadd.s32 v1, v3  }
0x36c: {  	[tilespmem:s9], [sflag:$0x2] =	stream.indirect_vreg.gather [hbm4b:s6+s0], $0x80, v4, vm0, $0xb8;
	[tilespmem:$0x18400] =	vst v63  }
0x36d: {  	s8 =	simm.s32 $0x16400  }
0x36e: {  	[tilespmem:s8], [sflag:$0x2] =	stream.indirect_vreg.gather [hbm4b:s7+s0], $0x80, v4, vm0, $0xb8;
	[tilespmem:$0x18400] =	vst v63  }
0x36f: {  	s9 =	simm.s32 $0x16C00  }
0x370: {  	[tilespmem:s9], [sflag:$0x2] =	stream.indirect_vreg.gather [hbm4b:s3+s0], $0x80, v3, vm0, $0xb8;
	[tilespmem:$0x18400] =	vst v63  }
0x371: {  	s8 =	simm.s32 $0x17400  }
0x372: {  	[tilespmem:s8], [sflag:$0x2] =	stream.indirect_vreg.gather [hbm4b:s6+s0], $0x80, v3, vm0, $0xb8;
	[tilespmem:$0x18400] =	vst v63  }
0x373: {  	s9 =	simm.s32 $0x17C00  }
0x374: {  	[tilespmem:s9], [sflag:$0x2] =	stream.indirect_vreg.gather [hbm4b:s7+s0], $0x80, v3, vm0, $0xb8;
	[tilespmem:$0x18400] =	vst v63  }
0x375: {  	_ =	swait.ge [sflag:s4], $0xC000  }
0x376: {  	[sflag:s4] =	ssyncset.done $0x0  }
0x377: {  	s1 =	simm.s32 $0x400;
	[sflag:s4] =	ssyncadd.s32 $0xFFFF4000  }
0x378: {  	[hbm4b:s13+s23] =	stream.strided.scatter [tilespmem:s1], [sflag:$0x3], $0x400, s26, s23, $0x38;
	[tilespmem:$0x18400] =	vst v63  }
0x379: {  	s8 =	simm.s32 $0x800;
	s9 =	sadd.s32 $0x40, s13  }
0x37a: {  	[hbm4b:s9+s23] =	stream.strided.scatter [tilespmem:s8], [sflag:$0x3], $0x400, s26, s23, $0x38;
	[tilespmem:$0x18400] =	vst v63  }
0x37b: {  	s8 =	simm.s32 $0xC00;
	s9 =	sadd.s32 $0x80, s13  }
0x37c: {  	[hbm4b:s9+s23] =	stream.strided.scatter [tilespmem:s8], [sflag:$0x3], $0x400, s26, s23, $0x38;
	[tilespmem:$0x18400] =	vst v63  }
0x37d: {  	s30 =	simm.s32 $0x1800;
	s8 =	simm.s32 $0x1000;
	s9 =	sadd.s32 $0xC0, s13  }
0x37e: {  	[hbm4b:s9+s23] =	stream.strided.scatter [tilespmem:s8], [sflag:$0x3], $0x400, s26, s23, $0x38;
	[tilespmem:$0x18400] =	vst v63  }
0x37f: {  	s31 =	sadd.s32 $0x300, s13;
	s8 =	simm.s32 $0x1400;
	s9 =	sadd.s32 $0x100, s13  }
0x380: {  	[hbm4b:s9+s23] =	stream.strided.scatter [tilespmem:s8], [sflag:$0x3], $0x400, s26, s23, $0x38;
	[tilespmem:$0x18400] =	vst v63  }
0x381: {  	s0 =	simm.s32 $0xC000;
	s1 =	simm.s32 $0x1800;
	s8 =	sadd.s32 $0x140, s13  }
.LBB2_14:
0x382: {  	[hbm4b:s8+s23] =	stream.strided.scatter [tilespmem:s1], [sflag:$0x3], $0x400, s26, s23, $0x38;
	[tilespmem:$0x18400] =	vst v63  }
0x383: {  	s1 =	smov.u32 s30;
	s8 =	smov.u32 s0  }
0x384: {  	s9 =	sadd.s32 $0x6000, s0;
	s30 =	sshra.s32 s8, $0x2;
	s8 =	sadd.s32 $0x400, s1  }
0x385: {  	[hbm4b:s31+s23] =	stream.strided.scatter [tilespmem:s8], [sflag:$0x3], $0x400, s26, s23, $0x38;
	[tilespmem:$0x18400] =	vst v63  }
0x386: {  	p0 =	sne.s32 s0, $0x2A000;
	s0 =	sadd.s32 $0x800, s1;
	s8 =	sadd.s32 $0x40, s31  }
0x387: {  	[hbm4b:s8+s23] =	stream.strided.scatter [tilespmem:s0], [sflag:$0x3], $0x400, s26, s23, $0x38;
	[tilespmem:$0x18400] =	vst v63  }
0x388: {  	s0 =	sadd.s32 $0xC00, s1;
	s8 =	sadd.s32 $0x80, s31  }
0x389: {  	[hbm4b:s8+s23] =	stream.strided.scatter [tilespmem:s0], [sflag:$0x3], $0x400, s26, s23, $0x38;
	[tilespmem:$0x18400] =	vst v63  }
.Ltmp6:
0x38a: {  	s0 =	sadd.s32 $0x1000, s1;
	s8 =	sadd.s32 $0xC0, s31;
	(pc) =	sbr.rel @p0 .LBB2_14-.Ltmp6, $4  }
0x38b: {  	[hbm4b:s8+s23] =	stream.strided.scatter [tilespmem:s0], [sflag:$0x3], $0x400, s26, s23, $0x38;
	[tilespmem:$0x18400] =	vst v63  }
0x38c: {  	s0 =	sadd.s32 $0x1400, s1;
	s8 =	sadd.s32 $0x100, s31;
	s1 =	sadd.s32 $0x1800, s1  }
0x38d: {  	[hbm4b:s8+s23] =	stream.strided.scatter [tilespmem:s0], [sflag:$0x3], $0x400, s26, s23, $0x38;
	[tilespmem:$0x18400] =	vst v63  }
0x38e: {  	s8 =	sadd.s32 $0x140, s31;
	s31 =	sadd.s32 $0x300, s31;
	s0 =	smov.u32 s9  }
0x38f: {  	[hbm4b:s8+s23] =	stream.strided.scatter [tilespmem:s1], [sflag:$0x3], $0x400, s26, s23, $0x38;
	[tilespmem:$0x18400] =	vst v63  }
0x390: {  	s0 =	sadd.s32 $0x400, s30  }
0x391: {  	[hbm4b:s31+s23] =	stream.strided.scatter [tilespmem:s0], [sflag:$0x3], $0x400, s26, s23, $0x38;
	[tilespmem:$0x18400] =	vst v63  }
0x392: {  	s8 =	sadd.s32 $0x800, s30;
	s9 =	sadd.s32 $0x40, s31  }
0x393: {  	[hbm4b:s9+s23] =	stream.strided.scatter [tilespmem:s8], [sflag:$0x3], $0x400, s26, s23, $0x38;
	[tilespmem:$0x18400] =	vst v63  }
0x394: {  	s8 =	sadd.s32 $0xC00, s30;
	s9 =	sadd.s32 $0x80, s31  }
0x395: {  	[hbm4b:s9+s23] =	stream.strided.scatter [tilespmem:s8], [sflag:$0x3], $0x400, s26, s23, $0x38;
	[tilespmem:$0x18400] =	vst v63  }
0x396: {  	s8 =	sadd.s32 $0x1000, s30;
	s9 =	sadd.s32 $0xC0, s31  }
0x397: {  	[hbm4b:s9+s23] =	stream.strided.scatter [tilespmem:s8], [sflag:$0x3], $0x400, s26, s23, $0x38;
	[tilespmem:$0x18400] =	vst v63  }
0x398: {  	s8 =	sadd.s32 $0x1400, s30;
	s9 =	sadd.s32 $0x100, s31  }
0x399: {  	[hbm4b:s9+s23] =	stream.strided.scatter [tilespmem:s8], [sflag:$0x3], $0x400, s26, s23, $0x38;
	[tilespmem:$0x18400] =	vst v63  }
0x39a: {  	s1 =	sadd.s32 $0x1800, s30;
	s8 =	sadd.s32 $0x140, s31  }
0x39b: {  	[hbm4b:s8+s23] =	stream.strided.scatter [tilespmem:s1], [sflag:$0x3], $0x400, s26, s23, $0x38;
	[tilespmem:$0x18400] =	vst v63  }
0x39c: {  	_ =	swait.ge [sflag:s24], $0xC000  }
0x39d: {  	[sflag:s24] =	ssyncset.done $0x0  }
0x39e: {  	[sflag:s24] =	ssyncadd.s32 $0xFFFF4000  }
0x39f: {  	v3 =	vld [tilespmem:$0x200];
	_ =	sdelay $0x4  }
0x3a0: {  	v4 =	vshrl.u32 v3, $0x3  }
0x3a1: {  	v4 =	vmul.u32 $0x30, v4  }
0x3a2: {  	v3 =	vand.u32 $0x7, v3  }
0x3a3: {  	v3 =	vor.u32 v3, v4  }
0x3a4: {  	v4 =	vperm.xlane v3, v0;
	_ =	sdelay $0x1  }
0x3a5: {  	v4 =	vadd.s32 v1, v4;
	_ =	sdelay $0x3  }
0x3a6: {  	s0 =	simm.s32 $0x0;
	s9 =	simm.s32 $0x400;
	v3 =	vperm.xlane v3, v2  }
0x3a7: {  	[tilespmem:s9], [sflag:$0x1] =	stream.indirect_vreg.gather [hbm4b:s3+s0], $0x80, v4, vm0, $0xb8;
	[tilespmem:$0x18400] =	vst v63  }
0x3a8: {  	v3 =	vadd.s32 v1, v3  }
0x3a9: {  	[tilespmem:s26], [sflag:$0x1] =	stream.indirect_vreg.gather [hbm4b:s6+s0], $0x80, v4, vm0, $0xb8;
	[tilespmem:$0x18400] =	vst v63  }
0x3aa: {  	s8 =	simm.s32 $0x1400  }
0x3ab: {  	[tilespmem:s8], [sflag:$0x1] =	stream.indirect_vreg.gather [hbm4b:s7+s0], $0x80, v4, vm0, $0xb8;
	[tilespmem:$0x18400] =	vst v63  }
0x3ac: {  	s9 =	simm.s32 $0x1C00  }
0x3ad: {  	[tilespmem:s9], [sflag:$0x1] =	stream.indirect_vreg.gather [hbm4b:s3+s0], $0x80, v3, vm0, $0xb8;
	[tilespmem:$0x18400] =	vst v63  }
0x3ae: {  	s8 =	simm.s32 $0x2400  }
0x3af: {  	[tilespmem:s8], [sflag:$0x1] =	stream.indirect_vreg.gather [hbm4b:s6+s0], $0x80, v3, vm0, $0xb8;
	[tilespmem:$0x18400] =	vst v63  }
0x3b0: {  	s9 =	simm.s32 $0x2C00  }
0x3b1: {  	[tilespmem:s9], [sflag:$0x1] =	stream.indirect_vreg.gather [hbm4b:s7+s0], $0x80, v3, vm0, $0xb8;
	[tilespmem:$0x18400] =	vst v63  }
0x3b2: {  	v3 =	vld [tilespmem:$0x210];
	_ =	sdelay $0x4  }
0x3b3: {  	v61 =	vshrl.u32 v3, $0x3  }
0x3b4: {  	v4 =	vmul.u32 $0x30, v61  }
0x3b5: {  	v3 =	vand.u32 $0x7, v3  }
0x3b6: {  	v3 =	vor.u32 v3, v4  }
0x3b7: {  	v4 =	vperm.xlane v3, v0;
	_ =	sdelay $0x1  }
0x3b8: {  	v4 =	vadd.s32 v1, v4;
	_ =	sdelay $0x3  }
0x3b9: {  	s8 =	simm.s32 $0x3400;
	v3 =	vperm.xlane v3, v2  }
0x3ba: {  	[tilespmem:s8], [sflag:$0x1] =	stream.indirect_vreg.gather [hbm4b:s3+s0], $0x80, v4, vm0, $0xb8;
	[tilespmem:$0x18400] =	vst v63  }
0x3bb: {  	s9 =	simm.s32 $0x3C00;
	v3 =	vadd.s32 v1, v3  }
0x3bc: {  	[tilespmem:s9], [sflag:$0x1] =	stream.indirect_vreg.gather [hbm4b:s6+s0], $0x80, v4, vm0, $0xb8;
	[tilespmem:$0x18400] =	vst v63  }
0x3bd: {  	s8 =	simm.s32 $0x4400  }
0x3be: {  	[tilespmem:s8], [sflag:$0x1] =	stream.indirect_vreg.gather [hbm4b:s7+s0], $0x80, v4, vm0, $0xb8;
	[tilespmem:$0x18400] =	vst v63  }
0x3bf: {  	s9 =	simm.s32 $0x4C00  }
0x3c0: {  	[tilespmem:s9], [sflag:$0x1] =	stream.indirect_vreg.gather [hbm4b:s3+s0], $0x80, v3, vm0, $0xb8;
	[tilespmem:$0x18400] =	vst v63  }
0x3c1: {  	s8 =	simm.s32 $0x5400  }
0x3c2: {  	[tilespmem:s8], [sflag:$0x1] =	stream.indirect_vreg.gather [hbm4b:s6+s0], $0x80, v3, vm0, $0xb8;
	[tilespmem:$0x18400] =	vst v63  }
0x3c3: {  	s9 =	simm.s32 $0x5C00  }
0x3c4: {  	[tilespmem:s9], [sflag:$0x1] =	stream.indirect_vreg.gather [hbm4b:s7+s0], $0x80, v3, vm0, $0xb8;
	[tilespmem:$0x18400] =	vst v63  }
0x3c5: {  	v3 =	vld [tilespmem:$0x220];
	_ =	sdelay $0x4  }
0x3c6: {  	v62 =	vshrl.u32 v3, $0x3  }
0x3c7: {  	v4 =	vmul.u32 $0x30, v62  }
0x3c8: {  	v3 =	vand.u32 $0x7, v3  }
0x3c9: {  	v3 =	vor.u32 v3, v4  }
0x3ca: {  	v4 =	vperm.xlane v3, v0;
	_ =	sdelay $0x1  }
0x3cb: {  	v4 =	vadd.s32 v1, v4;
	_ =	sdelay $0x3  }
0x3cc: {  	s8 =	simm.s32 $0x6400;
	v3 =	vperm.xlane v3, v2  }
0x3cd: {  	[tilespmem:s8], [sflag:$0x1] =	stream.indirect_vreg.gather [hbm4b:s3+s0], $0x80, v4, vm0, $0xb8;
	[tilespmem:$0x18400] =	vst v63  }
0x3ce: {  	s9 =	simm.s32 $0x6C00;
	v3 =	vadd.s32 v1, v3  }
0x3cf: {  	[tilespmem:s9], [sflag:$0x1] =	stream.indirect_vreg.gather [hbm4b:s6+s0], $0x80, v4, vm0, $0xb8;
	[tilespmem:$0x18400] =	vst v63  }
0x3d0: {  	s8 =	simm.s32 $0x7400  }
0x3d1: {  	[tilespmem:s8], [sflag:$0x1] =	stream.indirect_vreg.gather [hbm4b:s7+s0], $0x80, v4, vm0, $0xb8;
	[tilespmem:$0x18400] =	vst v63  }
0x3d2: {  	s9 =	simm.s32 $0x7C00  }
0x3d3: {  	[tilespmem:s9], [sflag:$0x1] =	stream.indirect_vreg.gather [hbm4b:s3+s0], $0x80, v3, vm0, $0xb8;
	[tilespmem:$0x18400] =	vst v63  }
0x3d4: {  	s8 =	simm.s32 $0x8400  }
0x3d5: {  	[tilespmem:s8], [sflag:$0x1] =	stream.indirect_vreg.gather [hbm4b:s6+s0], $0x80, v3, vm0, $0xb8;
	[tilespmem:$0x18400] =	vst v63  }
0x3d6: {  	s9 =	simm.s32 $0x8C00  }
0x3d7: {  	[tilespmem:s9], [sflag:$0x1] =	stream.indirect_vreg.gather [hbm4b:s7+s0], $0x80, v3, vm0, $0xb8;
	[tilespmem:$0x18400] =	vst v63  }
0x3d8: {  	v3 =	vld [tilespmem:$0x230];
	_ =	sdelay $0x4  }
0x3d9: {  	v63 =	vshrl.u32 v3, $0x3  }
0x3da: {  	v4 =	vmul.u32 $0x30, v63  }
0x3db: {  	v3 =	vand.u32 $0x7, v3  }
0x3dc: {  	v3 =	vor.u32 v3, v4  }
0x3dd: {  	v4 =	vperm.xlane v3, v0;
	_ =	sdelay $0x1  }
0x3de: {  	v4 =	vadd.s32 v1, v4;
	_ =	sdelay $0x3  }
0x3df: {  	s8 =	simm.s32 $0x9400;
	v3 =	vperm.xlane v3, v2  }
0x3e0: {  	[tilespmem:s8], [sflag:$0x1] =	stream.indirect_vreg.gather [hbm4b:s3+s0], $0x80, v4, vm0, $0xb8;
	[tilespmem:$0x18400] =	vst v63  }
0x3e1: {  	s9 =	simm.s32 $0x9C00;
	v3 =	vadd.s32 v1, v3  }
0x3e2: {  	[tilespmem:s9], [sflag:$0x1] =	stream.indirect_vreg.gather [hbm4b:s6+s0], $0x80, v4, vm0, $0xb8;
	[tilespmem:$0x18400] =	vst v63  }
0x3e3: {  	s8 =	simm.s32 $0xA400  }
0x3e4: {  	[tilespmem:s8], [sflag:$0x1] =	stream.indirect_vreg.gather [hbm4b:s7+s0], $0x80, v4, vm0, $0xb8;
	[tilespmem:$0x18400] =	vst v63  }
0x3e5: {  	s9 =	simm.s32 $0xAC00  }
0x3e6: {  	[tilespmem:s9], [sflag:$0x1] =	stream.indirect_vreg.gather [hbm4b:s3+s0], $0x80, v3, vm0, $0xb8;
	[tilespmem:$0x18400] =	vst v63  }
0x3e7: {  	s8 =	simm.s32 $0xB400  }
0x3e8: {  	[tilespmem:s8], [sflag:$0x1] =	stream.indirect_vreg.gather [hbm4b:s6+s0], $0x80, v3, vm0, $0xb8;
	[tilespmem:$0x18400] =	vst v63  }
0x3e9: {  	s9 =	simm.s32 $0xBC00  }
0x3ea: {  	[tilespmem:s9], [sflag:$0x1] =	stream.indirect_vreg.gather [hbm4b:s7+s0], $0x80, v3, vm0, $0xb8;
	[tilespmem:$0x18400] =	vst v63  }
0x3eb: {  	_ =	swait.ge [sflag:s25], $0xC000  }
0x3ec: {  	[sflag:s25] =	ssyncset.done $0x0  }
0x3ed: {  	s1 =	simm.s32 $0xC400;
	[sflag:s25] =	ssyncadd.s32 $0xFFFF4000  }
0x3ee: {  	[hbm4b:s14+s23] =	stream.strided.scatter [tilespmem:s1], [sflag:$0x4], $0x400, s26, s23, $0x38;
	[tilespmem:$0x18400] =	vst v63  }
0x3ef: {  	s8 =	simm.s32 $0xC800;
	s9 =	sadd.s32 $0x40, s14  }
0x3f0: {  	[hbm4b:s9+s23] =	stream.strided.scatter [tilespmem:s8], [sflag:$0x4], $0x400, s26, s23, $0x38;
	[tilespmem:$0x18400] =	vst v63  }
0x3f1: {  	s8 =	simm.s32 $0xCC00;
	s9 =	sadd.s32 $0x80, s14  }
0x3f2: {  	[hbm4b:s9+s23] =	stream.strided.scatter [tilespmem:s8], [sflag:$0x4], $0x400, s26, s23, $0x38;
	[tilespmem:$0x18400] =	vst v63  }
0x3f3: {  	s30 =	simm.s32 $0x1800;
	s8 =	simm.s32 $0xD000;
	s9 =	sadd.s32 $0xC0, s14  }
0x3f4: {  	[hbm4b:s9+s23] =	stream.strided.scatter [tilespmem:s8], [sflag:$0x4], $0x400, s26, s23, $0x38;
	[tilespmem:$0x18400] =	vst v63  }
0x3f5: {  	s31 =	sadd.s32 $0x300, s14;
	s8 =	simm.s32 $0xD400;
	s9 =	sadd.s32 $0x100, s14  }
0x3f6: {  	[hbm4b:s9+s23] =	stream.strided.scatter [tilespmem:s8], [sflag:$0x4], $0x400, s26, s23, $0x38;
	[tilespmem:$0x18400] =	vst v63  }
0x3f7: {  	s0 =	simm.s32 $0xC000;
	s1 =	simm.s32 $0xD800;
	s8 =	sadd.s32 $0x140, s14  }
.LBB2_16:
0x3f8: {  	[hbm4b:s8+s23] =	stream.strided.scatter [tilespmem:s1], [sflag:$0x4], $0x400, s26, s23, $0x38;
	[tilespmem:$0x18400] =	vst v63  }
0x3f9: {  	s1 =	smov.u32 s30;
	s8 =	smov.u32 s0  }
0x3fa: {  	s9 =	sadd.s32 $0x6000, s0;
	s30 =	sshra.s32 s8, $0x2;
	s8 =	sadd.s32 $0xC400, s1  }
0x3fb: {  	[hbm4b:s31+s23] =	stream.strided.scatter [tilespmem:s8], [sflag:$0x4], $0x400, s26, s23, $0x38;
	[tilespmem:$0x18400] =	vst v63  }
0x3fc: {  	p0 =	sne.s32 s0, $0x2A000;
	s0 =	sadd.s32 $0xC800, s1;
	s8 =	sadd.s32 $0x40, s31  }
0x3fd: {  	[hbm4b:s8+s23] =	stream.strided.scatter [tilespmem:s0], [sflag:$0x4], $0x400, s26, s23, $0x38;
	[tilespmem:$0x18400] =	vst v63  }
0x3fe: {  	s0 =	sadd.s32 $0xCC00, s1;
	s8 =	sadd.s32 $0x80, s31  }
0x3ff: {  	[hbm4b:s8+s23] =	stream.strided.scatter [tilespmem:s0], [sflag:$0x4], $0x400, s26, s23, $0x38;
	[tilespmem:$0x18400] =	vst v63  }
.Ltmp7:
0x400: {  	s0 =	sadd.s32 $0xD000, s1;
	s8 =	sadd.s32 $0xC0, s31;
	(pc) =	sbr.rel @p0 .LBB2_16-.Ltmp7, $4  }
0x401: {  	[hbm4b:s8+s23] =	stream.strided.scatter [tilespmem:s0], [sflag:$0x4], $0x400, s26, s23, $0x38;
	[tilespmem:$0x18400] =	vst v63  }
0x402: {  	s0 =	sadd.s32 $0xD400, s1;
	s8 =	sadd.s32 $0x100, s31;
	s1 =	sadd.s32 $0xD800, s1  }
0x403: {  	[hbm4b:s8+s23] =	stream.strided.scatter [tilespmem:s0], [sflag:$0x4], $0x400, s26, s23, $0x38;
	[tilespmem:$0x18400] =	vst v63  }
0x404: {  	s8 =	sadd.s32 $0x140, s31;
	s31 =	sadd.s32 $0x300, s31;
	s0 =	smov.u32 s9  }
0x405: {  	[hbm4b:s8+s23] =	stream.strided.scatter [tilespmem:s1], [sflag:$0x4], $0x400, s26, s23, $0x38;
	[tilespmem:$0x18400] =	vst v63  }
0x406: {  	s0 =	sadd.s32 $0xC400, s30  }
0x407: {  	[hbm4b:s31+s23] =	stream.strided.scatter [tilespmem:s0], [sflag:$0x4], $0x400, s26, s23, $0x38;
	[tilespmem:$0x18400] =	vst v63  }
0x408: {  	s8 =	sadd.s32 $0xC800, s30;
	s9 =	sadd.s32 $0x40, s31  }
0x409: {  	[hbm4b:s9+s23] =	stream.strided.scatter [tilespmem:s8], [sflag:$0x4], $0x400, s26, s23, $0x38;
	[tilespmem:$0x18400] =	vst v63  }
0x40a: {  	s8 =	sadd.s32 $0xCC00, s30;
	s9 =	sadd.s32 $0x80, s31  }
0x40b: {  	[hbm4b:s9+s23] =	stream.strided.scatter [tilespmem:s8], [sflag:$0x4], $0x400, s26, s23, $0x38;
	[tilespmem:$0x18400] =	vst v63  }
0x40c: {  	s8 =	sadd.s32 $0xD000, s30;
	s9 =	sadd.s32 $0xC0, s31  }
0x40d: {  	[hbm4b:s9+s23] =	stream.strided.scatter [tilespmem:s8], [sflag:$0x4], $0x400, s26, s23, $0x38;
	[tilespmem:$0x18400] =	vst v63  }
0x40e: {  	s8 =	sadd.s32 $0xD400, s30;
	s9 =	sadd.s32 $0x100, s31  }
0x40f: {  	[hbm4b:s9+s23] =	stream.strided.scatter [tilespmem:s8], [sflag:$0x4], $0x400, s26, s23, $0x38;
	[tilespmem:$0x18400] =	vst v63  }
0x410: {  	s8 =	sadd.s32 $0xD800, s30;
	s9 =	sadd.s32 $0x140, s31  }
0x411: {  	[hbm4b:s9+s23] =	stream.strided.scatter [tilespmem:s8], [sflag:$0x4], $0x400, s26, s23, $0x38;
	[tilespmem:$0x18400] =	vst v63  }
0x412: {  	_ =	swait.ge [sflag:s28], $0xC000  }
0x413: {  	[sflag:s28] =	ssyncset.done $0x0  }
0x414: {  	[sflag:s28] =	ssyncadd.s32 $0xFFFF4000  }
0x415: {  	v3 =	vld [tilespmem:$0x240];
	_ =	sdelay $0x4  }
0x416: {  	v4 =	vshrl.u32 v3, $0x3  }
0x417: {  	v4 =	vmul.u32 $0x30, v4  }
0x418: {  	v3 =	vand.u32 $0x7, v3  }
0x419: {  	v3 =	vor.u32 v3, v4  }
0x41a: {  	v4 =	vperm.xlane v3, v0;
	_ =	sdelay $0x1  }
0x41b: {  	v4 =	vadd.s32 v1, v4;
	_ =	sdelay $0x3  }
0x41c: {  	s0 =	simm.s32 $0x0;
	s8 =	simm.s32 $0xC400;
	v3 =	vperm.xlane v3, v2  }
0x41d: {  	[tilespmem:s8], [sflag:$0x2] =	stream.indirect_vreg.gather [hbm4b:s3+s0], $0x80, v4, vm0, $0xb8;
	[tilespmem:$0x18400] =	vst v63  }
0x41e: {  	s9 =	simm.s32 $0xCC00;
	v3 =	vadd.s32 v1, v3  }
0x41f: {  	[tilespmem:s9], [sflag:$0x2] =	stream.indirect_vreg.gather [hbm4b:s6+s0], $0x80, v4, vm0, $0xb8;
	[tilespmem:$0x18400] =	vst v63  }
0x420: {  	s8 =	simm.s32 $0xD400  }
0x421: {  	[tilespmem:s8], [sflag:$0x2] =	stream.indirect_vreg.gather [hbm4b:s7+s0], $0x80, v4, vm0, $0xb8;
	[tilespmem:$0x18400] =	vst v63  }
0x422: {  	s9 =	simm.s32 $0xDC00  }
0x423: {  	[tilespmem:s9], [sflag:$0x2] =	stream.indirect_vreg.gather [hbm4b:s3+s0], $0x80, v3, vm0, $0xb8;
	[tilespmem:$0x18400] =	vst v63  }
0x424: {  	s8 =	simm.s32 $0xE400  }
0x425: {  	[tilespmem:s8], [sflag:$0x2] =	stream.indirect_vreg.gather [hbm4b:s6+s0], $0x80, v3, vm0, $0xb8;
	[tilespmem:$0x18400] =	vst v63  }
0x426: {  	s9 =	simm.s32 $0xEC00  }
0x427: {  	[tilespmem:s9], [sflag:$0x2] =	stream.indirect_vreg.gather [hbm4b:s7+s0], $0x80, v3, vm0, $0xb8;
	[tilespmem:$0x18400] =	vst v63  }
0x428: {  	v3 =	vld [tilespmem:$0x250];
	_ =	sdelay $0x4  }
0x429: {  	v61 =	vshrl.u32 v3, $0x3  }
0x42a: {  	v4 =	vmul.u32 $0x30, v61  }
0x42b: {  	v3 =	vand.u32 $0x7, v3  }
0x42c: {  	v3 =	vor.u32 v3, v4  }
0x42d: {  	v4 =	vperm.xlane v3, v0;
	_ =	sdelay $0x1  }
0x42e: {  	v4 =	vadd.s32 v1, v4;
	_ =	sdelay $0x3  }
0x42f: {  	s8 =	simm.s32 $0xF400;
	v3 =	vperm.xlane v3, v2  }
0x430: {  	[tilespmem:s8], [sflag:$0x2] =	stream.indirect_vreg.gather [hbm4b:s3+s0], $0x80, v4, vm0, $0xb8;
	[tilespmem:$0x18400] =	vst v63  }
0x431: {  	s9 =	simm.s32 $0xFC00;
	v3 =	vadd.s32 v1, v3  }
0x432: {  	[tilespmem:s9], [sflag:$0x2] =	stream.indirect_vreg.gather [hbm4b:s6+s0], $0x80, v4, vm0, $0xb8;
	[tilespmem:$0x18400] =	vst v63  }
0x433: {  	s8 =	simm.s32 $0x10400  }
0x434: {  	[tilespmem:s8], [sflag:$0x2] =	stream.indirect_vreg.gather [hbm4b:s7+s0], $0x80, v4, vm0, $0xb8;
	[tilespmem:$0x18400] =	vst v63  }
0x435: {  	s9 =	simm.s32 $0x10C00  }
0x436: {  	[tilespmem:s9], [sflag:$0x2] =	stream.indirect_vreg.gather [hbm4b:s3+s0], $0x80, v3, vm0, $0xb8;
	[tilespmem:$0x18400] =	vst v63  }
0x437: {  	s8 =	simm.s32 $0x11400  }
0x438: {  	[tilespmem:s8], [sflag:$0x2] =	stream.indirect_vreg.gather [hbm4b:s6+s0], $0x80, v3, vm0, $0xb8;
	[tilespmem:$0x18400] =	vst v63  }
0x439: {  	s9 =	simm.s32 $0x11C00  }
0x43a: {  	[tilespmem:s9], [sflag:$0x2] =	stream.indirect_vreg.gather [hbm4b:s7+s0], $0x80, v3, vm0, $0xb8;
	[tilespmem:$0x18400] =	vst v63  }
0x43b: {  	v3 =	vld [tilespmem:$0x260];
	_ =	sdelay $0x4  }
0x43c: {  	v62 =	vshrl.u32 v3, $0x3  }
0x43d: {  	v4 =	vmul.u32 $0x30, v62  }
0x43e: {  	v3 =	vand.u32 $0x7, v3  }
0x43f: {  	v3 =	vor.u32 v3, v4  }
0x440: {  	v4 =	vperm.xlane v3, v0;
	_ =	sdelay $0x1  }
0x441: {  	v4 =	vadd.s32 v1, v4;
	_ =	sdelay $0x3  }
0x442: {  	s8 =	simm.s32 $0x12400;
	v3 =	vperm.xlane v3, v2  }
0x443: {  	[tilespmem:s8], [sflag:$0x2] =	stream.indirect_vreg.gather [hbm4b:s3+s0], $0x80, v4, vm0, $0xb8;
	[tilespmem:$0x18400] =	vst v63  }
0x444: {  	s9 =	simm.s32 $0x12C00;
	v3 =	vadd.s32 v1, v3  }
0x445: {  	[tilespmem:s9], [sflag:$0x2] =	stream.indirect_vreg.gather [hbm4b:s6+s0], $0x80, v4, vm0, $0xb8;
	[tilespmem:$0x18400] =	vst v63  }
0x446: {  	s8 =	simm.s32 $0x13400  }
0x447: {  	[tilespmem:s8], [sflag:$0x2] =	stream.indirect_vreg.gather [hbm4b:s7+s0], $0x80, v4, vm0, $0xb8;
	[tilespmem:$0x18400] =	vst v63  }
0x448: {  	s9 =	simm.s32 $0x13C00  }
0x449: {  	[tilespmem:s9], [sflag:$0x2] =	stream.indirect_vreg.gather [hbm4b:s3+s0], $0x80, v3, vm0, $0xb8;
	[tilespmem:$0x18400] =	vst v63  }
0x44a: {  	s8 =	simm.s32 $0x14400  }
0x44b: {  	[tilespmem:s8], [sflag:$0x2] =	stream.indirect_vreg.gather [hbm4b:s6+s0], $0x80, v3, vm0, $0xb8;
	[tilespmem:$0x18400] =	vst v63  }
0x44c: {  	s9 =	simm.s32 $0x14C00  }
0x44d: {  	[tilespmem:s9], [sflag:$0x2] =	stream.indirect_vreg.gather [hbm4b:s7+s0], $0x80, v3, vm0, $0xb8;
	[tilespmem:$0x18400] =	vst v63  }
0x44e: {  	v3 =	vld [tilespmem:$0x270];
	_ =	sdelay $0x4  }
0x44f: {  	v63 =	vshrl.u32 v3, $0x3  }
0x450: {  	v4 =	vmul.u32 $0x30, v63  }
0x451: {  	v3 =	vand.u32 $0x7, v3  }
0x452: {  	v3 =	vor.u32 v3, v4  }
0x453: {  	v4 =	vperm.xlane v3, v0;
	_ =	sdelay $0x1  }
0x454: {  	v4 =	vadd.s32 v1, v4;
	_ =	sdelay $0x3  }
0x455: {  	s8 =	simm.s32 $0x15400;
	v3 =	vperm.xlane v3, v2  }
0x456: {  	[tilespmem:s8], [sflag:$0x2] =	stream.indirect_vreg.gather [hbm4b:s3+s0], $0x80, v4, vm0, $0xb8;
	[tilespmem:$0x18400] =	vst v63  }
0x457: {  	s9 =	simm.s32 $0x15C00;
	v3 =	vadd.s32 v1, v3  }
0x458: {  	[tilespmem:s9], [sflag:$0x2] =	stream.indirect_vreg.gather [hbm4b:s6+s0], $0x80, v4, vm0, $0xb8;
	[tilespmem:$0x18400] =	vst v63  }
0x459: {  	s8 =	simm.s32 $0x16400  }
0x45a: {  	[tilespmem:s8], [sflag:$0x2] =	stream.indirect_vreg.gather [hbm4b:s7+s0], $0x80, v4, vm0, $0xb8;
	[tilespmem:$0x18400] =	vst v63  }
0x45b: {  	s9 =	simm.s32 $0x16C00  }
0x45c: {  	[tilespmem:s9], [sflag:$0x2] =	stream.indirect_vreg.gather [hbm4b:s3+s0], $0x80, v3, vm0, $0xb8;
	[tilespmem:$0x18400] =	vst v63  }
0x45d: {  	s8 =	simm.s32 $0x17400  }
0x45e: {  	[tilespmem:s8], [sflag:$0x2] =	stream.indirect_vreg.gather [hbm4b:s6+s0], $0x80, v3, vm0, $0xb8;
	[tilespmem:$0x18400] =	vst v63  }
0x45f: {  	s9 =	simm.s32 $0x17C00  }
0x460: {  	[tilespmem:s9], [sflag:$0x2] =	stream.indirect_vreg.gather [hbm4b:s7+s0], $0x80, v3, vm0, $0xb8;
	[tilespmem:$0x18400] =	vst v63  }
0x461: {  	_ =	swait.ge [sflag:s4], $0xC000  }
0x462: {  	[sflag:s4] =	ssyncset.done $0x0  }
0x463: {  	s1 =	simm.s32 $0x400;
	[sflag:s4] =	ssyncadd.s32 $0xFFFF4000  }
0x464: {  	[hbm4b:s15+s23] =	stream.strided.scatter [tilespmem:s1], [sflag:$0x3], $0x400, s26, s23, $0x38;
	[tilespmem:$0x18400] =	vst v63  }
0x465: {  	s8 =	simm.s32 $0x800;
	s9 =	sadd.s32 $0x40, s15  }
0x466: {  	[hbm4b:s9+s23] =	stream.strided.scatter [tilespmem:s8], [sflag:$0x3], $0x400, s26, s23, $0x38;
	[tilespmem:$0x18400] =	vst v63  }
0x467: {  	s8 =	simm.s32 $0xC00;
	s9 =	sadd.s32 $0x80, s15  }
0x468: {  	[hbm4b:s9+s23] =	stream.strided.scatter [tilespmem:s8], [sflag:$0x3], $0x400, s26, s23, $0x38;
	[tilespmem:$0x18400] =	vst v63  }
0x469: {  	s30 =	simm.s32 $0x1800;
	s8 =	simm.s32 $0x1000;
	s9 =	sadd.s32 $0xC0, s15  }
0x46a: {  	[hbm4b:s9+s23] =	stream.strided.scatter [tilespmem:s8], [sflag:$0x3], $0x400, s26, s23, $0x38;
	[tilespmem:$0x18400] =	vst v63  }
0x46b: {  	s31 =	sadd.s32 $0x300, s15;
	s8 =	simm.s32 $0x1400;
	s9 =	sadd.s32 $0x100, s15  }
0x46c: {  	[hbm4b:s9+s23] =	stream.strided.scatter [tilespmem:s8], [sflag:$0x3], $0x400, s26, s23, $0x38;
	[tilespmem:$0x18400] =	vst v63  }
0x46d: {  	s0 =	simm.s32 $0xC000;
	s1 =	simm.s32 $0x1800;
	s8 =	sadd.s32 $0x140, s15  }
.LBB2_18:
0x46e: {  	[hbm4b:s8+s23] =	stream.strided.scatter [tilespmem:s1], [sflag:$0x3], $0x400, s26, s23, $0x38;
	[tilespmem:$0x18400] =	vst v63  }
0x46f: {  	s1 =	smov.u32 s30;
	s8 =	smov.u32 s0  }
0x470: {  	s9 =	sadd.s32 $0x6000, s0;
	s30 =	sshra.s32 s8, $0x2;
	s8 =	sadd.s32 $0x400, s1  }
0x471: {  	[hbm4b:s31+s23] =	stream.strided.scatter [tilespmem:s8], [sflag:$0x3], $0x400, s26, s23, $0x38;
	[tilespmem:$0x18400] =	vst v63  }
0x472: {  	p0 =	sne.s32 s0, $0x2A000;
	s0 =	sadd.s32 $0x800, s1;
	s8 =	sadd.s32 $0x40, s31  }
0x473: {  	[hbm4b:s8+s23] =	stream.strided.scatter [tilespmem:s0], [sflag:$0x3], $0x400, s26, s23, $0x38;
	[tilespmem:$0x18400] =	vst v63  }
0x474: {  	s0 =	sadd.s32 $0xC00, s1;
	s8 =	sadd.s32 $0x80, s31  }
0x475: {  	[hbm4b:s8+s23] =	stream.strided.scatter [tilespmem:s0], [sflag:$0x3], $0x400, s26, s23, $0x38;
	[tilespmem:$0x18400] =	vst v63  }
.Ltmp8:
0x476: {  	s0 =	sadd.s32 $0x1000, s1;
	s8 =	sadd.s32 $0xC0, s31;
	(pc) =	sbr.rel @p0 .LBB2_18-.Ltmp8, $4  }
0x477: {  	[hbm4b:s8+s23] =	stream.strided.scatter [tilespmem:s0], [sflag:$0x3], $0x400, s26, s23, $0x38;
	[tilespmem:$0x18400] =	vst v63  }
0x478: {  	s0 =	sadd.s32 $0x1400, s1;
	s8 =	sadd.s32 $0x100, s31;
	s1 =	sadd.s32 $0x1800, s1  }
0x479: {  	[hbm4b:s8+s23] =	stream.strided.scatter [tilespmem:s0], [sflag:$0x3], $0x400, s26, s23, $0x38;
	[tilespmem:$0x18400] =	vst v63  }
0x47a: {  	s8 =	sadd.s32 $0x140, s31;
	s31 =	sadd.s32 $0x300, s31;
	s0 =	smov.u32 s9  }
0x47b: {  	[hbm4b:s8+s23] =	stream.strided.scatter [tilespmem:s1], [sflag:$0x3], $0x400, s26, s23, $0x38;
	[tilespmem:$0x18400] =	vst v63  }
0x47c: {  	s0 =	sadd.s32 $0x400, s30  }
0x47d: {  	[hbm4b:s31+s23] =	stream.strided.scatter [tilespmem:s0], [sflag:$0x3], $0x400, s26, s23, $0x38;
	[tilespmem:$0x18400] =	vst v63  }
0x47e: {  	s8 =	sadd.s32 $0x800, s30;
	s9 =	sadd.s32 $0x40, s31  }
0x47f: {  	[hbm4b:s9+s23] =	stream.strided.scatter [tilespmem:s8], [sflag:$0x3], $0x400, s26, s23, $0x38;
	[tilespmem:$0x18400] =	vst v63  }
0x480: {  	s8 =	sadd.s32 $0xC00, s30;
	s9 =	sadd.s32 $0x80, s31  }
0x481: {  	[hbm4b:s9+s23] =	stream.strided.scatter [tilespmem:s8], [sflag:$0x3], $0x400, s26, s23, $0x38;
	[tilespmem:$0x18400] =	vst v63  }
0x482: {  	s8 =	sadd.s32 $0x1000, s30;
	s9 =	sadd.s32 $0xC0, s31  }
0x483: {  	[hbm4b:s9+s23] =	stream.strided.scatter [tilespmem:s8], [sflag:$0x3], $0x400, s26, s23, $0x38;
	[tilespmem:$0x18400] =	vst v63  }
0x484: {  	s8 =	sadd.s32 $0x1400, s30;
	s9 =	sadd.s32 $0x100, s31  }
0x485: {  	[hbm4b:s9+s23] =	stream.strided.scatter [tilespmem:s8], [sflag:$0x3], $0x400, s26, s23, $0x38;
	[tilespmem:$0x18400] =	vst v63  }
0x486: {  	s1 =	sadd.s32 $0x1800, s30;
	s8 =	sadd.s32 $0x140, s31  }
0x487: {  	[hbm4b:s8+s23] =	stream.strided.scatter [tilespmem:s1], [sflag:$0x3], $0x400, s26, s23, $0x38;
	[tilespmem:$0x18400] =	vst v63  }
0x488: {  	_ =	swait.ge [sflag:s24], $0xC000  }
0x489: {  	[sflag:s24] =	ssyncset.done $0x0  }
0x48a: {  	[sflag:s24] =	ssyncadd.s32 $0xFFFF4000  }
0x48b: {  	v3 =	vld [tilespmem:$0x280];
	_ =	sdelay $0x4  }
0x48c: {  	v4 =	vshrl.u32 v3, $0x3  }
0x48d: {  	v4 =	vmul.u32 $0x30, v4  }
0x48e: {  	v3 =	vand.u32 $0x7, v3  }
0x48f: {  	v3 =	vor.u32 v3, v4  }
0x490: {  	v4 =	vperm.xlane v3, v0;
	_ =	sdelay $0x1  }
0x491: {  	v4 =	vadd.s32 v1, v4;
	_ =	sdelay $0x3  }
0x492: {  	s0 =	simm.s32 $0x0;
	s9 =	simm.s32 $0x400;
	v3 =	vperm.xlane v3, v2  }
0x493: {  	[tilespmem:s9], [sflag:$0x1] =	stream.indirect_vreg.gather [hbm4b:s3+s0], $0x80, v4, vm0, $0xb8;
	[tilespmem:$0x18400] =	vst v63  }
0x494: {  	v3 =	vadd.s32 v1, v3  }
0x495: {  	[tilespmem:s26], [sflag:$0x1] =	stream.indirect_vreg.gather [hbm4b:s6+s0], $0x80, v4, vm0, $0xb8;
	[tilespmem:$0x18400] =	vst v63  }
0x496: {  	s8 =	simm.s32 $0x1400  }
0x497: {  	[tilespmem:s8], [sflag:$0x1] =	stream.indirect_vreg.gather [hbm4b:s7+s0], $0x80, v4, vm0, $0xb8;
	[tilespmem:$0x18400] =	vst v63  }
0x498: {  	s9 =	simm.s32 $0x1C00  }
0x499: {  	[tilespmem:s9], [sflag:$0x1] =	stream.indirect_vreg.gather [hbm4b:s3+s0], $0x80, v3, vm0, $0xb8;
	[tilespmem:$0x18400] =	vst v63  }
0x49a: {  	s8 =	simm.s32 $0x2400  }
0x49b: {  	[tilespmem:s8], [sflag:$0x1] =	stream.indirect_vreg.gather [hbm4b:s6+s0], $0x80, v3, vm0, $0xb8;
	[tilespmem:$0x18400] =	vst v63  }
0x49c: {  	s9 =	simm.s32 $0x2C00  }
0x49d: {  	[tilespmem:s9], [sflag:$0x1] =	stream.indirect_vreg.gather [hbm4b:s7+s0], $0x80, v3, vm0, $0xb8;
	[tilespmem:$0x18400] =	vst v63  }
0x49e: {  	v3 =	vld [tilespmem:$0x290];
	_ =	sdelay $0x4  }
0x49f: {  	v61 =	vshrl.u32 v3, $0x3  }
0x4a0: {  	v4 =	vmul.u32 $0x30, v61  }
0x4a1: {  	v3 =	vand.u32 $0x7, v3  }
0x4a2: {  	v3 =	vor.u32 v3, v4  }
0x4a3: {  	v4 =	vperm.xlane v3, v0;
	_ =	sdelay $0x1  }
0x4a4: {  	v4 =	vadd.s32 v1, v4;
	_ =	sdelay $0x3  }
0x4a5: {  	s8 =	simm.s32 $0x3400;
	v3 =	vperm.xlane v3, v2  }
0x4a6: {  	[tilespmem:s8], [sflag:$0x1] =	stream.indirect_vreg.gather [hbm4b:s3+s0], $0x80, v4, vm0, $0xb8;
	[tilespmem:$0x18400] =	vst v63  }
0x4a7: {  	s9 =	simm.s32 $0x3C00;
	v3 =	vadd.s32 v1, v3  }
0x4a8: {  	[tilespmem:s9], [sflag:$0x1] =	stream.indirect_vreg.gather [hbm4b:s6+s0], $0x80, v4, vm0, $0xb8;
	[tilespmem:$0x18400] =	vst v63  }
0x4a9: {  	s8 =	simm.s32 $0x4400  }
0x4aa: {  	[tilespmem:s8], [sflag:$0x1] =	stream.indirect_vreg.gather [hbm4b:s7+s0], $0x80, v4, vm0, $0xb8;
	[tilespmem:$0x18400] =	vst v63  }
0x4ab: {  	s9 =	simm.s32 $0x4C00  }
0x4ac: {  	[tilespmem:s9], [sflag:$0x1] =	stream.indirect_vreg.gather [hbm4b:s3+s0], $0x80, v3, vm0, $0xb8;
	[tilespmem:$0x18400] =	vst v63  }
0x4ad: {  	s8 =	simm.s32 $0x5400  }
0x4ae: {  	[tilespmem:s8], [sflag:$0x1] =	stream.indirect_vreg.gather [hbm4b:s6+s0], $0x80, v3, vm0, $0xb8;
	[tilespmem:$0x18400] =	vst v63  }
0x4af: {  	s9 =	simm.s32 $0x5C00  }
0x4b0: {  	[tilespmem:s9], [sflag:$0x1] =	stream.indirect_vreg.gather [hbm4b:s7+s0], $0x80, v3, vm0, $0xb8;
	[tilespmem:$0x18400] =	vst v63  }
0x4b1: {  	v3 =	vld [tilespmem:$0x2A0];
	_ =	sdelay $0x4  }
0x4b2: {  	v62 =	vshrl.u32 v3, $0x3  }
0x4b3: {  	v4 =	vmul.u32 $0x30, v62  }
0x4b4: {  	v3 =	vand.u32 $0x7, v3  }
0x4b5: {  	v3 =	vor.u32 v3, v4  }
0x4b6: {  	v4 =	vperm.xlane v3, v0;
	_ =	sdelay $0x1  }
0x4b7: {  	v4 =	vadd.s32 v1, v4;
	_ =	sdelay $0x3  }
0x4b8: {  	s8 =	simm.s32 $0x6400;
	v3 =	vperm.xlane v3, v2  }
0x4b9: {  	[tilespmem:s8], [sflag:$0x1] =	stream.indirect_vreg.gather [hbm4b:s3+s0], $0x80, v4, vm0, $0xb8;
	[tilespmem:$0x18400] =	vst v63  }
0x4ba: {  	s9 =	simm.s32 $0x6C00;
	v3 =	vadd.s32 v1, v3  }
0x4bb: {  	[tilespmem:s9], [sflag:$0x1] =	stream.indirect_vreg.gather [hbm4b:s6+s0], $0x80, v4, vm0, $0xb8;
	[tilespmem:$0x18400] =	vst v63  }
0x4bc: {  	s8 =	simm.s32 $0x7400  }
0x4bd: {  	[tilespmem:s8], [sflag:$0x1] =	stream.indirect_vreg.gather [hbm4b:s7+s0], $0x80, v4, vm0, $0xb8;
	[tilespmem:$0x18400] =	vst v63  }
0x4be: {  	s9 =	simm.s32 $0x7C00  }
0x4bf: {  	[tilespmem:s9], [sflag:$0x1] =	stream.indirect_vreg.gather [hbm4b:s3+s0], $0x80, v3, vm0, $0xb8;
	[tilespmem:$0x18400] =	vst v63  }
0x4c0: {  	s8 =	simm.s32 $0x8400  }
0x4c1: {  	[tilespmem:s8], [sflag:$0x1] =	stream.indirect_vreg.gather [hbm4b:s6+s0], $0x80, v3, vm0, $0xb8;
	[tilespmem:$0x18400] =	vst v63  }
0x4c2: {  	s9 =	simm.s32 $0x8C00  }
0x4c3: {  	[tilespmem:s9], [sflag:$0x1] =	stream.indirect_vreg.gather [hbm4b:s7+s0], $0x80, v3, vm0, $0xb8;
	[tilespmem:$0x18400] =	vst v63  }
0x4c4: {  	v3 =	vld [tilespmem:$0x2B0];
	_ =	sdelay $0x4  }
0x4c5: {  	v63 =	vshrl.u32 v3, $0x3  }
0x4c6: {  	v4 =	vmul.u32 $0x30, v63  }
0x4c7: {  	v3 =	vand.u32 $0x7, v3  }
0x4c8: {  	v3 =	vor.u32 v3, v4  }
0x4c9: {  	v4 =	vperm.xlane v3, v0;
	_ =	sdelay $0x1  }
0x4ca: {  	v4 =	vadd.s32 v1, v4;
	_ =	sdelay $0x3  }
0x4cb: {  	s8 =	simm.s32 $0x9400;
	v3 =	vperm.xlane v3, v2  }
0x4cc: {  	[tilespmem:s8], [sflag:$0x1] =	stream.indirect_vreg.gather [hbm4b:s3+s0], $0x80, v4, vm0, $0xb8;
	[tilespmem:$0x18400] =	vst v63  }
0x4cd: {  	s9 =	simm.s32 $0x9C00;
	v3 =	vadd.s32 v1, v3  }
0x4ce: {  	[tilespmem:s9], [sflag:$0x1] =	stream.indirect_vreg.gather [hbm4b:s6+s0], $0x80, v4, vm0, $0xb8;
	[tilespmem:$0x18400] =	vst v63  }
0x4cf: {  	s8 =	simm.s32 $0xA400  }
0x4d0: {  	[tilespmem:s8], [sflag:$0x1] =	stream.indirect_vreg.gather [hbm4b:s7+s0], $0x80, v4, vm0, $0xb8;
	[tilespmem:$0x18400] =	vst v63  }
0x4d1: {  	s9 =	simm.s32 $0xAC00  }
0x4d2: {  	[tilespmem:s9], [sflag:$0x1] =	stream.indirect_vreg.gather [hbm4b:s3+s0], $0x80, v3, vm0, $0xb8;
	[tilespmem:$0x18400] =	vst v63  }
0x4d3: {  	s8 =	simm.s32 $0xB400  }
0x4d4: {  	[tilespmem:s8], [sflag:$0x1] =	stream.indirect_vreg.gather [hbm4b:s6+s0], $0x80, v3, vm0, $0xb8;
	[tilespmem:$0x18400] =	vst v63  }
0x4d5: {  	s9 =	simm.s32 $0xBC00  }
0x4d6: {  	[tilespmem:s9], [sflag:$0x1] =	stream.indirect_vreg.gather [hbm4b:s7+s0], $0x80, v3, vm0, $0xb8;
	[tilespmem:$0x18400] =	vst v63  }
0x4d7: {  	_ =	swait.ge [sflag:s25], $0xC000  }
0x4d8: {  	[sflag:s25] =	ssyncset.done $0x0  }
0x4d9: {  	s1 =	simm.s32 $0xC400;
	[sflag:s25] =	ssyncadd.s32 $0xFFFF4000  }
0x4da: {  	[hbm4b:s16+s23] =	stream.strided.scatter [tilespmem:s1], [sflag:$0x4], $0x400, s26, s23, $0x38;
	[tilespmem:$0x18400] =	vst v63  }
0x4db: {  	s8 =	simm.s32 $0xC800;
	s9 =	sadd.s32 $0x40, s16  }
0x4dc: {  	[hbm4b:s9+s23] =	stream.strided.scatter [tilespmem:s8], [sflag:$0x4], $0x400, s26, s23, $0x38;
	[tilespmem:$0x18400] =	vst v63  }
0x4dd: {  	s8 =	simm.s32 $0xCC00;
	s9 =	sadd.s32 $0x80, s16  }
0x4de: {  	[hbm4b:s9+s23] =	stream.strided.scatter [tilespmem:s8], [sflag:$0x4], $0x400, s26, s23, $0x38;
	[tilespmem:$0x18400] =	vst v63  }
0x4df: {  	s30 =	simm.s32 $0x1800;
	s8 =	simm.s32 $0xD000;
	s9 =	sadd.s32 $0xC0, s16  }
0x4e0: {  	[hbm4b:s9+s23] =	stream.strided.scatter [tilespmem:s8], [sflag:$0x4], $0x400, s26, s23, $0x38;
	[tilespmem:$0x18400] =	vst v63  }
0x4e1: {  	s31 =	sadd.s32 $0x300, s16;
	s8 =	simm.s32 $0xD400;
	s9 =	sadd.s32 $0x100, s16  }
0x4e2: {  	[hbm4b:s9+s23] =	stream.strided.scatter [tilespmem:s8], [sflag:$0x4], $0x400, s26, s23, $0x38;
	[tilespmem:$0x18400] =	vst v63  }
0x4e3: {  	s0 =	simm.s32 $0xC000;
	s1 =	simm.s32 $0xD800;
	s8 =	sadd.s32 $0x140, s16  }
.LBB2_20:
0x4e4: {  	[hbm4b:s8+s23] =	stream.strided.scatter [tilespmem:s1], [sflag:$0x4], $0x400, s26, s23, $0x38;
	[tilespmem:$0x18400] =	vst v63  }
0x4e5: {  	s1 =	smov.u32 s30;
	s8 =	smov.u32 s0  }
0x4e6: {  	s9 =	sadd.s32 $0x6000, s0;
	s30 =	sshra.s32 s8, $0x2;
	s8 =	sadd.s32 $0xC400, s1  }
0x4e7: {  	[hbm4b:s31+s23] =	stream.strided.scatter [tilespmem:s8], [sflag:$0x4], $0x400, s26, s23, $0x38;
	[tilespmem:$0x18400] =	vst v63  }
0x4e8: {  	p0 =	sne.s32 s0, $0x2A000;
	s0 =	sadd.s32 $0xC800, s1;
	s8 =	sadd.s32 $0x40, s31  }
0x4e9: {  	[hbm4b:s8+s23] =	stream.strided.scatter [tilespmem:s0], [sflag:$0x4], $0x400, s26, s23, $0x38;
	[tilespmem:$0x18400] =	vst v63  }
0x4ea: {  	s0 =	sadd.s32 $0xCC00, s1;
	s8 =	sadd.s32 $0x80, s31  }
0x4eb: {  	[hbm4b:s8+s23] =	stream.strided.scatter [tilespmem:s0], [sflag:$0x4], $0x400, s26, s23, $0x38;
	[tilespmem:$0x18400] =	vst v63  }
.Ltmp9:
0x4ec: {  	s0 =	sadd.s32 $0xD000, s1;
	s8 =	sadd.s32 $0xC0, s31;
	(pc) =	sbr.rel @p0 .LBB2_20-.Ltmp9, $4  }
0x4ed: {  	[hbm4b:s8+s23] =	stream.strided.scatter [tilespmem:s0], [sflag:$0x4], $0x400, s26, s23, $0x38;
	[tilespmem:$0x18400] =	vst v63  }
0x4ee: {  	s0 =	sadd.s32 $0xD400, s1;
	s8 =	sadd.s32 $0x100, s31;
	s1 =	sadd.s32 $0xD800, s1  }
0x4ef: {  	[hbm4b:s8+s23] =	stream.strided.scatter [tilespmem:s0], [sflag:$0x4], $0x400, s26, s23, $0x38;
	[tilespmem:$0x18400] =	vst v63  }
0x4f0: {  	s8 =	sadd.s32 $0x140, s31;
	s31 =	sadd.s32 $0x300, s31;
	s0 =	smov.u32 s9  }
0x4f1: {  	[hbm4b:s8+s23] =	stream.strided.scatter [tilespmem:s1], [sflag:$0x4], $0x400, s26, s23, $0x38;
	[tilespmem:$0x18400] =	vst v63  }
0x4f2: {  	s0 =	sadd.s32 $0xC400, s30  }
0x4f3: {  	[hbm4b:s31+s23] =	stream.strided.scatter [tilespmem:s0], [sflag:$0x4], $0x400, s26, s23, $0x38;
	[tilespmem:$0x18400] =	vst v63  }
0x4f4: {  	s8 =	sadd.s32 $0xC800, s30;
	s9 =	sadd.s32 $0x40, s31  }
0x4f5: {  	[hbm4b:s9+s23] =	stream.strided.scatter [tilespmem:s8], [sflag:$0x4], $0x400, s26, s23, $0x38;
	[tilespmem:$0x18400] =	vst v63  }
0x4f6: {  	s8 =	sadd.s32 $0xCC00, s30;
	s9 =	sadd.s32 $0x80, s31  }
0x4f7: {  	[hbm4b:s9+s23] =	stream.strided.scatter [tilespmem:s8], [sflag:$0x4], $0x400, s26, s23, $0x38;
	[tilespmem:$0x18400] =	vst v63  }
0x4f8: {  	s8 =	sadd.s32 $0xD000, s30;
	s9 =	sadd.s32 $0xC0, s31  }
0x4f9: {  	[hbm4b:s9+s23] =	stream.strided.scatter [tilespmem:s8], [sflag:$0x4], $0x400, s26, s23, $0x38;
	[tilespmem:$0x18400] =	vst v63  }
0x4fa: {  	s8 =	sadd.s32 $0xD400, s30;
	s9 =	sadd.s32 $0x100, s31  }
0x4fb: {  	[hbm4b:s9+s23] =	stream.strided.scatter [tilespmem:s8], [sflag:$0x4], $0x400, s26, s23, $0x38;
	[tilespmem:$0x18400] =	vst v63  }
0x4fc: {  	s8 =	sadd.s32 $0xD800, s30;
	s9 =	sadd.s32 $0x140, s31  }
0x4fd: {  	[hbm4b:s9+s23] =	stream.strided.scatter [tilespmem:s8], [sflag:$0x4], $0x400, s26, s23, $0x38;
	[tilespmem:$0x18400] =	vst v63  }
0x4fe: {  	_ =	swait.ge [sflag:s28], $0xC000  }
0x4ff: {  	[sflag:s28] =	ssyncset.done $0x0  }
0x500: {  	[sflag:s28] =	ssyncadd.s32 $0xFFFF4000  }
0x501: {  	v3 =	vld [tilespmem:$0x2C0];
	_ =	sdelay $0x4  }
0x502: {  	v4 =	vshrl.u32 v3, $0x3  }
0x503: {  	v4 =	vmul.u32 $0x30, v4  }
0x504: {  	v3 =	vand.u32 $0x7, v3  }
0x505: {  	v3 =	vor.u32 v3, v4  }
0x506: {  	v4 =	vperm.xlane v3, v0;
	_ =	sdelay $0x1  }
0x507: {  	v4 =	vadd.s32 v1, v4;
	_ =	sdelay $0x3  }
0x508: {  	s0 =	simm.s32 $0x0;
	s8 =	simm.s32 $0xC400;
	v3 =	vperm.xlane v3, v2  }
0x509: {  	[tilespmem:s8], [sflag:$0x2] =	stream.indirect_vreg.gather [hbm4b:s3+s0], $0x80, v4, vm0, $0xb8;
	[tilespmem:$0x18400] =	vst v63  }
0x50a: {  	s9 =	simm.s32 $0xCC00;
	v3 =	vadd.s32 v1, v3  }
0x50b: {  	[tilespmem:s9], [sflag:$0x2] =	stream.indirect_vreg.gather [hbm4b:s6+s0], $0x80, v4, vm0, $0xb8;
	[tilespmem:$0x18400] =	vst v63  }
0x50c: {  	s8 =	simm.s32 $0xD400  }
0x50d: {  	[tilespmem:s8], [sflag:$0x2] =	stream.indirect_vreg.gather [hbm4b:s7+s0], $0x80, v4, vm0, $0xb8;
	[tilespmem:$0x18400] =	vst v63  }
0x50e: {  	s9 =	simm.s32 $0xDC00  }
0x50f: {  	[tilespmem:s9], [sflag:$0x2] =	stream.indirect_vreg.gather [hbm4b:s3+s0], $0x80, v3, vm0, $0xb8;
	[tilespmem:$0x18400] =	vst v63  }
0x510: {  	s8 =	simm.s32 $0xE400  }
0x511: {  	[tilespmem:s8], [sflag:$0x2] =	stream.indirect_vreg.gather [hbm4b:s6+s0], $0x80, v3, vm0, $0xb8;
	[tilespmem:$0x18400] =	vst v63  }
0x512: {  	s9 =	simm.s32 $0xEC00  }
0x513: {  	[tilespmem:s9], [sflag:$0x2] =	stream.indirect_vreg.gather [hbm4b:s7+s0], $0x80, v3, vm0, $0xb8;
	[tilespmem:$0x18400] =	vst v63  }
0x514: {  	v3 =	vld [tilespmem:$0x2D0];
	_ =	sdelay $0x4  }
0x515: {  	v61 =	vshrl.u32 v3, $0x3  }
0x516: {  	v4 =	vmul.u32 $0x30, v61  }
0x517: {  	v3 =	vand.u32 $0x7, v3  }
0x518: {  	v3 =	vor.u32 v3, v4  }
0x519: {  	v4 =	vperm.xlane v3, v0;
	_ =	sdelay $0x1  }
0x51a: {  	v4 =	vadd.s32 v1, v4;
	_ =	sdelay $0x3  }
0x51b: {  	s8 =	simm.s32 $0xF400;
	v3 =	vperm.xlane v3, v2  }
0x51c: {  	[tilespmem:s8], [sflag:$0x2] =	stream.indirect_vreg.gather [hbm4b:s3+s0], $0x80, v4, vm0, $0xb8;
	[tilespmem:$0x18400] =	vst v63  }
0x51d: {  	s9 =	simm.s32 $0xFC00;
	v3 =	vadd.s32 v1, v3  }
0x51e: {  	[tilespmem:s9], [sflag:$0x2] =	stream.indirect_vreg.gather [hbm4b:s6+s0], $0x80, v4, vm0, $0xb8;
	[tilespmem:$0x18400] =	vst v63  }
0x51f: {  	s8 =	simm.s32 $0x10400  }
0x520: {  	[tilespmem:s8], [sflag:$0x2] =	stream.indirect_vreg.gather [hbm4b:s7+s0], $0x80, v4, vm0, $0xb8;
	[tilespmem:$0x18400] =	vst v63  }
0x521: {  	s9 =	simm.s32 $0x10C00  }
0x522: {  	[tilespmem:s9], [sflag:$0x2] =	stream.indirect_vreg.gather [hbm4b:s3+s0], $0x80, v3, vm0, $0xb8;
	[tilespmem:$0x18400] =	vst v63  }
0x523: {  	s8 =	simm.s32 $0x11400  }
0x524: {  	[tilespmem:s8], [sflag:$0x2] =	stream.indirect_vreg.gather [hbm4b:s6+s0], $0x80, v3, vm0, $0xb8;
	[tilespmem:$0x18400] =	vst v63  }
0x525: {  	s9 =	simm.s32 $0x11C00  }
0x526: {  	[tilespmem:s9], [sflag:$0x2] =	stream.indirect_vreg.gather [hbm4b:s7+s0], $0x80, v3, vm0, $0xb8;
	[tilespmem:$0x18400] =	vst v63  }
0x527: {  	v3 =	vld [tilespmem:$0x2E0];
	_ =	sdelay $0x4  }
0x528: {  	v62 =	vshrl.u32 v3, $0x3  }
0x529: {  	v4 =	vmul.u32 $0x30, v62  }
0x52a: {  	v3 =	vand.u32 $0x7, v3  }
0x52b: {  	v3 =	vor.u32 v3, v4  }
0x52c: {  	v4 =	vperm.xlane v3, v0;
	_ =	sdelay $0x1  }
0x52d: {  	v4 =	vadd.s32 v1, v4;
	_ =	sdelay $0x3  }
0x52e: {  	s8 =	simm.s32 $0x12400;
	v3 =	vperm.xlane v3, v2  }
0x52f: {  	[tilespmem:s8], [sflag:$0x2] =	stream.indirect_vreg.gather [hbm4b:s3+s0], $0x80, v4, vm0, $0xb8;
	[tilespmem:$0x18400] =	vst v63  }
0x530: {  	s9 =	simm.s32 $0x12C00;
	v3 =	vadd.s32 v1, v3  }
0x531: {  	[tilespmem:s9], [sflag:$0x2] =	stream.indirect_vreg.gather [hbm4b:s6+s0], $0x80, v4, vm0, $0xb8;
	[tilespmem:$0x18400] =	vst v63  }
0x532: {  	s8 =	simm.s32 $0x13400  }
0x533: {  	[tilespmem:s8], [sflag:$0x2] =	stream.indirect_vreg.gather [hbm4b:s7+s0], $0x80, v4, vm0, $0xb8;
	[tilespmem:$0x18400] =	vst v63  }
0x534: {  	s9 =	simm.s32 $0x13C00  }
0x535: {  	[tilespmem:s9], [sflag:$0x2] =	stream.indirect_vreg.gather [hbm4b:s3+s0], $0x80, v3, vm0, $0xb8;
	[tilespmem:$0x18400] =	vst v63  }
0x536: {  	s8 =	simm.s32 $0x14400  }
0x537: {  	[tilespmem:s8], [sflag:$0x2] =	stream.indirect_vreg.gather [hbm4b:s6+s0], $0x80, v3, vm0, $0xb8;
	[tilespmem:$0x18400] =	vst v63  }
0x538: {  	s9 =	simm.s32 $0x14C00  }
0x539: {  	[tilespmem:s9], [sflag:$0x2] =	stream.indirect_vreg.gather [hbm4b:s7+s0], $0x80, v3, vm0, $0xb8;
	[tilespmem:$0x18400] =	vst v63  }
0x53a: {  	v3 =	vld [tilespmem:$0x2F0];
	_ =	sdelay $0x4  }
0x53b: {  	v63 =	vshrl.u32 v3, $0x3  }
0x53c: {  	v4 =	vmul.u32 $0x30, v63  }
0x53d: {  	v3 =	vand.u32 $0x7, v3  }
0x53e: {  	v3 =	vor.u32 v3, v4  }
0x53f: {  	v4 =	vperm.xlane v3, v0;
	_ =	sdelay $0x1  }
0x540: {  	v4 =	vadd.s32 v1, v4;
	_ =	sdelay $0x3  }
0x541: {  	s8 =	simm.s32 $0x15400;
	v3 =	vperm.xlane v3, v2  }
0x542: {  	[tilespmem:s8], [sflag:$0x2] =	stream.indirect_vreg.gather [hbm4b:s3+s0], $0x80, v4, vm0, $0xb8;
	[tilespmem:$0x18400] =	vst v63  }
0x543: {  	s9 =	simm.s32 $0x15C00;
	v3 =	vadd.s32 v1, v3  }
0x544: {  	[tilespmem:s9], [sflag:$0x2] =	stream.indirect_vreg.gather [hbm4b:s6+s0], $0x80, v4, vm0, $0xb8;
	[tilespmem:$0x18400] =	vst v63  }
0x545: {  	s8 =	simm.s32 $0x16400  }
0x546: {  	[tilespmem:s8], [sflag:$0x2] =	stream.indirect_vreg.gather [hbm4b:s7+s0], $0x80, v4, vm0, $0xb8;
	[tilespmem:$0x18400] =	vst v63  }
0x547: {  	s9 =	simm.s32 $0x16C00  }
0x548: {  	[tilespmem:s9], [sflag:$0x2] =	stream.indirect_vreg.gather [hbm4b:s3+s0], $0x80, v3, vm0, $0xb8;
	[tilespmem:$0x18400] =	vst v63  }
0x549: {  	s8 =	simm.s32 $0x17400  }
0x54a: {  	[tilespmem:s8], [sflag:$0x2] =	stream.indirect_vreg.gather [hbm4b:s6+s0], $0x80, v3, vm0, $0xb8;
	[tilespmem:$0x18400] =	vst v63  }
0x54b: {  	s9 =	simm.s32 $0x17C00  }
0x54c: {  	[tilespmem:s9], [sflag:$0x2] =	stream.indirect_vreg.gather [hbm4b:s7+s0], $0x80, v3, vm0, $0xb8;
	[tilespmem:$0x18400] =	vst v63  }
0x54d: {  	_ =	swait.ge [sflag:s4], $0xC000  }
0x54e: {  	[sflag:s4] =	ssyncset.done $0x0  }
0x54f: {  	s1 =	simm.s32 $0x400;
	[sflag:s4] =	ssyncadd.s32 $0xFFFF4000  }
0x550: {  	[hbm4b:s17+s23] =	stream.strided.scatter [tilespmem:s1], [sflag:$0x3], $0x400, s26, s23, $0x38;
	[tilespmem:$0x18400] =	vst v63  }
0x551: {  	s8 =	simm.s32 $0x800;
	s9 =	sadd.s32 $0x40, s17  }
0x552: {  	[hbm4b:s9+s23] =	stream.strided.scatter [tilespmem:s8], [sflag:$0x3], $0x400, s26, s23, $0x38;
	[tilespmem:$0x18400] =	vst v63  }
0x553: {  	s8 =	simm.s32 $0xC00;
	s9 =	sadd.s32 $0x80, s17  }
0x554: {  	[hbm4b:s9+s23] =	stream.strided.scatter [tilespmem:s8], [sflag:$0x3], $0x400, s26, s23, $0x38;
	[tilespmem:$0x18400] =	vst v63  }
0x555: {  	s30 =	simm.s32 $0x1800;
	s8 =	simm.s32 $0x1000;
	s9 =	sadd.s32 $0xC0, s17  }
0x556: {  	[hbm4b:s9+s23] =	stream.strided.scatter [tilespmem:s8], [sflag:$0x3], $0x400, s26, s23, $0x38;
	[tilespmem:$0x18400] =	vst v63  }
0x557: {  	s31 =	sadd.s32 $0x300, s17;
	s8 =	simm.s32 $0x1400;
	s9 =	sadd.s32 $0x100, s17  }
0x558: {  	[hbm4b:s9+s23] =	stream.strided.scatter [tilespmem:s8], [sflag:$0x3], $0x400, s26, s23, $0x38;
	[tilespmem:$0x18400] =	vst v63  }
0x559: {  	s0 =	simm.s32 $0xC000;
	s1 =	simm.s32 $0x1800;
	s8 =	sadd.s32 $0x140, s17  }
.LBB2_22:
0x55a: {  	[hbm4b:s8+s23] =	stream.strided.scatter [tilespmem:s1], [sflag:$0x3], $0x400, s26, s23, $0x38;
	[tilespmem:$0x18400] =	vst v63  }
0x55b: {  	s1 =	smov.u32 s30;
	s8 =	smov.u32 s0  }
0x55c: {  	s9 =	sadd.s32 $0x6000, s0;
	s30 =	sshra.s32 s8, $0x2;
	s8 =	sadd.s32 $0x400, s1  }
0x55d: {  	[hbm4b:s31+s23] =	stream.strided.scatter [tilespmem:s8], [sflag:$0x3], $0x400, s26, s23, $0x38;
	[tilespmem:$0x18400] =	vst v63  }
0x55e: {  	p0 =	sne.s32 s0, $0x2A000;
	s0 =	sadd.s32 $0x800, s1;
	s8 =	sadd.s32 $0x40, s31  }
0x55f: {  	[hbm4b:s8+s23] =	stream.strided.scatter [tilespmem:s0], [sflag:$0x3], $0x400, s26, s23, $0x38;
	[tilespmem:$0x18400] =	vst v63  }
0x560: {  	s0 =	sadd.s32 $0xC00, s1;
	s8 =	sadd.s32 $0x80, s31  }
0x561: {  	[hbm4b:s8+s23] =	stream.strided.scatter [tilespmem:s0], [sflag:$0x3], $0x400, s26, s23, $0x38;
	[tilespmem:$0x18400] =	vst v63  }
.Ltmp10:
0x562: {  	s0 =	sadd.s32 $0x1000, s1;
	s8 =	sadd.s32 $0xC0, s31;
	(pc) =	sbr.rel @p0 .LBB2_22-.Ltmp10, $4  }
0x563: {  	[hbm4b:s8+s23] =	stream.strided.scatter [tilespmem:s0], [sflag:$0x3], $0x400, s26, s23, $0x38;
	[tilespmem:$0x18400] =	vst v63  }
0x564: {  	s0 =	sadd.s32 $0x1400, s1;
	s8 =	sadd.s32 $0x100, s31;
	s1 =	sadd.s32 $0x1800, s1  }
0x565: {  	[hbm4b:s8+s23] =	stream.strided.scatter [tilespmem:s0], [sflag:$0x3], $0x400, s26, s23, $0x38;
	[tilespmem:$0x18400] =	vst v63  }
0x566: {  	s8 =	sadd.s32 $0x140, s31;
	s31 =	sadd.s32 $0x300, s31;
	s0 =	smov.u32 s9  }
0x567: {  	[hbm4b:s8+s23] =	stream.strided.scatter [tilespmem:s1], [sflag:$0x3], $0x400, s26, s23, $0x38;
	[tilespmem:$0x18400] =	vst v63  }
0x568: {  	s0 =	sadd.s32 $0x400, s30  }
0x569: {  	[hbm4b:s31+s23] =	stream.strided.scatter [tilespmem:s0], [sflag:$0x3], $0x400, s26, s23, $0x38;
	[tilespmem:$0x18400] =	vst v63  }
0x56a: {  	s8 =	sadd.s32 $0x800, s30;
	s9 =	sadd.s32 $0x40, s31  }
0x56b: {  	[hbm4b:s9+s23] =	stream.strided.scatter [tilespmem:s8], [sflag:$0x3], $0x400, s26, s23, $0x38;
	[tilespmem:$0x18400] =	vst v63  }
0x56c: {  	s8 =	sadd.s32 $0xC00, s30;
	s9 =	sadd.s32 $0x80, s31  }
0x56d: {  	[hbm4b:s9+s23] =	stream.strided.scatter [tilespmem:s8], [sflag:$0x3], $0x400, s26, s23, $0x38;
	[tilespmem:$0x18400] =	vst v63  }
0x56e: {  	s8 =	sadd.s32 $0x1000, s30;
	s9 =	sadd.s32 $0xC0, s31  }
0x56f: {  	[hbm4b:s9+s23] =	stream.strided.scatter [tilespmem:s8], [sflag:$0x3], $0x400, s26, s23, $0x38;
	[tilespmem:$0x18400] =	vst v63  }
0x570: {  	s8 =	sadd.s32 $0x1400, s30;
	s9 =	sadd.s32 $0x100, s31  }
0x571: {  	[hbm4b:s9+s23] =	stream.strided.scatter [tilespmem:s8], [sflag:$0x3], $0x400, s26, s23, $0x38;
	[tilespmem:$0x18400] =	vst v63  }
0x572: {  	s1 =	sadd.s32 $0x1800, s30;
	s8 =	sadd.s32 $0x140, s31  }
0x573: {  	[hbm4b:s8+s23] =	stream.strided.scatter [tilespmem:s1], [sflag:$0x3], $0x400, s26, s23, $0x38;
	[tilespmem:$0x18400] =	vst v63  }
0x574: {  	_ =	swait.ge [sflag:s24], $0xC000  }
0x575: {  	[sflag:s24] =	ssyncset.done $0x0  }
0x576: {  	[sflag:s24] =	ssyncadd.s32 $0xFFFF4000  }
0x577: {  	v3 =	vld [tilespmem:$0x300];
	_ =	sdelay $0x4  }
0x578: {  	v4 =	vshrl.u32 v3, $0x3  }
0x579: {  	v4 =	vmul.u32 $0x30, v4  }
0x57a: {  	v3 =	vand.u32 $0x7, v3  }
0x57b: {  	v3 =	vor.u32 v3, v4  }
0x57c: {  	v4 =	vperm.xlane v3, v0;
	_ =	sdelay $0x1  }
0x57d: {  	v4 =	vadd.s32 v1, v4;
	_ =	sdelay $0x3  }
0x57e: {  	s0 =	simm.s32 $0x0;
	s9 =	simm.s32 $0x400;
	v3 =	vperm.xlane v3, v2  }
0x57f: {  	[tilespmem:s9], [sflag:$0x1] =	stream.indirect_vreg.gather [hbm4b:s3+s0], $0x80, v4, vm0, $0xb8;
	[tilespmem:$0x18400] =	vst v63  }
0x580: {  	v3 =	vadd.s32 v1, v3  }
0x581: {  	[tilespmem:s26], [sflag:$0x1] =	stream.indirect_vreg.gather [hbm4b:s6+s0], $0x80, v4, vm0, $0xb8;
	[tilespmem:$0x18400] =	vst v63  }
0x582: {  	s8 =	simm.s32 $0x1400  }
0x583: {  	[tilespmem:s8], [sflag:$0x1] =	stream.indirect_vreg.gather [hbm4b:s7+s0], $0x80, v4, vm0, $0xb8;
	[tilespmem:$0x18400] =	vst v63  }
0x584: {  	s9 =	simm.s32 $0x1C00  }
0x585: {  	[tilespmem:s9], [sflag:$0x1] =	stream.indirect_vreg.gather [hbm4b:s3+s0], $0x80, v3, vm0, $0xb8;
	[tilespmem:$0x18400] =	vst v63  }
0x586: {  	s8 =	simm.s32 $0x2400  }
0x587: {  	[tilespmem:s8], [sflag:$0x1] =	stream.indirect_vreg.gather [hbm4b:s6+s0], $0x80, v3, vm0, $0xb8;
	[tilespmem:$0x18400] =	vst v63  }
0x588: {  	s9 =	simm.s32 $0x2C00  }
0x589: {  	[tilespmem:s9], [sflag:$0x1] =	stream.indirect_vreg.gather [hbm4b:s7+s0], $0x80, v3, vm0, $0xb8;
	[tilespmem:$0x18400] =	vst v63  }
0x58a: {  	v3 =	vld [tilespmem:$0x310];
	_ =	sdelay $0x4  }
0x58b: {  	v61 =	vshrl.u32 v3, $0x3  }
0x58c: {  	v4 =	vmul.u32 $0x30, v61  }
0x58d: {  	v3 =	vand.u32 $0x7, v3  }
0x58e: {  	v3 =	vor.u32 v3, v4  }
0x58f: {  	v4 =	vperm.xlane v3, v0;
	_ =	sdelay $0x1  }
0x590: {  	v4 =	vadd.s32 v1, v4;
	_ =	sdelay $0x3  }
0x591: {  	s8 =	simm.s32 $0x3400;
	v3 =	vperm.xlane v3, v2  }
0x592: {  	[tilespmem:s8], [sflag:$0x1] =	stream.indirect_vreg.gather [hbm4b:s3+s0], $0x80, v4, vm0, $0xb8;
	[tilespmem:$0x18400] =	vst v63  }
0x593: {  	s9 =	simm.s32 $0x3C00;
	v3 =	vadd.s32 v1, v3  }
0x594: {  	[tilespmem:s9], [sflag:$0x1] =	stream.indirect_vreg.gather [hbm4b:s6+s0], $0x80, v4, vm0, $0xb8;
	[tilespmem:$0x18400] =	vst v63  }
0x595: {  	s8 =	simm.s32 $0x4400  }
0x596: {  	[tilespmem:s8], [sflag:$0x1] =	stream.indirect_vreg.gather [hbm4b:s7+s0], $0x80, v4, vm0, $0xb8;
	[tilespmem:$0x18400] =	vst v63  }
0x597: {  	s9 =	simm.s32 $0x4C00  }
0x598: {  	[tilespmem:s9], [sflag:$0x1] =	stream.indirect_vreg.gather [hbm4b:s3+s0], $0x80, v3, vm0, $0xb8;
	[tilespmem:$0x18400] =	vst v63  }
0x599: {  	s8 =	simm.s32 $0x5400  }
0x59a: {  	[tilespmem:s8], [sflag:$0x1] =	stream.indirect_vreg.gather [hbm4b:s6+s0], $0x80, v3, vm0, $0xb8;
	[tilespmem:$0x18400] =	vst v63  }
0x59b: {  	s9 =	simm.s32 $0x5C00  }
0x59c: {  	[tilespmem:s9], [sflag:$0x1] =	stream.indirect_vreg.gather [hbm4b:s7+s0], $0x80, v3, vm0, $0xb8;
	[tilespmem:$0x18400] =	vst v63  }
0x59d: {  	v3 =	vld [tilespmem:$0x320];
	_ =	sdelay $0x4  }
0x59e: {  	v62 =	vshrl.u32 v3, $0x3  }
0x59f: {  	v4 =	vmul.u32 $0x30, v62  }
0x5a0: {  	v3 =	vand.u32 $0x7, v3  }
0x5a1: {  	v3 =	vor.u32 v3, v4  }
0x5a2: {  	v4 =	vperm.xlane v3, v0;
	_ =	sdelay $0x1  }
0x5a3: {  	v4 =	vadd.s32 v1, v4;
	_ =	sdelay $0x3  }
0x5a4: {  	s8 =	simm.s32 $0x6400;
	v3 =	vperm.xlane v3, v2  }
0x5a5: {  	[tilespmem:s8], [sflag:$0x1] =	stream.indirect_vreg.gather [hbm4b:s3+s0], $0x80, v4, vm0, $0xb8;
	[tilespmem:$0x18400] =	vst v63  }
0x5a6: {  	s9 =	simm.s32 $0x6C00;
	v3 =	vadd.s32 v1, v3  }
0x5a7: {  	[tilespmem:s9], [sflag:$0x1] =	stream.indirect_vreg.gather [hbm4b:s6+s0], $0x80, v4, vm0, $0xb8;
	[tilespmem:$0x18400] =	vst v63  }
0x5a8: {  	s8 =	simm.s32 $0x7400  }
0x5a9: {  	[tilespmem:s8], [sflag:$0x1] =	stream.indirect_vreg.gather [hbm4b:s7+s0], $0x80, v4, vm0, $0xb8;
	[tilespmem:$0x18400] =	vst v63  }
0x5aa: {  	s9 =	simm.s32 $0x7C00  }
0x5ab: {  	[tilespmem:s9], [sflag:$0x1] =	stream.indirect_vreg.gather [hbm4b:s3+s0], $0x80, v3, vm0, $0xb8;
	[tilespmem:$0x18400] =	vst v63  }
0x5ac: {  	s8 =	simm.s32 $0x8400  }
0x5ad: {  	[tilespmem:s8], [sflag:$0x1] =	stream.indirect_vreg.gather [hbm4b:s6+s0], $0x80, v3, vm0, $0xb8;
	[tilespmem:$0x18400] =	vst v63  }
0x5ae: {  	s9 =	simm.s32 $0x8C00  }
0x5af: {  	[tilespmem:s9], [sflag:$0x1] =	stream.indirect_vreg.gather [hbm4b:s7+s0], $0x80, v3, vm0, $0xb8;
	[tilespmem:$0x18400] =	vst v63  }
0x5b0: {  	v3 =	vld [tilespmem:$0x330];
	_ =	sdelay $0x4  }
0x5b1: {  	v63 =	vshrl.u32 v3, $0x3  }
0x5b2: {  	v4 =	vmul.u32 $0x30, v63  }
0x5b3: {  	v3 =	vand.u32 $0x7, v3  }
0x5b4: {  	v3 =	vor.u32 v3, v4  }
0x5b5: {  	v4 =	vperm.xlane v3, v0;
	_ =	sdelay $0x1  }
0x5b6: {  	v4 =	vadd.s32 v1, v4;
	_ =	sdelay $0x3  }
0x5b7: {  	s8 =	simm.s32 $0x9400;
	v3 =	vperm.xlane v3, v2  }
0x5b8: {  	[tilespmem:s8], [sflag:$0x1] =	stream.indirect_vreg.gather [hbm4b:s3+s0], $0x80, v4, vm0, $0xb8;
	[tilespmem:$0x18400] =	vst v63  }
0x5b9: {  	s9 =	simm.s32 $0x9C00;
	v3 =	vadd.s32 v1, v3  }
0x5ba: {  	[tilespmem:s9], [sflag:$0x1] =	stream.indirect_vreg.gather [hbm4b:s6+s0], $0x80, v4, vm0, $0xb8;
	[tilespmem:$0x18400] =	vst v63  }
0x5bb: {  	s8 =	simm.s32 $0xA400  }
0x5bc: {  	[tilespmem:s8], [sflag:$0x1] =	stream.indirect_vreg.gather [hbm4b:s7+s0], $0x80, v4, vm0, $0xb8;
	[tilespmem:$0x18400] =	vst v63  }
0x5bd: {  	s9 =	simm.s32 $0xAC00  }
0x5be: {  	[tilespmem:s9], [sflag:$0x1] =	stream.indirect_vreg.gather [hbm4b:s3+s0], $0x80, v3, vm0, $0xb8;
	[tilespmem:$0x18400] =	vst v63  }
0x5bf: {  	s8 =	simm.s32 $0xB400  }
0x5c0: {  	[tilespmem:s8], [sflag:$0x1] =	stream.indirect_vreg.gather [hbm4b:s6+s0], $0x80, v3, vm0, $0xb8;
	[tilespmem:$0x18400] =	vst v63  }
0x5c1: {  	s9 =	simm.s32 $0xBC00  }
0x5c2: {  	[tilespmem:s9], [sflag:$0x1] =	stream.indirect_vreg.gather [hbm4b:s7+s0], $0x80, v3, vm0, $0xb8;
	[tilespmem:$0x18400] =	vst v63  }
0x5c3: {  	_ =	swait.ge [sflag:s25], $0xC000  }
0x5c4: {  	[sflag:s25] =	ssyncset.done $0x0  }
0x5c5: {  	s1 =	simm.s32 $0xC400;
	[sflag:s25] =	ssyncadd.s32 $0xFFFF4000  }
0x5c6: {  	[hbm4b:s18+s23] =	stream.strided.scatter [tilespmem:s1], [sflag:$0x4], $0x400, s26, s23, $0x38;
	[tilespmem:$0x18400] =	vst v63  }
0x5c7: {  	s8 =	simm.s32 $0xC800;
	s9 =	sadd.s32 $0x40, s18  }
0x5c8: {  	[hbm4b:s9+s23] =	stream.strided.scatter [tilespmem:s8], [sflag:$0x4], $0x400, s26, s23, $0x38;
	[tilespmem:$0x18400] =	vst v63  }
0x5c9: {  	s8 =	simm.s32 $0xCC00;
	s9 =	sadd.s32 $0x80, s18  }
0x5ca: {  	[hbm4b:s9+s23] =	stream.strided.scatter [tilespmem:s8], [sflag:$0x4], $0x400, s26, s23, $0x38;
	[tilespmem:$0x18400] =	vst v63  }
0x5cb: {  	s30 =	simm.s32 $0x1800;
	s8 =	simm.s32 $0xD000;
	s9 =	sadd.s32 $0xC0, s18  }
0x5cc: {  	[hbm4b:s9+s23] =	stream.strided.scatter [tilespmem:s8], [sflag:$0x4], $0x400, s26, s23, $0x38;
	[tilespmem:$0x18400] =	vst v63  }
0x5cd: {  	s31 =	sadd.s32 $0x300, s18;
	s8 =	simm.s32 $0xD400;
	s9 =	sadd.s32 $0x100, s18  }
0x5ce: {  	[hbm4b:s9+s23] =	stream.strided.scatter [tilespmem:s8], [sflag:$0x4], $0x400, s26, s23, $0x38;
	[tilespmem:$0x18400] =	vst v63  }
0x5cf: {  	s0 =	simm.s32 $0xC000;
	s1 =	simm.s32 $0xD800;
	s8 =	sadd.s32 $0x140, s18  }
.LBB2_24:
0x5d0: {  	[hbm4b:s8+s23] =	stream.strided.scatter [tilespmem:s1], [sflag:$0x4], $0x400, s26, s23, $0x38;
	[tilespmem:$0x18400] =	vst v63  }
0x5d1: {  	s1 =	smov.u32 s30;
	s8 =	smov.u32 s0  }
0x5d2: {  	s9 =	sadd.s32 $0x6000, s0;
	s30 =	sshra.s32 s8, $0x2;
	s8 =	sadd.s32 $0xC400, s1  }
0x5d3: {  	[hbm4b:s31+s23] =	stream.strided.scatter [tilespmem:s8], [sflag:$0x4], $0x400, s26, s23, $0x38;
	[tilespmem:$0x18400] =	vst v63  }
0x5d4: {  	p0 =	sne.s32 s0, $0x2A000;
	s0 =	sadd.s32 $0xC800, s1;
	s8 =	sadd.s32 $0x40, s31  }
0x5d5: {  	[hbm4b:s8+s23] =	stream.strided.scatter [tilespmem:s0], [sflag:$0x4], $0x400, s26, s23, $0x38;
	[tilespmem:$0x18400] =	vst v63  }
0x5d6: {  	s0 =	sadd.s32 $0xCC00, s1;
	s8 =	sadd.s32 $0x80, s31  }
0x5d7: {  	[hbm4b:s8+s23] =	stream.strided.scatter [tilespmem:s0], [sflag:$0x4], $0x400, s26, s23, $0x38;
	[tilespmem:$0x18400] =	vst v63  }
.Ltmp11:
0x5d8: {  	s0 =	sadd.s32 $0xD000, s1;
	s8 =	sadd.s32 $0xC0, s31;
	(pc) =	sbr.rel @p0 .LBB2_24-.Ltmp11, $4  }
0x5d9: {  	[hbm4b:s8+s23] =	stream.strided.scatter [tilespmem:s0], [sflag:$0x4], $0x400, s26, s23, $0x38;
	[tilespmem:$0x18400] =	vst v63  }
0x5da: {  	s0 =	sadd.s32 $0xD400, s1;
	s8 =	sadd.s32 $0x100, s31;
	s1 =	sadd.s32 $0xD800, s1  }
0x5db: {  	[hbm4b:s8+s23] =	stream.strided.scatter [tilespmem:s0], [sflag:$0x4], $0x400, s26, s23, $0x38;
	[tilespmem:$0x18400] =	vst v63  }
0x5dc: {  	s8 =	sadd.s32 $0x140, s31;
	s31 =	sadd.s32 $0x300, s31;
	s0 =	smov.u32 s9  }
0x5dd: {  	[hbm4b:s8+s23] =	stream.strided.scatter [tilespmem:s1], [sflag:$0x4], $0x400, s26, s23, $0x38;
	[tilespmem:$0x18400] =	vst v63  }
0x5de: {  	s0 =	sadd.s32 $0xC400, s30  }
0x5df: {  	[hbm4b:s31+s23] =	stream.strided.scatter [tilespmem:s0], [sflag:$0x4], $0x400, s26, s23, $0x38;
	[tilespmem:$0x18400] =	vst v63  }
0x5e0: {  	s8 =	sadd.s32 $0xC800, s30;
	s9 =	sadd.s32 $0x40, s31  }
0x5e1: {  	[hbm4b:s9+s23] =	stream.strided.scatter [tilespmem:s8], [sflag:$0x4], $0x400, s26, s23, $0x38;
	[tilespmem:$0x18400] =	vst v63  }
0x5e2: {  	s8 =	sadd.s32 $0xCC00, s30;
	s9 =	sadd.s32 $0x80, s31  }
0x5e3: {  	[hbm4b:s9+s23] =	stream.strided.scatter [tilespmem:s8], [sflag:$0x4], $0x400, s26, s23, $0x38;
	[tilespmem:$0x18400] =	vst v63  }
0x5e4: {  	s8 =	sadd.s32 $0xD000, s30;
	s9 =	sadd.s32 $0xC0, s31  }
0x5e5: {  	[hbm4b:s9+s23] =	stream.strided.scatter [tilespmem:s8], [sflag:$0x4], $0x400, s26, s23, $0x38;
	[tilespmem:$0x18400] =	vst v63  }
0x5e6: {  	s8 =	sadd.s32 $0xD400, s30;
	s9 =	sadd.s32 $0x100, s31  }
0x5e7: {  	[hbm4b:s9+s23] =	stream.strided.scatter [tilespmem:s8], [sflag:$0x4], $0x400, s26, s23, $0x38;
	[tilespmem:$0x18400] =	vst v63  }
0x5e8: {  	s8 =	sadd.s32 $0xD800, s30;
	s9 =	sadd.s32 $0x140, s31  }
0x5e9: {  	[hbm4b:s9+s23] =	stream.strided.scatter [tilespmem:s8], [sflag:$0x4], $0x400, s26, s23, $0x38;
	[tilespmem:$0x18400] =	vst v63  }
0x5ea: {  	_ =	swait.ge [sflag:s28], $0xC000  }
0x5eb: {  	[sflag:s28] =	ssyncset.done $0x0  }
0x5ec: {  	[sflag:s28] =	ssyncadd.s32 $0xFFFF4000  }
0x5ed: {  	v3 =	vld [tilespmem:$0x340];
	_ =	sdelay $0x4  }
0x5ee: {  	v4 =	vshrl.u32 v3, $0x3  }
0x5ef: {  	v4 =	vmul.u32 $0x30, v4  }
0x5f0: {  	v3 =	vand.u32 $0x7, v3  }
0x5f1: {  	v3 =	vor.u32 v3, v4  }
0x5f2: {  	v4 =	vperm.xlane v3, v0;
	_ =	sdelay $0x1  }
0x5f3: {  	v4 =	vadd.s32 v1, v4;
	_ =	sdelay $0x3  }
0x5f4: {  	s0 =	simm.s32 $0x0;
	s8 =	simm.s32 $0xC400;
	v3 =	vperm.xlane v3, v2  }
0x5f5: {  	[tilespmem:s8], [sflag:$0x2] =	stream.indirect_vreg.gather [hbm4b:s3+s0], $0x80, v4, vm0, $0xb8;
	[tilespmem:$0x18400] =	vst v63  }
0x5f6: {  	s9 =	simm.s32 $0xCC00;
	v3 =	vadd.s32 v1, v3  }
0x5f7: {  	[tilespmem:s9], [sflag:$0x2] =	stream.indirect_vreg.gather [hbm4b:s6+s0], $0x80, v4, vm0, $0xb8;
	[tilespmem:$0x18400] =	vst v63  }
0x5f8: {  	s8 =	simm.s32 $0xD400  }
0x5f9: {  	[tilespmem:s8], [sflag:$0x2] =	stream.indirect_vreg.gather [hbm4b:s7+s0], $0x80, v4, vm0, $0xb8;
	[tilespmem:$0x18400] =	vst v63  }
0x5fa: {  	s9 =	simm.s32 $0xDC00  }
0x5fb: {  	[tilespmem:s9], [sflag:$0x2] =	stream.indirect_vreg.gather [hbm4b:s3+s0], $0x80, v3, vm0, $0xb8;
	[tilespmem:$0x18400] =	vst v63  }
0x5fc: {  	s8 =	simm.s32 $0xE400  }
0x5fd: {  	[tilespmem:s8], [sflag:$0x2] =	stream.indirect_vreg.gather [hbm4b:s6+s0], $0x80, v3, vm0, $0xb8;
	[tilespmem:$0x18400] =	vst v63  }
0x5fe: {  	s9 =	simm.s32 $0xEC00  }
0x5ff: {  	[tilespmem:s9], [sflag:$0x2] =	stream.indirect_vreg.gather [hbm4b:s7+s0], $0x80, v3, vm0, $0xb8;
	[tilespmem:$0x18400] =	vst v63  }
0x600: {  	v3 =	vld [tilespmem:$0x350];
	_ =	sdelay $0x4  }
0x601: {  	v61 =	vshrl.u32 v3, $0x3  }
0x602: {  	v4 =	vmul.u32 $0x30, v61  }
0x603: {  	v3 =	vand.u32 $0x7, v3  }
0x604: {  	v3 =	vor.u32 v3, v4  }
0x605: {  	v4 =	vperm.xlane v3, v0;
	_ =	sdelay $0x1  }
0x606: {  	v4 =	vadd.s32 v1, v4;
	_ =	sdelay $0x3  }
0x607: {  	s8 =	simm.s32 $0xF400;
	v3 =	vperm.xlane v3, v2  }
0x608: {  	[tilespmem:s8], [sflag:$0x2] =	stream.indirect_vreg.gather [hbm4b:s3+s0], $0x80, v4, vm0, $0xb8;
	[tilespmem:$0x18400] =	vst v63  }
0x609: {  	s9 =	simm.s32 $0xFC00;
	v3 =	vadd.s32 v1, v3  }
0x60a: {  	[tilespmem:s9], [sflag:$0x2] =	stream.indirect_vreg.gather [hbm4b:s6+s0], $0x80, v4, vm0, $0xb8;
	[tilespmem:$0x18400] =	vst v63  }
0x60b: {  	s8 =	simm.s32 $0x10400  }
0x60c: {  	[tilespmem:s8], [sflag:$0x2] =	stream.indirect_vreg.gather [hbm4b:s7+s0], $0x80, v4, vm0, $0xb8;
	[tilespmem:$0x18400] =	vst v63  }
0x60d: {  	s9 =	simm.s32 $0x10C00  }
0x60e: {  	[tilespmem:s9], [sflag:$0x2] =	stream.indirect_vreg.gather [hbm4b:s3+s0], $0x80, v3, vm0, $0xb8;
	[tilespmem:$0x18400] =	vst v63  }
0x60f: {  	s8 =	simm.s32 $0x11400  }
0x610: {  	[tilespmem:s8], [sflag:$0x2] =	stream.indirect_vreg.gather [hbm4b:s6+s0], $0x80, v3, vm0, $0xb8;
	[tilespmem:$0x18400] =	vst v63  }
0x611: {  	s9 =	simm.s32 $0x11C00  }
0x612: {  	[tilespmem:s9], [sflag:$0x2] =	stream.indirect_vreg.gather [hbm4b:s7+s0], $0x80, v3, vm0, $0xb8;
	[tilespmem:$0x18400] =	vst v63  }
0x613: {  	v3 =	vld [tilespmem:$0x360];
	_ =	sdelay $0x4  }
0x614: {  	v62 =	vshrl.u32 v3, $0x3  }
0x615: {  	v4 =	vmul.u32 $0x30, v62  }
0x616: {  	v3 =	vand.u32 $0x7, v3  }
0x617: {  	v3 =	vor.u32 v3, v4  }
0x618: {  	v4 =	vperm.xlane v3, v0;
	_ =	sdelay $0x1  }
0x619: {  	v4 =	vadd.s32 v1, v4;
	_ =	sdelay $0x3  }
0x61a: {  	s8 =	simm.s32 $0x12400;
	v3 =	vperm.xlane v3, v2  }
0x61b: {  	[tilespmem:s8], [sflag:$0x2] =	stream.indirect_vreg.gather [hbm4b:s3+s0], $0x80, v4, vm0, $0xb8;
	[tilespmem:$0x18400] =	vst v63  }
0x61c: {  	s9 =	simm.s32 $0x12C00;
	v3 =	vadd.s32 v1, v3  }
0x61d: {  	[tilespmem:s9], [sflag:$0x2] =	stream.indirect_vreg.gather [hbm4b:s6+s0], $0x80, v4, vm0, $0xb8;
	[tilespmem:$0x18400] =	vst v63  }
0x61e: {  	s8 =	simm.s32 $0x13400  }
0x61f: {  	[tilespmem:s8], [sflag:$0x2] =	stream.indirect_vreg.gather [hbm4b:s7+s0], $0x80, v4, vm0, $0xb8;
	[tilespmem:$0x18400] =	vst v63  }
0x620: {  	s9 =	simm.s32 $0x13C00  }
0x621: {  	[tilespmem:s9], [sflag:$0x2] =	stream.indirect_vreg.gather [hbm4b:s3+s0], $0x80, v3, vm0, $0xb8;
	[tilespmem:$0x18400] =	vst v63  }
0x622: {  	s8 =	simm.s32 $0x14400  }
0x623: {  	[tilespmem:s8], [sflag:$0x2] =	stream.indirect_vreg.gather [hbm4b:s6+s0], $0x80, v3, vm0, $0xb8;
	[tilespmem:$0x18400] =	vst v63  }
0x624: {  	s9 =	simm.s32 $0x14C00  }
0x625: {  	[tilespmem:s9], [sflag:$0x2] =	stream.indirect_vreg.gather [hbm4b:s7+s0], $0x80, v3, vm0, $0xb8;
	[tilespmem:$0x18400] =	vst v63  }
0x626: {  	v3 =	vld [tilespmem:$0x370];
	_ =	sdelay $0x4  }
0x627: {  	v63 =	vshrl.u32 v3, $0x3  }
0x628: {  	v4 =	vmul.u32 $0x30, v63  }
0x629: {  	v3 =	vand.u32 $0x7, v3  }
0x62a: {  	v3 =	vor.u32 v3, v4  }
0x62b: {  	v4 =	vperm.xlane v3, v0;
	_ =	sdelay $0x1  }
0x62c: {  	v4 =	vadd.s32 v1, v4;
	_ =	sdelay $0x3  }
0x62d: {  	s8 =	simm.s32 $0x15400;
	v3 =	vperm.xlane v3, v2  }
0x62e: {  	[tilespmem:s8], [sflag:$0x2] =	stream.indirect_vreg.gather [hbm4b:s3+s0], $0x80, v4, vm0, $0xb8;
	[tilespmem:$0x18400] =	vst v63  }
0x62f: {  	s9 =	simm.s32 $0x15C00;
	v3 =	vadd.s32 v1, v3  }
0x630: {  	[tilespmem:s9], [sflag:$0x2] =	stream.indirect_vreg.gather [hbm4b:s6+s0], $0x80, v4, vm0, $0xb8;
	[tilespmem:$0x18400] =	vst v63  }
0x631: {  	s8 =	simm.s32 $0x16400  }
0x632: {  	[tilespmem:s8], [sflag:$0x2] =	stream.indirect_vreg.gather [hbm4b:s7+s0], $0x80, v4, vm0, $0xb8;
	[tilespmem:$0x18400] =	vst v63  }
0x633: {  	s9 =	simm.s32 $0x16C00  }
0x634: {  	[tilespmem:s9], [sflag:$0x2] =	stream.indirect_vreg.gather [hbm4b:s3+s0], $0x80, v3, vm0, $0xb8;
	[tilespmem:$0x18400] =	vst v63  }
0x635: {  	s8 =	simm.s32 $0x17400  }
0x636: {  	[tilespmem:s8], [sflag:$0x2] =	stream.indirect_vreg.gather [hbm4b:s6+s0], $0x80, v3, vm0, $0xb8;
	[tilespmem:$0x18400] =	vst v63  }
0x637: {  	s9 =	simm.s32 $0x17C00  }
0x638: {  	[tilespmem:s9], [sflag:$0x2] =	stream.indirect_vreg.gather [hbm4b:s7+s0], $0x80, v3, vm0, $0xb8;
	[tilespmem:$0x18400] =	vst v63  }
0x639: {  	_ =	swait.ge [sflag:s4], $0xC000  }
0x63a: {  	[sflag:s4] =	ssyncset.done $0x0  }
0x63b: {  	s1 =	simm.s32 $0x400;
	[sflag:s4] =	ssyncadd.s32 $0xFFFF4000  }
0x63c: {  	[hbm4b:s19+s23] =	stream.strided.scatter [tilespmem:s1], [sflag:$0x3], $0x400, s26, s23, $0x38;
	[tilespmem:$0x18400] =	vst v63  }
0x63d: {  	s8 =	simm.s32 $0x800;
	s9 =	sadd.s32 $0x40, s19  }
0x63e: {  	[hbm4b:s9+s23] =	stream.strided.scatter [tilespmem:s8], [sflag:$0x3], $0x400, s26, s23, $0x38;
	[tilespmem:$0x18400] =	vst v63  }
0x63f: {  	s8 =	simm.s32 $0xC00;
	s9 =	sadd.s32 $0x80, s19  }
0x640: {  	[hbm4b:s9+s23] =	stream.strided.scatter [tilespmem:s8], [sflag:$0x3], $0x400, s26, s23, $0x38;
	[tilespmem:$0x18400] =	vst v63  }
0x641: {  	s30 =	simm.s32 $0x1800;
	s8 =	simm.s32 $0x1000;
	s9 =	sadd.s32 $0xC0, s19  }
0x642: {  	[hbm4b:s9+s23] =	stream.strided.scatter [tilespmem:s8], [sflag:$0x3], $0x400, s26, s23, $0x38;
	[tilespmem:$0x18400] =	vst v63  }
0x643: {  	s31 =	sadd.s32 $0x300, s19;
	s8 =	simm.s32 $0x1400;
	s9 =	sadd.s32 $0x100, s19  }
0x644: {  	[hbm4b:s9+s23] =	stream.strided.scatter [tilespmem:s8], [sflag:$0x3], $0x400, s26, s23, $0x38;
	[tilespmem:$0x18400] =	vst v63  }
0x645: {  	s0 =	simm.s32 $0xC000;
	s1 =	simm.s32 $0x1800;
	s8 =	sadd.s32 $0x140, s19  }
.LBB2_26:
0x646: {  	[hbm4b:s8+s23] =	stream.strided.scatter [tilespmem:s1], [sflag:$0x3], $0x400, s26, s23, $0x38;
	[tilespmem:$0x18400] =	vst v63  }
0x647: {  	s1 =	smov.u32 s30;
	s8 =	smov.u32 s0  }
0x648: {  	s9 =	sadd.s32 $0x6000, s0;
	s30 =	sshra.s32 s8, $0x2;
	s8 =	sadd.s32 $0x400, s1  }
0x649: {  	[hbm4b:s31+s23] =	stream.strided.scatter [tilespmem:s8], [sflag:$0x3], $0x400, s26, s23, $0x38;
	[tilespmem:$0x18400] =	vst v63  }
0x64a: {  	p0 =	sne.s32 s0, $0x2A000;
	s0 =	sadd.s32 $0x800, s1;
	s8 =	sadd.s32 $0x40, s31  }
0x64b: {  	[hbm4b:s8+s23] =	stream.strided.scatter [tilespmem:s0], [sflag:$0x3], $0x400, s26, s23, $0x38;
	[tilespmem:$0x18400] =	vst v63  }
0x64c: {  	s0 =	sadd.s32 $0xC00, s1;
	s8 =	sadd.s32 $0x80, s31  }
0x64d: {  	[hbm4b:s8+s23] =	stream.strided.scatter [tilespmem:s0], [sflag:$0x3], $0x400, s26, s23, $0x38;
	[tilespmem:$0x18400] =	vst v63  }
.Ltmp12:
0x64e: {  	s0 =	sadd.s32 $0x1000, s1;
	s8 =	sadd.s32 $0xC0, s31;
	(pc) =	sbr.rel @p0 .LBB2_26-.Ltmp12, $4  }
0x64f: {  	[hbm4b:s8+s23] =	stream.strided.scatter [tilespmem:s0], [sflag:$0x3], $0x400, s26, s23, $0x38;
	[tilespmem:$0x18400] =	vst v63  }
0x650: {  	s0 =	sadd.s32 $0x1400, s1;
	s8 =	sadd.s32 $0x100, s31;
	s1 =	sadd.s32 $0x1800, s1  }
0x651: {  	[hbm4b:s8+s23] =	stream.strided.scatter [tilespmem:s0], [sflag:$0x3], $0x400, s26, s23, $0x38;
	[tilespmem:$0x18400] =	vst v63  }
0x652: {  	s8 =	sadd.s32 $0x140, s31;
	s31 =	sadd.s32 $0x300, s31;
	s0 =	smov.u32 s9  }
0x653: {  	[hbm4b:s8+s23] =	stream.strided.scatter [tilespmem:s1], [sflag:$0x3], $0x400, s26, s23, $0x38;
	[tilespmem:$0x18400] =	vst v63  }
0x654: {  	s0 =	sadd.s32 $0x400, s30  }
0x655: {  	[hbm4b:s31+s23] =	stream.strided.scatter [tilespmem:s0], [sflag:$0x3], $0x400, s26, s23, $0x38;
	[tilespmem:$0x18400] =	vst v63  }
0x656: {  	s8 =	sadd.s32 $0x800, s30;
	s9 =	sadd.s32 $0x40, s31  }
0x657: {  	[hbm4b:s9+s23] =	stream.strided.scatter [tilespmem:s8], [sflag:$0x3], $0x400, s26, s23, $0x38;
	[tilespmem:$0x18400] =	vst v63  }
0x658: {  	s8 =	sadd.s32 $0xC00, s30;
	s9 =	sadd.s32 $0x80, s31  }
0x659: {  	[hbm4b:s9+s23] =	stream.strided.scatter [tilespmem:s8], [sflag:$0x3], $0x400, s26, s23, $0x38;
	[tilespmem:$0x18400] =	vst v63  }
0x65a: {  	s8 =	sadd.s32 $0x1000, s30;
	s9 =	sadd.s32 $0xC0, s31  }
0x65b: {  	[hbm4b:s9+s23] =	stream.strided.scatter [tilespmem:s8], [sflag:$0x3], $0x400, s26, s23, $0x38;
	[tilespmem:$0x18400] =	vst v63  }
0x65c: {  	s8 =	sadd.s32 $0x1400, s30;
	s9 =	sadd.s32 $0x100, s31  }
0x65d: {  	[hbm4b:s9+s23] =	stream.strided.scatter [tilespmem:s8], [sflag:$0x3], $0x400, s26, s23, $0x38;
	[tilespmem:$0x18400] =	vst v63  }
0x65e: {  	s1 =	sadd.s32 $0x1800, s30;
	s8 =	sadd.s32 $0x140, s31  }
0x65f: {  	[hbm4b:s8+s23] =	stream.strided.scatter [tilespmem:s1], [sflag:$0x3], $0x400, s26, s23, $0x38;
	[tilespmem:$0x18400] =	vst v63  }
0x660: {  	_ =	swait.ge [sflag:s24], $0xC000  }
0x661: {  	[sflag:s24] =	ssyncset.done $0x0  }
0x662: {  	[sflag:s24] =	ssyncadd.s32 $0xFFFF4000  }
0x663: {  	v3 =	vld [tilespmem:$0x380];
	_ =	sdelay $0x4  }
0x664: {  	v4 =	vshrl.u32 v3, $0x3  }
0x665: {  	v4 =	vmul.u32 $0x30, v4  }
0x666: {  	v3 =	vand.u32 $0x7, v3  }
0x667: {  	v3 =	vor.u32 v3, v4  }
0x668: {  	v4 =	vperm.xlane v3, v0;
	_ =	sdelay $0x1  }
0x669: {  	v4 =	vadd.s32 v1, v4;
	_ =	sdelay $0x3  }
0x66a: {  	s0 =	simm.s32 $0x0;
	s9 =	simm.s32 $0x400;
	v3 =	vperm.xlane v3, v2  }
0x66b: {  	[tilespmem:s9], [sflag:$0x1] =	stream.indirect_vreg.gather [hbm4b:s3+s0], $0x80, v4, vm0, $0xb8;
	[tilespmem:$0x18400] =	vst v63  }
0x66c: {  	v3 =	vadd.s32 v1, v3  }
0x66d: {  	[tilespmem:s26], [sflag:$0x1] =	stream.indirect_vreg.gather [hbm4b:s6+s0], $0x80, v4, vm0, $0xb8;
	[tilespmem:$0x18400] =	vst v63  }
0x66e: {  	s8 =	simm.s32 $0x1400  }
0x66f: {  	[tilespmem:s8], [sflag:$0x1] =	stream.indirect_vreg.gather [hbm4b:s7+s0], $0x80, v4, vm0, $0xb8;
	[tilespmem:$0x18400] =	vst v63  }
0x670: {  	s9 =	simm.s32 $0x1C00  }
0x671: {  	[tilespmem:s9], [sflag:$0x1] =	stream.indirect_vreg.gather [hbm4b:s3+s0], $0x80, v3, vm0, $0xb8;
	[tilespmem:$0x18400] =	vst v63  }
0x672: {  	s8 =	simm.s32 $0x2400  }
0x673: {  	[tilespmem:s8], [sflag:$0x1] =	stream.indirect_vreg.gather [hbm4b:s6+s0], $0x80, v3, vm0, $0xb8;
	[tilespmem:$0x18400] =	vst v63  }
0x674: {  	s9 =	simm.s32 $0x2C00  }
0x675: {  	[tilespmem:s9], [sflag:$0x1] =	stream.indirect_vreg.gather [hbm4b:s7+s0], $0x80, v3, vm0, $0xb8;
	[tilespmem:$0x18400] =	vst v63  }
0x676: {  	v3 =	vld [tilespmem:$0x390];
	_ =	sdelay $0x4  }
0x677: {  	v61 =	vshrl.u32 v3, $0x3  }
0x678: {  	v4 =	vmul.u32 $0x30, v61  }
0x679: {  	v3 =	vand.u32 $0x7, v3  }
0x67a: {  	v3 =	vor.u32 v3, v4  }
0x67b: {  	v4 =	vperm.xlane v3, v0;
	_ =	sdelay $0x1  }
0x67c: {  	v4 =	vadd.s32 v1, v4;
	_ =	sdelay $0x3  }
0x67d: {  	s8 =	simm.s32 $0x3400;
	v3 =	vperm.xlane v3, v2  }
0x67e: {  	[tilespmem:s8], [sflag:$0x1] =	stream.indirect_vreg.gather [hbm4b:s3+s0], $0x80, v4, vm0, $0xb8;
	[tilespmem:$0x18400] =	vst v63  }
0x67f: {  	s9 =	simm.s32 $0x3C00;
	v3 =	vadd.s32 v1, v3  }
0x680: {  	[tilespmem:s9], [sflag:$0x1] =	stream.indirect_vreg.gather [hbm4b:s6+s0], $0x80, v4, vm0, $0xb8;
	[tilespmem:$0x18400] =	vst v63  }
0x681: {  	s8 =	simm.s32 $0x4400  }
0x682: {  	[tilespmem:s8], [sflag:$0x1] =	stream.indirect_vreg.gather [hbm4b:s7+s0], $0x80, v4, vm0, $0xb8;
	[tilespmem:$0x18400] =	vst v63  }
0x683: {  	s9 =	simm.s32 $0x4C00  }
0x684: {  	[tilespmem:s9], [sflag:$0x1] =	stream.indirect_vreg.gather [hbm4b:s3+s0], $0x80, v3, vm0, $0xb8;
	[tilespmem:$0x18400] =	vst v63  }
0x685: {  	s8 =	simm.s32 $0x5400  }
0x686: {  	[tilespmem:s8], [sflag:$0x1] =	stream.indirect_vreg.gather [hbm4b:s6+s0], $0x80, v3, vm0, $0xb8;
	[tilespmem:$0x18400] =	vst v63  }
0x687: {  	s9 =	simm.s32 $0x5C00  }
0x688: {  	[tilespmem:s9], [sflag:$0x1] =	stream.indirect_vreg.gather [hbm4b:s7+s0], $0x80, v3, vm0, $0xb8;
	[tilespmem:$0x18400] =	vst v63  }
0x689: {  	v3 =	vld [tilespmem:$0x3A0];
	_ =	sdelay $0x4  }
0x68a: {  	v62 =	vshrl.u32 v3, $0x3  }
0x68b: {  	v4 =	vmul.u32 $0x30, v62  }
0x68c: {  	v3 =	vand.u32 $0x7, v3  }
0x68d: {  	v3 =	vor.u32 v3, v4  }
0x68e: {  	v4 =	vperm.xlane v3, v0;
	_ =	sdelay $0x1  }
0x68f: {  	v4 =	vadd.s32 v1, v4;
	_ =	sdelay $0x3  }
0x690: {  	s8 =	simm.s32 $0x6400;
	v3 =	vperm.xlane v3, v2  }
0x691: {  	[tilespmem:s8], [sflag:$0x1] =	stream.indirect_vreg.gather [hbm4b:s3+s0], $0x80, v4, vm0, $0xb8;
	[tilespmem:$0x18400] =	vst v63  }
0x692: {  	s9 =	simm.s32 $0x6C00;
	v3 =	vadd.s32 v1, v3  }
0x693: {  	[tilespmem:s9], [sflag:$0x1] =	stream.indirect_vreg.gather [hbm4b:s6+s0], $0x80, v4, vm0, $0xb8;
	[tilespmem:$0x18400] =	vst v63  }
0x694: {  	s8 =	simm.s32 $0x7400  }
0x695: {  	[tilespmem:s8], [sflag:$0x1] =	stream.indirect_vreg.gather [hbm4b:s7+s0], $0x80, v4, vm0, $0xb8;
	[tilespmem:$0x18400] =	vst v63  }
0x696: {  	s9 =	simm.s32 $0x7C00  }
0x697: {  	[tilespmem:s9], [sflag:$0x1] =	stream.indirect_vreg.gather [hbm4b:s3+s0], $0x80, v3, vm0, $0xb8;
	[tilespmem:$0x18400] =	vst v63  }
0x698: {  	s8 =	simm.s32 $0x8400  }
0x699: {  	[tilespmem:s8], [sflag:$0x1] =	stream.indirect_vreg.gather [hbm4b:s6+s0], $0x80, v3, vm0, $0xb8;
	[tilespmem:$0x18400] =	vst v63  }
0x69a: {  	s9 =	simm.s32 $0x8C00  }
0x69b: {  	[tilespmem:s9], [sflag:$0x1] =	stream.indirect_vreg.gather [hbm4b:s7+s0], $0x80, v3, vm0, $0xb8;
	[tilespmem:$0x18400] =	vst v63  }
0x69c: {  	v3 =	vld [tilespmem:$0x3B0];
	_ =	sdelay $0x4  }
0x69d: {  	v63 =	vshrl.u32 v3, $0x3  }
0x69e: {  	v4 =	vmul.u32 $0x30, v63  }
0x69f: {  	v3 =	vand.u32 $0x7, v3  }
0x6a0: {  	v3 =	vor.u32 v3, v4  }
0x6a1: {  	v4 =	vperm.xlane v3, v0;
	_ =	sdelay $0x1  }
0x6a2: {  	v4 =	vadd.s32 v1, v4;
	_ =	sdelay $0x3  }
0x6a3: {  	s8 =	simm.s32 $0x9400;
	v3 =	vperm.xlane v3, v2  }
0x6a4: {  	[tilespmem:s8], [sflag:$0x1] =	stream.indirect_vreg.gather [hbm4b:s3+s0], $0x80, v4, vm0, $0xb8;
	[tilespmem:$0x18400] =	vst v63  }
0x6a5: {  	s9 =	simm.s32 $0x9C00;
	v3 =	vadd.s32 v1, v3  }
0x6a6: {  	[tilespmem:s9], [sflag:$0x1] =	stream.indirect_vreg.gather [hbm4b:s6+s0], $0x80, v4, vm0, $0xb8;
	[tilespmem:$0x18400] =	vst v63  }
0x6a7: {  	s8 =	simm.s32 $0xA400  }
0x6a8: {  	[tilespmem:s8], [sflag:$0x1] =	stream.indirect_vreg.gather [hbm4b:s7+s0], $0x80, v4, vm0, $0xb8;
	[tilespmem:$0x18400] =	vst v63  }
0x6a9: {  	s9 =	simm.s32 $0xAC00  }
0x6aa: {  	[tilespmem:s9], [sflag:$0x1] =	stream.indirect_vreg.gather [hbm4b:s3+s0], $0x80, v3, vm0, $0xb8;
	[tilespmem:$0x18400] =	vst v63  }
0x6ab: {  	s8 =	simm.s32 $0xB400  }
0x6ac: {  	[tilespmem:s8], [sflag:$0x1] =	stream.indirect_vreg.gather [hbm4b:s6+s0], $0x80, v3, vm0, $0xb8;
	[tilespmem:$0x18400] =	vst v63  }
0x6ad: {  	s9 =	simm.s32 $0xBC00  }
0x6ae: {  	[tilespmem:s9], [sflag:$0x1] =	stream.indirect_vreg.gather [hbm4b:s7+s0], $0x80, v3, vm0, $0xb8;
	[tilespmem:$0x18400] =	vst v63  }
0x6af: {  	_ =	swait.ge [sflag:s25], $0xC000  }
0x6b0: {  	[sflag:s25] =	ssyncset.done $0x0  }
0x6b1: {  	s1 =	simm.s32 $0xC400;
	[sflag:s25] =	ssyncadd.s32 $0xFFFF4000  }
0x6b2: {  	[hbm4b:s20+s23] =	stream.strided.scatter [tilespmem:s1], [sflag:$0x4], $0x400, s26, s23, $0x38;
	[tilespmem:$0x18400] =	vst v63  }
0x6b3: {  	s8 =	simm.s32 $0xC800;
	s9 =	sadd.s32 $0x40, s20  }
0x6b4: {  	[hbm4b:s9+s23] =	stream.strided.scatter [tilespmem:s8], [sflag:$0x4], $0x400, s26, s23, $0x38;
	[tilespmem:$0x18400] =	vst v63  }
0x6b5: {  	s8 =	simm.s32 $0xCC00;
	s9 =	sadd.s32 $0x80, s20  }
0x6b6: {  	[hbm4b:s9+s23] =	stream.strided.scatter [tilespmem:s8], [sflag:$0x4], $0x400, s26, s23, $0x38;
	[tilespmem:$0x18400] =	vst v63  }
0x6b7: {  	s30 =	simm.s32 $0x1800;
	s8 =	simm.s32 $0xD000;
	s9 =	sadd.s32 $0xC0, s20  }
0x6b8: {  	[hbm4b:s9+s23] =	stream.strided.scatter [tilespmem:s8], [sflag:$0x4], $0x400, s26, s23, $0x38;
	[tilespmem:$0x18400] =	vst v63  }
0x6b9: {  	s31 =	sadd.s32 $0x300, s20;
	s8 =	simm.s32 $0xD400;
	s9 =	sadd.s32 $0x100, s20  }
0x6ba: {  	[hbm4b:s9+s23] =	stream.strided.scatter [tilespmem:s8], [sflag:$0x4], $0x400, s26, s23, $0x38;
	[tilespmem:$0x18400] =	vst v63  }
0x6bb: {  	s0 =	simm.s32 $0xC000;
	s1 =	simm.s32 $0xD800;
	s8 =	sadd.s32 $0x140, s20  }
.LBB2_28:
0x6bc: {  	[hbm4b:s8+s23] =	stream.strided.scatter [tilespmem:s1], [sflag:$0x4], $0x400, s26, s23, $0x38;
	[tilespmem:$0x18400] =	vst v63  }
0x6bd: {  	s1 =	smov.u32 s30;
	s8 =	smov.u32 s0  }
0x6be: {  	s9 =	sadd.s32 $0x6000, s0;
	s30 =	sshra.s32 s8, $0x2;
	s8 =	sadd.s32 $0xC400, s1  }
0x6bf: {  	[hbm4b:s31+s23] =	stream.strided.scatter [tilespmem:s8], [sflag:$0x4], $0x400, s26, s23, $0x38;
	[tilespmem:$0x18400] =	vst v63  }
0x6c0: {  	p0 =	sne.s32 s0, $0x2A000;
	s0 =	sadd.s32 $0xC800, s1;
	s8 =	sadd.s32 $0x40, s31  }
0x6c1: {  	[hbm4b:s8+s23] =	stream.strided.scatter [tilespmem:s0], [sflag:$0x4], $0x400, s26, s23, $0x38;
	[tilespmem:$0x18400] =	vst v63  }
0x6c2: {  	s0 =	sadd.s32 $0xCC00, s1;
	s8 =	sadd.s32 $0x80, s31  }
0x6c3: {  	[hbm4b:s8+s23] =	stream.strided.scatter [tilespmem:s0], [sflag:$0x4], $0x400, s26, s23, $0x38;
	[tilespmem:$0x18400] =	vst v63  }
.Ltmp13:
0x6c4: {  	s0 =	sadd.s32 $0xD000, s1;
	s8 =	sadd.s32 $0xC0, s31;
	(pc) =	sbr.rel @p0 .LBB2_28-.Ltmp13, $4  }
0x6c5: {  	[hbm4b:s8+s23] =	stream.strided.scatter [tilespmem:s0], [sflag:$0x4], $0x400, s26, s23, $0x38;
	[tilespmem:$0x18400] =	vst v63  }
0x6c6: {  	s0 =	sadd.s32 $0xD400, s1;
	s8 =	sadd.s32 $0x100, s31;
	s1 =	sadd.s32 $0xD800, s1  }
0x6c7: {  	[hbm4b:s8+s23] =	stream.strided.scatter [tilespmem:s0], [sflag:$0x4], $0x400, s26, s23, $0x38;
	[tilespmem:$0x18400] =	vst v63  }
0x6c8: {  	s8 =	sadd.s32 $0x140, s31;
	s31 =	sadd.s32 $0x300, s31;
	s0 =	smov.u32 s9  }
0x6c9: {  	[hbm4b:s8+s23] =	stream.strided.scatter [tilespmem:s1], [sflag:$0x4], $0x400, s26, s23, $0x38;
	[tilespmem:$0x18400] =	vst v63  }
0x6ca: {  	s0 =	sadd.s32 $0xC400, s30  }
0x6cb: {  	[hbm4b:s31+s23] =	stream.strided.scatter [tilespmem:s0], [sflag:$0x4], $0x400, s26, s23, $0x38;
	[tilespmem:$0x18400] =	vst v63  }
0x6cc: {  	s8 =	sadd.s32 $0xC800, s30;
	s9 =	sadd.s32 $0x40, s31  }
0x6cd: {  	[hbm4b:s9+s23] =	stream.strided.scatter [tilespmem:s8], [sflag:$0x4], $0x400, s26, s23, $0x38;
	[tilespmem:$0x18400] =	vst v63  }
0x6ce: {  	s8 =	sadd.s32 $0xCC00, s30;
	s9 =	sadd.s32 $0x80, s31  }
0x6cf: {  	[hbm4b:s9+s23] =	stream.strided.scatter [tilespmem:s8], [sflag:$0x4], $0x400, s26, s23, $0x38;
	[tilespmem:$0x18400] =	vst v63  }
0x6d0: {  	s8 =	sadd.s32 $0xD000, s30;
	s9 =	sadd.s32 $0xC0, s31  }
0x6d1: {  	[hbm4b:s9+s23] =	stream.strided.scatter [tilespmem:s8], [sflag:$0x4], $0x400, s26, s23, $0x38;
	[tilespmem:$0x18400] =	vst v63  }
0x6d2: {  	s8 =	sadd.s32 $0xD400, s30;
	s9 =	sadd.s32 $0x100, s31  }
0x6d3: {  	[hbm4b:s9+s23] =	stream.strided.scatter [tilespmem:s8], [sflag:$0x4], $0x400, s26, s23, $0x38;
	[tilespmem:$0x18400] =	vst v63  }
0x6d4: {  	s8 =	sadd.s32 $0xD800, s30;
	s9 =	sadd.s32 $0x140, s31  }
0x6d5: {  	[hbm4b:s9+s23] =	stream.strided.scatter [tilespmem:s8], [sflag:$0x4], $0x400, s26, s23, $0x38;
	[tilespmem:$0x18400] =	vst v63  }
0x6d6: {  	_ =	swait.ge [sflag:s28], $0xC000  }
0x6d7: {  	[sflag:s28] =	ssyncset.done $0x0  }
0x6d8: {  	[sflag:s28] =	ssyncadd.s32 $0xFFFF4000  }
0x6d9: {  	v3 =	vld [tilespmem:$0x3C0];
	_ =	sdelay $0x4  }
0x6da: {  	v4 =	vshrl.u32 v3, $0x3  }
0x6db: {  	v4 =	vmul.u32 $0x30, v4  }
0x6dc: {  	v3 =	vand.u32 $0x7, v3  }
0x6dd: {  	v3 =	vor.u32 v3, v4  }
0x6de: {  	v4 =	vperm.xlane v3, v0;
	_ =	sdelay $0x1  }
0x6df: {  	v4 =	vadd.s32 v1, v4;
	_ =	sdelay $0x3  }
0x6e0: {  	s0 =	simm.s32 $0x0;
	s8 =	simm.s32 $0xC400;
	v3 =	vperm.xlane v3, v2  }
0x6e1: {  	[tilespmem:s8], [sflag:$0x2] =	stream.indirect_vreg.gather [hbm4b:s3+s0], $0x80, v4, vm0, $0xb8;
	[tilespmem:$0x18400] =	vst v63  }
0x6e2: {  	s9 =	simm.s32 $0xCC00;
	v3 =	vadd.s32 v1, v3  }
0x6e3: {  	[tilespmem:s9], [sflag:$0x2] =	stream.indirect_vreg.gather [hbm4b:s6+s0], $0x80, v4, vm0, $0xb8;
	[tilespmem:$0x18400] =	vst v63  }
0x6e4: {  	s8 =	simm.s32 $0xD400  }
0x6e5: {  	[tilespmem:s8], [sflag:$0x2] =	stream.indirect_vreg.gather [hbm4b:s7+s0], $0x80, v4, vm0, $0xb8;
	[tilespmem:$0x18400] =	vst v63  }
0x6e6: {  	s9 =	simm.s32 $0xDC00  }
0x6e7: {  	[tilespmem:s9], [sflag:$0x2] =	stream.indirect_vreg.gather [hbm4b:s3+s0], $0x80, v3, vm0, $0xb8;
	[tilespmem:$0x18400] =	vst v63  }
0x6e8: {  	s8 =	simm.s32 $0xE400  }
0x6e9: {  	[tilespmem:s8], [sflag:$0x2] =	stream.indirect_vreg.gather [hbm4b:s6+s0], $0x80, v3, vm0, $0xb8;
	[tilespmem:$0x18400] =	vst v63  }
0x6ea: {  	s9 =	simm.s32 $0xEC00  }
0x6eb: {  	[tilespmem:s9], [sflag:$0x2] =	stream.indirect_vreg.gather [hbm4b:s7+s0], $0x80, v3, vm0, $0xb8;
	[tilespmem:$0x18400] =	vst v63  }
0x6ec: {  	v3 =	vld [tilespmem:$0x3D0];
	_ =	sdelay $0x4  }
0x6ed: {  	v61 =	vshrl.u32 v3, $0x3  }
0x6ee: {  	v4 =	vmul.u32 $0x30, v61  }
0x6ef: {  	v3 =	vand.u32 $0x7, v3  }
0x6f0: {  	v3 =	vor.u32 v3, v4  }
0x6f1: {  	v4 =	vperm.xlane v3, v0;
	_ =	sdelay $0x1  }
0x6f2: {  	v4 =	vadd.s32 v1, v4;
	_ =	sdelay $0x3  }
0x6f3: {  	s8 =	simm.s32 $0xF400;
	v3 =	vperm.xlane v3, v2  }
0x6f4: {  	[tilespmem:s8], [sflag:$0x2] =	stream.indirect_vreg.gather [hbm4b:s3+s0], $0x80, v4, vm0, $0xb8;
	[tilespmem:$0x18400] =	vst v63  }
0x6f5: {  	s9 =	simm.s32 $0xFC00;
	v3 =	vadd.s32 v1, v3  }
0x6f6: {  	[tilespmem:s9], [sflag:$0x2] =	stream.indirect_vreg.gather [hbm4b:s6+s0], $0x80, v4, vm0, $0xb8;
	[tilespmem:$0x18400] =	vst v63  }
0x6f7: {  	s8 =	simm.s32 $0x10400  }
0x6f8: {  	[tilespmem:s8], [sflag:$0x2] =	stream.indirect_vreg.gather [hbm4b:s7+s0], $0x80, v4, vm0, $0xb8;
	[tilespmem:$0x18400] =	vst v63  }
0x6f9: {  	s9 =	simm.s32 $0x10C00  }
0x6fa: {  	[tilespmem:s9], [sflag:$0x2] =	stream.indirect_vreg.gather [hbm4b:s3+s0], $0x80, v3, vm0, $0xb8;
	[tilespmem:$0x18400] =	vst v63  }
0x6fb: {  	s8 =	simm.s32 $0x11400  }
0x6fc: {  	[tilespmem:s8], [sflag:$0x2] =	stream.indirect_vreg.gather [hbm4b:s6+s0], $0x80, v3, vm0, $0xb8;
	[tilespmem:$0x18400] =	vst v63  }
0x6fd: {  	s9 =	simm.s32 $0x11C00  }
0x6fe: {  	[tilespmem:s9], [sflag:$0x2] =	stream.indirect_vreg.gather [hbm4b:s7+s0], $0x80, v3, vm0, $0xb8;
	[tilespmem:$0x18400] =	vst v63  }
0x6ff: {  	v3 =	vld [tilespmem:$0x3E0];
	_ =	sdelay $0x4  }
0x700: {  	v62 =	vshrl.u32 v3, $0x3  }
0x701: {  	v4 =	vmul.u32 $0x30, v62  }
0x702: {  	v3 =	vand.u32 $0x7, v3  }
0x703: {  	v3 =	vor.u32 v3, v4  }
0x704: {  	v4 =	vperm.xlane v3, v0;
	_ =	sdelay $0x1  }
0x705: {  	v4 =	vadd.s32 v1, v4;
	_ =	sdelay $0x3  }
0x706: {  	s8 =	simm.s32 $0x12400;
	v3 =	vperm.xlane v3, v2  }
0x707: {  	[tilespmem:s8], [sflag:$0x2] =	stream.indirect_vreg.gather [hbm4b:s3+s0], $0x80, v4, vm0, $0xb8;
	[tilespmem:$0x18400] =	vst v63  }
0x708: {  	s9 =	simm.s32 $0x12C00;
	v3 =	vadd.s32 v1, v3  }
0x709: {  	[tilespmem:s9], [sflag:$0x2] =	stream.indirect_vreg.gather [hbm4b:s6+s0], $0x80, v4, vm0, $0xb8;
	[tilespmem:$0x18400] =	vst v63  }
0x70a: {  	s8 =	simm.s32 $0x13400  }
0x70b: {  	[tilespmem:s8], [sflag:$0x2] =	stream.indirect_vreg.gather [hbm4b:s7+s0], $0x80, v4, vm0, $0xb8;
	[tilespmem:$0x18400] =	vst v63  }
0x70c: {  	s9 =	simm.s32 $0x13C00  }
0x70d: {  	[tilespmem:s9], [sflag:$0x2] =	stream.indirect_vreg.gather [hbm4b:s3+s0], $0x80, v3, vm0, $0xb8;
	[tilespmem:$0x18400] =	vst v63  }
0x70e: {  	s8 =	simm.s32 $0x14400  }
0x70f: {  	[tilespmem:s8], [sflag:$0x2] =	stream.indirect_vreg.gather [hbm4b:s6+s0], $0x80, v3, vm0, $0xb8;
	[tilespmem:$0x18400] =	vst v63  }
0x710: {  	s9 =	simm.s32 $0x14C00  }
0x711: {  	[tilespmem:s9], [sflag:$0x2] =	stream.indirect_vreg.gather [hbm4b:s7+s0], $0x80, v3, vm0, $0xb8;
	[tilespmem:$0x18400] =	vst v63  }
0x712: {  	v3 =	vld [tilespmem:$0x3F0];
	_ =	sdelay $0x4  }
0x713: {  	v63 =	vshrl.u32 v3, $0x3  }
0x714: {  	v4 =	vmul.u32 $0x30, v63  }
0x715: {  	v3 =	vand.u32 $0x7, v3  }
0x716: {  	v3 =	vor.u32 v3, v4  }
0x717: {  	v4 =	vperm.xlane v3, v0;
	_ =	sdelay $0x1  }
0x718: {  	v4 =	vadd.s32 v1, v4;
	_ =	sdelay $0x3  }
0x719: {  	s8 =	simm.s32 $0x15400;
	v3 =	vperm.xlane v3, v2  }
0x71a: {  	[tilespmem:s8], [sflag:$0x2] =	stream.indirect_vreg.gather [hbm4b:s3+s0], $0x80, v4, vm0, $0xb8;
	[tilespmem:$0x18400] =	vst v63  }
0x71b: {  	s9 =	simm.s32 $0x15C00;
	v3 =	vadd.s32 v1, v3  }
0x71c: {  	[tilespmem:s9], [sflag:$0x2] =	stream.indirect_vreg.gather [hbm4b:s6+s0], $0x80, v4, vm0, $0xb8;
	[tilespmem:$0x18400] =	vst v63  }
0x71d: {  	s8 =	simm.s32 $0x16400  }
0x71e: {  	[tilespmem:s8], [sflag:$0x2] =	stream.indirect_vreg.gather [hbm4b:s7+s0], $0x80, v4, vm0, $0xb8;
	[tilespmem:$0x18400] =	vst v63  }
0x71f: {  	s9 =	simm.s32 $0x16C00  }
0x720: {  	[tilespmem:s9], [sflag:$0x2] =	stream.indirect_vreg.gather [hbm4b:s3+s0], $0x80, v3, vm0, $0xb8;
	[tilespmem:$0x18400] =	vst v63  }
0x721: {  	s8 =	simm.s32 $0x17400  }
0x722: {  	[tilespmem:s8], [sflag:$0x2] =	stream.indirect_vreg.gather [hbm4b:s6+s0], $0x80, v3, vm0, $0xb8;
	[tilespmem:$0x18400] =	vst v63  }
0x723: {  	s9 =	simm.s32 $0x17C00  }
0x724: {  	[tilespmem:s9], [sflag:$0x2] =	stream.indirect_vreg.gather [hbm4b:s7+s0], $0x80, v3, vm0, $0xb8;
	[tilespmem:$0x18400] =	vst v63  }
0x725: {  	_ =	swait.ge [sflag:s4], $0xC000  }
0x726: {  	[sflag:s4] =	ssyncset.done $0x0  }
0x727: {  	s1 =	simm.s32 $0x400;
	[sflag:s4] =	ssyncadd.s32 $0xFFFF4000  }
0x728: {  	[hbm4b:s21+s23] =	stream.strided.scatter [tilespmem:s1], [sflag:$0x3], $0x400, s26, s23, $0x38;
	[tilespmem:$0x18400] =	vst v63  }
0x729: {  	s8 =	simm.s32 $0x800;
	s9 =	sadd.s32 $0x40, s21  }
0x72a: {  	[hbm4b:s9+s23] =	stream.strided.scatter [tilespmem:s8], [sflag:$0x3], $0x400, s26, s23, $0x38;
	[tilespmem:$0x18400] =	vst v63  }
0x72b: {  	s8 =	simm.s32 $0xC00;
	s9 =	sadd.s32 $0x80, s21  }
0x72c: {  	[hbm4b:s9+s23] =	stream.strided.scatter [tilespmem:s8], [sflag:$0x3], $0x400, s26, s23, $0x38;
	[tilespmem:$0x18400] =	vst v63  }
0x72d: {  	s30 =	simm.s32 $0x1800;
	s8 =	simm.s32 $0x1000;
	s9 =	sadd.s32 $0xC0, s21  }
0x72e: {  	[hbm4b:s9+s23] =	stream.strided.scatter [tilespmem:s8], [sflag:$0x3], $0x400, s26, s23, $0x38;
	[tilespmem:$0x18400] =	vst v63  }
0x72f: {  	s31 =	sadd.s32 $0x300, s21;
	s8 =	simm.s32 $0x1400;
	s9 =	sadd.s32 $0x100, s21  }
0x730: {  	[hbm4b:s9+s23] =	stream.strided.scatter [tilespmem:s8], [sflag:$0x3], $0x400, s26, s23, $0x38;
	[tilespmem:$0x18400] =	vst v63  }
0x731: {  	s0 =	simm.s32 $0xC000;
	s1 =	simm.s32 $0x1800;
	s8 =	sadd.s32 $0x140, s21  }
.LBB2_30:
0x732: {  	[hbm4b:s8+s23] =	stream.strided.scatter [tilespmem:s1], [sflag:$0x3], $0x400, s26, s23, $0x38;
	[tilespmem:$0x18400] =	vst v63  }
0x733: {  	s1 =	smov.u32 s30;
	s8 =	smov.u32 s0  }
0x734: {  	s9 =	sadd.s32 $0x6000, s0;
	s30 =	sshra.s32 s8, $0x2;
	s8 =	sadd.s32 $0x400, s1  }
0x735: {  	[hbm4b:s31+s23] =	stream.strided.scatter [tilespmem:s8], [sflag:$0x3], $0x400, s26, s23, $0x38;
	[tilespmem:$0x18400] =	vst v63  }
0x736: {  	p0 =	sne.s32 s0, $0x2A000;
	s0 =	sadd.s32 $0x800, s1;
	s8 =	sadd.s32 $0x40, s31  }
0x737: {  	[hbm4b:s8+s23] =	stream.strided.scatter [tilespmem:s0], [sflag:$0x3], $0x400, s26, s23, $0x38;
	[tilespmem:$0x18400] =	vst v63  }
0x738: {  	s0 =	sadd.s32 $0xC00, s1;
	s8 =	sadd.s32 $0x80, s31  }
0x739: {  	[hbm4b:s8+s23] =	stream.strided.scatter [tilespmem:s0], [sflag:$0x3], $0x400, s26, s23, $0x38;
	[tilespmem:$0x18400] =	vst v63  }
.Ltmp14:
0x73a: {  	s0 =	sadd.s32 $0x1000, s1;
	s8 =	sadd.s32 $0xC0, s31;
	(pc) =	sbr.rel @p0 .LBB2_30-.Ltmp14, $4  }
0x73b: {  	[hbm4b:s8+s23] =	stream.strided.scatter [tilespmem:s0], [sflag:$0x3], $0x400, s26, s23, $0x38;
	[tilespmem:$0x18400] =	vst v63  }
0x73c: {  	s0 =	sadd.s32 $0x1400, s1;
	s8 =	sadd.s32 $0x100, s31;
	s1 =	sadd.s32 $0x1800, s1  }
0x73d: {  	[hbm4b:s8+s23] =	stream.strided.scatter [tilespmem:s0], [sflag:$0x3], $0x400, s26, s23, $0x38;
	[tilespmem:$0x18400] =	vst v63  }
0x73e: {  	s8 =	sadd.s32 $0x140, s31;
	s31 =	sadd.s32 $0x300, s31;
	s0 =	smov.u32 s9  }
0x73f: {  	[hbm4b:s8+s23] =	stream.strided.scatter [tilespmem:s1], [sflag:$0x3], $0x400, s26, s23, $0x38;
	[tilespmem:$0x18400] =	vst v63  }
0x740: {  	s0 =	sadd.s32 $0x400, s30  }
0x741: {  	[hbm4b:s31+s23] =	stream.strided.scatter [tilespmem:s0], [sflag:$0x3], $0x400, s26, s23, $0x38;
	[tilespmem:$0x18400] =	vst v63  }
0x742: {  	s8 =	sadd.s32 $0x800, s30;
	s9 =	sadd.s32 $0x40, s31  }
0x743: {  	[hbm4b:s9+s23] =	stream.strided.scatter [tilespmem:s8], [sflag:$0x3], $0x400, s26, s23, $0x38;
	[tilespmem:$0x18400] =	vst v63  }
0x744: {  	s8 =	sadd.s32 $0xC00, s30;
	s9 =	sadd.s32 $0x80, s31  }
0x745: {  	[hbm4b:s9+s23] =	stream.strided.scatter [tilespmem:s8], [sflag:$0x3], $0x400, s26, s23, $0x38;
	[tilespmem:$0x18400] =	vst v63  }
0x746: {  	s8 =	sadd.s32 $0x1000, s30;
	s9 =	sadd.s32 $0xC0, s31  }
0x747: {  	[hbm4b:s9+s23] =	stream.strided.scatter [tilespmem:s8], [sflag:$0x3], $0x400, s26, s23, $0x38;
	[tilespmem:$0x18400] =	vst v63  }
0x748: {  	s8 =	sadd.s32 $0x1400, s30;
	s9 =	sadd.s32 $0x100, s31  }
0x749: {  	[hbm4b:s9+s23] =	stream.strided.scatter [tilespmem:s8], [sflag:$0x3], $0x400, s26, s23, $0x38;
	[tilespmem:$0x18400] =	vst v63  }
0x74a: {  	s8 =	sadd.s32 $0x1800, s30;
	s9 =	sadd.s32 $0x140, s31  }
0x74b: {  	[hbm4b:s9+s23] =	stream.strided.scatter [tilespmem:s8], [sflag:$0x3], $0x400, s26, s23, $0x38;
	[tilespmem:$0x18400] =	vst v63  }
0x74c: {  	_ =	swait.ge [sflag:s25], $0xC000  }
0x74d: {  	[sflag:s25] =	ssyncset.done $0x0  }
0x74e: {  	s1 =	simm.s32 $0xC400;
	[sflag:s25] =	ssyncadd.s32 $0xFFFF4000  }
0x74f: {  	[hbm4b:s22+s23] =	stream.strided.scatter [tilespmem:s1], [sflag:$0x4], $0x400, s26, s23, $0x38;
	[tilespmem:$0x18400] =	vst v63  }
0x750: {  	s8 =	simm.s32 $0xC800;
	s9 =	sadd.s32 $0x40, s22  }
0x751: {  	[hbm4b:s9+s23] =	stream.strided.scatter [tilespmem:s8], [sflag:$0x4], $0x400, s26, s23, $0x38;
	[tilespmem:$0x18400] =	vst v63  }
0x752: {  	s8 =	simm.s32 $0xCC00;
	s9 =	sadd.s32 $0x80, s22  }
0x753: {  	[hbm4b:s9+s23] =	stream.strided.scatter [tilespmem:s8], [sflag:$0x4], $0x400, s26, s23, $0x38;
	[tilespmem:$0x18400] =	vst v63  }
0x754: {  	s0 =	simm.s32 $0xC000;
	s8 =	simm.s32 $0xD000;
	s9 =	sadd.s32 $0xC0, s22  }
0x755: {  	[hbm4b:s9+s23] =	stream.strided.scatter [tilespmem:s8], [sflag:$0x4], $0x400, s26, s23, $0x38;
	[tilespmem:$0x18400] =	vst v63  }
0x756: {  	s30 =	simm.s32 $0x1800;
	s8 =	simm.s32 $0xD400;
	s9 =	sadd.s32 $0x100, s22  }
0x757: {  	[hbm4b:s9+s23] =	stream.strided.scatter [tilespmem:s8], [sflag:$0x4], $0x400, s26, s23, $0x38;
	[tilespmem:$0x18400] =	vst v63  }
0x758: {  	s31 =	sadd.s32 $0x300, s22;
	s1 =	simm.s32 $0xD800;
	s8 =	sadd.s32 $0x140, s22  }
.LBB2_32:
0x759: {  	[hbm4b:s8+s23] =	stream.strided.scatter [tilespmem:s1], [sflag:$0x4], $0x400, s26, s23, $0x38;
	[tilespmem:$0x18400] =	vst v63  }
0x75a: {  	s1 =	smov.u32 s30;
	s8 =	smov.u32 s0  }
0x75b: {  	s9 =	sadd.s32 $0x6000, s0;
	s30 =	sshra.s32 s8, $0x2;
	s8 =	sadd.s32 $0xC400, s1  }
0x75c: {  	[hbm4b:s31+s23] =	stream.strided.scatter [tilespmem:s8], [sflag:$0x4], $0x400, s26, s23, $0x38;
	[tilespmem:$0x18400] =	vst v63  }
0x75d: {  	p0 =	sne.s32 s0, $0x2A000;
	s0 =	sadd.s32 $0xC800, s1;
	s8 =	sadd.s32 $0x40, s31  }
0x75e: {  	[hbm4b:s8+s23] =	stream.strided.scatter [tilespmem:s0], [sflag:$0x4], $0x400, s26, s23, $0x38;
	[tilespmem:$0x18400] =	vst v63  }
0x75f: {  	s0 =	sadd.s32 $0xCC00, s1;
	s8 =	sadd.s32 $0x80, s31  }
0x760: {  	[hbm4b:s8+s23] =	stream.strided.scatter [tilespmem:s0], [sflag:$0x4], $0x400, s26, s23, $0x38;
	[tilespmem:$0x18400] =	vst v63  }
.Ltmp15:
0x761: {  	s0 =	sadd.s32 $0xD000, s1;
	s8 =	sadd.s32 $0xC0, s31;
	(pc) =	sbr.rel @p0 .LBB2_32-.Ltmp15, $4  }
0x762: {  	[hbm4b:s8+s23] =	stream.strided.scatter [tilespmem:s0], [sflag:$0x4], $0x400, s26, s23, $0x38;
	[tilespmem:$0x18400] =	vst v63  }
0x763: {  	s0 =	sadd.s32 $0xD400, s1;
	s8 =	sadd.s32 $0x100, s31;
	s1 =	sadd.s32 $0xD800, s1  }
0x764: {  	[hbm4b:s8+s23] =	stream.strided.scatter [tilespmem:s0], [sflag:$0x4], $0x400, s26, s23, $0x38;
	[tilespmem:$0x18400] =	vst v63  }
0x765: {  	s8 =	sadd.s32 $0x140, s31;
	s31 =	sadd.s32 $0x300, s31;
	s0 =	smov.u32 s9  }
0x766: {  	[hbm4b:s8+s23] =	stream.strided.scatter [tilespmem:s1], [sflag:$0x4], $0x400, s26, s23, $0x38;
	[tilespmem:$0x18400] =	vst v63  }
0x767: {  	s0 =	sadd.s32 $0xC400, s30  }
0x768: {  	[hbm4b:s31+s23] =	stream.strided.scatter [tilespmem:s0], [sflag:$0x4], $0x400, s26, s23, $0x38;
	[tilespmem:$0x18400] =	vst v63  }
0x769: {  	s8 =	sadd.s32 $0xC800, s30;
	s9 =	sadd.s32 $0x40, s31  }
0x76a: {  	[hbm4b:s9+s23] =	stream.strided.scatter [tilespmem:s8], [sflag:$0x4], $0x400, s26, s23, $0x38;
	[tilespmem:$0x18400] =	vst v63  }
0x76b: {  	s8 =	sadd.s32 $0xCC00, s30;
	s9 =	sadd.s32 $0x80, s31  }
0x76c: {  	[hbm4b:s9+s23] =	stream.strided.scatter [tilespmem:s8], [sflag:$0x4], $0x400, s26, s23, $0x38;
	[tilespmem:$0x18400] =	vst v63  }
0x76d: {  	s8 =	sadd.s32 $0xD000, s30;
	s9 =	sadd.s32 $0xC0, s31  }
0x76e: {  	[hbm4b:s9+s23] =	stream.strided.scatter [tilespmem:s8], [sflag:$0x4], $0x400, s26, s23, $0x38;
	[tilespmem:$0x18400] =	vst v63  }
0x76f: {  	s1 =	sadd.s32 $0xD400, s30;
	s8 =	sadd.s32 $0x100, s31  }
0x770: {  	[hbm4b:s8+s23] =	stream.strided.scatter [tilespmem:s1], [sflag:$0x4], $0x400, s26, s23, $0x38;
	[tilespmem:$0x18400] =	vst v63  }
0x771: {  	s9 =	sadd.s32 $0xD800, s30;
	s30 =	sadd.s32 $0x140, s31  }
0x772: {  	[hbm4b:s30+s23] =	stream.strided.scatter [tilespmem:s9], [sflag:$0x4], $0x400, s26, s23, $0x38;
	[tilespmem:$0x18400] =	vst v63  }
0x773: {  	_ =	swait.ge [sflag:s24], $0xC000  }
0x774: {  	[sflag:s24] =	ssyncset.done $0x0  }
0x775: {  	[sflag:s24] =	ssyncadd.s32 $0xFFFF4000  }
0x776: {  	_ =	swait.ge [sflag:s28], $0xC000  }
0x777: {  	s29 =	sadd.s32 $0x1, s29;
	s31 =	rddreg [dreg:$0x6]  }
0x778: {  	p0 =	sne.s32 s29, s31  }
.Ltmp16:
0x779: {  	_ = 	snop;
	(pc) =	sbr.rel @p0 .LBB2_1-.Ltmp16, $3  }
0x77a: {  	_ =	sdelay $0x1  }
0x77b: {  	[sflag:s28] =	ssyncset.done $0x0  }
0x77c: {  	[sflag:s28] =	ssyncadd.s32 $0xFFFF4000  }
0x77d: {  	_ =	sfence.sel $0x180000  }
0x77e: {  	[bflag:$0x0] =	sbarrier.arrive $0xFFFF  }
0x77f: {  	_ =	strace $0x90000047  }
0x780: {  	s0 =	stileid.u32;
	[bflag:$0x2] =	sbarrier.arrive $0xFFFF  }
0x781: {  	p0 =	sne.s32 s0, $0x0;
	s0 =	rddreg [dreg:$0x2]  }
0x782: {  	s0 =	sadd.s32 @!p0 $0x100000, s0  }
0x783: {  	[sflag:s0] =	ssyncadd.tile.s32 @!p0 $0x1;
	_ =	shalt  }
.Lfunc_end2:
_tile_overlayer_lowered:
.L_overlay_start_2:
0x784: {  	(tag) =	ssettag $0x2  }
0x785: {  	s0 =	rddreg [dreg:$0x0];
	s2 =	stileid.u32  }
0x786: {  	s1 =	rddreg [dreg:$0x1];
	p0 =	sne.s32 s2, $0x0  }
0x787: {  	s3 =	rddreg [dreg:$0x2];
	[bflag:$0x3] =	sbarrier.arrive $0xFFFF;
	s2 =	simm.s32 @!p0 $0x1C05  }
0x788: {  	[timem:s3], [sflag:s2] =	dma.local @!p0 [hbm:s0], s1  }
0x789: {  	s0 =	simm.s32 @!p0 $0x5  }
0x78a: {  	_ =	swait.ge @!p0 [sflag:s0], s1  }
0x78b: {  	s1 =	ssub.s32 @!p0 $0x0, s1;
	[sflag:s0] =	ssyncset.done @!p0 $0x0  }
0x78c: {  	[sflag:s0] =	ssyncadd.s32 @!p0 s1  }
0x78d: {  	[bflag:$0x3] =	sbarrier.arrive $0xFFFF  }
0x78e: {  	_ =	shalt  }

</sc_bundles>
